<compile_context>
chip_gen: v7x
topology: tpu7x:2x2x1
jax: 0.10.2.dev20260603
libtpu: 0.0.44.dev20260713+nightly
codegen_flags: <defaults>
</compile_context>

<pallas_src>
import functools

import jax
import jax.numpy as jnp
from jax import lax
from jax.experimental import pallas as pl
from jax.experimental.pallas import tpu as pltpu
from jax.experimental.pallas import tpu_sc as plsc

VOCAB = 1000000
EMBED = 64
CTX = 20
BATCH = 16384

NW = 32
PER_W = BATCH // NW
CH = 8
NCHUNK = PER_W // CH
CROWS = CH * CTX
L = 16
W128 = 2 * EMBED
CPW = PER_W * CTX


def _sc_body(b_hbm, cf_hbm, nb_hbm, ncf_hbm, emb_hbm, ctx_hbm, simi_hbm,
             out_hbm, braw, nbraw, craw, ncraw,
             bidx_a, nbidx_a, cidx_a, ncidx_a,
             bidx_b, nbidx_b, cidx_b, ncidx_b,
             be_a, nbe_a, ce_a, nce_a, be_b, nbe_b, ce_b, nce_b,
             ctxv, simiv, outv, wbuf, sem_a, sem_b):
    cid = lax.axis_index("c")
    sid = lax.axis_index("s")
    wid = sid * 2 + cid
    base = wid * PER_W
    lanes = lax.iota(jnp.int32, L)

    ob = pl.multiple_of(base, PER_W)
    o20 = pl.multiple_of(base * CTX, CPW)
    pltpu.sync_copy(b_hbm.at[pl.ds(ob, PER_W)], braw.at[pl.ds(0, PER_W)])
    pltpu.sync_copy(nb_hbm.at[pl.ds(ob, PER_W)], nbraw.at[pl.ds(0, PER_W)])
    pltpu.sync_copy(cf_hbm.at[pl.ds(o20, CPW)], craw)
    pltpu.sync_copy(ncf_hbm.at[pl.ds(o20, CPW)], ncraw)
    braw[pl.ds(PER_W, L)] = jnp.zeros((L,), jnp.int32)
    nbraw[pl.ds(PER_W, L)] = jnp.zeros((L,), jnp.int32)

    pltpu.sync_copy(ctx_hbm, ctxv)
    x0 = ctxv[pl.ds(0, L)]
    x1 = ctxv[pl.ds(L, L)]

    _dnums = lax.GatherDimensionNumbers(
        offset_dims=(), collapsed_slice_dims=(0,), start_index_map=(0,))

    def _gat(x, idx):
        return lax.gather(x, idx[:, None], _dnums, (1,),
                          mode=lax.GatherScatterMode.PROMISE_IN_BOUNDS)

    def _rot(x, sh):
        return _gat(x, (lanes + sh) & (L - 1))

    def _splat(x, j):
        return _gat(x, jnp.full((L,), j, jnp.int32))

    m = jnp.maximum(x0, x1)
    for sh in (8, 4, 2, 1):
        m = jnp.maximum(m, _rot(m, sh))
    e0 = jnp.exp(x0 - m)
    e1 = jnp.exp(x1 - m)
    s = e0 + e1
    for sh in (8, 4, 2, 1):
        s = s + _rot(s, sh)
    inv_s = 1.0 / s
    for j in range(CTX):
        src = e0 if j < L else e1
        wbuf[pl.ds(j * L, L)] = _splat(src, j % L) * inv_s

    tl = [t * L + lanes for t in range(4)]

    bufs = ((bidx_a, nbidx_a, cidx_a, ncidx_a, be_a, nbe_a, ce_a, nce_a,
             sem_a),
            (bidx_b, nbidx_b, cidx_b, ncidx_b, be_b, nbe_b, ce_b, nce_b,
             sem_b))

    def issue(c, which):
        bidx, nbidx, cidx, ncidx, be, nbe, ce, nce, sem = bufs[which]
        coff = c * CROWS
        boff = c * CH
        for g in range(CTX // 2):
            gs = pl.ds(g * L, L)
            cidx[gs] = craw[pl.ds(coff + g * L, L)] >> 1
            ncidx[gs] = ncraw[pl.ds(coff + g * L, L)] >> 1
        bv = braw[pl.ds(boff, L)] >> 1
        nbv = nbraw[pl.ds(boff, L)] >> 1
        bidx[...] = bv
        nbidx[...] = nbv
        for lo, n in ((0, 128), (128, 32)):
            pltpu.async_copy(
                emb_hbm.at[cidx.at[pl.ds(lo, n)]], ce.at[pl.ds(lo, n)], sem)
            pltpu.async_copy(
                emb_hbm.at[ncidx.at[pl.ds(lo, n)]], nce.at[pl.ds(lo, n)],
                sem)
        pltpu.async_copy(emb_hbm.at[bidx.at[pl.ds(0, CH)]], be, sem)
        pltpu.async_copy(emb_hbm.at[nbidx.at[pl.ds(0, CH)]], nbe, sem)

    def drain(which):
        bidx, nbidx, cidx, ncidx, be, nbe, ce, nce, sem = bufs[which]
        pltpu.make_async_copy(emb_hbm.at[pl.ds(0, CROWS)], ce, sem).wait()
        pltpu.make_async_copy(emb_hbm.at[pl.ds(0, CROWS)], nce, sem).wait()
        pltpu.make_async_copy(emb_hbm.at[pl.ds(0, CH)], be, sem).wait()
        pltpu.make_async_copy(emb_hbm.at[pl.ds(0, CH)], nbe, sem).wait()

    def compute(c, which, acc):
        _, _, _, _, be, nbe, ce, nce, _ = bufs[which]
        coff = c * CROWS
        boff = c * CH
        bpo = (braw[pl.ds(boff, L)] & 1) * EMBED
        nbpo = (nbraw[pl.ds(boff, L)] & 1) * EMBED

        def elem(i, el_acc):
            a0, a1, a2, a3 = el_acc
            r0 = i * CTX
            iv = jnp.full((L,), i, jnp.int32)
            bcol = _gat(bpo, iv)
            nbcol = _gat(nbpo, iv)
            bs = [plsc.load_gather(be, [iv, bcol + tl[t]]) for t in range(4)]
            ns = [plsc.load_gather(nbe, [iv, nbcol + tl[t]])
                  for t in range(4)]
            u = [0.5 * ns[t] - bs[t] for t in range(4)]
            v = [0.5 * bs[t] for t in range(4)]
            ra = craw[pl.ds(coff + r0, L)]
            rb = craw[pl.ds(coff + r0 + 4, L)]
            nra = ncraw[pl.ds(coff + r0, L)]
            nrb = ncraw[pl.ds(coff + r0 + 4, L)]
            fba = (ra & 1) * EMBED
            fbb = (rb & 1) * EMBED
            nfba = (nra & 1) * EMBED
            nfbb = (nrb & 1) * EMBED
            for j in range(CTX):
                r = r0 + j
                rrow = jnp.full((L,), r, jnp.int32)
                if j < L:
                    ccol = _splat(fba, j)
                    nccol = _splat(nfba, j)
                else:
                    ccol = _splat(fbb, j - 4)
                    nccol = _splat(nfbb, j - 4)
                cs = [plsc.load_gather(ce, [rrow, ccol + tl[t]])
                      for t in range(4)]
                nc = [plsc.load_gather(nce, [rrow, nccol + tl[t]])
                      for t in range(4)]
                t0 = ((u[0] * cs[0] + u[1] * cs[1])
                      + (u[2] * cs[2] + u[3] * cs[3]))
                t1 = ((v[0] * nc[0] + v[1] * nc[1])
                      + (v[2] * nc[2] + v[3] * nc[3]))
                wv = wbuf[pl.ds(j * L, L)]
                term = wv * (t0 + t1)
                if j % 4 == 0:
                    a0 = a0 + term
                elif j % 4 == 1:
                    a1 = a1 + term
                elif j % 4 == 2:
                    a2 = a2 + term
                else:
                    a3 = a3 + term
            return (a0, a1, a2, a3)

        return lax.fori_loop(0, CH, elem, acc)

    issue(0, 0)
    issue(1, 1)

    def pair(mm, acc):
        c0 = mm * 2
        drain(0)
        acc = compute(c0, 0, acc)

        @pl.when(mm < NCHUNK // 2 - 1)
        def _():
            issue(c0 + 2, 0)

        drain(1)
        acc = compute(c0 + 1, 1, acc)

        @pl.when(mm < NCHUNK // 2 - 1)
        def _():
            issue(c0 + 3, 1)

        return acc

    z = jnp.zeros((L,), jnp.float32)
    a0, a1, a2, a3 = lax.fori_loop(0, NCHUNK // 2, pair, (z, z, z, z))
    outv[...] = (a0 + a1) + (a2 + a3)

    @pl.when(wid == 0)
    def _():
        pltpu.sync_copy(simi_hbm, simiv)

        def sbody(k, a2s):
            off = pl.multiple_of(k * L, L)
            vv = simiv[pl.ds(off, L)]
            return a2s + vv * vv

        a2s = lax.fori_loop(0, (EMBED * EMBED) // L, sbody,
                            jnp.zeros((L,), jnp.float32))
        outv[...] = outv[...] + (0.1 * BATCH / (EMBED * EMBED)) * a2s

    oo = pl.multiple_of(wid * L, L)
    pltpu.sync_copy(outv, out_hbm.at[pl.ds(oo, L)])


@functools.partial(
    pl.kernel,
    out_type=jax.ShapeDtypeStruct((NW * L,), jnp.float32),
    mesh=plsc.VectorSubcoreMesh(core_axis_name="c", subcore_axis_name="s"),
    compiler_params=pltpu.CompilerParams(needs_layout_passes=False),
    scratch_types=[
        pltpu.VMEM((PER_W + L,), jnp.int32),
        pltpu.VMEM((PER_W + L,), jnp.int32),
        pltpu.VMEM((CPW,), jnp.int32),
        pltpu.VMEM((CPW,), jnp.int32),
        pltpu.VMEM((L,), jnp.int32),
        pltpu.VMEM((L,), jnp.int32),
        pltpu.VMEM((CROWS,), jnp.int32),
        pltpu.VMEM((CROWS,), jnp.int32),
        pltpu.VMEM((L,), jnp.int32),
        pltpu.VMEM((L,), jnp.int32),
        pltpu.VMEM((CROWS,), jnp.int32),
        pltpu.VMEM((CROWS,), jnp.int32),
        pltpu.VMEM((CH, W128), jnp.float32),
        pltpu.VMEM((CH, W128), jnp.float32),
        pltpu.VMEM((CROWS, W128), jnp.float32),
        pltpu.VMEM((CROWS, W128), jnp.float32),
        pltpu.VMEM((CH, W128), jnp.float32),
        pltpu.VMEM((CH, W128), jnp.float32),
        pltpu.VMEM((CROWS, W128), jnp.float32),
        pltpu.VMEM((CROWS, W128), jnp.float32),
        pltpu.VMEM((32,), jnp.float32),
        pltpu.VMEM((EMBED * EMBED,), jnp.float32),
        pltpu.VMEM((L,), jnp.float32),
        pltpu.VMEM((CTX * L,), jnp.float32),
        pltpu.SemaphoreType.DMA,
        pltpu.SemaphoreType.DMA,
    ],
)
def _sc_entry(*refs):
    _sc_body(*refs)


def kernel(b, C, nb, nC, emb_weight, ctx_scheme, simi_kernel):
    b32 = b.astype(jnp.int32)
    nb32 = nb.astype(jnp.int32)
    cf = C.reshape(-1).astype(jnp.int32)
    ncf = nC.reshape(-1).astype(jnp.int32)
    emb2 = emb_weight.reshape(VOCAB // 2, W128)
    ctx_pad = jnp.concatenate(
        [ctx_scheme.astype(jnp.float32),
         jnp.full((32 - CTX,), -1e30, jnp.float32)])
    partials = _sc_entry(b32, cf, nb32, ncf, emb2, ctx_pad,
                         simi_kernel.reshape(-1))
    return partials.sum() / BATCH

# --- scband reference (transcript-rebuilt; emitter-appended) ---
"""Pipeline reference for scband-simi-loss-w2-v-35905926595342 (READ-ONLY COPY).

The authoritative reference and input builder live on the scoring server;
editing this copy changes nothing except your own understanding.
"""

import jax, jax.numpy as jnp
import numpy as np

VOCAB = 1000000
EMBED = 64
CTX = 20
BATCH = 16384


def setup_inputs(seed: int = 0) -> dict:
    key = jax.random.key(seed)
    k1, k2, k3, k4, k5, k6 = jax.random.split(key, 6)
    b = jax.random.randint(k1, (BATCH,), 0, VOCAB)
    C = jax.random.randint(k2, (BATCH, CTX), 0, VOCAB)
    nb = jax.random.randint(k3, (BATCH,), 0, VOCAB)
    nC = jax.random.randint(k4, (BATCH, CTX), 0, VOCAB)
    emb_weight = jax.random.normal(k5, (VOCAB, EMBED), dtype=jnp.float32) * 0.2745960056781769
    ctx_scheme = jnp.full((CTX,), 1.0 / CTX, dtype=jnp.float32)
    # xavier normal: std = sqrt(2/(fan_in+fan_out)) = sqrt(2/(64+64)) = 0.125
    simi_kernel = jax.random.normal(k6, (EMBED, EMBED), dtype=jnp.float32) * 0.125
    return {"b": b, "C": C, "nb": nb, "nC": nC,
            "emb_weight": emb_weight, "ctx_scheme": ctx_scheme, "simi_kernel": simi_kernel}


def _similarity_score(bv, Cv, ctx_scheme, simi_kernel):
    # h = softmax(ctx_scheme); h = matmul(h, C)  -> [batch, embed]
    h = jax.nn.softmax(ctx_scheme, axis=0)
    h = jnp.matmul(h, Cv)  # [ctx] @ [B, ctx, E] -> [B, E]
    f = jnp.matmul(h, simi_kernel)  # computed then overwritten, as in the original
    f = (bv * h).sum(axis=1)
    return f


def reference(b, C, nb, nC, emb_weight, ctx_scheme, simi_kernel):
    be = jnp.take(emb_weight, b, axis=0)        # [B, E]
    Ce = jnp.take(emb_weight, C, axis=0)        # [B, CTX, E]
    nbe = jnp.take(emb_weight, nb, axis=0)      # [B, E]
    nCe = jnp.take(emb_weight, nC, axis=0)      # [B, CTX, E]
    po = _similarity_score(be, Ce, ctx_scheme, simi_kernel)
    n1 = _similarity_score(nbe, Ce, ctx_scheme, simi_kernel)
    n2 = _similarity_score(be, nCe, ctx_scheme, simi_kernel)
    l1 = 0.1 * jnp.mean(simi_kernel ** 2)
    return (-po + 0.5 * n1 + 0.5 * n2).mean() + l1

if __name__ == "__main__":
    import jax
    _d = setup_inputs()
    print(jax.jit(kernel)(*tuple(_d.values())))

</pallas_src>

<mosaic_0001>
#map = affine_map<(d0, d1) -> (0)>
#map1 = affine_map<(d0, d1) -> (0, 0)>
module attributes {stable_mosaic.version = 14 : i64} {
  func.func @_sc_entry(%arg0: i32, %arg1: i32, %arg2: memref<16384xi32, #tpu.memory_space<hbm>>, %arg3: memref<327680xi32, #tpu.memory_space<hbm>>, %arg4: memref<16384xi32, #tpu.memory_space<hbm>>, %arg5: memref<327680xi32, #tpu.memory_space<hbm>>, %arg6: memref<500000x128xf32, #tpu.memory_space<hbm>>, %arg7: memref<32xf32, #tpu.memory_space<hbm>>, %arg8: memref<4096xf32, #tpu.memory_space<hbm>>, %arg9: memref<512xf32, #tpu.memory_space<hbm>>, %arg10: memref<528xi32, #tpu.memory_space<vmem>>, %arg11: memref<528xi32, #tpu.memory_space<vmem>>, %arg12: memref<10240xi32, #tpu.memory_space<vmem>>, %arg13: memref<10240xi32, #tpu.memory_space<vmem>>, %arg14: memref<16xi32, #tpu.memory_space<vmem>>, %arg15: memref<16xi32, #tpu.memory_space<vmem>>, %arg16: memref<160xi32, #tpu.memory_space<vmem>>, %arg17: memref<160xi32, #tpu.memory_space<vmem>>, %arg18: memref<16xi32, #tpu.memory_space<vmem>>, %arg19: memref<16xi32, #tpu.memory_space<vmem>>, %arg20: memref<160xi32, #tpu.memory_space<vmem>>, %arg21: memref<160xi32, #tpu.memory_space<vmem>>, %arg22: memref<8x128xf32, #tpu.memory_space<vmem>>, %arg23: memref<8x128xf32, #tpu.memory_space<vmem>>, %arg24: memref<160x128xf32, #tpu.memory_space<vmem>>, %arg25: memref<160x128xf32, #tpu.memory_space<vmem>>, %arg26: memref<8x128xf32, #tpu.memory_space<vmem>>, %arg27: memref<8x128xf32, #tpu.memory_space<vmem>>, %arg28: memref<160x128xf32, #tpu.memory_space<vmem>>, %arg29: memref<160x128xf32, #tpu.memory_space<vmem>>, %arg30: memref<32xf32, #tpu.memory_space<vmem>>, %arg31: memref<4096xf32, #tpu.memory_space<vmem>>, %arg32: memref<16xf32, #tpu.memory_space<vmem>>, %arg33: memref<320xf32, #tpu.memory_space<vmem>>, %arg34: memref<!tpu.dma_semaphore, #tpu.memory_space<semaphore_mem>>, %arg35: memref<!tpu.dma_semaphore, #tpu.memory_space<semaphore_mem>>) attributes {dimension_semantics = [#tpu.dimension_semantics<core_parallel>, #tpu.dimension_semantics<subcore_parallel>], iteration_bounds = array<i64: 2, 16>, scalar_prefetch = 0 : i64, scratch_operands = 26 : i64, tpu.core_type = #tpu.core_type<sc_vector_subcore>, window_params = [{transform_indices = #map}, {transform_indices = #map}, {transform_indices = #map}, {transform_indices = #map}, {transform_indices = #map1}, {transform_indices = #map}, {transform_indices = #map}, {transform_indices = #map}]} {
    %mul3A = arith.constant 2 : i32
    %mul3A_0 = arith.muli %arg1, %mul3A : i32
    %add3A = arith.addi %mul3A_0, %arg0 : i32
    %mul3A_1 = arith.constant 512 : i32
    %mul3A_2 = arith.muli %add3A, %mul3A_1 : i32
    %iota3A = tpu.iota {dimensions = array<i32: 0>} : vector<16xi32>
    %multiple_of3A = tpu.assume_multiple %mul3A_2, 512 : i32
    %mul3A_3 = arith.constant 20 : i32
    %mul3A_4 = arith.muli %mul3A_2, %mul3A_3 : i32
    %multiple_of3A_5 = tpu.assume_multiple %mul3A_4, 10240 : i32
    "tpu.region"() ({
      %run_scoped3A = tpu.sem_alloc : memref<!tpu.dma_semaphore, #tpu.memory_space<semaphore_mem>>
      %dma_start3A_677 = arith.constant 0 : i32
      %dma_start3A_678 = tpu.memref_slice %arg10[%dma_start3A_677] : memref<528xi32, #tpu.memory_space<vmem>> -> memref<512xi32, #tpu.memory_space<vmem>>
      %dma_start3A_679 = tpu.memref_slice %arg2[%multiple_of3A] : memref<16384xi32, #tpu.memory_space<hbm>> -> memref<512xi32, #tpu.memory_space<hbm>>
      %dma_start3A_680 = arith.constant 0 : i32
      %dma_start3A_681 = tpu.memref_slice %arg10[%dma_start3A_680] : memref<528xi32, #tpu.memory_space<vmem>> -> memref<512xi32, #tpu.memory_space<vmem>>
      %dma_start3A_682 = tpu.memref_slice %arg2[%multiple_of3A] : memref<16384xi32, #tpu.memory_space<hbm>> -> memref<512xi32, #tpu.memory_space<hbm>>
      tpu.enqueue_dma source(%dma_start3A_682 : memref<512xi32, #tpu.memory_space<hbm>>) target(%dma_start3A_681 : memref<512xi32, #tpu.memory_space<vmem>>) target_semaphore(%run_scoped3A : memref<!tpu.dma_semaphore, #tpu.memory_space<semaphore_mem>>)
      %dma_wait3A = arith.constant 0 : i32
      %dma_wait3A_683 = tpu.memref_slice %arg10[%dma_wait3A] : memref<528xi32, #tpu.memory_space<vmem>> -> memref<512xi32, #tpu.memory_space<vmem>>
      %dma_wait3A_684 = tpu.memref_slice %arg2[%multiple_of3A] : memref<16384xi32, #tpu.memory_space<hbm>> -> memref<512xi32, #tpu.memory_space<hbm>>
      %dma_wait3A_685 = arith.constant 0 : i32
      %dma_wait3A_686 = tpu.memref_slice %arg10[%dma_wait3A_685] : memref<528xi32, #tpu.memory_space<vmem>> -> memref<512xi32, #tpu.memory_space<vmem>>
      %dma_wait3A_687 = tpu.memref_slice %arg2[%multiple_of3A] : memref<16384xi32, #tpu.memory_space<hbm>> -> memref<512xi32, #tpu.memory_space<hbm>>
      tpu.wait_dma2 semaphore(%run_scoped3A : memref<!tpu.dma_semaphore, #tpu.memory_space<semaphore_mem>>) src(%dma_wait3A_687 : memref<512xi32, #tpu.memory_space<hbm>>) dst(%dma_wait3A_686 : memref<512xi32, #tpu.memory_space<vmem>>)
      tpu.yield
    }) : () -> ()
    "tpu.region"() ({
      %run_scoped3A = tpu.sem_alloc : memref<!tpu.dma_semaphore, #tpu.memory_space<semaphore_mem>>
      %dma_start3A_677 = arith.constant 0 : i32
      %dma_start3A_678 = tpu.memref_slice %arg11[%dma_start3A_677] : memref<528xi32, #tpu.memory_space<vmem>> -> memref<512xi32, #tpu.memory_space<vmem>>
      %dma_start3A_679 = tpu.memref_slice %arg4[%multiple_of3A] : memref<16384xi32, #tpu.memory_space<hbm>> -> memref<512xi32, #tpu.memory_space<hbm>>
      %dma_start3A_680 = arith.constant 0 : i32
      %dma_start3A_681 = tpu.memref_slice %arg11[%dma_start3A_680] : memref<528xi32, #tpu.memory_space<vmem>> -> memref<512xi32, #tpu.memory_space<vmem>>
      %dma_start3A_682 = tpu.memref_slice %arg4[%multiple_of3A] : memref<16384xi32, #tpu.memory_space<hbm>> -> memref<512xi32, #tpu.memory_space<hbm>>
      tpu.enqueue_dma source(%dma_start3A_682 : memref<512xi32, #tpu.memory_space<hbm>>) target(%dma_start3A_681 : memref<512xi32, #tpu.memory_space<vmem>>) target_semaphore(%run_scoped3A : memref<!tpu.dma_semaphore, #tpu.memory_space<semaphore_mem>>)
      %dma_wait3A = arith.constant 0 : i32
      %dma_wait3A_683 = tpu.memref_slice %arg11[%dma_wait3A] : memref<528xi32, #tpu.memory_space<vmem>> -> memref<512xi32, #tpu.memory_space<vmem>>
      %dma_wait3A_684 = tpu.memref_slice %arg4[%multiple_of3A] : memref<16384xi32, #tpu.memory_space<hbm>> -> memref<512xi32, #tpu.memory_space<hbm>>
      %dma_wait3A_685 = arith.constant 0 : i32
      %dma_wait3A_686 = tpu.memref_slice %arg11[%dma_wait3A_685] : memref<528xi32, #tpu.memory_space<vmem>> -> memref<512xi32, #tpu.memory_space<vmem>>
      %dma_wait3A_687 = tpu.memref_slice %arg4[%multiple_of3A] : memref<16384xi32, #tpu.memory_space<hbm>> -> memref<512xi32, #tpu.memory_space<hbm>>
      tpu.wait_dma2 semaphore(%run_scoped3A : memref<!tpu.dma_semaphore, #tpu.memory_space<semaphore_mem>>) src(%dma_wait3A_687 : memref<512xi32, #tpu.memory_space<hbm>>) dst(%dma_wait3A_686 : memref<512xi32, #tpu.memory_space<vmem>>)
      tpu.yield
    }) : () -> ()
    "tpu.region"() ({
      %run_scoped3A = tpu.sem_alloc : memref<!tpu.dma_semaphore, #tpu.memory_space<semaphore_mem>>
      %dma_start3A_677 = tpu.memref_slice %arg3[%multiple_of3A_5] : memref<327680xi32, #tpu.memory_space<hbm>> -> memref<10240xi32, #tpu.memory_space<hbm>>
      %dma_start3A_678 = tpu.memref_slice %arg3[%multiple_of3A_5] : memref<327680xi32, #tpu.memory_space<hbm>> -> memref<10240xi32, #tpu.memory_space<hbm>>
      tpu.enqueue_dma source(%dma_start3A_678 : memref<10240xi32, #tpu.memory_space<hbm>>) target(%arg12 : memref<10240xi32, #tpu.memory_space<vmem>>) target_semaphore(%run_scoped3A : memref<!tpu.dma_semaphore, #tpu.memory_space<semaphore_mem>>)
      %dma_wait3A = tpu.memref_slice %arg3[%multiple_of3A_5] : memref<327680xi32, #tpu.memory_space<hbm>> -> memref<10240xi32, #tpu.memory_space<hbm>>
      %dma_wait3A_679 = tpu.memref_slice %arg3[%multiple_of3A_5] : memref<327680xi32, #tpu.memory_space<hbm>> -> memref<10240xi32, #tpu.memory_space<hbm>>
      tpu.wait_dma2 semaphore(%run_scoped3A : memref<!tpu.dma_semaphore, #tpu.memory_space<semaphore_mem>>) src(%dma_wait3A_679 : memref<10240xi32, #tpu.memory_space<hbm>>) dst(%arg12 : memref<10240xi32, #tpu.memory_space<vmem>>)
      tpu.yield
    }) : () -> ()
    "tpu.region"() ({
      %run_scoped3A = tpu.sem_alloc : memref<!tpu.dma_semaphore, #tpu.memory_space<semaphore_mem>>
      %dma_start3A_677 = tpu.memref_slice %arg5[%multiple_of3A_5] : memref<327680xi32, #tpu.memory_space<hbm>> -> memref<10240xi32, #tpu.memory_space<hbm>>
      %dma_start3A_678 = tpu.memref_slice %arg5[%multiple_of3A_5] : memref<327680xi32, #tpu.memory_space<hbm>> -> memref<10240xi32, #tpu.memory_space<hbm>>
      tpu.enqueue_dma source(%dma_start3A_678 : memref<10240xi32, #tpu.memory_space<hbm>>) target(%arg13 : memref<10240xi32, #tpu.memory_space<vmem>>) target_semaphore(%run_scoped3A : memref<!tpu.dma_semaphore, #tpu.memory_space<semaphore_mem>>)
      %dma_wait3A = tpu.memref_slice %arg5[%multiple_of3A_5] : memref<327680xi32, #tpu.memory_space<hbm>> -> memref<10240xi32, #tpu.memory_space<hbm>>
      %dma_wait3A_679 = tpu.memref_slice %arg5[%multiple_of3A_5] : memref<327680xi32, #tpu.memory_space<hbm>> -> memref<10240xi32, #tpu.memory_space<hbm>>
      tpu.wait_dma2 semaphore(%run_scoped3A : memref<!tpu.dma_semaphore, #tpu.memory_space<semaphore_mem>>) src(%dma_wait3A_679 : memref<10240xi32, #tpu.memory_space<hbm>>) dst(%arg13 : memref<10240xi32, #tpu.memory_space<vmem>>)
      tpu.yield
    }) : () -> ()
    %broadcast_in_dim3A = arith.constant 0 : i32
    %broadcast_in_dim3A_6 = vector.broadcast %broadcast_in_dim3A : i32 to vector<16xi32>
    %swap3A = arith.constant 512 : index
    %swap3A_7 = tpu.vector_load %arg10[%swap3A] {strides = array<i32>} : memref<528xi32, #tpu.memory_space<vmem>>, vector<16xi32>,
    tpu.vector_store %arg10[%swap3A], %broadcast_in_dim3A_6 {strides = array<i32>} : memref<528xi32, #tpu.memory_space<vmem>>, vector<16xi32>,
    %broadcast_in_dim3A_8 = arith.constant 0 : i32
    %broadcast_in_dim3A_9 = vector.broadcast %broadcast_in_dim3A_8 : i32 to vector<16xi32>
    %swap3A_10 = arith.constant 512 : index
    %swap3A_11 = tpu.vector_load %arg11[%swap3A_10] {strides = array<i32>} : memref<528xi32, #tpu.memory_space<vmem>>, vector<16xi32>,
    tpu.vector_store %arg11[%swap3A_10], %broadcast_in_dim3A_9 {strides = array<i32>} : memref<528xi32, #tpu.memory_space<vmem>>, vector<16xi32>,
    "tpu.region"() ({
      %run_scoped3A = tpu.sem_alloc : memref<!tpu.dma_semaphore, #tpu.memory_space<semaphore_mem>>
      tpu.enqueue_dma source(%arg7 : memref<32xf32, #tpu.memory_space<hbm>>) target(%arg30 : memref<32xf32, #tpu.memory_space<vmem>>) target_semaphore(%run_scoped3A : memref<!tpu.dma_semaphore, #tpu.memory_space<semaphore_mem>>)
      tpu.wait_dma2 semaphore(%run_scoped3A : memref<!tpu.dma_semaphore, #tpu.memory_space<semaphore_mem>>) src(%arg7 : memref<32xf32, #tpu.memory_space<hbm>>) dst(%arg30 : memref<32xf32, #tpu.memory_space<vmem>>)
      tpu.yield
    }) : () -> ()
    %get3A = arith.constant 0 : index
    %get3A_12 = tpu.vector_load %arg30[%get3A] {strides = array<i32>} : memref<32xf32, #tpu.memory_space<vmem>>, vector<16xf32>,
    %get3A_13 = arith.constant 16 : index
    %get3A_14 = tpu.vector_load %arg30[%get3A_13] {strides = array<i32>} : memref<32xf32, #tpu.memory_space<vmem>>, vector<16xf32>,
    %max3A = arith.maximumf %get3A_12, %get3A_14 : vector<16xf32>
    %add3A_15 = arith.constant 8 : i32
    %add3A_16 = vector.broadcast %add3A_15 : i32 to vector<16xi32>
    %add3A_17 = arith.addi %iota3A, %add3A_16 : vector<16xi32>
    %and3A = arith.constant 15 : i32
    %and3A_18 = vector.broadcast %and3A : i32 to vector<16xi32>
    %and3A_19 = arith.andi %add3A_17, %and3A_18 : vector<16xi32>
    %broadcast_in_dim3A_20 = vector.shape_cast %and3A_19 : vector<16xi32> to vector<16x1xi32>
    %gather3A = vector.shape_cast %broadcast_in_dim3A_20 : vector<16x1xi32> to vector<16xi32>
    %gather3A_21 = tpu.dynamic_gather %max3A[%gather3A] in [0] : vector<16xf32>, vector<16xi32> -> vector<16xf32>
    %max3A_22 = arith.maximumf %max3A, %gather3A_21 : vector<16xf32>
    %add3A_23 = arith.constant 4 : i32
    %add3A_24 = vector.broadcast %add3A_23 : i32 to vector<16xi32>
    %add3A_25 = arith.addi %iota3A, %add3A_24 : vector<16xi32>
    %and3A_26 = arith.constant 15 : i32
    %and3A_27 = vector.broadcast %and3A_26 : i32 to vector<16xi32>
    %and3A_28 = arith.andi %add3A_25, %and3A_27 : vector<16xi32>
    %broadcast_in_dim3A_29 = vector.shape_cast %and3A_28 : vector<16xi32> to vector<16x1xi32>
    %gather3A_30 = vector.shape_cast %broadcast_in_dim3A_29 : vector<16x1xi32> to vector<16xi32>
    %gather3A_31 = tpu.dynamic_gather %max3A_22[%gather3A_30] in [0] : vector<16xf32>, vector<16xi32> -> vector<16xf32>
    %max3A_32 = arith.maximumf %max3A_22, %gather3A_31 : vector<16xf32>
    %add3A_33 = arith.constant 2 : i32
    %add3A_34 = vector.broadcast %add3A_33 : i32 to vector<16xi32>
    %add3A_35 = arith.addi %iota3A, %add3A_34 : vector<16xi32>
    %and3A_36 = arith.constant 15 : i32
    %and3A_37 = vector.broadcast %and3A_36 : i32 to vector<16xi32>
    %and3A_38 = arith.andi %add3A_35, %and3A_37 : vector<16xi32>
    %broadcast_in_dim3A_39 = vector.shape_cast %and3A_38 : vector<16xi32> to vector<16x1xi32>
    %gather3A_40 = vector.shape_cast %broadcast_in_dim3A_39 : vector<16x1xi32> to vector<16xi32>
    %gather3A_41 = tpu.dynamic_gather %max3A_32[%gather3A_40] in [0] : vector<16xf32>, vector<16xi32> -> vector<16xf32>
    %max3A_42 = arith.maximumf %max3A_32, %gather3A_41 : vector<16xf32>
    %add3A_43 = arith.constant 1 : i32
    %add3A_44 = vector.broadcast %add3A_43 : i32 to vector<16xi32>
    %add3A_45 = arith.addi %iota3A, %add3A_44 : vector<16xi32>
    %and3A_46 = arith.constant 15 : i32
    %and3A_47 = vector.broadcast %and3A_46 : i32 to vector<16xi32>
    %and3A_48 = arith.andi %add3A_45, %and3A_47 : vector<16xi32>
    %broadcast_in_dim3A_49 = vector.shape_cast %and3A_48 : vector<16xi32> to vector<16x1xi32>
    %gather3A_50 = vector.shape_cast %broadcast_in_dim3A_49 : vector<16x1xi32> to vector<16xi32>
    %gather3A_51 = tpu.dynamic_gather %max3A_42[%gather3A_50] in [0] : vector<16xf32>, vector<16xi32> -> vector<16xf32>
    %max3A_52 = arith.maximumf %max3A_42, %gather3A_51 : vector<16xf32>
    %sub3A = arith.subf %get3A_12, %max3A_52 : vector<16xf32>
    %exp3A = math.exp %sub3A : vector<16xf32>
    %sub3A_53 = arith.subf %get3A_14, %max3A_52 : vector<16xf32>
    %exp3A_54 = math.exp %sub3A_53 : vector<16xf32>
    %add3A_55 = arith.addf %exp3A, %exp3A_54 : vector<16xf32>
    %add3A_56 = arith.constant 8 : i32
    %add3A_57 = vector.broadcast %add3A_56 : i32 to vector<16xi32>
    %add3A_58 = arith.addi %iota3A, %add3A_57 : vector<16xi32>
    %and3A_59 = arith.constant 15 : i32
    %and3A_60 = vector.broadcast %and3A_59 : i32 to vector<16xi32>
    %and3A_61 = arith.andi %add3A_58, %and3A_60 : vector<16xi32>
    %broadcast_in_dim3A_62 = vector.shape_cast %and3A_61 : vector<16xi32> to vector<16x1xi32>
    %gather3A_63 = vector.shape_cast %broadcast_in_dim3A_62 : vector<16x1xi32> to vector<16xi32>
    %gather3A_64 = tpu.dynamic_gather %add3A_55[%gather3A_63] in [0] : vector<16xf32>, vector<16xi32> -> vector<16xf32>
    %add3A_65 = arith.addf %add3A_55, %gather3A_64 : vector<16xf32>
    %add3A_66 = arith.constant 4 : i32
    %add3A_67 = vector.broadcast %add3A_66 : i32 to vector<16xi32>
    %add3A_68 = arith.addi %iota3A, %add3A_67 : vector<16xi32>
    %and3A_69 = arith.constant 15 : i32
    %and3A_70 = vector.broadcast %and3A_69 : i32 to vector<16xi32>
    %and3A_71 = arith.andi %add3A_68, %and3A_70 : vector<16xi32>
    %broadcast_in_dim3A_72 = vector.shape_cast %and3A_71 : vector<16xi32> to vector<16x1xi32>
    %gather3A_73 = vector.shape_cast %broadcast_in_dim3A_72 : vector<16x1xi32> to vector<16xi32>
    %gather3A_74 = tpu.dynamic_gather %add3A_65[%gather3A_73] in [0] : vector<16xf32>, vector<16xi32> -> vector<16xf32>
    %add3A_75 = arith.addf %add3A_65, %gather3A_74 : vector<16xf32>
    %add3A_76 = arith.constant 2 : i32
    %add3A_77 = vector.broadcast %add3A_76 : i32 to vector<16xi32>
    %add3A_78 = arith.addi %iota3A, %add3A_77 : vector<16xi32>
    %and3A_79 = arith.constant 15 : i32
    %and3A_80 = vector.broadcast %and3A_79 : i32 to vector<16xi32>
    %and3A_81 = arith.andi %add3A_78, %and3A_80 : vector<16xi32>
    %broadcast_in_dim3A_82 = vector.shape_cast %and3A_81 : vector<16xi32> to vector<16x1xi32>
    %gather3A_83 = vector.shape_cast %broadcast_in_dim3A_82 : vector<16x1xi32> to vector<16xi32>
    %gather3A_84 = tpu.dynamic_gather %add3A_75[%gather3A_83] in [0] : vector<16xf32>, vector<16xi32> -> vector<16xf32>
    %add3A_85 = arith.addf %add3A_75, %gather3A_84 : vector<16xf32>
    %add3A_86 = arith.constant 1 : i32
    %add3A_87 = vector.broadcast %add3A_86 : i32 to vector<16xi32>
    %add3A_88 = arith.addi %iota3A, %add3A_87 : vector<16xi32>
    %and3A_89 = arith.constant 15 : i32
    %and3A_90 = vector.broadcast %and3A_89 : i32 to vector<16xi32>
    %and3A_91 = arith.andi %add3A_88, %and3A_90 : vector<16xi32>
    %broadcast_in_dim3A_92 = vector.shape_cast %and3A_91 : vector<16xi32> to vector<16x1xi32>
    %gather3A_93 = vector.shape_cast %broadcast_in_dim3A_92 : vector<16x1xi32> to vector<16xi32>
    %gather3A_94 = tpu.dynamic_gather %add3A_85[%gather3A_93] in [0] : vector<16xf32>, vector<16xi32> -> vector<16xf32>
    %add3A_95 = arith.addf %add3A_85, %gather3A_94 : vector<16xf32>
    %div3A = arith.constant 1.000000e+00 : f32
    %div3A_96 = vector.broadcast %div3A : f32 to vector<16xf32>
    %div3A_97 = arith.divf %div3A_96, %add3A_95 : vector<16xf32>
    %broadcast_in_dim3A_98 = arith.constant 0 : i32
    %broadcast_in_dim3A_99 = vector.broadcast %broadcast_in_dim3A_98 : i32 to vector<16xi32>
    %broadcast_in_dim3A_100 = vector.shape_cast %broadcast_in_dim3A_99 : vector<16xi32> to vector<16x1xi32>
    %gather3A_101 = vector.shape_cast %broadcast_in_dim3A_100 : vector<16x1xi32> to vector<16xi32>
    %gather3A_102 = tpu.dynamic_gather %exp3A[%gather3A_101] in [0] : vector<16xf32>, vector<16xi32> -> vector<16xf32>
    %mul3A_103 = arith.mulf %gather3A_102, %div3A_97 : vector<16xf32>
    %swap3A_104 = arith.constant 0 : index
    %swap3A_105 = tpu.vector_load %arg33[%swap3A_104] {strides = array<i32>} : memref<320xf32, #tpu.memory_space<vmem>>, vector<16xf32>,
    tpu.vector_store %arg33[%swap3A_104], %mul3A_103 {strides = array<i32>} : memref<320xf32, #tpu.memory_space<vmem>>, vector<16xf32>,
    %broadcast_in_dim3A_106 = arith.constant 1 : i32
    %broadcast_in_dim3A_107 = vector.broadcast %broadcast_in_dim3A_106 : i32 to vector<16xi32>
    %broadcast_in_dim3A_108 = vector.shape_cast %broadcast_in_dim3A_107 : vector<16xi32> to vector<16x1xi32>
    %gather3A_109 = vector.shape_cast %broadcast_in_dim3A_108 : vector<16x1xi32> to vector<16xi32>
    %gather3A_110 = tpu.dynamic_gather %exp3A[%gather3A_109] in [0] : vector<16xf32>, vector<16xi32> -> vector<16xf32>
    %mul3A_111 = arith.mulf %gather3A_110, %div3A_97 : vector<16xf32>
    %swap3A_112 = arith.constant 16 : index
    %swap3A_113 = tpu.vector_load %arg33[%swap3A_112] {strides = array<i32>} : memref<320xf32, #tpu.memory_space<vmem>>, vector<16xf32>,
    tpu.vector_store %arg33[%swap3A_112], %mul3A_111 {strides = array<i32>} : memref<320xf32, #tpu.memory_space<vmem>>, vector<16xf32>,
    %broadcast_in_dim3A_114 = arith.constant 2 : i32
    %broadcast_in_dim3A_115 = vector.broadcast %broadcast_in_dim3A_114 : i32 to vector<16xi32>
    %broadcast_in_dim3A_116 = vector.shape_cast %broadcast_in_dim3A_115 : vector<16xi32> to vector<16x1xi32>
    %gather3A_117 = vector.shape_cast %broadcast_in_dim3A_116 : vector<16x1xi32> to vector<16xi32>
    %gather3A_118 = tpu.dynamic_gather %exp3A[%gather3A_117] in [0] : vector<16xf32>, vector<16xi32> -> vector<16xf32>
    %mul3A_119 = arith.mulf %gather3A_118, %div3A_97 : vector<16xf32>
    %swap3A_120 = arith.constant 32 : index
    %swap3A_121 = tpu.vector_load %arg33[%swap3A_120] {strides = array<i32>} : memref<320xf32, #tpu.memory_space<vmem>>, vector<16xf32>,
    tpu.vector_store %arg33[%swap3A_120], %mul3A_119 {strides = array<i32>} : memref<320xf32, #tpu.memory_space<vmem>>, vector<16xf32>,
    %broadcast_in_dim3A_122 = arith.constant 3 : i32
    %broadcast_in_dim3A_123 = vector.broadcast %broadcast_in_dim3A_122 : i32 to vector<16xi32>
    %broadcast_in_dim3A_124 = vector.shape_cast %broadcast_in_dim3A_123 : vector<16xi32> to vector<16x1xi32>
    %gather3A_125 = vector.shape_cast %broadcast_in_dim3A_124 : vector<16x1xi32> to vector<16xi32>
    %gather3A_126 = tpu.dynamic_gather %exp3A[%gather3A_125] in [0] : vector<16xf32>, vector<16xi32> -> vector<16xf32>
    %mul3A_127 = arith.mulf %gather3A_126, %div3A_97 : vector<16xf32>
    %swap3A_128 = arith.constant 48 : index
    %swap3A_129 = tpu.vector_load %arg33[%swap3A_128] {strides = array<i32>} : memref<320xf32, #tpu.memory_space<vmem>>, vector<16xf32>,
    tpu.vector_store %arg33[%swap3A_128], %mul3A_127 {strides = array<i32>} : memref<320xf32, #tpu.memory_space<vmem>>, vector<16xf32>,
    %broadcast_in_dim3A_130 = arith.constant 4 : i32
    %broadcast_in_dim3A_131 = vector.broadcast %broadcast_in_dim3A_130 : i32 to vector<16xi32>
    %broadcast_in_dim3A_132 = vector.shape_cast %broadcast_in_dim3A_131 : vector<16xi32> to vector<16x1xi32>
    %gather3A_133 = vector.shape_cast %broadcast_in_dim3A_132 : vector<16x1xi32> to vector<16xi32>
    %gather3A_134 = tpu.dynamic_gather %exp3A[%gather3A_133] in [0] : vector<16xf32>, vector<16xi32> -> vector<16xf32>
    %mul3A_135 = arith.mulf %gather3A_134, %div3A_97 : vector<16xf32>
    %swap3A_136 = arith.constant 64 : index
    %swap3A_137 = tpu.vector_load %arg33[%swap3A_136] {strides = array<i32>} : memref<320xf32, #tpu.memory_space<vmem>>, vector<16xf32>,
    tpu.vector_store %arg33[%swap3A_136], %mul3A_135 {strides = array<i32>} : memref<320xf32, #tpu.memory_space<vmem>>, vector<16xf32>,
    %broadcast_in_dim3A_138 = arith.constant 5 : i32
    %broadcast_in_dim3A_139 = vector.broadcast %broadcast_in_dim3A_138 : i32 to vector<16xi32>
    %broadcast_in_dim3A_140 = vector.shape_cast %broadcast_in_dim3A_139 : vector<16xi32> to vector<16x1xi32>
    %gather3A_141 = vector.shape_cast %broadcast_in_dim3A_140 : vector<16x1xi32> to vector<16xi32>
    %gather3A_142 = tpu.dynamic_gather %exp3A[%gather3A_141] in [0] : vector<16xf32>, vector<16xi32> -> vector<16xf32>
    %mul3A_143 = arith.mulf %gather3A_142, %div3A_97 : vector<16xf32>
    %swap3A_144 = arith.constant 80 : index
    %swap3A_145 = tpu.vector_load %arg33[%swap3A_144] {strides = array<i32>} : memref<320xf32, #tpu.memory_space<vmem>>, vector<16xf32>,
    tpu.vector_store %arg33[%swap3A_144], %mul3A_143 {strides = array<i32>} : memref<320xf32, #tpu.memory_space<vmem>>, vector<16xf32>,
    %broadcast_in_dim3A_146 = arith.constant 6 : i32
    %broadcast_in_dim3A_147 = vector.broadcast %broadcast_in_dim3A_146 : i32 to vector<16xi32>
    %broadcast_in_dim3A_148 = vector.shape_cast %broadcast_in_dim3A_147 : vector<16xi32> to vector<16x1xi32>
    %gather3A_149 = vector.shape_cast %broadcast_in_dim3A_148 : vector<16x1xi32> to vector<16xi32>
    %gather3A_150 = tpu.dynamic_gather %exp3A[%gather3A_149] in [0] : vector<16xf32>, vector<16xi32> -> vector<16xf32>
    %mul3A_151 = arith.mulf %gather3A_150, %div3A_97 : vector<16xf32>
    %swap3A_152 = arith.constant 96 : index
    %swap3A_153 = tpu.vector_load %arg33[%swap3A_152] {strides = array<i32>} : memref<320xf32, #tpu.memory_space<vmem>>, vector<16xf32>,
    tpu.vector_store %arg33[%swap3A_152], %mul3A_151 {strides = array<i32>} : memref<320xf32, #tpu.memory_space<vmem>>, vector<16xf32>,
    %broadcast_in_dim3A_154 = arith.constant 7 : i32
    %broadcast_in_dim3A_155 = vector.broadcast %broadcast_in_dim3A_154 : i32 to vector<16xi32>
    %broadcast_in_dim3A_156 = vector.shape_cast %broadcast_in_dim3A_155 : vector<16xi32> to vector<16x1xi32>
    %gather3A_157 = vector.shape_cast %broadcast_in_dim3A_156 : vector<16x1xi32> to vector<16xi32>
    %gather3A_158 = tpu.dynamic_gather %exp3A[%gather3A_157] in [0] : vector<16xf32>, vector<16xi32> -> vector<16xf32>
    %mul3A_159 = arith.mulf %gather3A_158, %div3A_97 : vector<16xf32>
    %swap3A_160 = arith.constant 112 : index
    %swap3A_161 = tpu.vector_load %arg33[%swap3A_160] {strides = array<i32>} : memref<320xf32, #tpu.memory_space<vmem>>, vector<16xf32>,
    tpu.vector_store %arg33[%swap3A_160], %mul3A_159 {strides = array<i32>} : memref<320xf32, #tpu.memory_space<vmem>>, vector<16xf32>,
    %broadcast_in_dim3A_162 = arith.constant 8 : i32
    %broadcast_in_dim3A_163 = vector.broadcast %broadcast_in_dim3A_162 : i32 to vector<16xi32>
    %broadcast_in_dim3A_164 = vector.shape_cast %broadcast_in_dim3A_163 : vector<16xi32> to vector<16x1xi32>
    %gather3A_165 = vector.shape_cast %broadcast_in_dim3A_164 : vector<16x1xi32> to vector<16xi32>
    %gather3A_166 = tpu.dynamic_gather %exp3A[%gather3A_165] in [0] : vector<16xf32>, vector<16xi32> -> vector<16xf32>
    %mul3A_167 = arith.mulf %gather3A_166, %div3A_97 : vector<16xf32>
    %swap3A_168 = arith.constant 128 : index
    %swap3A_169 = tpu.vector_load %arg33[%swap3A_168] {strides = array<i32>} : memref<320xf32, #tpu.memory_space<vmem>>, vector<16xf32>,
    tpu.vector_store %arg33[%swap3A_168], %mul3A_167 {strides = array<i32>} : memref<320xf32, #tpu.memory_space<vmem>>, vector<16xf32>,
    %broadcast_in_dim3A_170 = arith.constant 9 : i32
    %broadcast_in_dim3A_171 = vector.broadcast %broadcast_in_dim3A_170 : i32 to vector<16xi32>
    %broadcast_in_dim3A_172 = vector.shape_cast %broadcast_in_dim3A_171 : vector<16xi32> to vector<16x1xi32>
    %gather3A_173 = vector.shape_cast %broadcast_in_dim3A_172 : vector<16x1xi32> to vector<16xi32>
    %gather3A_174 = tpu.dynamic_gather %exp3A[%gather3A_173] in [0] : vector<16xf32>, vector<16xi32> -> vector<16xf32>
    %mul3A_175 = arith.mulf %gather3A_174, %div3A_97 : vector<16xf32>
    %swap3A_176 = arith.constant 144 : index
    %swap3A_177 = tpu.vector_load %arg33[%swap3A_176] {strides = array<i32>} : memref<320xf32, #tpu.memory_space<vmem>>, vector<16xf32>,
    tpu.vector_store %arg33[%swap3A_176], %mul3A_175 {strides = array<i32>} : memref<320xf32, #tpu.memory_space<vmem>>, vector<16xf32>,
    %broadcast_in_dim3A_178 = arith.constant 10 : i32
    %broadcast_in_dim3A_179 = vector.broadcast %broadcast_in_dim3A_178 : i32 to vector<16xi32>
    %broadcast_in_dim3A_180 = vector.shape_cast %broadcast_in_dim3A_179 : vector<16xi32> to vector<16x1xi32>
    %gather3A_181 = vector.shape_cast %broadcast_in_dim3A_180 : vector<16x1xi32> to vector<16xi32>
    %gather3A_182 = tpu.dynamic_gather %exp3A[%gather3A_181] in [0] : vector<16xf32>, vector<16xi32> -> vector<16xf32>
    %mul3A_183 = arith.mulf %gather3A_182, %div3A_97 : vector<16xf32>
    %swap3A_184 = arith.constant 160 : index
    %swap3A_185 = tpu.vector_load %arg33[%swap3A_184] {strides = array<i32>} : memref<320xf32, #tpu.memory_space<vmem>>, vector<16xf32>,
    tpu.vector_store %arg33[%swap3A_184], %mul3A_183 {strides = array<i32>} : memref<320xf32, #tpu.memory_space<vmem>>, vector<16xf32>,
    %broadcast_in_dim3A_186 = arith.constant 11 : i32
    %broadcast_in_dim3A_187 = vector.broadcast %broadcast_in_dim3A_186 : i32 to vector<16xi32>
    %broadcast_in_dim3A_188 = vector.shape_cast %broadcast_in_dim3A_187 : vector<16xi32> to vector<16x1xi32>
    %gather3A_189 = vector.shape_cast %broadcast_in_dim3A_188 : vector<16x1xi32> to vector<16xi32>
    %gather3A_190 = tpu.dynamic_gather %exp3A[%gather3A_189] in [0] : vector<16xf32>, vector<16xi32> -> vector<16xf32>
    %mul3A_191 = arith.mulf %gather3A_190, %div3A_97 : vector<16xf32>
    %swap3A_192 = arith.constant 176 : index
    %swap3A_193 = tpu.vector_load %arg33[%swap3A_192] {strides = array<i32>} : memref<320xf32, #tpu.memory_space<vmem>>, vector<16xf32>,
    tpu.vector_store %arg33[%swap3A_192], %mul3A_191 {strides = array<i32>} : memref<320xf32, #tpu.memory_space<vmem>>, vector<16xf32>,
    %broadcast_in_dim3A_194 = arith.constant 12 : i32
    %broadcast_in_dim3A_195 = vector.broadcast %broadcast_in_dim3A_194 : i32 to vector<16xi32>
    %broadcast_in_dim3A_196 = vector.shape_cast %broadcast_in_dim3A_195 : vector<16xi32> to vector<16x1xi32>
    %gather3A_197 = vector.shape_cast %broadcast_in_dim3A_196 : vector<16x1xi32> to vector<16xi32>
    %gather3A_198 = tpu.dynamic_gather %exp3A[%gather3A_197] in [0] : vector<16xf32>, vector<16xi32> -> vector<16xf32>
    %mul3A_199 = arith.mulf %gather3A_198, %div3A_97 : vector<16xf32>
    %swap3A_200 = arith.constant 192 : index
    %swap3A_201 = tpu.vector_load %arg33[%swap3A_200] {strides = array<i32>} : memref<320xf32, #tpu.memory_space<vmem>>, vector<16xf32>,
    tpu.vector_store %arg33[%swap3A_200], %mul3A_199 {strides = array<i32>} : memref<320xf32, #tpu.memory_space<vmem>>, vector<16xf32>,
    %broadcast_in_dim3A_202 = arith.constant 13 : i32
    %broadcast_in_dim3A_203 = vector.broadcast %broadcast_in_dim3A_202 : i32 to vector<16xi32>
    %broadcast_in_dim3A_204 = vector.shape_cast %broadcast_in_dim3A_203 : vector<16xi32> to vector<16x1xi32>
    %gather3A_205 = vector.shape_cast %broadcast_in_dim3A_204 : vector<16x1xi32> to vector<16xi32>
    %gather3A_206 = tpu.dynamic_gather %exp3A[%gather3A_205] in [0] : vector<16xf32>, vector<16xi32> -> vector<16xf32>
    %mul3A_207 = arith.mulf %gather3A_206, %div3A_97 : vector<16xf32>
    %swap3A_208 = arith.constant 208 : index
    %swap3A_209 = tpu.vector_load %arg33[%swap3A_208] {strides = array<i32>} : memref<320xf32, #tpu.memory_space<vmem>>, vector<16xf32>,
    tpu.vector_store %arg33[%swap3A_208], %mul3A_207 {strides = array<i32>} : memref<320xf32, #tpu.memory_space<vmem>>, vector<16xf32>,
    %broadcast_in_dim3A_210 = arith.constant 14 : i32
    %broadcast_in_dim3A_211 = vector.broadcast %broadcast_in_dim3A_210 : i32 to vector<16xi32>
    %broadcast_in_dim3A_212 = vector.shape_cast %broadcast_in_dim3A_211 : vector<16xi32> to vector<16x1xi32>
    %gather3A_213 = vector.shape_cast %broadcast_in_dim3A_212 : vector<16x1xi32> to vector<16xi32>
    %gather3A_214 = tpu.dynamic_gather %exp3A[%gather3A_213] in [0] : vector<16xf32>, vector<16xi32> -> vector<16xf32>
    %mul3A_215 = arith.mulf %gather3A_214, %div3A_97 : vector<16xf32>
    %swap3A_216 = arith.constant 224 : index
    %swap3A_217 = tpu.vector_load %arg33[%swap3A_216] {strides = array<i32>} : memref<320xf32, #tpu.memory_space<vmem>>, vector<16xf32>,
    tpu.vector_store %arg33[%swap3A_216], %mul3A_215 {strides = array<i32>} : memref<320xf32, #tpu.memory_space<vmem>>, vector<16xf32>,
    %broadcast_in_dim3A_218 = arith.constant 15 : i32
    %broadcast_in_dim3A_219 = vector.broadcast %broadcast_in_dim3A_218 : i32 to vector<16xi32>
    %broadcast_in_dim3A_220 = vector.shape_cast %broadcast_in_dim3A_219 : vector<16xi32> to vector<16x1xi32>
    %gather3A_221 = vector.shape_cast %broadcast_in_dim3A_220 : vector<16x1xi32> to vector<16xi32>
    %gather3A_222 = tpu.dynamic_gather %exp3A[%gather3A_221] in [0] : vector<16xf32>, vector<16xi32> -> vector<16xf32>
    %mul3A_223 = arith.mulf %gather3A_222, %div3A_97 : vector<16xf32>
    %swap3A_224 = arith.constant 240 : index
    %swap3A_225 = tpu.vector_load %arg33[%swap3A_224] {strides = array<i32>} : memref<320xf32, #tpu.memory_space<vmem>>, vector<16xf32>,
    tpu.vector_store %arg33[%swap3A_224], %mul3A_223 {strides = array<i32>} : memref<320xf32, #tpu.memory_space<vmem>>, vector<16xf32>,
    %broadcast_in_dim3A_226 = arith.constant 0 : i32
    %broadcast_in_dim3A_227 = vector.broadcast %broadcast_in_dim3A_226 : i32 to vector<16xi32>
    %broadcast_in_dim3A_228 = vector.shape_cast %broadcast_in_dim3A_227 : vector<16xi32> to vector<16x1xi32>
    %gather3A_229 = vector.shape_cast %broadcast_in_dim3A_228 : vector<16x1xi32> to vector<16xi32>
    %gather3A_230 = tpu.dynamic_gather %exp3A_54[%gather3A_229] in [0] : vector<16xf32>, vector<16xi32> -> vector<16xf32>
    %mul3A_231 = arith.mulf %gather3A_230, %div3A_97 : vector<16xf32>
    %swap3A_232 = arith.constant 256 : index
    %swap3A_233 = tpu.vector_load %arg33[%swap3A_232] {strides = array<i32>} : memref<320xf32, #tpu.memory_space<vmem>>, vector<16xf32>,
    tpu.vector_store %arg33[%swap3A_232], %mul3A_231 {strides = array<i32>} : memref<320xf32, #tpu.memory_space<vmem>>, vector<16xf32>,
    %broadcast_in_dim3A_234 = arith.constant 1 : i32
    %broadcast_in_dim3A_235 = vector.broadcast %broadcast_in_dim3A_234 : i32 to vector<16xi32>
    %broadcast_in_dim3A_236 = vector.shape_cast %broadcast_in_dim3A_235 : vector<16xi32> to vector<16x1xi32>
    %gather3A_237 = vector.shape_cast %broadcast_in_dim3A_236 : vector<16x1xi32> to vector<16xi32>
    %gather3A_238 = tpu.dynamic_gather %exp3A_54[%gather3A_237] in [0] : vector<16xf32>, vector<16xi32> -> vector<16xf32>
    %mul3A_239 = arith.mulf %gather3A_238, %div3A_97 : vector<16xf32>
    %swap3A_240 = arith.constant 272 : index
    %swap3A_241 = tpu.vector_load %arg33[%swap3A_240] {strides = array<i32>} : memref<320xf32, #tpu.memory_space<vmem>>, vector<16xf32>,
    tpu.vector_store %arg33[%swap3A_240], %mul3A_239 {strides = array<i32>} : memref<320xf32, #tpu.memory_space<vmem>>, vector<16xf32>,
    %broadcast_in_dim3A_242 = arith.constant 2 : i32
    %broadcast_in_dim3A_243 = vector.broadcast %broadcast_in_dim3A_242 : i32 to vector<16xi32>
    %broadcast_in_dim3A_244 = vector.shape_cast %broadcast_in_dim3A_243 : vector<16xi32> to vector<16x1xi32>
    %gather3A_245 = vector.shape_cast %broadcast_in_dim3A_244 : vector<16x1xi32> to vector<16xi32>
    %gather3A_246 = tpu.dynamic_gather %exp3A_54[%gather3A_245] in [0] : vector<16xf32>, vector<16xi32> -> vector<16xf32>
    %mul3A_247 = arith.mulf %gather3A_246, %div3A_97 : vector<16xf32>
    %swap3A_248 = arith.constant 288 : index
    %swap3A_249 = tpu.vector_load %arg33[%swap3A_248] {strides = array<i32>} : memref<320xf32, #tpu.memory_space<vmem>>, vector<16xf32>,
    tpu.vector_store %arg33[%swap3A_248], %mul3A_247 {strides = array<i32>} : memref<320xf32, #tpu.memory_space<vmem>>, vector<16xf32>,
    %broadcast_in_dim3A_250 = arith.constant 3 : i32
    %broadcast_in_dim3A_251 = vector.broadcast %broadcast_in_dim3A_250 : i32 to vector<16xi32>
    %broadcast_in_dim3A_252 = vector.shape_cast %broadcast_in_dim3A_251 : vector<16xi32> to vector<16x1xi32>
    %gather3A_253 = vector.shape_cast %broadcast_in_dim3A_252 : vector<16x1xi32> to vector<16xi32>
    %gather3A_254 = tpu.dynamic_gather %exp3A_54[%gather3A_253] in [0] : vector<16xf32>, vector<16xi32> -> vector<16xf32>
    %mul3A_255 = arith.mulf %gather3A_254, %div3A_97 : vector<16xf32>
    %swap3A_256 = arith.constant 304 : index
    %swap3A_257 = tpu.vector_load %arg33[%swap3A_256] {strides = array<i32>} : memref<320xf32, #tpu.memory_space<vmem>>, vector<16xf32>,
    tpu.vector_store %arg33[%swap3A_256], %mul3A_255 {strides = array<i32>} : memref<320xf32, #tpu.memory_space<vmem>>, vector<16xf32>,
    %add3A_258 = arith.constant 0 : i32
    %add3A_259 = vector.broadcast %add3A_258 : i32 to vector<16xi32>
    %add3A_260 = arith.addi %add3A_259, %iota3A : vector<16xi32>
    %add3A_261 = arith.constant 16 : i32
    %add3A_262 = vector.broadcast %add3A_261 : i32 to vector<16xi32>
    %add3A_263 = arith.addi %add3A_262, %iota3A : vector<16xi32>
    %add3A_264 = arith.constant 32 : i32
    %add3A_265 = vector.broadcast %add3A_264 : i32 to vector<16xi32>
    %add3A_266 = arith.addi %add3A_265, %iota3A : vector<16xi32>
    %add3A_267 = arith.constant 48 : i32
    %add3A_268 = vector.broadcast %add3A_267 : i32 to vector<16xi32>
    %add3A_269 = arith.addi %add3A_268, %iota3A : vector<16xi32>
    %get3A_270 = arith.constant 0 : index
    %get3A_271 = tpu.vector_load %arg12[%get3A_270] {strides = array<i32>} : memref<10240xi32, #tpu.memory_space<vmem>>, vector<16xi32>,
    %shift_right_arithmetic3A = arith.constant 1 : i32
    %shift_right_arithmetic3A_272 = vector.broadcast %shift_right_arithmetic3A : i32 to vector<16xi32>
    %shift_right_arithmetic3A_273 = arith.shrsi %get3A_271, %shift_right_arithmetic3A_272 : vector<16xi32>
    %swap3A_274 = arith.constant 0 : index
    %swap3A_275 = tpu.vector_load %arg16[%swap3A_274] {strides = array<i32>} : memref<160xi32, #tpu.memory_space<vmem>>, vector<16xi32>,
    tpu.vector_store %arg16[%swap3A_274], %shift_right_arithmetic3A_273 {strides = array<i32>} : memref<160xi32, #tpu.memory_space<vmem>>, vector<16xi32>,
    %get3A_276 = arith.constant 0 : index
    %get3A_277 = tpu.vector_load %arg13[%get3A_276] {strides = array<i32>} : memref<10240xi32, #tpu.memory_space<vmem>>, vector<16xi32>,
    %shift_right_arithmetic3A_278 = arith.constant 1 : i32
    %shift_right_arithmetic3A_279 = vector.broadcast %shift_right_arithmetic3A_278 : i32 to vector<16xi32>
    %shift_right_arithmetic3A_280 = arith.shrsi %get3A_277, %shift_right_arithmetic3A_279 : vector<16xi32>
    %swap3A_281 = arith.constant 0 : index
    %swap3A_282 = tpu.vector_load %arg17[%swap3A_281] {strides = array<i32>} : memref<160xi32, #tpu.memory_space<vmem>>, vector<16xi32>,
    tpu.vector_store %arg17[%swap3A_281], %shift_right_arithmetic3A_280 {strides = array<i32>} : memref<160xi32, #tpu.memory_space<vmem>>, vector<16xi32>,
    %get3A_283 = arith.constant 16 : index
    %get3A_284 = tpu.vector_load %arg12[%get3A_283] {strides = array<i32>} : memref<10240xi32, #tpu.memory_space<vmem>>, vector<16xi32>,
    %shift_right_arithmetic3A_285 = arith.constant 1 : i32
    %shift_right_arithmetic3A_286 = vector.broadcast %shift_right_arithmetic3A_285 : i32 to vector<16xi32>
    %shift_right_arithmetic3A_287 = arith.shrsi %get3A_284, %shift_right_arithmetic3A_286 : vector<16xi32>
    %swap3A_288 = arith.constant 16 : index
    %swap3A_289 = tpu.vector_load %arg16[%swap3A_288] {strides = array<i32>} : memref<160xi32, #tpu.memory_space<vmem>>, vector<16xi32>,
    tpu.vector_store %arg16[%swap3A_288], %shift_right_arithmetic3A_287 {strides = array<i32>} : memref<160xi32, #tpu.memory_space<vmem>>, vector<16xi32>,
    %get3A_290 = arith.constant 16 : index
    %get3A_291 = tpu.vector_load %arg13[%get3A_290] {strides = array<i32>} : memref<10240xi32, #tpu.memory_space<vmem>>, vector<16xi32>,
    %shift_right_arithmetic3A_292 = arith.constant 1 : i32
    %shift_right_arithmetic3A_293 = vector.broadcast %shift_right_arithmetic3A_292 : i32 to vector<16xi32>
    %shift_right_arithmetic3A_294 = arith.shrsi %get3A_291, %shift_right_arithmetic3A_293 : vector<16xi32>
    %swap3A_295 = arith.constant 16 : index
    %swap3A_296 = tpu.vector_load %arg17[%swap3A_295] {strides = array<i32>} : memref<160xi32, #tpu.memory_space<vmem>>, vector<16xi32>,
    tpu.vector_store %arg17[%swap3A_295], %shift_right_arithmetic3A_294 {strides = array<i32>} : memref<160xi32, #tpu.memory_space<vmem>>, vector<16xi32>,
    %get3A_297 = arith.constant 32 : index
    %get3A_298 = tpu.vector_load %arg12[%get3A_297] {strides = array<i32>} : memref<10240xi32, #tpu.memory_space<vmem>>, vector<16xi32>,
    %shift_right_arithmetic3A_299 = arith.constant 1 : i32
    %shift_right_arithmetic3A_300 = vector.broadcast %shift_right_arithmetic3A_299 : i32 to vector<16xi32>
    %shift_right_arithmetic3A_301 = arith.shrsi %get3A_298, %shift_right_arithmetic3A_300 : vector<16xi32>
    %swap3A_302 = arith.constant 32 : index
    %swap3A_303 = tpu.vector_load %arg16[%swap3A_302] {strides = array<i32>} : memref<160xi32, #tpu.memory_space<vmem>>, vector<16xi32>,
    tpu.vector_store %arg16[%swap3A_302], %shift_right_arithmetic3A_301 {strides = array<i32>} : memref<160xi32, #tpu.memory_space<vmem>>, vector<16xi32>,
    %get3A_304 = arith.constant 32 : index
    %get3A_305 = tpu.vector_load %arg13[%get3A_304] {strides = array<i32>} : memref<10240xi32, #tpu.memory_space<vmem>>, vector<16xi32>,
    %shift_right_arithmetic3A_306 = arith.constant 1 : i32
    %shift_right_arithmetic3A_307 = vector.broadcast %shift_right_arithmetic3A_306 : i32 to vector<16xi32>
    %shift_right_arithmetic3A_308 = arith.shrsi %get3A_305, %shift_right_arithmetic3A_307 : vector<16xi32>
    %swap3A_309 = arith.constant 32 : index
    %swap3A_310 = tpu.vector_load %arg17[%swap3A_309] {strides = array<i32>} : memref<160xi32, #tpu.memory_space<vmem>>, vector<16xi32>,
    tpu.vector_store %arg17[%swap3A_309], %shift_right_arithmetic3A_308 {strides = array<i32>} : memref<160xi32, #tpu.memory_space<vmem>>, vector<16xi32>,
    %get3A_311 = arith.constant 48 : index
    %get3A_312 = tpu.vector_load %arg12[%get3A_311] {strides = array<i32>} : memref<10240xi32, #tpu.memory_space<vmem>>, vector<16xi32>,
    %shift_right_arithmetic3A_313 = arith.constant 1 : i32
    %shift_right_arithmetic3A_314 = vector.broadcast %shift_right_arithmetic3A_313 : i32 to vector<16xi32>
    %shift_right_arithmetic3A_315 = arith.shrsi %get3A_312, %shift_right_arithmetic3A_314 : vector<16xi32>
    %swap3A_316 = arith.constant 48 : index
    %swap3A_317 = tpu.vector_load %arg16[%swap3A_316] {strides = array<i32>} : memref<160xi32, #tpu.memory_space<vmem>>, vector<16xi32>,
    tpu.vector_store %arg16[%swap3A_316], %shift_right_arithmetic3A_315 {strides = array<i32>} : memref<160xi32, #tpu.memory_space<vmem>>, vector<16xi32>,
    %get3A_318 = arith.constant 48 : index
    %get3A_319 = tpu.vector_load %arg13[%get3A_318] {strides = array<i32>} : memref<10240xi32, #tpu.memory_space<vmem>>, vector<16xi32>,
    %shift_right_arithmetic3A_320 = arith.constant 1 : i32
    %shift_right_arithmetic3A_321 = vector.broadcast %shift_right_arithmetic3A_320 : i32 to vector<16xi32>
    %shift_right_arithmetic3A_322 = arith.shrsi %get3A_319, %shift_right_arithmetic3A_321 : vector<16xi32>
    %swap3A_323 = arith.constant 48 : index
    %swap3A_324 = tpu.vector_load %arg17[%swap3A_323] {strides = array<i32>} : memref<160xi32, #tpu.memory_space<vmem>>, vector<16xi32>,
    tpu.vector_store %arg17[%swap3A_323], %shift_right_arithmetic3A_322 {strides = array<i32>} : memref<160xi32, #tpu.memory_space<vmem>>, vector<16xi32>,
    %get3A_325 = arith.constant 64 : index
    %get3A_326 = tpu.vector_load %arg12[%get3A_325] {strides = array<i32>} : memref<10240xi32, #tpu.memory_space<vmem>>, vector<16xi32>,
    %shift_right_arithmetic3A_327 = arith.constant 1 : i32
    %shift_right_arithmetic3A_328 = vector.broadcast %shift_right_arithmetic3A_327 : i32 to vector<16xi32>
    %shift_right_arithmetic3A_329 = arith.shrsi %get3A_326, %shift_right_arithmetic3A_328 : vector<16xi32>
    %swap3A_330 = arith.constant 64 : index
    %swap3A_331 = tpu.vector_load %arg16[%swap3A_330] {strides = array<i32>} : memref<160xi32, #tpu.memory_space<vmem>>, vector<16xi32>,
    tpu.vector_store %arg16[%swap3A_330], %shift_right_arithmetic3A_329 {strides = array<i32>} : memref<160xi32, #tpu.memory_space<vmem>>, vector<16xi32>,
    %get3A_332 = arith.constant 64 : index
    %get3A_333 = tpu.vector_load %arg13[%get3A_332] {strides = array<i32>} : memref<10240xi32, #tpu.memory_space<vmem>>, vector<16xi32>,
    %shift_right_arithmetic3A_334 = arith.constant 1 : i32
    %shift_right_arithmetic3A_335 = vector.broadcast %shift_right_arithmetic3A_334 : i32 to vector<16xi32>
    %shift_right_arithmetic3A_336 = arith.shrsi %get3A_333, %shift_right_arithmetic3A_335 : vector<16xi32>
    %swap3A_337 = arith.constant 64 : index
    %swap3A_338 = tpu.vector_load %arg17[%swap3A_337] {strides = array<i32>} : memref<160xi32, #tpu.memory_space<vmem>>, vector<16xi32>,
    tpu.vector_store %arg17[%swap3A_337], %shift_right_arithmetic3A_336 {strides = array<i32>} : memref<160xi32, #tpu.memory_space<vmem>>, vector<16xi32>,
    %get3A_339 = arith.constant 80 : index
    %get3A_340 = tpu.vector_load %arg12[%get3A_339] {strides = array<i32>} : memref<10240xi32, #tpu.memory_space<vmem>>, vector<16xi32>,
    %shift_right_arithmetic3A_341 = arith.constant 1 : i32
    %shift_right_arithmetic3A_342 = vector.broadcast %shift_right_arithmetic3A_341 : i32 to vector<16xi32>
    %shift_right_arithmetic3A_343 = arith.shrsi %get3A_340, %shift_right_arithmetic3A_342 : vector<16xi32>
    %swap3A_344 = arith.constant 80 : index
    %swap3A_345 = tpu.vector_load %arg16[%swap3A_344] {strides = array<i32>} : memref<160xi32, #tpu.memory_space<vmem>>, vector<16xi32>,
    tpu.vector_store %arg16[%swap3A_344], %shift_right_arithmetic3A_343 {strides = array<i32>} : memref<160xi32, #tpu.memory_space<vmem>>, vector<16xi32>,
    %get3A_346 = arith.constant 80 : index
    %get3A_347 = tpu.vector_load %arg13[%get3A_346] {strides = array<i32>} : memref<10240xi32, #tpu.memory_space<vmem>>, vector<16xi32>,
    %shift_right_arithmetic3A_348 = arith.constant 1 : i32
    %shift_right_arithmetic3A_349 = vector.broadcast %shift_right_arithmetic3A_348 : i32 to vector<16xi32>
    %shift_right_arithmetic3A_350 = arith.shrsi %get3A_347, %shift_right_arithmetic3A_349 : vector<16xi32>
    %swap3A_351 = arith.constant 80 : index
    %swap3A_352 = tpu.vector_load %arg17[%swap3A_351] {strides = array<i32>} : memref<160xi32, #tpu.memory_space<vmem>>, vector<16xi32>,
    tpu.vector_store %arg17[%swap3A_351], %shift_right_arithmetic3A_350 {strides = array<i32>} : memref<160xi32, #tpu.memory_space<vmem>>, vector<16xi32>,
    %get3A_353 = arith.constant 96 : index
    %get3A_354 = tpu.vector_load %arg12[%get3A_353] {strides = array<i32>} : memref<10240xi32, #tpu.memory_space<vmem>>, vector<16xi32>,
    %shift_right_arithmetic3A_355 = arith.constant 1 : i32
    %shift_right_arithmetic3A_356 = vector.broadcast %shift_right_arithmetic3A_355 : i32 to vector<16xi32>
    %shift_right_arithmetic3A_357 = arith.shrsi %get3A_354, %shift_right_arithmetic3A_356 : vector<16xi32>
    %swap3A_358 = arith.constant 96 : index
    %swap3A_359 = tpu.vector_load %arg16[%swap3A_358] {strides = array<i32>} : memref<160xi32, #tpu.memory_space<vmem>>, vector<16xi32>,
    tpu.vector_store %arg16[%swap3A_358], %shift_right_arithmetic3A_357 {strides = array<i32>} : memref<160xi32, #tpu.memory_space<vmem>>, vector<16xi32>,
    %get3A_360 = arith.constant 96 : index
    %get3A_361 = tpu.vector_load %arg13[%get3A_360] {strides = array<i32>} : memref<10240xi32, #tpu.memory_space<vmem>>, vector<16xi32>,
    %shift_right_arithmetic3A_362 = arith.constant 1 : i32
    %shift_right_arithmetic3A_363 = vector.broadcast %shift_right_arithmetic3A_362 : i32 to vector<16xi32>
    %shift_right_arithmetic3A_364 = arith.shrsi %get3A_361, %shift_right_arithmetic3A_363 : vector<16xi32>
    %swap3A_365 = arith.constant 96 : index
    %swap3A_366 = tpu.vector_load %arg17[%swap3A_365] {strides = array<i32>} : memref<160xi32, #tpu.memory_space<vmem>>, vector<16xi32>,
    tpu.vector_store %arg17[%swap3A_365], %shift_right_arithmetic3A_364 {strides = array<i32>} : memref<160xi32, #tpu.memory_space<vmem>>, vector<16xi32>,
    %get3A_367 = arith.constant 112 : index
    %get3A_368 = tpu.vector_load %arg12[%get3A_367] {strides = array<i32>} : memref<10240xi32, #tpu.memory_space<vmem>>, vector<16xi32>,
    %shift_right_arithmetic3A_369 = arith.constant 1 : i32
    %shift_right_arithmetic3A_370 = vector.broadcast %shift_right_arithmetic3A_369 : i32 to vector<16xi32>
    %shift_right_arithmetic3A_371 = arith.shrsi %get3A_368, %shift_right_arithmetic3A_370 : vector<16xi32>
    %swap3A_372 = arith.constant 112 : index
    %swap3A_373 = tpu.vector_load %arg16[%swap3A_372] {strides = array<i32>} : memref<160xi32, #tpu.memory_space<vmem>>, vector<16xi32>,
    tpu.vector_store %arg16[%swap3A_372], %shift_right_arithmetic3A_371 {strides = array<i32>} : memref<160xi32, #tpu.memory_space<vmem>>, vector<16xi32>,
    %get3A_374 = arith.constant 112 : index
    %get3A_375 = tpu.vector_load %arg13[%get3A_374] {strides = array<i32>} : memref<10240xi32, #tpu.memory_space<vmem>>, vector<16xi32>,
    %shift_right_arithmetic3A_376 = arith.constant 1 : i32
    %shift_right_arithmetic3A_377 = vector.broadcast %shift_right_arithmetic3A_376 : i32 to vector<16xi32>
    %shift_right_arithmetic3A_378 = arith.shrsi %get3A_375, %shift_right_arithmetic3A_377 : vector<16xi32>
    %swap3A_379 = arith.constant 112 : index
    %swap3A_380 = tpu.vector_load %arg17[%swap3A_379] {strides = array<i32>} : memref<160xi32, #tpu.memory_space<vmem>>, vector<16xi32>,
    tpu.vector_store %arg17[%swap3A_379], %shift_right_arithmetic3A_378 {strides = array<i32>} : memref<160xi32, #tpu.memory_space<vmem>>, vector<16xi32>,
    %get3A_381 = arith.constant 128 : index
    %get3A_382 = tpu.vector_load %arg12[%get3A_381] {strides = array<i32>} : memref<10240xi32, #tpu.memory_space<vmem>>, vector<16xi32>,
    %shift_right_arithmetic3A_383 = arith.constant 1 : i32
    %shift_right_arithmetic3A_384 = vector.broadcast %shift_right_arithmetic3A_383 : i32 to vector<16xi32>
    %shift_right_arithmetic3A_385 = arith.shrsi %get3A_382, %shift_right_arithmetic3A_384 : vector<16xi32>
    %swap3A_386 = arith.constant 128 : index
    %swap3A_387 = tpu.vector_load %arg16[%swap3A_386] {strides = array<i32>} : memref<160xi32, #tpu.memory_space<vmem>>, vector<16xi32>,
    tpu.vector_store %arg16[%swap3A_386], %shift_right_arithmetic3A_385 {strides = array<i32>} : memref<160xi32, #tpu.memory_space<vmem>>, vector<16xi32>,
    %get3A_388 = arith.constant 128 : index
    %get3A_389 = tpu.vector_load %arg13[%get3A_388] {strides = array<i32>} : memref<10240xi32, #tpu.memory_space<vmem>>, vector<16xi32>,
    %shift_right_arithmetic3A_390 = arith.constant 1 : i32
    %shift_right_arithmetic3A_391 = vector.broadcast %shift_right_arithmetic3A_390 : i32 to vector<16xi32>
    %shift_right_arithmetic3A_392 = arith.shrsi %get3A_389, %shift_right_arithmetic3A_391 : vector<16xi32>
    %swap3A_393 = arith.constant 128 : index
    %swap3A_394 = tpu.vector_load %arg17[%swap3A_393] {strides = array<i32>} : memref<160xi32, #tpu.memory_space<vmem>>, vector<16xi32>,
    tpu.vector_store %arg17[%swap3A_393], %shift_right_arithmetic3A_392 {strides = array<i32>} : memref<160xi32, #tpu.memory_space<vmem>>, vector<16xi32>,
    %get3A_395 = arith.constant 144 : index
    %get3A_396 = tpu.vector_load %arg12[%get3A_395] {strides = array<i32>} : memref<10240xi32, #tpu.memory_space<vmem>>, vector<16xi32>,
    %shift_right_arithmetic3A_397 = arith.constant 1 : i32
    %shift_right_arithmetic3A_398 = vector.broadcast %shift_right_arithmetic3A_397 : i32 to vector<16xi32>
    %shift_right_arithmetic3A_399 = arith.shrsi %get3A_396, %shift_right_arithmetic3A_398 : vector<16xi32>
    %swap3A_400 = arith.constant 144 : index
    %swap3A_401 = tpu.vector_load %arg16[%swap3A_400] {strides = array<i32>} : memref<160xi32, #tpu.memory_space<vmem>>, vector<16xi32>,
    tpu.vector_store %arg16[%swap3A_400], %shift_right_arithmetic3A_399 {strides = array<i32>} : memref<160xi32, #tpu.memory_space<vmem>>, vector<16xi32>,
    %get3A_402 = arith.constant 144 : index
    %get3A_403 = tpu.vector_load %arg13[%get3A_402] {strides = array<i32>} : memref<10240xi32, #tpu.memory_space<vmem>>, vector<16xi32>,
    %shift_right_arithmetic3A_404 = arith.constant 1 : i32
    %shift_right_arithmetic3A_405 = vector.broadcast %shift_right_arithmetic3A_404 : i32 to vector<16xi32>
    %shift_right_arithmetic3A_406 = arith.shrsi %get3A_403, %shift_right_arithmetic3A_405 : vector<16xi32>
    %swap3A_407 = arith.constant 144 : index
    %swap3A_408 = tpu.vector_load %arg17[%swap3A_407] {strides = array<i32>} : memref<160xi32, #tpu.memory_space<vmem>>, vector<16xi32>,
    tpu.vector_store %arg17[%swap3A_407], %shift_right_arithmetic3A_406 {strides = array<i32>} : memref<160xi32, #tpu.memory_space<vmem>>, vector<16xi32>,
    %get3A_409 = arith.constant 0 : index
    %get3A_410 = tpu.vector_load %arg10[%get3A_409] {strides = array<i32>} : memref<528xi32, #tpu.memory_space<vmem>>, vector<16xi32>,
    %shift_right_arithmetic3A_411 = arith.constant 1 : i32
    %shift_right_arithmetic3A_412 = vector.broadcast %shift_right_arithmetic3A_411 : i32 to vector<16xi32>
    %shift_right_arithmetic3A_413 = arith.shrsi %get3A_410, %shift_right_arithmetic3A_412 : vector<16xi32>
    %get3A_414 = arith.constant 0 : index
    %get3A_415 = tpu.vector_load %arg11[%get3A_414] {strides = array<i32>} : memref<528xi32, #tpu.memory_space<vmem>>, vector<16xi32>,
    %shift_right_arithmetic3A_416 = arith.constant 1 : i32
    %shift_right_arithmetic3A_417 = vector.broadcast %shift_right_arithmetic3A_416 : i32 to vector<16xi32>
    %shift_right_arithmetic3A_418 = arith.shrsi %get3A_415, %shift_right_arithmetic3A_417 : vector<16xi32>
    %swap3A_419 = arith.constant 0 : index
    %swap3A_420 = tpu.vector_load %arg14[%swap3A_419] {strides = array<i32>} : memref<16xi32, #tpu.memory_space<vmem>>, vector<16xi32>,
    tpu.vector_store %arg14[%swap3A_419], %shift_right_arithmetic3A_413 {strides = array<i32>} : memref<16xi32, #tpu.memory_space<vmem>>, vector<16xi32>,
    %swap3A_421 = arith.constant 0 : index
    %swap3A_422 = tpu.vector_load %arg15[%swap3A_421] {strides = array<i32>} : memref<16xi32, #tpu.memory_space<vmem>>, vector<16xi32>,
    tpu.vector_store %arg15[%swap3A_421], %shift_right_arithmetic3A_418 {strides = array<i32>} : memref<16xi32, #tpu.memory_space<vmem>>, vector<16xi32>,
    %dma_start3A = arith.constant 0 : i32
    %dma_start3A_423 = arith.constant 0 : i32
    %dma_start3A_424 = tpu.memref_slice %arg24[%dma_start3A, %dma_start3A_423] : memref<160x128xf32, #tpu.memory_space<vmem>> -> memref<128x128xf32, #tpu.memory_space<vmem>>
    %dma_start3A_425 = arith.constant 0 : i32
    %dma_start3A_426 = tpu.memref_slice %arg16[%dma_start3A_425] : memref<160xi32, #tpu.memory_space<vmem>> -> memref<128xi32, #tpu.memory_space<vmem>>
    %dma_start3A_427 = arith.constant 0 : i32
    %dma_start3A_428 = arith.constant 0 : i32
    %dma_start3A_429 = tpu.memref_slice %arg6[%dma_start3A_427, %dma_start3A_428] : memref<500000x128xf32, #tpu.memory_space<hbm>> -> memref<500000x128xf32, #tpu.memory_space<hbm>>
    tpu.enqueue_indirect_dma source(%dma_start3A_429 : memref<500000x128xf32, #tpu.memory_space<hbm>>) target(%dma_start3A_424 : memref<128x128xf32, #tpu.memory_space<vmem>>) offsets(%dma_start3A_426 : memref<128xi32, #tpu.memory_space<vmem>>) semaphore(%arg34 : memref<!tpu.dma_semaphore, #tpu.memory_space<semaphore_mem>>)
    %dma_start3A_430 = arith.constant 0 : i32
    %dma_start3A_431 = arith.constant 0 : i32
    %dma_start3A_432 = tpu.memref_slice %arg25[%dma_start3A_430, %dma_start3A_431] : memref<160x128xf32, #tpu.memory_space<vmem>> -> memref<128x128xf32, #tpu.memory_space<vmem>>
    %dma_start3A_433 = arith.constant 0 : i32
    %dma_start3A_434 = tpu.memref_slice %arg17[%dma_start3A_433] : memref<160xi32, #tpu.memory_space<vmem>> -> memref<128xi32, #tpu.memory_space<vmem>>
    %dma_start3A_435 = arith.constant 0 : i32
    %dma_start3A_436 = arith.constant 0 : i32
    %dma_start3A_437 = tpu.memref_slice %arg6[%dma_start3A_435, %dma_start3A_436] : memref<500000x128xf32, #tpu.memory_space<hbm>> -> memref<500000x128xf32, #tpu.memory_space<hbm>>
    tpu.enqueue_indirect_dma source(%dma_start3A_437 : memref<500000x128xf32, #tpu.memory_space<hbm>>) target(%dma_start3A_432 : memref<128x128xf32, #tpu.memory_space<vmem>>) offsets(%dma_start3A_434 : memref<128xi32, #tpu.memory_space<vmem>>) semaphore(%arg34 : memref<!tpu.dma_semaphore, #tpu.memory_space<semaphore_mem>>)
    %dma_start3A_438 = arith.constant 128 : i32
    %dma_start3A_439 = arith.constant 0 : i32
    %dma_start3A_440 = tpu.memref_slice %arg24[%dma_start3A_438, %dma_start3A_439] : memref<160x128xf32, #tpu.memory_space<vmem>> -> memref<32x128xf32, #tpu.memory_space<vmem>>
    %dma_start3A_441 = arith.constant 128 : i32
    %dma_start3A_442 = tpu.memref_slice %arg16[%dma_start3A_441] : memref<160xi32, #tpu.memory_space<vmem>> -> memref<32xi32, #tpu.memory_space<vmem>>
    %dma_start3A_443 = arith.constant 0 : i32
    %dma_start3A_444 = arith.constant 0 : i32
    %dma_start3A_445 = tpu.memref_slice %arg6[%dma_start3A_443, %dma_start3A_444] : memref<500000x128xf32, #tpu.memory_space<hbm>> -> memref<500000x128xf32, #tpu.memory_space<hbm>>
    tpu.enqueue_indirect_dma source(%dma_start3A_445 : memref<500000x128xf32, #tpu.memory_space<hbm>>) target(%dma_start3A_440 : memref<32x128xf32, #tpu.memory_space<vmem>>) offsets(%dma_start3A_442 : memref<32xi32, #tpu.memory_space<vmem>>) semaphore(%arg34 : memref<!tpu.dma_semaphore, #tpu.memory_space<semaphore_mem>>)
    %dma_start3A_446 = arith.constant 128 : i32
    %dma_start3A_447 = arith.constant 0 : i32
    %dma_start3A_448 = tpu.memref_slice %arg25[%dma_start3A_446, %dma_start3A_447] : memref<160x128xf32, #tpu.memory_space<vmem>> -> memref<32x128xf32, #tpu.memory_space<vmem>>
    %dma_start3A_449 = arith.constant 128 : i32
    %dma_start3A_450 = tpu.memref_slice %arg17[%dma_start3A_449] : memref<160xi32, #tpu.memory_space<vmem>> -> memref<32xi32, #tpu.memory_space<vmem>>
    %dma_start3A_451 = arith.constant 0 : i32
    %dma_start3A_452 = arith.constant 0 : i32
    %dma_start3A_453 = tpu.memref_slice %arg6[%dma_start3A_451, %dma_start3A_452] : memref<500000x128xf32, #tpu.memory_space<hbm>> -> memref<500000x128xf32, #tpu.memory_space<hbm>>
    tpu.enqueue_indirect_dma source(%dma_start3A_453 : memref<500000x128xf32, #tpu.memory_space<hbm>>) target(%dma_start3A_448 : memref<32x128xf32, #tpu.memory_space<vmem>>) offsets(%dma_start3A_450 : memref<32xi32, #tpu.memory_space<vmem>>) semaphore(%arg34 : memref<!tpu.dma_semaphore, #tpu.memory_space<semaphore_mem>>)
    %dma_start3A_454 = arith.constant 0 : i32
    %dma_start3A_455 = tpu.memref_slice %arg14[%dma_start3A_454] : memref<16xi32, #tpu.memory_space<vmem>> -> memref<8xi32, #tpu.memory_space<vmem>>
    %dma_start3A_456 = arith.constant 0 : i32
    %dma_start3A_457 = arith.constant 0 : i32
    %dma_start3A_458 = tpu.memref_slice %arg6[%dma_start3A_456, %dma_start3A_457] : memref<500000x128xf32, #tpu.memory_space<hbm>> -> memref<500000x128xf32, #tpu.memory_space<hbm>>
    tpu.enqueue_indirect_dma source(%dma_start3A_458 : memref<500000x128xf32, #tpu.memory_space<hbm>>) target(%arg22 : memref<8x128xf32, #tpu.memory_space<vmem>>) offsets(%dma_start3A_455 : memref<8xi32, #tpu.memory_space<vmem>>) semaphore(%arg34 : memref<!tpu.dma_semaphore, #tpu.memory_space<semaphore_mem>>)
    %dma_start3A_459 = arith.constant 0 : i32
    %dma_start3A_460 = tpu.memref_slice %arg15[%dma_start3A_459] : memref<16xi32, #tpu.memory_space<vmem>> -> memref<8xi32, #tpu.memory_space<vmem>>
    %dma_start3A_461 = arith.constant 0 : i32
    %dma_start3A_462 = arith.constant 0 : i32
    %dma_start3A_463 = tpu.memref_slice %arg6[%dma_start3A_461, %dma_start3A_462] : memref<500000x128xf32, #tpu.memory_space<hbm>> -> memref<500000x128xf32, #tpu.memory_space<hbm>>
    tpu.enqueue_indirect_dma source(%dma_start3A_463 : memref<500000x128xf32, #tpu.memory_space<hbm>>) target(%arg23 : memref<8x128xf32, #tpu.memory_space<vmem>>) offsets(%dma_start3A_460 : memref<8xi32, #tpu.memory_space<vmem>>) semaphore(%arg34 : memref<!tpu.dma_semaphore, #tpu.memory_space<semaphore_mem>>)
    %get3A_464 = arith.constant 160 : index
    %get3A_465 = tpu.vector_load %arg12[%get3A_464] {strides = array<i32>} : memref<10240xi32, #tpu.memory_space<vmem>>, vector<16xi32>,
    %shift_right_arithmetic3A_466 = arith.constant 1 : i32
    %shift_right_arithmetic3A_467 = vector.broadcast %shift_right_arithmetic3A_466 : i32 to vector<16xi32>
    %shift_right_arithmetic3A_468 = arith.shrsi %get3A_465, %shift_right_arithmetic3A_467 : vector<16xi32>
    %swap3A_469 = arith.constant 0 : index
    %swap3A_470 = tpu.vector_load %arg20[%swap3A_469] {strides = array<i32>} : memref<160xi32, #tpu.memory_space<vmem>>, vector<16xi32>,
    tpu.vector_store %arg20[%swap3A_469], %shift_right_arithmetic3A_468 {strides = array<i32>} : memref<160xi32, #tpu.memory_space<vmem>>, vector<16xi32>,
    %get3A_471 = arith.constant 160 : index
    %get3A_472 = tpu.vector_load %arg13[%get3A_471] {strides = array<i32>} : memref<10240xi32, #tpu.memory_space<vmem>>, vector<16xi32>,
    %shift_right_arithmetic3A_473 = arith.constant 1 : i32
    %shift_right_arithmetic3A_474 = vector.broadcast %shift_right_arithmetic3A_473 : i32 to vector<16xi32>
    %shift_right_arithmetic3A_475 = arith.shrsi %get3A_472, %shift_right_arithmetic3A_474 : vector<16xi32>
    %swap3A_476 = arith.constant 0 : index
    %swap3A_477 = tpu.vector_load %arg21[%swap3A_476] {strides = array<i32>} : memref<160xi32, #tpu.memory_space<vmem>>, vector<16xi32>,
    tpu.vector_store %arg21[%swap3A_476], %shift_right_arithmetic3A_475 {strides = array<i32>} : memref<160xi32, #tpu.memory_space<vmem>>, vector<16xi32>,
    %get3A_478 = arith.constant 176 : index
    %get3A_479 = tpu.vector_load %arg12[%get3A_478] {strides = array<i32>} : memref<10240xi32, #tpu.memory_space<vmem>>, vector<16xi32>,
    %shift_right_arithmetic3A_480 = arith.constant 1 : i32
    %shift_right_arithmetic3A_481 = vector.broadcast %shift_right_arithmetic3A_480 : i32 to vector<16xi32>
    %shift_right_arithmetic3A_482 = arith.shrsi %get3A_479, %shift_right_arithmetic3A_481 : vector<16xi32>
    %swap3A_483 = arith.constant 16 : index
    %swap3A_484 = tpu.vector_load %arg20[%swap3A_483] {strides = array<i32>} : memref<160xi32, #tpu.memory_space<vmem>>, vector<16xi32>,
    tpu.vector_store %arg20[%swap3A_483], %shift_right_arithmetic3A_482 {strides = array<i32>} : memref<160xi32, #tpu.memory_space<vmem>>, vector<16xi32>,
    %get3A_485 = arith.constant 176 : index
    %get3A_486 = tpu.vector_load %arg13[%get3A_485] {strides = array<i32>} : memref<10240xi32, #tpu.memory_space<vmem>>, vector<16xi32>,
    %shift_right_arithmetic3A_487 = arith.constant 1 : i32
    %shift_right_arithmetic3A_488 = vector.broadcast %shift_right_arithmetic3A_487 : i32 to vector<16xi32>
    %shift_right_arithmetic3A_489 = arith.shrsi %get3A_486, %shift_right_arithmetic3A_488 : vector<16xi32>
    %swap3A_490 = arith.constant 16 : index
    %swap3A_491 = tpu.vector_load %arg21[%swap3A_490] {strides = array<i32>} : memref<160xi32, #tpu.memory_space<vmem>>, vector<16xi32>,
    tpu.vector_store %arg21[%swap3A_490], %shift_right_arithmetic3A_489 {strides = array<i32>} : memref<160xi32, #tpu.memory_space<vmem>>, vector<16xi32>,
    %get3A_492 = arith.constant 192 : index
    %get3A_493 = tpu.vector_load %arg12[%get3A_492] {strides = array<i32>} : memref<10240xi32, #tpu.memory_space<vmem>>, vector<16xi32>,
    %shift_right_arithmetic3A_494 = arith.constant 1 : i32
    %shift_right_arithmetic3A_495 = vector.broadcast %shift_right_arithmetic3A_494 : i32 to vector<16xi32>
    %shift_right_arithmetic3A_496 = arith.shrsi %get3A_493, %shift_right_arithmetic3A_495 : vector<16xi32>
    %swap3A_497 = arith.constant 32 : index
    %swap3A_498 = tpu.vector_load %arg20[%swap3A_497] {strides = array<i32>} : memref<160xi32, #tpu.memory_space<vmem>>, vector<16xi32>,
    tpu.vector_store %arg20[%swap3A_497], %shift_right_arithmetic3A_496 {strides = array<i32>} : memref<160xi32, #tpu.memory_space<vmem>>, vector<16xi32>,
    %get3A_499 = arith.constant 192 : index
    %get3A_500 = tpu.vector_load %arg13[%get3A_499] {strides = array<i32>} : memref<10240xi32, #tpu.memory_space<vmem>>, vector<16xi32>,
    %shift_right_arithmetic3A_501 = arith.constant 1 : i32
    %shift_right_arithmetic3A_502 = vector.broadcast %shift_right_arithmetic3A_501 : i32 to vector<16xi32>
    %shift_right_arithmetic3A_503 = arith.shrsi %get3A_500, %shift_right_arithmetic3A_502 : vector<16xi32>
    %swap3A_504 = arith.constant 32 : index
    %swap3A_505 = tpu.vector_load %arg21[%swap3A_504] {strides = array<i32>} : memref<160xi32, #tpu.memory_space<vmem>>, vector<16xi32>,
    tpu.vector_store %arg21[%swap3A_504], %shift_right_arithmetic3A_503 {strides = array<i32>} : memref<160xi32, #tpu.memory_space<vmem>>, vector<16xi32>,
    %get3A_506 = arith.constant 208 : index
    %get3A_507 = tpu.vector_load %arg12[%get3A_506] {strides = array<i32>} : memref<10240xi32, #tpu.memory_space<vmem>>, vector<16xi32>,
    %shift_right_arithmetic3A_508 = arith.constant 1 : i32
    %shift_right_arithmetic3A_509 = vector.broadcast %shift_right_arithmetic3A_508 : i32 to vector<16xi32>
    %shift_right_arithmetic3A_510 = arith.shrsi %get3A_507, %shift_right_arithmetic3A_509 : vector<16xi32>
    %swap3A_511 = arith.constant 48 : index
    %swap3A_512 = tpu.vector_load %arg20[%swap3A_511] {strides = array<i32>} : memref<160xi32, #tpu.memory_space<vmem>>, vector<16xi32>,
    tpu.vector_store %arg20[%swap3A_511], %shift_right_arithmetic3A_510 {strides = array<i32>} : memref<160xi32, #tpu.memory_space<vmem>>, vector<16xi32>,
    %get3A_513 = arith.constant 208 : index
    %get3A_514 = tpu.vector_load %arg13[%get3A_513] {strides = array<i32>} : memref<10240xi32, #tpu.memory_space<vmem>>, vector<16xi32>,
    %shift_right_arithmetic3A_515 = arith.constant 1 : i32
    %shift_right_arithmetic3A_516 = vector.broadcast %shift_right_arithmetic3A_515 : i32 to vector<16xi32>
    %shift_right_arithmetic3A_517 = arith.shrsi %get3A_514, %shift_right_arithmetic3A_516 : vector<16xi32>
    %swap3A_518 = arith.constant 48 : index
    %swap3A_519 = tpu.vector_load %arg21[%swap3A_518] {strides = array<i32>} : memref<160xi32, #tpu.memory_space<vmem>>, vector<16xi32>,
    tpu.vector_store %arg21[%swap3A_518], %shift_right_arithmetic3A_517 {strides = array<i32>} : memref<160xi32, #tpu.memory_space<vmem>>, vector<16xi32>,
    %get3A_520 = arith.constant 224 : index
    %get3A_521 = tpu.vector_load %arg12[%get3A_520] {strides = array<i32>} : memref<10240xi32, #tpu.memory_space<vmem>>, vector<16xi32>,
    %shift_right_arithmetic3A_522 = arith.constant 1 : i32
    %shift_right_arithmetic3A_523 = vector.broadcast %shift_right_arithmetic3A_522 : i32 to vector<16xi32>
    %shift_right_arithmetic3A_524 = arith.shrsi %get3A_521, %shift_right_arithmetic3A_523 : vector<16xi32>
    %swap3A_525 = arith.constant 64 : index
    %swap3A_526 = tpu.vector_load %arg20[%swap3A_525] {strides = array<i32>} : memref<160xi32, #tpu.memory_space<vmem>>, vector<16xi32>,
    tpu.vector_store %arg20[%swap3A_525], %shift_right_arithmetic3A_524 {strides = array<i32>} : memref<160xi32, #tpu.memory_space<vmem>>, vector<16xi32>,
    %get3A_527 = arith.constant 224 : index
    %get3A_528 = tpu.vector_load %arg13[%get3A_527] {strides = array<i32>} : memref<10240xi32, #tpu.memory_space<vmem>>, vector<16xi32>,
    %shift_right_arithmetic3A_529 = arith.constant 1 : i32
    %shift_right_arithmetic3A_530 = vector.broadcast %shift_right_arithmetic3A_529 : i32 to vector<16xi32>
    %shift_right_arithmetic3A_531 = arith.shrsi %get3A_528, %shift_right_arithmetic3A_530 : vector<16xi32>
    %swap3A_532 = arith.constant 64 : index
    %swap3A_533 = tpu.vector_load %arg21[%swap3A_532] {strides = array<i32>} : memref<160xi32, #tpu.memory_space<vmem>>, vector<16xi32>,
    tpu.vector_store %arg21[%swap3A_532], %shift_right_arithmetic3A_531 {strides = array<i32>} : memref<160xi32, #tpu.memory_space<vmem>>, vector<16xi32>,
    %get3A_534 = arith.constant 240 : index
    %get3A_535 = tpu.vector_load %arg12[%get3A_534] {strides = array<i32>} : memref<10240xi32, #tpu.memory_space<vmem>>, vector<16xi32>,
    %shift_right_arithmetic3A_536 = arith.constant 1 : i32
    %shift_right_arithmetic3A_537 = vector.broadcast %shift_right_arithmetic3A_536 : i32 to vector<16xi32>
    %shift_right_arithmetic3A_538 = arith.shrsi %get3A_535, %shift_right_arithmetic3A_537 : vector<16xi32>
    %swap3A_539 = arith.constant 80 : index
    %swap3A_540 = tpu.vector_load %arg20[%swap3A_539] {strides = array<i32>} : memref<160xi32, #tpu.memory_space<vmem>>, vector<16xi32>,
    tpu.vector_store %arg20[%swap3A_539], %shift_right_arithmetic3A_538 {strides = array<i32>} : memref<160xi32, #tpu.memory_space<vmem>>, vector<16xi32>,
    %get3A_541 = arith.constant 240 : index
    %get3A_542 = tpu.vector_load %arg13[%get3A_541] {strides = array<i32>} : memref<10240xi32, #tpu.memory_space<vmem>>, vector<16xi32>,
    %shift_right_arithmetic3A_543 = arith.constant 1 : i32
    %shift_right_arithmetic3A_544 = vector.broadcast %shift_right_arithmetic3A_543 : i32 to vector<16xi32>
    %shift_right_arithmetic3A_545 = arith.shrsi %get3A_542, %shift_right_arithmetic3A_544 : vector<16xi32>
    %swap3A_546 = arith.constant 80 : index
    %swap3A_547 = tpu.vector_load %arg21[%swap3A_546] {strides = array<i32>} : memref<160xi32, #tpu.memory_space<vmem>>, vector<16xi32>,
    tpu.vector_store %arg21[%swap3A_546], %shift_right_arithmetic3A_545 {strides = array<i32>} : memref<160xi32, #tpu.memory_space<vmem>>, vector<16xi32>,
    %get3A_548 = arith.constant 256 : index
    %get3A_549 = tpu.vector_load %arg12[%get3A_548] {strides = array<i32>} : memref<10240xi32, #tpu.memory_space<vmem>>, vector<16xi32>,
    %shift_right_arithmetic3A_550 = arith.constant 1 : i32
    %shift_right_arithmetic3A_551 = vector.broadcast %shift_right_arithmetic3A_550 : i32 to vector<16xi32>
    %shift_right_arithmetic3A_552 = arith.shrsi %get3A_549, %shift_right_arithmetic3A_551 : vector<16xi32>
    %swap3A_553 = arith.constant 96 : index
    %swap3A_554 = tpu.vector_load %arg20[%swap3A_553] {strides = array<i32>} : memref<160xi32, #tpu.memory_space<vmem>>, vector<16xi32>,
    tpu.vector_store %arg20[%swap3A_553], %shift_right_arithmetic3A_552 {strides = array<i32>} : memref<160xi32, #tpu.memory_space<vmem>>, vector<16xi32>,
    %get3A_555 = arith.constant 256 : index
    %get3A_556 = tpu.vector_load %arg13[%get3A_555] {strides = array<i32>} : memref<10240xi32, #tpu.memory_space<vmem>>, vector<16xi32>,
    %shift_right_arithmetic3A_557 = arith.constant 1 : i32
    %shift_right_arithmetic3A_558 = vector.broadcast %shift_right_arithmetic3A_557 : i32 to vector<16xi32>
    %shift_right_arithmetic3A_559 = arith.shrsi %get3A_556, %shift_right_arithmetic3A_558 : vector<16xi32>
    %swap3A_560 = arith.constant 96 : index
    %swap3A_561 = tpu.vector_load %arg21[%swap3A_560] {strides = array<i32>} : memref<160xi32, #tpu.memory_space<vmem>>, vector<16xi32>,
    tpu.vector_store %arg21[%swap3A_560], %shift_right_arithmetic3A_559 {strides = array<i32>} : memref<160xi32, #tpu.memory_space<vmem>>, vector<16xi32>,
    %get3A_562 = arith.constant 272 : index
    %get3A_563 = tpu.vector_load %arg12[%get3A_562] {strides = array<i32>} : memref<10240xi32, #tpu.memory_space<vmem>>, vector<16xi32>,
    %shift_right_arithmetic3A_564 = arith.constant 1 : i32
    %shift_right_arithmetic3A_565 = vector.broadcast %shift_right_arithmetic3A_564 : i32 to vector<16xi32>
    %shift_right_arithmetic3A_566 = arith.shrsi %get3A_563, %shift_right_arithmetic3A_565 : vector<16xi32>
    %swap3A_567 = arith.constant 112 : index
    %swap3A_568 = tpu.vector_load %arg20[%swap3A_567] {strides = array<i32>} : memref<160xi32, #tpu.memory_space<vmem>>, vector<16xi32>,
    tpu.vector_store %arg20[%swap3A_567], %shift_right_arithmetic3A_566 {strides = array<i32>} : memref<160xi32, #tpu.memory_space<vmem>>, vector<16xi32>,
    %get3A_569 = arith.constant 272 : index
    %get3A_570 = tpu.vector_load %arg13[%get3A_569] {strides = array<i32>} : memref<10240xi32, #tpu.memory_space<vmem>>, vector<16xi32>,
    %shift_right_arithmetic3A_571 = arith.constant 1 : i32
    %shift_right_arithmetic3A_572 = vector.broadcast %shift_right_arithmetic3A_571 : i32 to vector<16xi32>
    %shift_right_arithmetic3A_573 = arith.shrsi %get3A_570, %shift_right_arithmetic3A_572 : vector<16xi32>
    %swap3A_574 = arith.constant 112 : index
    %swap3A_575 = tpu.vector_load %arg21[%swap3A_574] {strides = array<i32>} : memref<160xi32, #tpu.memory_space<vmem>>, vector<16xi32>,
    tpu.vector_store %arg21[%swap3A_574], %shift_right_arithmetic3A_573 {strides = array<i32>} : memref<160xi32, #tpu.memory_space<vmem>>, vector<16xi32>,
    %get3A_576 = arith.constant 288 : index
    %get3A_577 = tpu.vector_load %arg12[%get3A_576] {strides = array<i32>} : memref<10240xi32, #tpu.memory_space<vmem>>, vector<16xi32>,
    %shift_right_arithmetic3A_578 = arith.constant 1 : i32
    %shift_right_arithmetic3A_579 = vector.broadcast %shift_right_arithmetic3A_578 : i32 to vector<16xi32>
    %shift_right_arithmetic3A_580 = arith.shrsi %get3A_577, %shift_right_arithmetic3A_579 : vector<16xi32>
    %swap3A_581 = arith.constant 128 : index
    %swap3A_582 = tpu.vector_load %arg20[%swap3A_581] {strides = array<i32>} : memref<160xi32, #tpu.memory_space<vmem>>, vector<16xi32>,
    tpu.vector_store %arg20[%swap3A_581], %shift_right_arithmetic3A_580 {strides = array<i32>} : memref<160xi32, #tpu.memory_space<vmem>>, vector<16xi32>,
    %get3A_583 = arith.constant 288 : index
    %get3A_584 = tpu.vector_load %arg13[%get3A_583] {strides = array<i32>} : memref<10240xi32, #tpu.memory_space<vmem>>, vector<16xi32>,
    %shift_right_arithmetic3A_585 = arith.constant 1 : i32
    %shift_right_arithmetic3A_586 = vector.broadcast %shift_right_arithmetic3A_585 : i32 to vector<16xi32>
    %shift_right_arithmetic3A_587 = arith.shrsi %get3A_584, %shift_right_arithmetic3A_586 : vector<16xi32>
    %swap3A_588 = arith.constant 128 : index
    %swap3A_589 = tpu.vector_load %arg21[%swap3A_588] {strides = array<i32>} : memref<160xi32, #tpu.memory_space<vmem>>, vector<16xi32>,
    tpu.vector_store %arg21[%swap3A_588], %shift_right_arithmetic3A_587 {strides = array<i32>} : memref<160xi32, #tpu.memory_space<vmem>>, vector<16xi32>,
    %get3A_590 = arith.constant 304 : index
    %get3A_591 = tpu.vector_load %arg12[%get3A_590] {strides = array<i32>} : memref<10240xi32, #tpu.memory_space<vmem>>, vector<16xi32>,
    %shift_right_arithmetic3A_592 = arith.constant 1 : i32
    %shift_right_arithmetic3A_593 = vector.broadcast %shift_right_arithmetic3A_592 : i32 to vector<16xi32>
    %shift_right_arithmetic3A_594 = arith.shrsi %get3A_591, %shift_right_arithmetic3A_593 : vector<16xi32>
    %swap3A_595 = arith.constant 144 : index
    %swap3A_596 = tpu.vector_load %arg20[%swap3A_595] {strides = array<i32>} : memref<160xi32, #tpu.memory_space<vmem>>, vector<16xi32>,
    tpu.vector_store %arg20[%swap3A_595], %shift_right_arithmetic3A_594 {strides = array<i32>} : memref<160xi32, #tpu.memory_space<vmem>>, vector<16xi32>,
    %get3A_597 = arith.constant 304 : index
    %get3A_598 = tpu.vector_load %arg13[%get3A_597] {strides = array<i32>} : memref<10240xi32, #tpu.memory_space<vmem>>, vector<16xi32>,
    %shift_right_arithmetic3A_599 = arith.constant 1 : i32
    %shift_right_arithmetic3A_600 = vector.broadcast %shift_right_arithmetic3A_599 : i32 to vector<16xi32>
    %shift_right_arithmetic3A_601 = arith.shrsi %get3A_598, %shift_right_arithmetic3A_600 : vector<16xi32>
    %swap3A_602 = arith.constant 144 : index
    %swap3A_603 = tpu.vector_load %arg21[%swap3A_602] {strides = array<i32>} : memref<160xi32, #tpu.memory_space<vmem>>, vector<16xi32>,
    tpu.vector_store %arg21[%swap3A_602], %shift_right_arithmetic3A_601 {strides = array<i32>} : memref<160xi32, #tpu.memory_space<vmem>>, vector<16xi32>,
    %get3A_604 = arith.constant 8 : index
    %get3A_605 = tpu.vector_load %arg10[%get3A_604] {strides = array<i32>} : memref<528xi32, #tpu.memory_space<vmem>>, vector<16xi32>,
    %shift_right_arithmetic3A_606 = arith.constant 1 : i32
    %shift_right_arithmetic3A_607 = vector.broadcast %shift_right_arithmetic3A_606 : i32 to vector<16xi32>
    %shift_right_arithmetic3A_608 = arith.shrsi %get3A_605, %shift_right_arithmetic3A_607 : vector<16xi32>
    %get3A_609 = arith.constant 8 : index
    %get3A_610 = tpu.vector_load %arg11[%get3A_609] {strides = array<i32>} : memref<528xi32, #tpu.memory_space<vmem>>, vector<16xi32>,
    %shift_right_arithmetic3A_611 = arith.constant 1 : i32
    %shift_right_arithmetic3A_612 = vector.broadcast %shift_right_arithmetic3A_611 : i32 to vector<16xi32>
    %shift_right_arithmetic3A_613 = arith.shrsi %get3A_610, %shift_right_arithmetic3A_612 : vector<16xi32>
    %swap3A_614 = arith.constant 0 : index
    %swap3A_615 = tpu.vector_load %arg18[%swap3A_614] {strides = array<i32>} : memref<16xi32, #tpu.memory_space<vmem>>, vector<16xi32>,
    tpu.vector_store %arg18[%swap3A_614], %shift_right_arithmetic3A_608 {strides = array<i32>} : memref<16xi32, #tpu.memory_space<vmem>>, vector<16xi32>,
    %swap3A_616 = arith.constant 0 : index
    %swap3A_617 = tpu.vector_load %arg19[%swap3A_616] {strides = array<i32>} : memref<16xi32, #tpu.memory_space<vmem>>, vector<16xi32>,
    tpu.vector_store %arg19[%swap3A_616], %shift_right_arithmetic3A_613 {strides = array<i32>} : memref<16xi32, #tpu.memory_space<vmem>>, vector<16xi32>,
    %dma_start3A_618 = arith.constant 0 : i32
    %dma_start3A_619 = arith.constant 0 : i32
    %dma_start3A_620 = tpu.memref_slice %arg28[%dma_start3A_618, %dma_start3A_619] : memref<160x128xf32, #tpu.memory_space<vmem>> -> memref<128x128xf32, #tpu.memory_space<vmem>>
    %dma_start3A_621 = arith.constant 0 : i32
    %dma_start3A_622 = tpu.memref_slice %arg20[%dma_start3A_621] : memref<160xi32, #tpu.memory_space<vmem>> -> memref<128xi32, #tpu.memory_space<vmem>>
    %dma_start3A_623 = arith.constant 0 : i32
    %dma_start3A_624 = arith.constant 0 : i32
    %dma_start3A_625 = tpu.memref_slice %arg6[%dma_start3A_623, %dma_start3A_624] : memref<500000x128xf32, #tpu.memory_space<hbm>> -> memref<500000x128xf32, #tpu.memory_space<hbm>>
    tpu.enqueue_indirect_dma source(%dma_start3A_625 : memref<500000x128xf32, #tpu.memory_space<hbm>>) target(%dma_start3A_620 : memref<128x128xf32, #tpu.memory_space<vmem>>) offsets(%dma_start3A_622 : memref<128xi32, #tpu.memory_space<vmem>>) semaphore(%arg35 : memref<!tpu.dma_semaphore, #tpu.memory_space<semaphore_mem>>)
    %dma_start3A_626 = arith.constant 0 : i32
    %dma_start3A_627 = arith.constant 0 : i32
    %dma_start3A_628 = tpu.memref_slice %arg29[%dma_start3A_626, %dma_start3A_627] : memref<160x128xf32, #tpu.memory_space<vmem>> -> memref<128x128xf32, #tpu.memory_space<vmem>>
    %dma_start3A_629 = arith.constant 0 : i32
    %dma_start3A_630 = tpu.memref_slice %arg21[%dma_start3A_629] : memref<160xi32, #tpu.memory_space<vmem>> -> memref<128xi32, #tpu.memory_space<vmem>>
    %dma_start3A_631 = arith.constant 0 : i32
    %dma_start3A_632 = arith.constant 0 : i32
    %dma_start3A_633 = tpu.memref_slice %arg6[%dma_start3A_631, %dma_start3A_632] : memref<500000x128xf32, #tpu.memory_space<hbm>> -> memref<500000x128xf32, #tpu.memory_space<hbm>>
    tpu.enqueue_indirect_dma source(%dma_start3A_633 : memref<500000x128xf32, #tpu.memory_space<hbm>>) target(%dma_start3A_628 : memref<128x128xf32, #tpu.memory_space<vmem>>) offsets(%dma_start3A_630 : memref<128xi32, #tpu.memory_space<vmem>>) semaphore(%arg35 : memref<!tpu.dma_semaphore, #tpu.memory_space<semaphore_mem>>)
    %dma_start3A_634 = arith.constant 128 : i32
    %dma_start3A_635 = arith.constant 0 : i32
    %dma_start3A_636 = tpu.memref_slice %arg28[%dma_start3A_634, %dma_start3A_635] : memref<160x128xf32, #tpu.memory_space<vmem>> -> memref<32x128xf32, #tpu.memory_space<vmem>>
    %dma_start3A_637 = arith.constant 128 : i32
    %dma_start3A_638 = tpu.memref_slice %arg20[%dma_start3A_637] : memref<160xi32, #tpu.memory_space<vmem>> -> memref<32xi32, #tpu.memory_space<vmem>>
    %dma_start3A_639 = arith.constant 0 : i32
    %dma_start3A_640 = arith.constant 0 : i32
    %dma_start3A_641 = tpu.memref_slice %arg6[%dma_start3A_639, %dma_start3A_640] : memref<500000x128xf32, #tpu.memory_space<hbm>> -> memref<500000x128xf32, #tpu.memory_space<hbm>>
    tpu.enqueue_indirect_dma source(%dma_start3A_641 : memref<500000x128xf32, #tpu.memory_space<hbm>>) target(%dma_start3A_636 : memref<32x128xf32, #tpu.memory_space<vmem>>) offsets(%dma_start3A_638 : memref<32xi32, #tpu.memory_space<vmem>>) semaphore(%arg35 : memref<!tpu.dma_semaphore, #tpu.memory_space<semaphore_mem>>)
    %dma_start3A_642 = arith.constant 128 : i32
    %dma_start3A_643 = arith.constant 0 : i32
    %dma_start3A_644 = tpu.memref_slice %arg29[%dma_start3A_642, %dma_start3A_643] : memref<160x128xf32, #tpu.memory_space<vmem>> -> memref<32x128xf32, #tpu.memory_space<vmem>>
    %dma_start3A_645 = arith.constant 128 : i32
    %dma_start3A_646 = tpu.memref_slice %arg21[%dma_start3A_645] : memref<160xi32, #tpu.memory_space<vmem>> -> memref<32xi32, #tpu.memory_space<vmem>>
    %dma_start3A_647 = arith.constant 0 : i32
    %dma_start3A_648 = arith.constant 0 : i32
    %dma_start3A_649 = tpu.memref_slice %arg6[%dma_start3A_647, %dma_start3A_648] : memref<500000x128xf32, #tpu.memory_space<hbm>> -> memref<500000x128xf32, #tpu.memory_space<hbm>>
    tpu.enqueue_indirect_dma source(%dma_start3A_649 : memref<500000x128xf32, #tpu.memory_space<hbm>>) target(%dma_start3A_644 : memref<32x128xf32, #tpu.memory_space<vmem>>) offsets(%dma_start3A_646 : memref<32xi32, #tpu.memory_space<vmem>>) semaphore(%arg35 : memref<!tpu.dma_semaphore, #tpu.memory_space<semaphore_mem>>)
    %dma_start3A_650 = arith.constant 0 : i32
    %dma_start3A_651 = tpu.memref_slice %arg18[%dma_start3A_650] : memref<16xi32, #tpu.memory_space<vmem>> -> memref<8xi32, #tpu.memory_space<vmem>>
    %dma_start3A_652 = arith.constant 0 : i32
    %dma_start3A_653 = arith.constant 0 : i32
    %dma_start3A_654 = tpu.memref_slice %arg6[%dma_start3A_652, %dma_start3A_653] : memref<500000x128xf32, #tpu.memory_space<hbm>> -> memref<500000x128xf32, #tpu.memory_space<hbm>>
    tpu.enqueue_indirect_dma source(%dma_start3A_654 : memref<500000x128xf32, #tpu.memory_space<hbm>>) target(%arg26 : memref<8x128xf32, #tpu.memory_space<vmem>>) offsets(%dma_start3A_651 : memref<8xi32, #tpu.memory_space<vmem>>) semaphore(%arg35 : memref<!tpu.dma_semaphore, #tpu.memory_space<semaphore_mem>>)
    %dma_start3A_655 = arith.constant 0 : i32
    %dma_start3A_656 = tpu.memref_slice %arg19[%dma_start3A_655] : memref<16xi32, #tpu.memory_space<vmem>> -> memref<8xi32, #tpu.memory_space<vmem>>
    %dma_start3A_657 = arith.constant 0 : i32
    %dma_start3A_658 = arith.constant 0 : i32
    %dma_start3A_659 = tpu.memref_slice %arg6[%dma_start3A_657, %dma_start3A_658] : memref<500000x128xf32, #tpu.memory_space<hbm>> -> memref<500000x128xf32, #tpu.memory_space<hbm>>
    tpu.enqueue_indirect_dma source(%dma_start3A_659 : memref<500000x128xf32, #tpu.memory_space<hbm>>) target(%arg27 : memref<8x128xf32, #tpu.memory_space<vmem>>) offsets(%dma_start3A_656 : memref<8xi32, #tpu.memory_space<vmem>>) semaphore(%arg35 : memref<!tpu.dma_semaphore, #tpu.memory_space<semaphore_mem>>)
    %broadcast_in_dim3A_660 = arith.constant 0.000000e+00 : f32
    %broadcast_in_dim3A_661 = vector.broadcast %broadcast_in_dim3A_660 : f32 to vector<16xf32>
    %scan3A = arith.constant 0 : i32
    %scan3A_662 = arith.constant 32 : i32
    %scan3A_663 = arith.addi %scan3A, %scan3A_662 : i32
    %scan3A_664 = arith.constant 1 : i32
    %scan3A_665:4 = scf.for %scan3A_677 = %scan3A to %scan3A_663 step %scan3A_664 iter_args(%scan3A_678 = %broadcast_in_dim3A_661, %scan3A_679 = %broadcast_in_dim3A_661, %scan3A_680 = %broadcast_in_dim3A_661, %scan3A_681 = %broadcast_in_dim3A_661) -> (vector<16xf32>, vector<16xf32>, vector<16xf32>, vector<16xf32>)  : i32 {
      %mul3A_682 = arith.constant 2 : i32
      %mul3A_683 = arith.muli %scan3A_677, %mul3A_682 : i32
      %dma_wait3A = arith.constant 0 : i32
      %dma_wait3A_684 = arith.constant 0 : i32
      %dma_wait3A_685 = tpu.memref_slice %arg6[%dma_wait3A, %dma_wait3A_684] : memref<500000x128xf32, #tpu.memory_space<hbm>> -> memref<160x128xf32, #tpu.memory_space<hbm>>
      %dma_wait3A_686 = arith.constant 0 : i32
      %dma_wait3A_687 = arith.constant 0 : i32
      %dma_wait3A_688 = tpu.memref_slice %arg6[%dma_wait3A_686, %dma_wait3A_687] : memref<500000x128xf32, #tpu.memory_space<hbm>> -> memref<160x128xf32, #tpu.memory_space<hbm>>
      tpu.wait_dma2 semaphore(%arg34 : memref<!tpu.dma_semaphore, #tpu.memory_space<semaphore_mem>>) src(%dma_wait3A_688 : memref<160x128xf32, #tpu.memory_space<hbm>>) dst(%arg24 : memref<160x128xf32, #tpu.memory_space<vmem>>)
      %dma_wait3A_689 = arith.constant 0 : i32
      %dma_wait3A_690 = arith.constant 0 : i32
      %dma_wait3A_691 = tpu.memref_slice %arg6[%dma_wait3A_689, %dma_wait3A_690] : memref<500000x128xf32, #tpu.memory_space<hbm>> -> memref<160x128xf32, #tpu.memory_space<hbm>>
      %dma_wait3A_692 = arith.constant 0 : i32
      %dma_wait3A_693 = arith.constant 0 : i32
      %dma_wait3A_694 = tpu.memref_slice %arg6[%dma_wait3A_692, %dma_wait3A_693] : memref<500000x128xf32, #tpu.memory_space<hbm>> -> memref<160x128xf32, #tpu.memory_space<hbm>>
      tpu.wait_dma2 semaphore(%arg34 : memref<!tpu.dma_semaphore, #tpu.memory_space<semaphore_mem>>) src(%dma_wait3A_694 : memref<160x128xf32, #tpu.memory_space<hbm>>) dst(%arg25 : memref<160x128xf32, #tpu.memory_space<vmem>>)
      %dma_wait3A_695 = arith.constant 0 : i32
      %dma_wait3A_696 = arith.constant 0 : i32
      %dma_wait3A_697 = tpu.memref_slice %arg6[%dma_wait3A_695, %dma_wait3A_696] : memref<500000x128xf32, #tpu.memory_space<hbm>> -> memref<8x128xf32, #tpu.memory_space<hbm>>
      %dma_wait3A_698 = arith.constant 0 : i32
      %dma_wait3A_699 = arith.constant 0 : i32
      %dma_wait3A_700 = tpu.memref_slice %arg6[%dma_wait3A_698, %dma_wait3A_699] : memref<500000x128xf32, #tpu.memory_space<hbm>> -> memref<8x128xf32, #tpu.memory_space<hbm>>
      tpu.wait_dma2 semaphore(%arg34 : memref<!tpu.dma_semaphore, #tpu.memory_space<semaphore_mem>>) src(%dma_wait3A_700 : memref<8x128xf32, #tpu.memory_space<hbm>>) dst(%arg22 : memref<8x128xf32, #tpu.memory_space<vmem>>)
      %dma_wait3A_701 = arith.constant 0 : i32
      %dma_wait3A_702 = arith.constant 0 : i32
      %dma_wait3A_703 = tpu.memref_slice %arg6[%dma_wait3A_701, %dma_wait3A_702] : memref<500000x128xf32, #tpu.memory_space<hbm>> -> memref<8x128xf32, #tpu.memory_space<hbm>>
      %dma_wait3A_704 = arith.constant 0 : i32
      %dma_wait3A_705 = arith.constant 0 : i32
      %dma_wait3A_706 = tpu.memref_slice %arg6[%dma_wait3A_704, %dma_wait3A_705] : memref<500000x128xf32, #tpu.memory_space<hbm>> -> memref<8x128xf32, #tpu.memory_space<hbm>>
      tpu.wait_dma2 semaphore(%arg34 : memref<!tpu.dma_semaphore, #tpu.memory_space<semaphore_mem>>) src(%dma_wait3A_706 : memref<8x128xf32, #tpu.memory_space<hbm>>) dst(%arg23 : memref<8x128xf32, #tpu.memory_space<vmem>>)
      %mul3A_707 = arith.constant 160 : i32
      %mul3A_708 = arith.muli %mul3A_683, %mul3A_707 : i32
      %mul3A_709 = arith.constant 8 : i32
      %mul3A_710 = arith.muli %mul3A_683, %mul3A_709 : i32
      %get3A_711 = arith.index_cast %mul3A_710 : i32 to index
      %get3A_712 = tpu.vector_load %arg10[%get3A_711] {strides = array<i32>} : memref<528xi32, #tpu.memory_space<vmem>>, vector<16xi32>,
      %and3A_713 = arith.constant 1 : i32
      %and3A_714 = vector.broadcast %and3A_713 : i32 to vector<16xi32>
      %and3A_715 = arith.andi %get3A_712, %and3A_714 : vector<16xi32>
      %mul3A_716 = arith.constant 64 : i32
      %mul3A_717 = vector.broadcast %mul3A_716 : i32 to vector<16xi32>
      %mul3A_718 = arith.muli %and3A_715, %mul3A_717 : vector<16xi32>
      %get3A_719 = arith.index_cast %mul3A_710 : i32 to index
      %get3A_720 = tpu.vector_load %arg11[%get3A_719] {strides = array<i32>} : memref<528xi32, #tpu.memory_space<vmem>>, vector<16xi32>,
      %and3A_721 = arith.constant 1 : i32
      %and3A_722 = vector.broadcast %and3A_721 : i32 to vector<16xi32>
      %and3A_723 = arith.andi %get3A_720, %and3A_722 : vector<16xi32>
      %mul3A_724 = arith.constant 64 : i32
      %mul3A_725 = vector.broadcast %mul3A_724 : i32 to vector<16xi32>
      %mul3A_726 = arith.muli %and3A_723, %mul3A_725 : vector<16xi32>
      %scan3A_727 = arith.constant 0 : i32
      %scan3A_728 = arith.constant 8 : i32
      %scan3A_729 = arith.addi %scan3A_727, %scan3A_728 : i32
      %scan3A_730 = arith.constant 1 : i32
      %scan3A_731:4 = scf.for %scan3A_794 = %scan3A_727 to %scan3A_729 step %scan3A_730 iter_args(%scan3A_795 = %scan3A_678, %scan3A_796 = %scan3A_679, %scan3A_797 = %scan3A_680, %scan3A_798 = %scan3A_681) -> (vector<16xf32>, vector<16xf32>, vector<16xf32>, vector<16xf32>)  : i32 {
        %mul3A_799 = arith.constant 20 : i32
        %mul3A_800 = arith.muli %scan3A_794, %mul3A_799 : i32
        %broadcast_in_dim3A_801 = vector.broadcast %scan3A_794 : i32 to vector<16xi32>
        %broadcast_in_dim3A_802 = vector.shape_cast %broadcast_in_dim3A_801 : vector<16xi32> to vector<16x1xi32>
        %gather3A_803 = vector.shape_cast %broadcast_in_dim3A_802 : vector<16x1xi32> to vector<16xi32>
        %gather3A_804 = tpu.dynamic_gather %mul3A_718[%gather3A_803] in [0] : vector<16xi32>, vector<16xi32> -> vector<16xi32>
        %broadcast_in_dim3A_805 = vector.shape_cast %broadcast_in_dim3A_801 : vector<16xi32> to vector<16x1xi32>
        %gather3A_806 = vector.shape_cast %broadcast_in_dim3A_805 : vector<16x1xi32> to vector<16xi32>
        %gather3A_807 = tpu.dynamic_gather %mul3A_726[%gather3A_806] in [0] : vector<16xi32>, vector<16xi32> -> vector<16xi32>
        %add3A_808 = arith.addi %gather3A_804, %add3A_260 : vector<16xi32>
        %gather3A_809 = tpu.vector_load_idx %arg22[%broadcast_in_dim3A_801, %add3A_808] : memref<8x128xf32, #tpu.memory_space<vmem>>[vector<16xi32>, vector<16xi32>], vector<16xf32>,
        %add3A_810 = arith.addi %gather3A_804, %add3A_263 : vector<16xi32>
        %gather3A_811 = tpu.vector_load_idx %arg22[%broadcast_in_dim3A_801, %add3A_810] : memref<8x128xf32, #tpu.memory_space<vmem>>[vector<16xi32>, vector<16xi32>], vector<16xf32>,
        %add3A_812 = arith.addi %gather3A_804, %add3A_266 : vector<16xi32>
        %gather3A_813 = tpu.vector_load_idx %arg22[%broadcast_in_dim3A_801, %add3A_812] : memref<8x128xf32, #tpu.memory_space<vmem>>[vector<16xi32>, vector<16xi32>], vector<16xf32>,
        %add3A_814 = arith.addi %gather3A_804, %add3A_269 : vector<16xi32>
        %gather3A_815 = tpu.vector_load_idx %arg22[%broadcast_in_dim3A_801, %add3A_814] : memref<8x128xf32, #tpu.memory_space<vmem>>[vector<16xi32>, vector<16xi32>], vector<16xf32>,
        %add3A_816 = arith.addi %gather3A_807, %add3A_260 : vector<16xi32>
        %gather3A_817 = tpu.vector_load_idx %arg23[%broadcast_in_dim3A_801, %add3A_816] : memref<8x128xf32, #tpu.memory_space<vmem>>[vector<16xi32>, vector<16xi32>], vector<16xf32>,
        %add3A_818 = arith.addi %gather3A_807, %add3A_263 : vector<16xi32>
        %gather3A_819 = tpu.vector_load_idx %arg23[%broadcast_in_dim3A_801, %add3A_818] : memref<8x128xf32, #tpu.memory_space<vmem>>[vector<16xi32>, vector<16xi32>], vector<16xf32>,
        %add3A_820 = arith.addi %gather3A_807, %add3A_266 : vector<16xi32>
        %gather3A_821 = tpu.vector_load_idx %arg23[%broadcast_in_dim3A_801, %add3A_820] : memref<8x128xf32, #tpu.memory_space<vmem>>[vector<16xi32>, vector<16xi32>], vector<16xf32>,
        %add3A_822 = arith.addi %gather3A_807, %add3A_269 : vector<16xi32>
        %gather3A_823 = tpu.vector_load_idx %arg23[%broadcast_in_dim3A_801, %add3A_822] : memref<8x128xf32, #tpu.memory_space<vmem>>[vector<16xi32>, vector<16xi32>], vector<16xf32>,
        %mul3A_824 = arith.constant 5.000000e-01 : f32
        %mul3A_825 = vector.broadcast %mul3A_824 : f32 to vector<16xf32>
        %mul3A_826 = arith.mulf %mul3A_825, %gather3A_817 : vector<16xf32>
        %sub3A_827 = arith.subf %mul3A_826, %gather3A_809 : vector<16xf32>
        %mul3A_828 = arith.constant 5.000000e-01 : f32
        %mul3A_829 = vector.broadcast %mul3A_828 : f32 to vector<16xf32>
        %mul3A_830 = arith.mulf %mul3A_829, %gather3A_819 : vector<16xf32>
        %sub3A_831 = arith.subf %mul3A_830, %gather3A_811 : vector<16xf32>
        %mul3A_832 = arith.constant 5.000000e-01 : f32
        %mul3A_833 = vector.broadcast %mul3A_832 : f32 to vector<16xf32>
        %mul3A_834 = arith.mulf %mul3A_833, %gather3A_821 : vector<16xf32>
        %sub3A_835 = arith.subf %mul3A_834, %gather3A_813 : vector<16xf32>
        %mul3A_836 = arith.constant 5.000000e-01 : f32
        %mul3A_837 = vector.broadcast %mul3A_836 : f32 to vector<16xf32>
        %mul3A_838 = arith.mulf %mul3A_837, %gather3A_823 : vector<16xf32>
        %sub3A_839 = arith.subf %mul3A_838, %gather3A_815 : vector<16xf32>
        %mul3A_840 = arith.constant 5.000000e-01 : f32
        %mul3A_841 = vector.broadcast %mul3A_840 : f32 to vector<16xf32>
        %mul3A_842 = arith.mulf %mul3A_841, %gather3A_809 : vector<16xf32>
        %mul3A_843 = arith.constant 5.000000e-01 : f32
        %mul3A_844 = vector.broadcast %mul3A_843 : f32 to vector<16xf32>
        %mul3A_845 = arith.mulf %mul3A_844, %gather3A_811 : vector<16xf32>
        %mul3A_846 = arith.constant 5.000000e-01 : f32
        %mul3A_847 = vector.broadcast %mul3A_846 : f32 to vector<16xf32>
        %mul3A_848 = arith.mulf %mul3A_847, %gather3A_813 : vector<16xf32>
        %mul3A_849 = arith.constant 5.000000e-01 : f32
        %mul3A_850 = vector.broadcast %mul3A_849 : f32 to vector<16xf32>
        %mul3A_851 = arith.mulf %mul3A_850, %gather3A_815 : vector<16xf32>
        %add3A_852 = arith.addi %mul3A_708, %mul3A_800 : i32
        %get3A_853 = arith.index_cast %add3A_852 : i32 to index
        %get3A_854 = tpu.vector_load %arg12[%get3A_853] {strides = array<i32>} : memref<10240xi32, #tpu.memory_space<vmem>>, vector<16xi32>,
        %add3A_855 = arith.addi %mul3A_708, %mul3A_800 : i32
        %add3A_856 = arith.constant 4 : i32
        %add3A_857 = arith.addi %add3A_855, %add3A_856 : i32
        %get3A_858 = arith.index_cast %add3A_857 : i32 to index
        %get3A_859 = tpu.vector_load %arg12[%get3A_858] {strides = array<i32>} : memref<10240xi32, #tpu.memory_space<vmem>>, vector<16xi32>,
        %add3A_860 = arith.addi %mul3A_708, %mul3A_800 : i32
        %get3A_861 = arith.index_cast %add3A_860 : i32 to index
        %get3A_862 = tpu.vector_load %arg13[%get3A_861] {strides = array<i32>} : memref<10240xi32, #tpu.memory_space<vmem>>, vector<16xi32>,
        %add3A_863 = arith.addi %mul3A_708, %mul3A_800 : i32
        %add3A_864 = arith.constant 4 : i32
        %add3A_865 = arith.addi %add3A_863, %add3A_864 : i32
        %get3A_866 = arith.index_cast %add3A_865 : i32 to index
        %get3A_867 = tpu.vector_load %arg13[%get3A_866] {strides = array<i32>} : memref<10240xi32, #tpu.memory_space<vmem>>, vector<16xi32>,
        %and3A_868 = arith.constant 1 : i32
        %and3A_869 = vector.broadcast %and3A_868 : i32 to vector<16xi32>
        %and3A_870 = arith.andi %get3A_854, %and3A_869 : vector<16xi32>
        %mul3A_871 = arith.constant 64 : i32
        %mul3A_872 = vector.broadcast %mul3A_871 : i32 to vector<16xi32>
        %mul3A_873 = arith.muli %and3A_870, %mul3A_872 : vector<16xi32>
        %and3A_874 = arith.constant 1 : i32
        %and3A_875 = vector.broadcast %and3A_874 : i32 to vector<16xi32>
        %and3A_876 = arith.andi %get3A_859, %and3A_875 : vector<16xi32>
        %mul3A_877 = arith.constant 64 : i32
        %mul3A_878 = vector.broadcast %mul3A_877 : i32 to vector<16xi32>
        %mul3A_879 = arith.muli %and3A_876, %mul3A_878 : vector<16xi32>
        %and3A_880 = arith.constant 1 : i32
        %and3A_881 = vector.broadcast %and3A_880 : i32 to vector<16xi32>
        %and3A_882 = arith.andi %get3A_862, %and3A_881 : vector<16xi32>
        %mul3A_883 = arith.constant 64 : i32
        %mul3A_884 = vector.broadcast %mul3A_883 : i32 to vector<16xi32>
        %mul3A_885 = arith.muli %and3A_882, %mul3A_884 : vector<16xi32>
        %and3A_886 = arith.constant 1 : i32
        %and3A_887 = vector.broadcast %and3A_886 : i32 to vector<16xi32>
        %and3A_888 = arith.andi %get3A_867, %and3A_887 : vector<16xi32>
        %mul3A_889 = arith.constant 64 : i32
        %mul3A_890 = vector.broadcast %mul3A_889 : i32 to vector<16xi32>
        %mul3A_891 = arith.muli %and3A_888, %mul3A_890 : vector<16xi32>
        %add3A_892 = arith.constant 0 : i32
        %add3A_893 = arith.addi %mul3A_800, %add3A_892 : i32
        %broadcast_in_dim3A_894 = vector.broadcast %add3A_893 : i32 to vector<16xi32>
        %broadcast_in_dim3A_895 = arith.constant 0 : i32
        %broadcast_in_dim3A_896 = vector.broadcast %broadcast_in_dim3A_895 : i32 to vector<16xi32>
        %broadcast_in_dim3A_897 = vector.shape_cast %broadcast_in_dim3A_896 : vector<16xi32> to vector<16x1xi32>
        %gather3A_898 = vector.shape_cast %broadcast_in_dim3A_897 : vector<16x1xi32> to vector<16xi32>
        %gather3A_899 = tpu.dynamic_gather %mul3A_873[%gather3A_898] in [0] : vector<16xi32>, vector<16xi32> -> vector<16xi32>
        %broadcast_in_dim3A_900 = arith.constant 0 : i32
        %broadcast_in_dim3A_901 = vector.broadcast %broadcast_in_dim3A_900 : i32 to vector<16xi32>
        %broadcast_in_dim3A_902 = vector.shape_cast %broadcast_in_dim3A_901 : vector<16xi32> to vector<16x1xi32>
        %gather3A_903 = vector.shape_cast %broadcast_in_dim3A_902 : vector<16x1xi32> to vector<16xi32>
        %gather3A_904 = tpu.dynamic_gather %mul3A_885[%gather3A_903] in [0] : vector<16xi32>, vector<16xi32> -> vector<16xi32>
        %add3A_905 = arith.addi %gather3A_899, %add3A_260 : vector<16xi32>
        %gather3A_906 = tpu.vector_load_idx %arg24[%broadcast_in_dim3A_894, %add3A_905] : memref<160x128xf32, #tpu.memory_space<vmem>>[vector<16xi32>, vector<16xi32>], vector<16xf32>,
        %add3A_907 = arith.addi %gather3A_899, %add3A_263 : vector<16xi32>
        %gather3A_908 = tpu.vector_load_idx %arg24[%broadcast_in_dim3A_894, %add3A_907] : memref<160x128xf32, #tpu.memory_space<vmem>>[vector<16xi32>, vector<16xi32>], vector<16xf32>,
        %add3A_909 = arith.addi %gather3A_899, %add3A_266 : vector<16xi32>
        %gather3A_910 = tpu.vector_load_idx %arg24[%broadcast_in_dim3A_894, %add3A_909] : memref<160x128xf32, #tpu.memory_space<vmem>>[vector<16xi32>, vector<16xi32>], vector<16xf32>,
        %add3A_911 = arith.addi %gather3A_899, %add3A_269 : vector<16xi32>
        %gather3A_912 = tpu.vector_load_idx %arg24[%broadcast_in_dim3A_894, %add3A_911] : memref<160x128xf32, #tpu.memory_space<vmem>>[vector<16xi32>, vector<16xi32>], vector<16xf32>,
        %add3A_913 = arith.addi %gather3A_904, %add3A_260 : vector<16xi32>
        %gather3A_914 = tpu.vector_load_idx %arg25[%broadcast_in_dim3A_894, %add3A_913] : memref<160x128xf32, #tpu.memory_space<vmem>>[vector<16xi32>, vector<16xi32>], vector<16xf32>,
        %add3A_915 = arith.addi %gather3A_904, %add3A_263 : vector<16xi32>
        %gather3A_916 = tpu.vector_load_idx %arg25[%broadcast_in_dim3A_894, %add3A_915] : memref<160x128xf32, #tpu.memory_space<vmem>>[vector<16xi32>, vector<16xi32>], vector<16xf32>,
        %add3A_917 = arith.addi %gather3A_904, %add3A_266 : vector<16xi32>
        %gather3A_918 = tpu.vector_load_idx %arg25[%broadcast_in_dim3A_894, %add3A_917] : memref<160x128xf32, #tpu.memory_space<vmem>>[vector<16xi32>, vector<16xi32>], vector<16xf32>,
        %add3A_919 = arith.addi %gather3A_904, %add3A_269 : vector<16xi32>
        %gather3A_920 = tpu.vector_load_idx %arg25[%broadcast_in_dim3A_894, %add3A_919] : memref<160x128xf32, #tpu.memory_space<vmem>>[vector<16xi32>, vector<16xi32>], vector<16xf32>,
        %mul3A_921 = arith.mulf %sub3A_827, %gather3A_906 : vector<16xf32>
        %mul3A_922 = arith.mulf %sub3A_831, %gather3A_908 : vector<16xf32>
        %add3A_923 = arith.addf %mul3A_921, %mul3A_922 : vector<16xf32>
        %mul3A_924 = arith.mulf %sub3A_835, %gather3A_910 : vector<16xf32>
        %mul3A_925 = arith.mulf %sub3A_839, %gather3A_912 : vector<16xf32>
        %add3A_926 = arith.addf %mul3A_924, %mul3A_925 : vector<16xf32>
        %add3A_927 = arith.addf %add3A_923, %add3A_926 : vector<16xf32>
        %mul3A_928 = arith.mulf %mul3A_842, %gather3A_914 : vector<16xf32>
        %mul3A_929 = arith.mulf %mul3A_845, %gather3A_916 : vector<16xf32>
        %add3A_930 = arith.addf %mul3A_928, %mul3A_929 : vector<16xf32>
        %mul3A_931 = arith.mulf %mul3A_848, %gather3A_918 : vector<16xf32>
        %mul3A_932 = arith.mulf %mul3A_851, %gather3A_920 : vector<16xf32>
        %add3A_933 = arith.addf %mul3A_931, %mul3A_932 : vector<16xf32>
        %add3A_934 = arith.addf %add3A_930, %add3A_933 : vector<16xf32>
        %get3A_935 = arith.constant 0 : index
        %get3A_936 = tpu.vector_load %arg33[%get3A_935] {strides = array<i32>} : memref<320xf32, #tpu.memory_space<vmem>>, vector<16xf32>,
        %add3A_937 = arith.addf %add3A_927, %add3A_934 : vector<16xf32>
        %mul3A_938 = arith.mulf %get3A_936, %add3A_937 : vector<16xf32>
        %add3A_939 = arith.addf %scan3A_795, %mul3A_938 : vector<16xf32>
        %add3A_940 = arith.constant 1 : i32
        %add3A_941 = arith.addi %mul3A_800, %add3A_940 : i32
        %broadcast_in_dim3A_942 = vector.broadcast %add3A_941 : i32 to vector<16xi32>
        %broadcast_in_dim3A_943 = arith.constant 1 : i32
        %broadcast_in_dim3A_944 = vector.broadcast %broadcast_in_dim3A_943 : i32 to vector<16xi32>
        %broadcast_in_dim3A_945 = vector.shape_cast %broadcast_in_dim3A_944 : vector<16xi32> to vector<16x1xi32>
        %gather3A_946 = vector.shape_cast %broadcast_in_dim3A_945 : vector<16x1xi32> to vector<16xi32>
        %gather3A_947 = tpu.dynamic_gather %mul3A_873[%gather3A_946] in [0] : vector<16xi32>, vector<16xi32> -> vector<16xi32>
        %broadcast_in_dim3A_948 = arith.constant 1 : i32
        %broadcast_in_dim3A_949 = vector.broadcast %broadcast_in_dim3A_948 : i32 to vector<16xi32>
        %broadcast_in_dim3A_950 = vector.shape_cast %broadcast_in_dim3A_949 : vector<16xi32> to vector<16x1xi32>
        %gather3A_951 = vector.shape_cast %broadcast_in_dim3A_950 : vector<16x1xi32> to vector<16xi32>
        %gather3A_952 = tpu.dynamic_gather %mul3A_885[%gather3A_951] in [0] : vector<16xi32>, vector<16xi32> -> vector<16xi32>
        %add3A_953 = arith.addi %gather3A_947, %add3A_260 : vector<16xi32>
        %gather3A_954 = tpu.vector_load_idx %arg24[%broadcast_in_dim3A_942, %add3A_953] : memref<160x128xf32, #tpu.memory_space<vmem>>[vector<16xi32>, vector<16xi32>], vector<16xf32>,
        %add3A_955 = arith.addi %gather3A_947, %add3A_263 : vector<16xi32>
        %gather3A_956 = tpu.vector_load_idx %arg24[%broadcast_in_dim3A_942, %add3A_955] : memref<160x128xf32, #tpu.memory_space<vmem>>[vector<16xi32>, vector<16xi32>], vector<16xf32>,
        %add3A_957 = arith.addi %gather3A_947, %add3A_266 : vector<16xi32>
        %gather3A_958 = tpu.vector_load_idx %arg24[%broadcast_in_dim3A_942, %add3A_957] : memref<160x128xf32, #tpu.memory_space<vmem>>[vector<16xi32>, vector<16xi32>], vector<16xf32>,
        %add3A_959 = arith.addi %gather3A_947, %add3A_269 : vector<16xi32>
        %gather3A_960 = tpu.vector_load_idx %arg24[%broadcast_in_dim3A_942, %add3A_959] : memref<160x128xf32, #tpu.memory_space<vmem>>[vector<16xi32>, vector<16xi32>], vector<16xf32>,
        %add3A_961 = arith.addi %gather3A_952, %add3A_260 : vector<16xi32>
        %gather3A_962 = tpu.vector_load_idx %arg25[%broadcast_in_dim3A_942, %add3A_961] : memref<160x128xf32, #tpu.memory_space<vmem>>[vector<16xi32>, vector<16xi32>], vector<16xf32>,
        %add3A_963 = arith.addi %gather3A_952, %add3A_263 : vector<16xi32>
        %gather3A_964 = tpu.vector_load_idx %arg25[%broadcast_in_dim3A_942, %add3A_963] : memref<160x128xf32, #tpu.memory_space<vmem>>[vector<16xi32>, vector<16xi32>], vector<16xf32>,
        %add3A_965 = arith.addi %gather3A_952, %add3A_266 : vector<16xi32>
        %gather3A_966 = tpu.vector_load_idx %arg25[%broadcast_in_dim3A_942, %add3A_965] : memref<160x128xf32, #tpu.memory_space<vmem>>[vector<16xi32>, vector<16xi32>], vector<16xf32>,
        %add3A_967 = arith.addi %gather3A_952, %add3A_269 : vector<16xi32>
        %gather3A_968 = tpu.vector_load_idx %arg25[%broadcast_in_dim3A_942, %add3A_967] : memref<160x128xf32, #tpu.memory_space<vmem>>[vector<16xi32>, vector<16xi32>], vector<16xf32>,
        %mul3A_969 = arith.mulf %sub3A_827, %gather3A_954 : vector<16xf32>
        %mul3A_970 = arith.mulf %sub3A_831, %gather3A_956 : vector<16xf32>
        %add3A_971 = arith.addf %mul3A_969, %mul3A_970 : vector<16xf32>
        %mul3A_972 = arith.mulf %sub3A_835, %gather3A_958 : vector<16xf32>
        %mul3A_973 = arith.mulf %sub3A_839, %gather3A_960 : vector<16xf32>
        %add3A_974 = arith.addf %mul3A_972, %mul3A_973 : vector<16xf32>
        %add3A_975 = arith.addf %add3A_971, %add3A_974 : vector<16xf32>
        %mul3A_976 = arith.mulf %mul3A_842, %gather3A_962 : vector<16xf32>
        %mul3A_977 = arith.mulf %mul3A_845, %gather3A_964 : vector<16xf32>
        %add3A_978 = arith.addf %mul3A_976, %mul3A_977 : vector<16xf32>
        %mul3A_979 = arith.mulf %mul3A_848, %gather3A_966 : vector<16xf32>
        %mul3A_980 = arith.mulf %mul3A_851, %gather3A_968 : vector<16xf32>
        %add3A_981 = arith.addf %mul3A_979, %mul3A_980 : vector<16xf32>
        %add3A_982 = arith.addf %add3A_978, %add3A_981 : vector<16xf32>
        %get3A_983 = arith.constant 16 : index
        %get3A_984 = tpu.vector_load %arg33[%get3A_983] {strides = array<i32>} : memref<320xf32, #tpu.memory_space<vmem>>, vector<16xf32>,
        %add3A_985 = arith.addf %add3A_975, %add3A_982 : vector<16xf32>
        %mul3A_986 = arith.mulf %get3A_984, %add3A_985 : vector<16xf32>
        %add3A_987 = arith.addf %scan3A_796, %mul3A_986 : vector<16xf32>
        %add3A_988 = arith.constant 2 : i32
        %add3A_989 = arith.addi %mul3A_800, %add3A_988 : i32
        %broadcast_in_dim3A_990 = vector.broadcast %add3A_989 : i32 to vector<16xi32>
        %broadcast_in_dim3A_991 = arith.constant 2 : i32
        %broadcast_in_dim3A_992 = vector.broadcast %broadcast_in_dim3A_991 : i32 to vector<16xi32>
        %broadcast_in_dim3A_993 = vector.shape_cast %broadcast_in_dim3A_992 : vector<16xi32> to vector<16x1xi32>
        %gather3A_994 = vector.shape_cast %broadcast_in_dim3A_993 : vector<16x1xi32> to vector<16xi32>
        %gather3A_995 = tpu.dynamic_gather %mul3A_873[%gather3A_994] in [0] : vector<16xi32>, vector<16xi32> -> vector<16xi32>
        %broadcast_in_dim3A_996 = arith.constant 2 : i32
        %broadcast_in_dim3A_997 = vector.broadcast %broadcast_in_dim3A_996 : i32 to vector<16xi32>
        %broadcast_in_dim3A_998 = vector.shape_cast %broadcast_in_dim3A_997 : vector<16xi32> to vector<16x1xi32>
        %gather3A_999 = vector.shape_cast %broadcast_in_dim3A_998 : vector<16x1xi32> to vector<16xi32>
        %gather3A_1000 = tpu.dynamic_gather %mul3A_885[%gather3A_999] in [0] : vector<16xi32>, vector<16xi32> -> vector<16xi32>
        %add3A_1001 = arith.addi %gather3A_995, %add3A_260 : vector<16xi32>
        %gather3A_1002 = tpu.vector_load_idx %arg24[%broadcast_in_dim3A_990, %add3A_1001] : memref<160x128xf32, #tpu.memory_space<vmem>>[vector<16xi32>, vector<16xi32>], vector<16xf32>,
        %add3A_1003 = arith.addi %gather3A_995, %add3A_263 : vector<16xi32>
        %gather3A_1004 = tpu.vector_load_idx %arg24[%broadcast_in_dim3A_990, %add3A_1003] : memref<160x128xf32, #tpu.memory_space<vmem>>[vector<16xi32>, vector<16xi32>], vector<16xf32>,
        %add3A_1005 = arith.addi %gather3A_995, %add3A_266 : vector<16xi32>
        %gather3A_1006 = tpu.vector_load_idx %arg24[%broadcast_in_dim3A_990, %add3A_1005] : memref<160x128xf32, #tpu.memory_space<vmem>>[vector<16xi32>, vector<16xi32>], vector<16xf32>,
        %add3A_1007 = arith.addi %gather3A_995, %add3A_269 : vector<16xi32>
        %gather3A_1008 = tpu.vector_load_idx %arg24[%broadcast_in_dim3A_990, %add3A_1007] : memref<160x128xf32, #tpu.memory_space<vmem>>[vector<16xi32>, vector<16xi32>], vector<16xf32>,
        %add3A_1009 = arith.addi %gather3A_1000, %add3A_260 : vector<16xi32>
        %gather3A_1010 = tpu.vector_load_idx %arg25[%broadcast_in_dim3A_990, %add3A_1009] : memref<160x128xf32, #tpu.memory_space<vmem>>[vector<16xi32>, vector<16xi32>], vector<16xf32>,
        %add3A_1011 = arith.addi %gather3A_1000, %add3A_263 : vector<16xi32>
        %gather3A_1012 = tpu.vector_load_idx %arg25[%broadcast_in_dim3A_990, %add3A_1011] : memref<160x128xf32, #tpu.memory_space<vmem>>[vector<16xi32>, vector<16xi32>], vector<16xf32>,
        %add3A_1013 = arith.addi %gather3A_1000, %add3A_266 : vector<16xi32>
        %gather3A_1014 = tpu.vector_load_idx %arg25[%broadcast_in_dim3A_990, %add3A_1013] : memref<160x128xf32, #tpu.memory_space<vmem>>[vector<16xi32>, vector<16xi32>], vector<16xf32>,
        %add3A_1015 = arith.addi %gather3A_1000, %add3A_269 : vector<16xi32>
        %gather3A_1016 = tpu.vector_load_idx %arg25[%broadcast_in_dim3A_990, %add3A_1015] : memref<160x128xf32, #tpu.memory_space<vmem>>[vector<16xi32>, vector<16xi32>], vector<16xf32>,
        %mul3A_1017 = arith.mulf %sub3A_827, %gather3A_1002 : vector<16xf32>
        %mul3A_1018 = arith.mulf %sub3A_831, %gather3A_1004 : vector<16xf32>
        %add3A_1019 = arith.addf %mul3A_1017, %mul3A_1018 : vector<16xf32>
        %mul3A_1020 = arith.mulf %sub3A_835, %gather3A_1006 : vector<16xf32>
        %mul3A_1021 = arith.mulf %sub3A_839, %gather3A_1008 : vector<16xf32>
        %add3A_1022 = arith.addf %mul3A_1020, %mul3A_1021 : vector<16xf32>
        %add3A_1023 = arith.addf %add3A_1019, %add3A_1022 : vector<16xf32>
        %mul3A_1024 = arith.mulf %mul3A_842, %gather3A_1010 : vector<16xf32>
        %mul3A_1025 = arith.mulf %mul3A_845, %gather3A_1012 : vector<16xf32>
        %add3A_1026 = arith.addf %mul3A_1024, %mul3A_1025 : vector<16xf32>
        %mul3A_1027 = arith.mulf %mul3A_848, %gather3A_1014 : vector<16xf32>
        %mul3A_1028 = arith.mulf %mul3A_851, %gather3A_1016 : vector<16xf32>
        %add3A_1029 = arith.addf %mul3A_1027, %mul3A_1028 : vector<16xf32>
        %add3A_1030 = arith.addf %add3A_1026, %add3A_1029 : vector<16xf32>
        %get3A_1031 = arith.constant 32 : index
        %get3A_1032 = tpu.vector_load %arg33[%get3A_1031] {strides = array<i32>} : memref<320xf32, #tpu.memory_space<vmem>>, vector<16xf32>,
        %add3A_1033 = arith.addf %add3A_1023, %add3A_1030 : vector<16xf32>
        %mul3A_1034 = arith.mulf %get3A_1032, %add3A_1033 : vector<16xf32>
        %add3A_1035 = arith.addf %scan3A_797, %mul3A_1034 : vector<16xf32>
        %add3A_1036 = arith.constant 3 : i32
        %add3A_1037 = arith.addi %mul3A_800, %add3A_1036 : i32
        %broadcast_in_dim3A_1038 = vector.broadcast %add3A_1037 : i32 to vector<16xi32>
        %broadcast_in_dim3A_1039 = arith.constant 3 : i32
        %broadcast_in_dim3A_1040 = vector.broadcast %broadcast_in_dim3A_1039 : i32 to vector<16xi32>
        %broadcast_in_dim3A_1041 = vector.shape_cast %broadcast_in_dim3A_1040 : vector<16xi32> to vector<16x1xi32>
        %gather3A_1042 = vector.shape_cast %broadcast_in_dim3A_1041 : vector<16x1xi32> to vector<16xi32>
        %gather3A_1043 = tpu.dynamic_gather %mul3A_873[%gather3A_1042] in [0] : vector<16xi32>, vector<16xi32> -> vector<16xi32>
        %broadcast_in_dim3A_1044 = arith.constant 3 : i32
        %broadcast_in_dim3A_1045 = vector.broadcast %broadcast_in_dim3A_1044 : i32 to vector<16xi32>
        %broadcast_in_dim3A_1046 = vector.shape_cast %broadcast_in_dim3A_1045 : vector<16xi32> to vector<16x1xi32>
        %gather3A_1047 = vector.shape_cast %broadcast_in_dim3A_1046 : vector<16x1xi32> to vector<16xi32>
        %gather3A_1048 = tpu.dynamic_gather %mul3A_885[%gather3A_1047] in [0] : vector<16xi32>, vector<16xi32> -> vector<16xi32>
        %add3A_1049 = arith.addi %gather3A_1043, %add3A_260 : vector<16xi32>
        %gather3A_1050 = tpu.vector_load_idx %arg24[%broadcast_in_dim3A_1038, %add3A_1049] : memref<160x128xf32, #tpu.memory_space<vmem>>[vector<16xi32>, vector<16xi32>], vector<16xf32>,
        %add3A_1051 = arith.addi %gather3A_1043, %add3A_263 : vector<16xi32>
        %gather3A_1052 = tpu.vector_load_idx %arg24[%broadcast_in_dim3A_1038, %add3A_1051] : memref<160x128xf32, #tpu.memory_space<vmem>>[vector<16xi32>, vector<16xi32>], vector<16xf32>,
        %add3A_1053 = arith.addi %gather3A_1043, %add3A_266 : vector<16xi32>
        %gather3A_1054 = tpu.vector_load_idx %arg24[%broadcast_in_dim3A_1038, %add3A_1053] : memref<160x128xf32, #tpu.memory_space<vmem>>[vector<16xi32>, vector<16xi32>], vector<16xf32>,
        %add3A_1055 = arith.addi %gather3A_1043, %add3A_269 : vector<16xi32>
        %gather3A_1056 = tpu.vector_load_idx %arg24[%broadcast_in_dim3A_1038, %add3A_1055] : memref<160x128xf32, #tpu.memory_space<vmem>>[vector<16xi32>, vector<16xi32>], vector<16xf32>,
        %add3A_1057 = arith.addi %gather3A_1048, %add3A_260 : vector<16xi32>
        %gather3A_1058 = tpu.vector_load_idx %arg25[%broadcast_in_dim3A_1038, %add3A_1057] : memref<160x128xf32, #tpu.memory_space<vmem>>[vector<16xi32>, vector<16xi32>], vector<16xf32>,
        %add3A_1059 = arith.addi %gather3A_1048, %add3A_263 : vector<16xi32>
        %gather3A_1060 = tpu.vector_load_idx %arg25[%broadcast_in_dim3A_1038, %add3A_1059] : memref<160x128xf32, #tpu.memory_space<vmem>>[vector<16xi32>, vector<16xi32>], vector<16xf32>,
        %add3A_1061 = arith.addi %gather3A_1048, %add3A_266 : vector<16xi32>
        %gather3A_1062 = tpu.vector_load_idx %arg25[%broadcast_in_dim3A_1038, %add3A_1061] : memref<160x128xf32, #tpu.memory_space<vmem>>[vector<16xi32>, vector<16xi32>], vector<16xf32>,
        %add3A_1063 = arith.addi %gather3A_1048, %add3A_269 : vector<16xi32>
        %gather3A_1064 = tpu.vector_load_idx %arg25[%broadcast_in_dim3A_1038, %add3A_1063] : memref<160x128xf32, #tpu.memory_space<vmem>>[vector<16xi32>, vector<16xi32>], vector<16xf32>,
        %mul3A_1065 = arith.mulf %sub3A_827, %gather3A_1050 : vector<16xf32>
        %mul3A_1066 = arith.mulf %sub3A_831, %gather3A_1052 : vector<16xf32>
        %add3A_1067 = arith.addf %mul3A_1065, %mul3A_1066 : vector<16xf32>
        %mul3A_1068 = arith.mulf %sub3A_835, %gather3A_1054 : vector<16xf32>
        %mul3A_1069 = arith.mulf %sub3A_839, %gather3A_1056 : vector<16xf32>
        %add3A_1070 = arith.addf %mul3A_1068, %mul3A_1069 : vector<16xf32>
        %add3A_1071 = arith.addf %add3A_1067, %add3A_1070 : vector<16xf32>
        %mul3A_1072 = arith.mulf %mul3A_842, %gather3A_1058 : vector<16xf32>
        %mul3A_1073 = arith.mulf %mul3A_845, %gather3A_1060 : vector<16xf32>
        %add3A_1074 = arith.addf %mul3A_1072, %mul3A_1073 : vector<16xf32>
        %mul3A_1075 = arith.mulf %mul3A_848, %gather3A_1062 : vector<16xf32>
        %mul3A_1076 = arith.mulf %mul3A_851, %gather3A_1064 : vector<16xf32>
        %add3A_1077 = arith.addf %mul3A_1075, %mul3A_1076 : vector<16xf32>
        %add3A_1078 = arith.addf %add3A_1074, %add3A_1077 : vector<16xf32>
        %get3A_1079 = arith.constant 48 : index
        %get3A_1080 = tpu.vector_load %arg33[%get3A_1079] {strides = array<i32>} : memref<320xf32, #tpu.memory_space<vmem>>, vector<16xf32>,
        %add3A_1081 = arith.addf %add3A_1071, %add3A_1078 : vector<16xf32>
        %mul3A_1082 = arith.mulf %get3A_1080, %add3A_1081 : vector<16xf32>
        %add3A_1083 = arith.addf %scan3A_798, %mul3A_1082 : vector<16xf32>
        %add3A_1084 = arith.constant 4 : i32
        %add3A_1085 = arith.addi %mul3A_800, %add3A_1084 : i32
        %broadcast_in_dim3A_1086 = vector.broadcast %add3A_1085 : i32 to vector<16xi32>
        %broadcast_in_dim3A_1087 = arith.constant 4 : i32
        %broadcast_in_dim3A_1088 = vector.broadcast %broadcast_in_dim3A_1087 : i32 to vector<16xi32>
        %broadcast_in_dim3A_1089 = vector.shape_cast %broadcast_in_dim3A_1088 : vector<16xi32> to vector<16x1xi32>
        %gather3A_1090 = vector.shape_cast %broadcast_in_dim3A_1089 : vector<16x1xi32> to vector<16xi32>
        %gather3A_1091 = tpu.dynamic_gather %mul3A_873[%gather3A_1090] in [0] : vector<16xi32>, vector<16xi32> -> vector<16xi32>
        %broadcast_in_dim3A_1092 = arith.constant 4 : i32
        %broadcast_in_dim3A_1093 = vector.broadcast %broadcast_in_dim3A_1092 : i32 to vector<16xi32>
        %broadcast_in_dim3A_1094 = vector.shape_cast %broadcast_in_dim3A_1093 : vector<16xi32> to vector<16x1xi32>
        %gather3A_1095 = vector.shape_cast %broadcast_in_dim3A_1094 : vector<16x1xi32> to vector<16xi32>
        %gather3A_1096 = tpu.dynamic_gather %mul3A_885[%gather3A_1095] in [0] : vector<16xi32>, vector<16xi32> -> vector<16xi32>
        %add3A_1097 = arith.addi %gather3A_1091, %add3A_260 : vector<16xi32>
        %gather3A_1098 = tpu.vector_load_idx %arg24[%broadcast_in_dim3A_1086, %add3A_1097] : memref<160x128xf32, #tpu.memory_space<vmem>>[vector<16xi32>, vector<16xi32>], vector<16xf32>,
        %add3A_1099 = arith.addi %gather3A_1091, %add3A_263 : vector<16xi32>
        %gather3A_1100 = tpu.vector_load_idx %arg24[%broadcast_in_dim3A_1086, %add3A_1099] : memref<160x128xf32, #tpu.memory_space<vmem>>[vector<16xi32>, vector<16xi32>], vector<16xf32>,
        %add3A_1101 = arith.addi %gather3A_1091, %add3A_266 : vector<16xi32>
        %gather3A_1102 = tpu.vector_load_idx %arg24[%broadcast_in_dim3A_1086, %add3A_1101] : memref<160x128xf32, #tpu.memory_space<vmem>>[vector<16xi32>, vector<16xi32>], vector<16xf32>,
        %add3A_1103 = arith.addi %gather3A_1091, %add3A_269 : vector<16xi32>
        %gather3A_1104 = tpu.vector_load_idx %arg24[%broadcast_in_dim3A_1086, %add3A_1103] : memref<160x128xf32, #tpu.memory_space<vmem>>[vector<16xi32>, vector<16xi32>], vector<16xf32>,
        %add3A_1105 = arith.addi %gather3A_1096, %add3A_260 : vector<16xi32>
        %gather3A_1106 = tpu.vector_load_idx %arg25[%broadcast_in_dim3A_1086, %add3A_1105] : memref<160x128xf32, #tpu.memory_space<vmem>>[vector<16xi32>, vector<16xi32>], vector<16xf32>,
        %add3A_1107 = arith.addi %gather3A_1096, %add3A_263 : vector<16xi32>
        %gather3A_1108 = tpu.vector_load_idx %arg25[%broadcast_in_dim3A_1086, %add3A_1107] : memref<160x128xf32, #tpu.memory_space<vmem>>[vector<16xi32>, vector<16xi32>], vector<16xf32>,
        %add3A_1109 = arith.addi %gather3A_1096, %add3A_266 : vector<16xi32>
        %gather3A_1110 = tpu.vector_load_idx %arg25[%broadcast_in_dim3A_1086, %add3A_1109] : memref<160x128xf32, #tpu.memory_space<vmem>>[vector<16xi32>, vector<16xi32>], vector<16xf32>,
        %add3A_1111 = arith.addi %gather3A_1096, %add3A_269 : vector<16xi32>
        %gather3A_1112 = tpu.vector_load_idx %arg25[%broadcast_in_dim3A_1086, %add3A_1111] : memref<160x128xf32, #tpu.memory_space<vmem>>[vector<16xi32>, vector<16xi32>], vector<16xf32>,
        %mul3A_1113 = arith.mulf %sub3A_827, %gather3A_1098 : vector<16xf32>
        %mul3A_1114 = arith.mulf %sub3A_831, %gather3A_1100 : vector<16xf32>
        %add3A_1115 = arith.addf %mul3A_1113, %mul3A_1114 : vector<16xf32>
        %mul3A_1116 = arith.mulf %sub3A_835, %gather3A_1102 : vector<16xf32>
        %mul3A_1117 = arith.mulf %sub3A_839, %gather3A_1104 : vector<16xf32>
        %add3A_1118 = arith.addf %mul3A_1116, %mul3A_1117 : vector<16xf32>
        %add3A_1119 = arith.addf %add3A_1115, %add3A_1118 : vector<16xf32>
        %mul3A_1120 = arith.mulf %mul3A_842, %gather3A_1106 : vector<16xf32>
        %mul3A_1121 = arith.mulf %mul3A_845, %gather3A_1108 : vector<16xf32>
        %add3A_1122 = arith.addf %mul3A_1120, %mul3A_1121 : vector<16xf32>
        %mul3A_1123 = arith.mulf %mul3A_848, %gather3A_1110 : vector<16xf32>
        %mul3A_1124 = arith.mulf %mul3A_851, %gather3A_1112 : vector<16xf32>
        %add3A_1125 = arith.addf %mul3A_1123, %mul3A_1124 : vector<16xf32>
        %add3A_1126 = arith.addf %add3A_1122, %add3A_1125 : vector<16xf32>
        %get3A_1127 = arith.constant 64 : index
        %get3A_1128 = tpu.vector_load %arg33[%get3A_1127] {strides = array<i32>} : memref<320xf32, #tpu.memory_space<vmem>>, vector<16xf32>,
        %add3A_1129 = arith.addf %add3A_1119, %add3A_1126 : vector<16xf32>
        %mul3A_1130 = arith.mulf %get3A_1128, %add3A_1129 : vector<16xf32>
        %add3A_1131 = arith.addf %add3A_939, %mul3A_1130 : vector<16xf32>
        %add3A_1132 = arith.constant 5 : i32
        %add3A_1133 = arith.addi %mul3A_800, %add3A_1132 : i32
        %broadcast_in_dim3A_1134 = vector.broadcast %add3A_1133 : i32 to vector<16xi32>
        %broadcast_in_dim3A_1135 = arith.constant 5 : i32
        %broadcast_in_dim3A_1136 = vector.broadcast %broadcast_in_dim3A_1135 : i32 to vector<16xi32>
        %broadcast_in_dim3A_1137 = vector.shape_cast %broadcast_in_dim3A_1136 : vector<16xi32> to vector<16x1xi32>
        %gather3A_1138 = vector.shape_cast %broadcast_in_dim3A_1137 : vector<16x1xi32> to vector<16xi32>
        %gather3A_1139 = tpu.dynamic_gather %mul3A_873[%gather3A_1138] in [0] : vector<16xi32>, vector<16xi32> -> vector<16xi32>
        %broadcast_in_dim3A_1140 = arith.constant 5 : i32
        %broadcast_in_dim3A_1141 = vector.broadcast %broadcast_in_dim3A_1140 : i32 to vector<16xi32>
        %broadcast_in_dim3A_1142 = vector.shape_cast %broadcast_in_dim3A_1141 : vector<16xi32> to vector<16x1xi32>
        %gather3A_1143 = vector.shape_cast %broadcast_in_dim3A_1142 : vector<16x1xi32> to vector<16xi32>
        %gather3A_1144 = tpu.dynamic_gather %mul3A_885[%gather3A_1143] in [0] : vector<16xi32>, vector<16xi32> -> vector<16xi32>
        %add3A_1145 = arith.addi %gather3A_1139, %add3A_260 : vector<16xi32>
        %gather3A_1146 = tpu.vector_load_idx %arg24[%broadcast_in_dim3A_1134, %add3A_1145] : memref<160x128xf32, #tpu.memory_space<vmem>>[vector<16xi32>, vector<16xi32>], vector<16xf32>,
        %add3A_1147 = arith.addi %gather3A_1139, %add3A_263 : vector<16xi32>
        %gather3A_1148 = tpu.vector_load_idx %arg24[%broadcast_in_dim3A_1134, %add3A_1147] : memref<160x128xf32, #tpu.memory_space<vmem>>[vector<16xi32>, vector<16xi32>], vector<16xf32>,
        %add3A_1149 = arith.addi %gather3A_1139, %add3A_266 : vector<16xi32>
        %gather3A_1150 = tpu.vector_load_idx %arg24[%broadcast_in_dim3A_1134, %add3A_1149] : memref<160x128xf32, #tpu.memory_space<vmem>>[vector<16xi32>, vector<16xi32>], vector<16xf32>,
        %add3A_1151 = arith.addi %gather3A_1139, %add3A_269 : vector<16xi32>
        %gather3A_1152 = tpu.vector_load_idx %arg24[%broadcast_in_dim3A_1134, %add3A_1151] : memref<160x128xf32, #tpu.memory_space<vmem>>[vector<16xi32>, vector<16xi32>], vector<16xf32>,
        %add3A_1153 = arith.addi %gather3A_1144, %add3A_260 : vector<16xi32>
        %gather3A_1154 = tpu.vector_load_idx %arg25[%broadcast_in_dim3A_1134, %add3A_1153] : memref<160x128xf32, #tpu.memory_space<vmem>>[vector<16xi32>, vector<16xi32>], vector<16xf32>,
        %add3A_1155 = arith.addi %gather3A_1144, %add3A_263 : vector<16xi32>
        %gather3A_1156 = tpu.vector_load_idx %arg25[%broadcast_in_dim3A_1134, %add3A_1155] : memref<160x128xf32, #tpu.memory_space<vmem>>[vector<16xi32>, vector<16xi32>], vector<16xf32>,
        %add3A_1157 = arith.addi %gather3A_1144, %add3A_266 : vector<16xi32>
        %gather3A_1158 = tpu.vector_load_idx %arg25[%broadcast_in_dim3A_1134, %add3A_1157] : memref<160x128xf32, #tpu.memory_space<vmem>>[vector<16xi32>, vector<16xi32>], vector<16xf32>,
        %add3A_1159 = arith.addi %gather3A_1144, %add3A_269 : vector<16xi32>
        %gather3A_1160 = tpu.vector_load_idx %arg25[%broadcast_in_dim3A_1134, %add3A_1159] : memref<160x128xf32, #tpu.memory_space<vmem>>[vector<16xi32>, vector<16xi32>], vector<16xf32>,
        %mul3A_1161 = arith.mulf %sub3A_827, %gather3A_1146 : vector<16xf32>
        %mul3A_1162 = arith.mulf %sub3A_831, %gather3A_1148 : vector<16xf32>
        %add3A_1163 = arith.addf %mul3A_1161, %mul3A_1162 : vector<16xf32>
        %mul3A_1164 = arith.mulf %sub3A_835, %gather3A_1150 : vector<16xf32>
        %mul3A_1165 = arith.mulf %sub3A_839, %gather3A_1152 : vector<16xf32>
        %add3A_1166 = arith.addf %mul3A_1164, %mul3A_1165 : vector<16xf32>
        %add3A_1167 = arith.addf %add3A_1163, %add3A_1166 : vector<16xf32>
        %mul3A_1168 = arith.mulf %mul3A_842, %gather3A_1154 : vector<16xf32>
        %mul3A_1169 = arith.mulf %mul3A_845, %gather3A_1156 : vector<16xf32>
        %add3A_1170 = arith.addf %mul3A_1168, %mul3A_1169 : vector<16xf32>
        %mul3A_1171 = arith.mulf %mul3A_848, %gather3A_1158 : vector<16xf32>
        %mul3A_1172 = arith.mulf %mul3A_851, %gather3A_1160 : vector<16xf32>
        %add3A_1173 = arith.addf %mul3A_1171, %mul3A_1172 : vector<16xf32>
        %add3A_1174 = arith.addf %add3A_1170, %add3A_1173 : vector<16xf32>
        %get3A_1175 = arith.constant 80 : index
        %get3A_1176 = tpu.vector_load %arg33[%get3A_1175] {strides = array<i32>} : memref<320xf32, #tpu.memory_space<vmem>>, vector<16xf32>,
        %add3A_1177 = arith.addf %add3A_1167, %add3A_1174 : vector<16xf32>
        %mul3A_1178 = arith.mulf %get3A_1176, %add3A_1177 : vector<16xf32>
        %add3A_1179 = arith.addf %add3A_987, %mul3A_1178 : vector<16xf32>
        %add3A_1180 = arith.constant 6 : i32
        %add3A_1181 = arith.addi %mul3A_800, %add3A_1180 : i32
        %broadcast_in_dim3A_1182 = vector.broadcast %add3A_1181 : i32 to vector<16xi32>
        %broadcast_in_dim3A_1183 = arith.constant 6 : i32
        %broadcast_in_dim3A_1184 = vector.broadcast %broadcast_in_dim3A_1183 : i32 to vector<16xi32>
        %broadcast_in_dim3A_1185 = vector.shape_cast %broadcast_in_dim3A_1184 : vector<16xi32> to vector<16x1xi32>
        %gather3A_1186 = vector.shape_cast %broadcast_in_dim3A_1185 : vector<16x1xi32> to vector<16xi32>
        %gather3A_1187 = tpu.dynamic_gather %mul3A_873[%gather3A_1186] in [0] : vector<16xi32>, vector<16xi32> -> vector<16xi32>
        %broadcast_in_dim3A_1188 = arith.constant 6 : i32
        %broadcast_in_dim3A_1189 = vector.broadcast %broadcast_in_dim3A_1188 : i32 to vector<16xi32>
        %broadcast_in_dim3A_1190 = vector.shape_cast %broadcast_in_dim3A_1189 : vector<16xi32> to vector<16x1xi32>
        %gather3A_1191 = vector.shape_cast %broadcast_in_dim3A_1190 : vector<16x1xi32> to vector<16xi32>
        %gather3A_1192 = tpu.dynamic_gather %mul3A_885[%gather3A_1191] in [0] : vector<16xi32>, vector<16xi32> -> vector<16xi32>
        %add3A_1193 = arith.addi %gather3A_1187, %add3A_260 : vector<16xi32>
        %gather3A_1194 = tpu.vector_load_idx %arg24[%broadcast_in_dim3A_1182, %add3A_1193] : memref<160x128xf32, #tpu.memory_space<vmem>>[vector<16xi32>, vector<16xi32>], vector<16xf32>,
        %add3A_1195 = arith.addi %gather3A_1187, %add3A_263 : vector<16xi32>
        %gather3A_1196 = tpu.vector_load_idx %arg24[%broadcast_in_dim3A_1182, %add3A_1195] : memref<160x128xf32, #tpu.memory_space<vmem>>[vector<16xi32>, vector<16xi32>], vector<16xf32>,
        %add3A_1197 = arith.addi %gather3A_1187, %add3A_266 : vector<16xi32>
        %gather3A_1198 = tpu.vector_load_idx %arg24[%broadcast_in_dim3A_1182, %add3A_1197] : memref<160x128xf32, #tpu.memory_space<vmem>>[vector<16xi32>, vector<16xi32>], vector<16xf32>,
        %add3A_1199 = arith.addi %gather3A_1187, %add3A_269 : vector<16xi32>
        %gather3A_1200 = tpu.vector_load_idx %arg24[%broadcast_in_dim3A_1182, %add3A_1199] : memref<160x128xf32, #tpu.memory_space<vmem>>[vector<16xi32>, vector<16xi32>], vector<16xf32>,
        %add3A_1201 = arith.addi %gather3A_1192, %add3A_260 : vector<16xi32>
        %gather3A_1202 = tpu.vector_load_idx %arg25[%broadcast_in_dim3A_1182, %add3A_1201] : memref<160x128xf32, #tpu.memory_space<vmem>>[vector<16xi32>, vector<16xi32>], vector<16xf32>,
        %add3A_1203 = arith.addi %gather3A_1192, %add3A_263 : vector<16xi32>
        %gather3A_1204 = tpu.vector_load_idx %arg25[%broadcast_in_dim3A_1182, %add3A_1203] : memref<160x128xf32, #tpu.memory_space<vmem>>[vector<16xi32>, vector<16xi32>], vector<16xf32>,
        %add3A_1205 = arith.addi %gather3A_1192, %add3A_266 : vector<16xi32>
        %gather3A_1206 = tpu.vector_load_idx %arg25[%broadcast_in_dim3A_1182, %add3A_1205] : memref<160x128xf32, #tpu.memory_space<vmem>>[vector<16xi32>, vector<16xi32>], vector<16xf32>,
        %add3A_1207 = arith.addi %gather3A_1192, %add3A_269 : vector<16xi32>
        %gather3A_1208 = tpu.vector_load_idx %arg25[%broadcast_in_dim3A_1182, %add3A_1207] : memref<160x128xf32, #tpu.memory_space<vmem>>[vector<16xi32>, vector<16xi32>], vector<16xf32>,
        %mul3A_1209 = arith.mulf %sub3A_827, %gather3A_1194 : vector<16xf32>
        %mul3A_1210 = arith.mulf %sub3A_831, %gather3A_1196 : vector<16xf32>
        %add3A_1211 = arith.addf %mul3A_1209, %mul3A_1210 : vector<16xf32>
        %mul3A_1212 = arith.mulf %sub3A_835, %gather3A_1198 : vector<16xf32>
        %mul3A_1213 = arith.mulf %sub3A_839, %gather3A_1200 : vector<16xf32>
        %add3A_1214 = arith.addf %mul3A_1212, %mul3A_1213 : vector<16xf32>
        %add3A_1215 = arith.addf %add3A_1211, %add3A_1214 : vector<16xf32>
        %mul3A_1216 = arith.mulf %mul3A_842, %gather3A_1202 : vector<16xf32>
        %mul3A_1217 = arith.mulf %mul3A_845, %gather3A_1204 : vector<16xf32>
        %add3A_1218 = arith.addf %mul3A_1216, %mul3A_1217 : vector<16xf32>
        %mul3A_1219 = arith.mulf %mul3A_848, %gather3A_1206 : vector<16xf32>
        %mul3A_1220 = arith.mulf %mul3A_851, %gather3A_1208 : vector<16xf32>
        %add3A_1221 = arith.addf %mul3A_1219, %mul3A_1220 : vector<16xf32>
        %add3A_1222 = arith.addf %add3A_1218, %add3A_1221 : vector<16xf32>
        %get3A_1223 = arith.constant 96 : index
        %get3A_1224 = tpu.vector_load %arg33[%get3A_1223] {strides = array<i32>} : memref<320xf32, #tpu.memory_space<vmem>>, vector<16xf32>,
        %add3A_1225 = arith.addf %add3A_1215, %add3A_1222 : vector<16xf32>
        %mul3A_1226 = arith.mulf %get3A_1224, %add3A_1225 : vector<16xf32>
        %add3A_1227 = arith.addf %add3A_1035, %mul3A_1226 : vector<16xf32>
        %add3A_1228 = arith.constant 7 : i32
        %add3A_1229 = arith.addi %mul3A_800, %add3A_1228 : i32
        %broadcast_in_dim3A_1230 = vector.broadcast %add3A_1229 : i32 to vector<16xi32>
        %broadcast_in_dim3A_1231 = arith.constant 7 : i32
        %broadcast_in_dim3A_1232 = vector.broadcast %broadcast_in_dim3A_1231 : i32 to vector<16xi32>
        %broadcast_in_dim3A_1233 = vector.shape_cast %broadcast_in_dim3A_1232 : vector<16xi32> to vector<16x1xi32>
        %gather3A_1234 = vector.shape_cast %broadcast_in_dim3A_1233 : vector<16x1xi32> to vector<16xi32>
        %gather3A_1235 = tpu.dynamic_gather %mul3A_873[%gather3A_1234] in [0] : vector<16xi32>, vector<16xi32> -> vector<16xi32>
        %broadcast_in_dim3A_1236 = arith.constant 7 : i32
        %broadcast_in_dim3A_1237 = vector.broadcast %broadcast_in_dim3A_1236 : i32 to vector<16xi32>
        %broadcast_in_dim3A_1238 = vector.shape_cast %broadcast_in_dim3A_1237 : vector<16xi32> to vector<16x1xi32>
        %gather3A_1239 = vector.shape_cast %broadcast_in_dim3A_1238 : vector<16x1xi32> to vector<16xi32>
        %gather3A_1240 = tpu.dynamic_gather %mul3A_885[%gather3A_1239] in [0] : vector<16xi32>, vector<16xi32> -> vector<16xi32>
        %add3A_1241 = arith.addi %gather3A_1235, %add3A_260 : vector<16xi32>
        %gather3A_1242 = tpu.vector_load_idx %arg24[%broadcast_in_dim3A_1230, %add3A_1241] : memref<160x128xf32, #tpu.memory_space<vmem>>[vector<16xi32>, vector<16xi32>], vector<16xf32>,
        %add3A_1243 = arith.addi %gather3A_1235, %add3A_263 : vector<16xi32>
        %gather3A_1244 = tpu.vector_load_idx %arg24[%broadcast_in_dim3A_1230, %add3A_1243] : memref<160x128xf32, #tpu.memory_space<vmem>>[vector<16xi32>, vector<16xi32>], vector<16xf32>,
        %add3A_1245 = arith.addi %gather3A_1235, %add3A_266 : vector<16xi32>
        %gather3A_1246 = tpu.vector_load_idx %arg24[%broadcast_in_dim3A_1230, %add3A_1245] : memref<160x128xf32, #tpu.memory_space<vmem>>[vector<16xi32>, vector<16xi32>], vector<16xf32>,
        %add3A_1247 = arith.addi %gather3A_1235, %add3A_269 : vector<16xi32>
        %gather3A_1248 = tpu.vector_load_idx %arg24[%broadcast_in_dim3A_1230, %add3A_1247] : memref<160x128xf32, #tpu.memory_space<vmem>>[vector<16xi32>, vector<16xi32>], vector<16xf32>,
        %add3A_1249 = arith.addi %gather3A_1240, %add3A_260 : vector<16xi32>
        %gather3A_1250 = tpu.vector_load_idx %arg25[%broadcast_in_dim3A_1230, %add3A_1249] : memref<160x128xf32, #tpu.memory_space<vmem>>[vector<16xi32>, vector<16xi32>], vector<16xf32>,
        %add3A_1251 = arith.addi %gather3A_1240, %add3A_263 : vector<16xi32>
        %gather3A_1252 = tpu.vector_load_idx %arg25[%broadcast_in_dim3A_1230, %add3A_1251] : memref<160x128xf32, #tpu.memory_space<vmem>>[vector<16xi32>, vector<16xi32>], vector<16xf32>,
        %add3A_1253 = arith.addi %gather3A_1240, %add3A_266 : vector<16xi32>
        %gather3A_1254 = tpu.vector_load_idx %arg25[%broadcast_in_dim3A_1230, %add3A_1253] : memref<160x128xf32, #tpu.memory_space<vmem>>[vector<16xi32>, vector<16xi32>], vector<16xf32>,
        %add3A_1255 = arith.addi %gather3A_1240, %add3A_269 : vector<16xi32>
        %gather3A_1256 = tpu.vector_load_idx %arg25[%broadcast_in_dim3A_1230, %add3A_1255] : memref<160x128xf32, #tpu.memory_space<vmem>>[vector<16xi32>, vector<16xi32>], vector<16xf32>,
        %mul3A_1257 = arith.mulf %sub3A_827, %gather3A_1242 : vector<16xf32>
        %mul3A_1258 = arith.mulf %sub3A_831, %gather3A_1244 : vector<16xf32>
        %add3A_1259 = arith.addf %mul3A_1257, %mul3A_1258 : vector<16xf32>
        %mul3A_1260 = arith.mulf %sub3A_835, %gather3A_1246 : vector<16xf32>
        %mul3A_1261 = arith.mulf %sub3A_839, %gather3A_1248 : vector<16xf32>
        %add3A_1262 = arith.addf %mul3A_1260, %mul3A_1261 : vector<16xf32>
        %add3A_1263 = arith.addf %add3A_1259, %add3A_1262 : vector<16xf32>
        %mul3A_1264 = arith.mulf %mul3A_842, %gather3A_1250 : vector<16xf32>
        %mul3A_1265 = arith.mulf %mul3A_845, %gather3A_1252 : vector<16xf32>
        %add3A_1266 = arith.addf %mul3A_1264, %mul3A_1265 : vector<16xf32>
        %mul3A_1267 = arith.mulf %mul3A_848, %gather3A_1254 : vector<16xf32>
        %mul3A_1268 = arith.mulf %mul3A_851, %gather3A_1256 : vector<16xf32>
        %add3A_1269 = arith.addf %mul3A_1267, %mul3A_1268 : vector<16xf32>
        %add3A_1270 = arith.addf %add3A_1266, %add3A_1269 : vector<16xf32>
        %get3A_1271 = arith.constant 112 : index
        %get3A_1272 = tpu.vector_load %arg33[%get3A_1271] {strides = array<i32>} : memref<320xf32, #tpu.memory_space<vmem>>, vector<16xf32>,
        %add3A_1273 = arith.addf %add3A_1263, %add3A_1270 : vector<16xf32>
        %mul3A_1274 = arith.mulf %get3A_1272, %add3A_1273 : vector<16xf32>
        %add3A_1275 = arith.addf %add3A_1083, %mul3A_1274 : vector<16xf32>
        %add3A_1276 = arith.constant 8 : i32
        %add3A_1277 = arith.addi %mul3A_800, %add3A_1276 : i32
        %broadcast_in_dim3A_1278 = vector.broadcast %add3A_1277 : i32 to vector<16xi32>
        %broadcast_in_dim3A_1279 = arith.constant 8 : i32
        %broadcast_in_dim3A_1280 = vector.broadcast %broadcast_in_dim3A_1279 : i32 to vector<16xi32>
        %broadcast_in_dim3A_1281 = vector.shape_cast %broadcast_in_dim3A_1280 : vector<16xi32> to vector<16x1xi32>
        %gather3A_1282 = vector.shape_cast %broadcast_in_dim3A_1281 : vector<16x1xi32> to vector<16xi32>
        %gather3A_1283 = tpu.dynamic_gather %mul3A_873[%gather3A_1282] in [0] : vector<16xi32>, vector<16xi32> -> vector<16xi32>
        %broadcast_in_dim3A_1284 = arith.constant 8 : i32
        %broadcast_in_dim3A_1285 = vector.broadcast %broadcast_in_dim3A_1284 : i32 to vector<16xi32>
        %broadcast_in_dim3A_1286 = vector.shape_cast %broadcast_in_dim3A_1285 : vector<16xi32> to vector<16x1xi32>
        %gather3A_1287 = vector.shape_cast %broadcast_in_dim3A_1286 : vector<16x1xi32> to vector<16xi32>
        %gather3A_1288 = tpu.dynamic_gather %mul3A_885[%gather3A_1287] in [0] : vector<16xi32>, vector<16xi32> -> vector<16xi32>
        %add3A_1289 = arith.addi %gather3A_1283, %add3A_260 : vector<16xi32>
        %gather3A_1290 = tpu.vector_load_idx %arg24[%broadcast_in_dim3A_1278, %add3A_1289] : memref<160x128xf32, #tpu.memory_space<vmem>>[vector<16xi32>, vector<16xi32>], vector<16xf32>,
        %add3A_1291 = arith.addi %gather3A_1283, %add3A_263 : vector<16xi32>
        %gather3A_1292 = tpu.vector_load_idx %arg24[%broadcast_in_dim3A_1278, %add3A_1291] : memref<160x128xf32, #tpu.memory_space<vmem>>[vector<16xi32>, vector<16xi32>], vector<16xf32>,
        %add3A_1293 = arith.addi %gather3A_1283, %add3A_266 : vector<16xi32>
        %gather3A_1294 = tpu.vector_load_idx %arg24[%broadcast_in_dim3A_1278, %add3A_1293] : memref<160x128xf32, #tpu.memory_space<vmem>>[vector<16xi32>, vector<16xi32>], vector<16xf32>,
        %add3A_1295 = arith.addi %gather3A_1283, %add3A_269 : vector<16xi32>
        %gather3A_1296 = tpu.vector_load_idx %arg24[%broadcast_in_dim3A_1278, %add3A_1295] : memref<160x128xf32, #tpu.memory_space<vmem>>[vector<16xi32>, vector<16xi32>], vector<16xf32>,
        %add3A_1297 = arith.addi %gather3A_1288, %add3A_260 : vector<16xi32>
        %gather3A_1298 = tpu.vector_load_idx %arg25[%broadcast_in_dim3A_1278, %add3A_1297] : memref<160x128xf32, #tpu.memory_space<vmem>>[vector<16xi32>, vector<16xi32>], vector<16xf32>,
        %add3A_1299 = arith.addi %gather3A_1288, %add3A_263 : vector<16xi32>
        %gather3A_1300 = tpu.vector_load_idx %arg25[%broadcast_in_dim3A_1278, %add3A_1299] : memref<160x128xf32, #tpu.memory_space<vmem>>[vector<16xi32>, vector<16xi32>], vector<16xf32>,
        %add3A_1301 = arith.addi %gather3A_1288, %add3A_266 : vector<16xi32>
        %gather3A_1302 = tpu.vector_load_idx %arg25[%broadcast_in_dim3A_1278, %add3A_1301] : memref<160x128xf32, #tpu.memory_space<vmem>>[vector<16xi32>, vector<16xi32>], vector<16xf32>,
        %add3A_1303 = arith.addi %gather3A_1288, %add3A_269 : vector<16xi32>
        %gather3A_1304 = tpu.vector_load_idx %arg25[%broadcast_in_dim3A_1278, %add3A_1303] : memref<160x128xf32, #tpu.memory_space<vmem>>[vector<16xi32>, vector<16xi32>], vector<16xf32>,
        %mul3A_1305 = arith.mulf %sub3A_827, %gather3A_1290 : vector<16xf32>
        %mul3A_1306 = arith.mulf %sub3A_831, %gather3A_1292 : vector<16xf32>
        %add3A_1307 = arith.addf %mul3A_1305, %mul3A_1306 : vector<16xf32>
        %mul3A_1308 = arith.mulf %sub3A_835, %gather3A_1294 : vector<16xf32>
        %mul3A_1309 = arith.mulf %sub3A_839, %gather3A_1296 : vector<16xf32>
        %add3A_1310 = arith.addf %mul3A_1308, %mul3A_1309 : vector<16xf32>
        %add3A_1311 = arith.addf %add3A_1307, %add3A_1310 : vector<16xf32>
        %mul3A_1312 = arith.mulf %mul3A_842, %gather3A_1298 : vector<16xf32>
        %mul3A_1313 = arith.mulf %mul3A_845, %gather3A_1300 : vector<16xf32>
        %add3A_1314 = arith.addf %mul3A_1312, %mul3A_1313 : vector<16xf32>
        %mul3A_1315 = arith.mulf %mul3A_848, %gather3A_1302 : vector<16xf32>
        %mul3A_1316 = arith.mulf %mul3A_851, %gather3A_1304 : vector<16xf32>
        %add3A_1317 = arith.addf %mul3A_1315, %mul3A_1316 : vector<16xf32>
        %add3A_1318 = arith.addf %add3A_1314, %add3A_1317 : vector<16xf32>
        %get3A_1319 = arith.constant 128 : index
        %get3A_1320 = tpu.vector_load %arg33[%get3A_1319] {strides = array<i32>} : memref<320xf32, #tpu.memory_space<vmem>>, vector<16xf32>,
        %add3A_1321 = arith.addf %add3A_1311, %add3A_1318 : vector<16xf32>
        %mul3A_1322 = arith.mulf %get3A_1320, %add3A_1321 : vector<16xf32>
        %add3A_1323 = arith.addf %add3A_1131, %mul3A_1322 : vector<16xf32>
        %add3A_1324 = arith.constant 9 : i32
        %add3A_1325 = arith.addi %mul3A_800, %add3A_1324 : i32
        %broadcast_in_dim3A_1326 = vector.broadcast %add3A_1325 : i32 to vector<16xi32>
        %broadcast_in_dim3A_1327 = arith.constant 9 : i32
        %broadcast_in_dim3A_1328 = vector.broadcast %broadcast_in_dim3A_1327 : i32 to vector<16xi32>
        %broadcast_in_dim3A_1329 = vector.shape_cast %broadcast_in_dim3A_1328 : vector<16xi32> to vector<16x1xi32>
        %gather3A_1330 = vector.shape_cast %broadcast_in_dim3A_1329 : vector<16x1xi32> to vector<16xi32>
        %gather3A_1331 = tpu.dynamic_gather %mul3A_873[%gather3A_1330] in [0] : vector<16xi32>, vector<16xi32> -> vector<16xi32>
        %broadcast_in_dim3A_1332 = arith.constant 9 : i32
        %broadcast_in_dim3A_1333 = vector.broadcast %broadcast_in_dim3A_1332 : i32 to vector<16xi32>
        %broadcast_in_dim3A_1334 = vector.shape_cast %broadcast_in_dim3A_1333 : vector<16xi32> to vector<16x1xi32>
        %gather3A_1335 = vector.shape_cast %broadcast_in_dim3A_1334 : vector<16x1xi32> to vector<16xi32>
        %gather3A_1336 = tpu.dynamic_gather %mul3A_885[%gather3A_1335] in [0] : vector<16xi32>, vector<16xi32> -> vector<16xi32>
        %add3A_1337 = arith.addi %gather3A_1331, %add3A_260 : vector<16xi32>
        %gather3A_1338 = tpu.vector_load_idx %arg24[%broadcast_in_dim3A_1326, %add3A_1337] : memref<160x128xf32, #tpu.memory_space<vmem>>[vector<16xi32>, vector<16xi32>], vector<16xf32>,
        %add3A_1339 = arith.addi %gather3A_1331, %add3A_263 : vector<16xi32>
        %gather3A_1340 = tpu.vector_load_idx %arg24[%broadcast_in_dim3A_1326, %add3A_1339] : memref<160x128xf32, #tpu.memory_space<vmem>>[vector<16xi32>, vector<16xi32>], vector<16xf32>,
        %add3A_1341 = arith.addi %gather3A_1331, %add3A_266 : vector<16xi32>
        %gather3A_1342 = tpu.vector_load_idx %arg24[%broadcast_in_dim3A_1326, %add3A_1341] : memref<160x128xf32, #tpu.memory_space<vmem>>[vector<16xi32>, vector<16xi32>], vector<16xf32>,
        %add3A_1343 = arith.addi %gather3A_1331, %add3A_269 : vector<16xi32>
        %gather3A_1344 = tpu.vector_load_idx %arg24[%broadcast_in_dim3A_1326, %add3A_1343] : memref<160x128xf32, #tpu.memory_space<vmem>>[vector<16xi32>, vector<16xi32>], vector<16xf32>,
        %add3A_1345 = arith.addi %gather3A_1336, %add3A_260 : vector<16xi32>
        %gather3A_1346 = tpu.vector_load_idx %arg25[%broadcast_in_dim3A_1326, %add3A_1345] : memref<160x128xf32, #tpu.memory_space<vmem>>[vector<16xi32>, vector<16xi32>], vector<16xf32>,
        %add3A_1347 = arith.addi %gather3A_1336, %add3A_263 : vector<16xi32>
        %gather3A_1348 = tpu.vector_load_idx %arg25[%broadcast_in_dim3A_1326, %add3A_1347] : memref<160x128xf32, #tpu.memory_space<vmem>>[vector<16xi32>, vector<16xi32>], vector<16xf32>,
        %add3A_1349 = arith.addi %gather3A_1336, %add3A_266 : vector<16xi32>
        %gather3A_1350 = tpu.vector_load_idx %arg25[%broadcast_in_dim3A_1326, %add3A_1349] : memref<160x128xf32, #tpu.memory_space<vmem>>[vector<16xi32>, vector<16xi32>], vector<16xf32>,
        %add3A_1351 = arith.addi %gather3A_1336, %add3A_269 : vector<16xi32>
        %gather3A_1352 = tpu.vector_load_idx %arg25[%broadcast_in_dim3A_1326, %add3A_1351] : memref<160x128xf32, #tpu.memory_space<vmem>>[vector<16xi32>, vector<16xi32>], vector<16xf32>,
        %mul3A_1353 = arith.mulf %sub3A_827, %gather3A_1338 : vector<16xf32>
        %mul3A_1354 = arith.mulf %sub3A_831, %gather3A_1340 : vector<16xf32>
        %add3A_1355 = arith.addf %mul3A_1353, %mul3A_1354 : vector<16xf32>
        %mul3A_1356 = arith.mulf %sub3A_835, %gather3A_1342 : vector<16xf32>
        %mul3A_1357 = arith.mulf %sub3A_839, %gather3A_1344 : vector<16xf32>
        %add3A_1358 = arith.addf %mul3A_1356, %mul3A_1357 : vector<16xf32>
        %add3A_1359 = arith.addf %add3A_1355, %add3A_1358 : vector<16xf32>
        %mul3A_1360 = arith.mulf %mul3A_842, %gather3A_1346 : vector<16xf32>
        %mul3A_1361 = arith.mulf %mul3A_845, %gather3A_1348 : vector<16xf32>
        %add3A_1362 = arith.addf %mul3A_1360, %mul3A_1361 : vector<16xf32>
        %mul3A_1363 = arith.mulf %mul3A_848, %gather3A_1350 : vector<16xf32>
        %mul3A_1364 = arith.mulf %mul3A_851, %gather3A_1352 : vector<16xf32>
        %add3A_1365 = arith.addf %mul3A_1363, %mul3A_1364 : vector<16xf32>
        %add3A_1366 = arith.addf %add3A_1362, %add3A_1365 : vector<16xf32>
        %get3A_1367 = arith.constant 144 : index
        %get3A_1368 = tpu.vector_load %arg33[%get3A_1367] {strides = array<i32>} : memref<320xf32, #tpu.memory_space<vmem>>, vector<16xf32>,
        %add3A_1369 = arith.addf %add3A_1359, %add3A_1366 : vector<16xf32>
        %mul3A_1370 = arith.mulf %get3A_1368, %add3A_1369 : vector<16xf32>
        %add3A_1371 = arith.addf %add3A_1179, %mul3A_1370 : vector<16xf32>
        %add3A_1372 = arith.constant 10 : i32
        %add3A_1373 = arith.addi %mul3A_800, %add3A_1372 : i32
        %broadcast_in_dim3A_1374 = vector.broadcast %add3A_1373 : i32 to vector<16xi32>
        %broadcast_in_dim3A_1375 = arith.constant 10 : i32
        %broadcast_in_dim3A_1376 = vector.broadcast %broadcast_in_dim3A_1375 : i32 to vector<16xi32>
        %broadcast_in_dim3A_1377 = vector.shape_cast %broadcast_in_dim3A_1376 : vector<16xi32> to vector<16x1xi32>
        %gather3A_1378 = vector.shape_cast %broadcast_in_dim3A_1377 : vector<16x1xi32> to vector<16xi32>
        %gather3A_1379 = tpu.dynamic_gather %mul3A_873[%gather3A_1378] in [0] : vector<16xi32>, vector<16xi32> -> vector<16xi32>
        %broadcast_in_dim3A_1380 = arith.constant 10 : i32
        %broadcast_in_dim3A_1381 = vector.broadcast %broadcast_in_dim3A_1380 : i32 to vector<16xi32>
        %broadcast_in_dim3A_1382 = vector.shape_cast %broadcast_in_dim3A_1381 : vector<16xi32> to vector<16x1xi32>
        %gather3A_1383 = vector.shape_cast %broadcast_in_dim3A_1382 : vector<16x1xi32> to vector<16xi32>
        %gather3A_1384 = tpu.dynamic_gather %mul3A_885[%gather3A_1383] in [0] : vector<16xi32>, vector<16xi32> -> vector<16xi32>
        %add3A_1385 = arith.addi %gather3A_1379, %add3A_260 : vector<16xi32>
        %gather3A_1386 = tpu.vector_load_idx %arg24[%broadcast_in_dim3A_1374, %add3A_1385] : memref<160x128xf32, #tpu.memory_space<vmem>>[vector<16xi32>, vector<16xi32>], vector<16xf32>,
        %add3A_1387 = arith.addi %gather3A_1379, %add3A_263 : vector<16xi32>
        %gather3A_1388 = tpu.vector_load_idx %arg24[%broadcast_in_dim3A_1374, %add3A_1387] : memref<160x128xf32, #tpu.memory_space<vmem>>[vector<16xi32>, vector<16xi32>], vector<16xf32>,
        %add3A_1389 = arith.addi %gather3A_1379, %add3A_266 : vector<16xi32>
        %gather3A_1390 = tpu.vector_load_idx %arg24[%broadcast_in_dim3A_1374, %add3A_1389] : memref<160x128xf32, #tpu.memory_space<vmem>>[vector<16xi32>, vector<16xi32>], vector<16xf32>,
        %add3A_1391 = arith.addi %gather3A_1379, %add3A_269 : vector<16xi32>
        %gather3A_1392 = tpu.vector_load_idx %arg24[%broadcast_in_dim3A_1374, %add3A_1391] : memref<160x128xf32, #tpu.memory_space<vmem>>[vector<16xi32>, vector<16xi32>], vector<16xf32>,
        %add3A_1393 = arith.addi %gather3A_1384, %add3A_260 : vector<16xi32>
        %gather3A_1394 = tpu.vector_load_idx %arg25[%broadcast_in_dim3A_1374, %add3A_1393] : memref<160x128xf32, #tpu.memory_space<vmem>>[vector<16xi32>, vector<16xi32>], vector<16xf32>,
        %add3A_1395 = arith.addi %gather3A_1384, %add3A_263 : vector<16xi32>
        %gather3A_1396 = tpu.vector_load_idx %arg25[%broadcast_in_dim3A_1374, %add3A_1395] : memref<160x128xf32, #tpu.memory_space<vmem>>[vector<16xi32>, vector<16xi32>], vector<16xf32>,
        %add3A_1397 = arith.addi %gather3A_1384, %add3A_266 : vector<16xi32>
        %gather3A_1398 = tpu.vector_load_idx %arg25[%broadcast_in_dim3A_1374, %add3A_1397] : memref<160x128xf32, #tpu.memory_space<vmem>>[vector<16xi32>, vector<16xi32>], vector<16xf32>,
        %add3A_1399 = arith.addi %gather3A_1384, %add3A_269 : vector<16xi32>
        %gather3A_1400 = tpu.vector_load_idx %arg25[%broadcast_in_dim3A_1374, %add3A_1399] : memref<160x128xf32, #tpu.memory_space<vmem>>[vector<16xi32>, vector<16xi32>], vector<16xf32>,
        %mul3A_1401 = arith.mulf %sub3A_827, %gather3A_1386 : vector<16xf32>
        %mul3A_1402 = arith.mulf %sub3A_831, %gather3A_1388 : vector<16xf32>
        %add3A_1403 = arith.addf %mul3A_1401, %mul3A_1402 : vector<16xf32>
        %mul3A_1404 = arith.mulf %sub3A_835, %gather3A_1390 : vector<16xf32>
        %mul3A_1405 = arith.mulf %sub3A_839, %gather3A_1392 : vector<16xf32>
        %add3A_1406 = arith.addf %mul3A_1404, %mul3A_1405 : vector<16xf32>
        %add3A_1407 = arith.addf %add3A_1403, %add3A_1406 : vector<16xf32>
        %mul3A_1408 = arith.mulf %mul3A_842, %gather3A_1394 : vector<16xf32>
        %mul3A_1409 = arith.mulf %mul3A_845, %gather3A_1396 : vector<16xf32>
        %add3A_1410 = arith.addf %mul3A_1408, %mul3A_1409 : vector<16xf32>
        %mul3A_1411 = arith.mulf %mul3A_848, %gather3A_1398 : vector<16xf32>
        %mul3A_1412 = arith.mulf %mul3A_851, %gather3A_1400 : vector<16xf32>
        %add3A_1413 = arith.addf %mul3A_1411, %mul3A_1412 : vector<16xf32>
        %add3A_1414 = arith.addf %add3A_1410, %add3A_1413 : vector<16xf32>
        %get3A_1415 = arith.constant 160 : index
        %get3A_1416 = tpu.vector_load %arg33[%get3A_1415] {strides = array<i32>} : memref<320xf32, #tpu.memory_space<vmem>>, vector<16xf32>,
        %add3A_1417 = arith.addf %add3A_1407, %add3A_1414 : vector<16xf32>
        %mul3A_1418 = arith.mulf %get3A_1416, %add3A_1417 : vector<16xf32>
        %add3A_1419 = arith.addf %add3A_1227, %mul3A_1418 : vector<16xf32>
        %add3A_1420 = arith.constant 11 : i32
        %add3A_1421 = arith.addi %mul3A_800, %add3A_1420 : i32
        %broadcast_in_dim3A_1422 = vector.broadcast %add3A_1421 : i32 to vector<16xi32>
        %broadcast_in_dim3A_1423 = arith.constant 11 : i32
        %broadcast_in_dim3A_1424 = vector.broadcast %broadcast_in_dim3A_1423 : i32 to vector<16xi32>
        %broadcast_in_dim3A_1425 = vector.shape_cast %broadcast_in_dim3A_1424 : vector<16xi32> to vector<16x1xi32>
        %gather3A_1426 = vector.shape_cast %broadcast_in_dim3A_1425 : vector<16x1xi32> to vector<16xi32>
        %gather3A_1427 = tpu.dynamic_gather %mul3A_873[%gather3A_1426] in [0] : vector<16xi32>, vector<16xi32> -> vector<16xi32>
        %broadcast_in_dim3A_1428 = arith.constant 11 : i32
        %broadcast_in_dim3A_1429 = vector.broadcast %broadcast_in_dim3A_1428 : i32 to vector<16xi32>
        %broadcast_in_dim3A_1430 = vector.shape_cast %broadcast_in_dim3A_1429 : vector<16xi32> to vector<16x1xi32>
        %gather3A_1431 = vector.shape_cast %broadcast_in_dim3A_1430 : vector<16x1xi32> to vector<16xi32>
        %gather3A_1432 = tpu.dynamic_gather %mul3A_885[%gather3A_1431] in [0] : vector<16xi32>, vector<16xi32> -> vector<16xi32>
        %add3A_1433 = arith.addi %gather3A_1427, %add3A_260 : vector<16xi32>
        %gather3A_1434 = tpu.vector_load_idx %arg24[%broadcast_in_dim3A_1422, %add3A_1433] : memref<160x128xf32, #tpu.memory_space<vmem>>[vector<16xi32>, vector<16xi32>], vector<16xf32>,
        %add3A_1435 = arith.addi %gather3A_1427, %add3A_263 : vector<16xi32>
        %gather3A_1436 = tpu.vector_load_idx %arg24[%broadcast_in_dim3A_1422, %add3A_1435] : memref<160x128xf32, #tpu.memory_space<vmem>>[vector<16xi32>, vector<16xi32>], vector<16xf32>,
        %add3A_1437 = arith.addi %gather3A_1427, %add3A_266 : vector<16xi32>
        %gather3A_1438 = tpu.vector_load_idx %arg24[%broadcast_in_dim3A_1422, %add3A_1437] : memref<160x128xf32, #tpu.memory_space<vmem>>[vector<16xi32>, vector<16xi32>], vector<16xf32>,
        %add3A_1439 = arith.addi %gather3A_1427, %add3A_269 : vector<16xi32>
        %gather3A_1440 = tpu.vector_load_idx %arg24[%broadcast_in_dim3A_1422, %add3A_1439] : memref<160x128xf32, #tpu.memory_space<vmem>>[vector<16xi32>, vector<16xi32>], vector<16xf32>,
        %add3A_1441 = arith.addi %gather3A_1432, %add3A_260 : vector<16xi32>
        %gather3A_1442 = tpu.vector_load_idx %arg25[%broadcast_in_dim3A_1422, %add3A_1441] : memref<160x128xf32, #tpu.memory_space<vmem>>[vector<16xi32>, vector<16xi32>], vector<16xf32>,
        %add3A_1443 = arith.addi %gather3A_1432, %add3A_263 : vector<16xi32>
        %gather3A_1444 = tpu.vector_load_idx %arg25[%broadcast_in_dim3A_1422, %add3A_1443] : memref<160x128xf32, #tpu.memory_space<vmem>>[vector<16xi32>, vector<16xi32>], vector<16xf32>,
        %add3A_1445 = arith.addi %gather3A_1432, %add3A_266 : vector<16xi32>
        %gather3A_1446 = tpu.vector_load_idx %arg25[%broadcast_in_dim3A_1422, %add3A_1445] : memref<160x128xf32, #tpu.memory_space<vmem>>[vector<16xi32>, vector<16xi32>], vector<16xf32>,
        %add3A_1447 = arith.addi %gather3A_1432, %add3A_269 : vector<16xi32>
        %gather3A_1448 = tpu.vector_load_idx %arg25[%broadcast_in_dim3A_1422, %add3A_1447] : memref<160x128xf32, #tpu.memory_space<vmem>>[vector<16xi32>, vector<16xi32>], vector<16xf32>,
        %mul3A_1449 = arith.mulf %sub3A_827, %gather3A_1434 : vector<16xf32>
        %mul3A_1450 = arith.mulf %sub3A_831, %gather3A_1436 : vector<16xf32>
        %add3A_1451 = arith.addf %mul3A_1449, %mul3A_1450 : vector<16xf32>
        %mul3A_1452 = arith.mulf %sub3A_835, %gather3A_1438 : vector<16xf32>
        %mul3A_1453 = arith.mulf %sub3A_839, %gather3A_1440 : vector<16xf32>
        %add3A_1454 = arith.addf %mul3A_1452, %mul3A_1453 : vector<16xf32>
        %add3A_1455 = arith.addf %add3A_1451, %add3A_1454 : vector<16xf32>
        %mul3A_1456 = arith.mulf %mul3A_842, %gather3A_1442 : vector<16xf32>
        %mul3A_1457 = arith.mulf %mul3A_845, %gather3A_1444 : vector<16xf32>
        %add3A_1458 = arith.addf %mul3A_1456, %mul3A_1457 : vector<16xf32>
        %mul3A_1459 = arith.mulf %mul3A_848, %gather3A_1446 : vector<16xf32>
        %mul3A_1460 = arith.mulf %mul3A_851, %gather3A_1448 : vector<16xf32>
        %add3A_1461 = arith.addf %mul3A_1459, %mul3A_1460 : vector<16xf32>
        %add3A_1462 = arith.addf %add3A_1458, %add3A_1461 : vector<16xf32>
        %get3A_1463 = arith.constant 176 : index
        %get3A_1464 = tpu.vector_load %arg33[%get3A_1463] {strides = array<i32>} : memref<320xf32, #tpu.memory_space<vmem>>, vector<16xf32>,
        %add3A_1465 = arith.addf %add3A_1455, %add3A_1462 : vector<16xf32>
        %mul3A_1466 = arith.mulf %get3A_1464, %add3A_1465 : vector<16xf32>
        %add3A_1467 = arith.addf %add3A_1275, %mul3A_1466 : vector<16xf32>
        %add3A_1468 = arith.constant 12 : i32
        %add3A_1469 = arith.addi %mul3A_800, %add3A_1468 : i32
        %broadcast_in_dim3A_1470 = vector.broadcast %add3A_1469 : i32 to vector<16xi32>
        %broadcast_in_dim3A_1471 = arith.constant 12 : i32
        %broadcast_in_dim3A_1472 = vector.broadcast %broadcast_in_dim3A_1471 : i32 to vector<16xi32>
        %broadcast_in_dim3A_1473 = vector.shape_cast %broadcast_in_dim3A_1472 : vector<16xi32> to vector<16x1xi32>
        %gather3A_1474 = vector.shape_cast %broadcast_in_dim3A_1473 : vector<16x1xi32> to vector<16xi32>
        %gather3A_1475 = tpu.dynamic_gather %mul3A_873[%gather3A_1474] in [0] : vector<16xi32>, vector<16xi32> -> vector<16xi32>
        %broadcast_in_dim3A_1476 = arith.constant 12 : i32
        %broadcast_in_dim3A_1477 = vector.broadcast %broadcast_in_dim3A_1476 : i32 to vector<16xi32>
        %broadcast_in_dim3A_1478 = vector.shape_cast %broadcast_in_dim3A_1477 : vector<16xi32> to vector<16x1xi32>
        %gather3A_1479 = vector.shape_cast %broadcast_in_dim3A_1478 : vector<16x1xi32> to vector<16xi32>
        %gather3A_1480 = tpu.dynamic_gather %mul3A_885[%gather3A_1479] in [0] : vector<16xi32>, vector<16xi32> -> vector<16xi32>
        %add3A_1481 = arith.addi %gather3A_1475, %add3A_260 : vector<16xi32>
        %gather3A_1482 = tpu.vector_load_idx %arg24[%broadcast_in_dim3A_1470, %add3A_1481] : memref<160x128xf32, #tpu.memory_space<vmem>>[vector<16xi32>, vector<16xi32>], vector<16xf32>,
        %add3A_1483 = arith.addi %gather3A_1475, %add3A_263 : vector<16xi32>
        %gather3A_1484 = tpu.vector_load_idx %arg24[%broadcast_in_dim3A_1470, %add3A_1483] : memref<160x128xf32, #tpu.memory_space<vmem>>[vector<16xi32>, vector<16xi32>], vector<16xf32>,
        %add3A_1485 = arith.addi %gather3A_1475, %add3A_266 : vector<16xi32>
        %gather3A_1486 = tpu.vector_load_idx %arg24[%broadcast_in_dim3A_1470, %add3A_1485] : memref<160x128xf32, #tpu.memory_space<vmem>>[vector<16xi32>, vector<16xi32>], vector<16xf32>,
        %add3A_1487 = arith.addi %gather3A_1475, %add3A_269 : vector<16xi32>
        %gather3A_1488 = tpu.vector_load_idx %arg24[%broadcast_in_dim3A_1470, %add3A_1487] : memref<160x128xf32, #tpu.memory_space<vmem>>[vector<16xi32>, vector<16xi32>], vector<16xf32>,
        %add3A_1489 = arith.addi %gather3A_1480, %add3A_260 : vector<16xi32>
        %gather3A_1490 = tpu.vector_load_idx %arg25[%broadcast_in_dim3A_1470, %add3A_1489] : memref<160x128xf32, #tpu.memory_space<vmem>>[vector<16xi32>, vector<16xi32>], vector<16xf32>,
        %add3A_1491 = arith.addi %gather3A_1480, %add3A_263 : vector<16xi32>
        %gather3A_1492 = tpu.vector_load_idx %arg25[%broadcast_in_dim3A_1470, %add3A_1491] : memref<160x128xf32, #tpu.memory_space<vmem>>[vector<16xi32>, vector<16xi32>], vector<16xf32>,
        %add3A_1493 = arith.addi %gather3A_1480, %add3A_266 : vector<16xi32>
        %gather3A_1494 = tpu.vector_load_idx %arg25[%broadcast_in_dim3A_1470, %add3A_1493] : memref<160x128xf32, #tpu.memory_space<vmem>>[vector<16xi32>, vector<16xi32>], vector<16xf32>,
        %add3A_1495 = arith.addi %gather3A_1480, %add3A_269 : vector<16xi32>
        %gather3A_1496 = tpu.vector_load_idx %arg25[%broadcast_in_dim3A_1470, %add3A_1495] : memref<160x128xf32, #tpu.memory_space<vmem>>[vector<16xi32>, vector<16xi32>], vector<16xf32>,
        %mul3A_1497 = arith.mulf %sub3A_827, %gather3A_1482 : vector<16xf32>
        %mul3A_1498 = arith.mulf %sub3A_831, %gather3A_1484 : vector<16xf32>
        %add3A_1499 = arith.addf %mul3A_1497, %mul3A_1498 : vector<16xf32>
        %mul3A_1500 = arith.mulf %sub3A_835, %gather3A_1486 : vector<16xf32>
        %mul3A_1501 = arith.mulf %sub3A_839, %gather3A_1488 : vector<16xf32>
        %add3A_1502 = arith.addf %mul3A_1500, %mul3A_1501 : vector<16xf32>
        %add3A_1503 = arith.addf %add3A_1499, %add3A_1502 : vector<16xf32>
        %mul3A_1504 = arith.mulf %mul3A_842, %gather3A_1490 : vector<16xf32>
        %mul3A_1505 = arith.mulf %mul3A_845, %gather3A_1492 : vector<16xf32>
        %add3A_1506 = arith.addf %mul3A_1504, %mul3A_1505 : vector<16xf32>
        %mul3A_1507 = arith.mulf %mul3A_848, %gather3A_1494 : vector<16xf32>
        %mul3A_1508 = arith.mulf %mul3A_851, %gather3A_1496 : vector<16xf32>
        %add3A_1509 = arith.addf %mul3A_1507, %mul3A_1508 : vector<16xf32>
        %add3A_1510 = arith.addf %add3A_1506, %add3A_1509 : vector<16xf32>
        %get3A_1511 = arith.constant 192 : index
        %get3A_1512 = tpu.vector_load %arg33[%get3A_1511] {strides = array<i32>} : memref<320xf32, #tpu.memory_space<vmem>>, vector<16xf32>,
        %add3A_1513 = arith.addf %add3A_1503, %add3A_1510 : vector<16xf32>
        %mul3A_1514 = arith.mulf %get3A_1512, %add3A_1513 : vector<16xf32>
        %add3A_1515 = arith.addf %add3A_1323, %mul3A_1514 : vector<16xf32>
        %add3A_1516 = arith.constant 13 : i32
        %add3A_1517 = arith.addi %mul3A_800, %add3A_1516 : i32
        %broadcast_in_dim3A_1518 = vector.broadcast %add3A_1517 : i32 to vector<16xi32>
        %broadcast_in_dim3A_1519 = arith.constant 13 : i32
        %broadcast_in_dim3A_1520 = vector.broadcast %broadcast_in_dim3A_1519 : i32 to vector<16xi32>
        %broadcast_in_dim3A_1521 = vector.shape_cast %broadcast_in_dim3A_1520 : vector<16xi32> to vector<16x1xi32>
        %gather3A_1522 = vector.shape_cast %broadcast_in_dim3A_1521 : vector<16x1xi32> to vector<16xi32>
        %gather3A_1523 = tpu.dynamic_gather %mul3A_873[%gather3A_1522] in [0] : vector<16xi32>, vector<16xi32> -> vector<16xi32>
        %broadcast_in_dim3A_1524 = arith.constant 13 : i32
        %broadcast_in_dim3A_1525 = vector.broadcast %broadcast_in_dim3A_1524 : i32 to vector<16xi32>
        %broadcast_in_dim3A_1526 = vector.shape_cast %broadcast_in_dim3A_1525 : vector<16xi32> to vector<16x1xi32>
        %gather3A_1527 = vector.shape_cast %broadcast_in_dim3A_1526 : vector<16x1xi32> to vector<16xi32>
        %gather3A_1528 = tpu.dynamic_gather %mul3A_885[%gather3A_1527] in [0] : vector<16xi32>, vector<16xi32> -> vector<16xi32>
        %add3A_1529 = arith.addi %gather3A_1523, %add3A_260 : vector<16xi32>
        %gather3A_1530 = tpu.vector_load_idx %arg24[%broadcast_in_dim3A_1518, %add3A_1529] : memref<160x128xf32, #tpu.memory_space<vmem>>[vector<16xi32>, vector<16xi32>], vector<16xf32>,
        %add3A_1531 = arith.addi %gather3A_1523, %add3A_263 : vector<16xi32>
        %gather3A_1532 = tpu.vector_load_idx %arg24[%broadcast_in_dim3A_1518, %add3A_1531] : memref<160x128xf32, #tpu.memory_space<vmem>>[vector<16xi32>, vector<16xi32>], vector<16xf32>,
        %add3A_1533 = arith.addi %gather3A_1523, %add3A_266 : vector<16xi32>
        %gather3A_1534 = tpu.vector_load_idx %arg24[%broadcast_in_dim3A_1518, %add3A_1533] : memref<160x128xf32, #tpu.memory_space<vmem>>[vector<16xi32>, vector<16xi32>], vector<16xf32>,
        %add3A_1535 = arith.addi %gather3A_1523, %add3A_269 : vector<16xi32>
        %gather3A_1536 = tpu.vector_load_idx %arg24[%broadcast_in_dim3A_1518, %add3A_1535] : memref<160x128xf32, #tpu.memory_space<vmem>>[vector<16xi32>, vector<16xi32>], vector<16xf32>,
        %add3A_1537 = arith.addi %gather3A_1528, %add3A_260 : vector<16xi32>
        %gather3A_1538 = tpu.vector_load_idx %arg25[%broadcast_in_dim3A_1518, %add3A_1537] : memref<160x128xf32, #tpu.memory_space<vmem>>[vector<16xi32>, vector<16xi32>], vector<16xf32>,
        %add3A_1539 = arith.addi %gather3A_1528, %add3A_263 : vector<16xi32>
        %gather3A_1540 = tpu.vector_load_idx %arg25[%broadcast_in_dim3A_1518, %add3A_1539] : memref<160x128xf32, #tpu.memory_space<vmem>>[vector<16xi32>, vector<16xi32>], vector<16xf32>,
        %add3A_1541 = arith.addi %gather3A_1528, %add3A_266 : vector<16xi32>
        %gather3A_1542 = tpu.vector_load_idx %arg25[%broadcast_in_dim3A_1518, %add3A_1541] : memref<160x128xf32, #tpu.memory_space<vmem>>[vector<16xi32>, vector<16xi32>], vector<16xf32>,
        %add3A_1543 = arith.addi %gather3A_1528, %add3A_269 : vector<16xi32>
        %gather3A_1544 = tpu.vector_load_idx %arg25[%broadcast_in_dim3A_1518, %add3A_1543] : memref<160x128xf32, #tpu.memory_space<vmem>>[vector<16xi32>, vector<16xi32>], vector<16xf32>,
        %mul3A_1545 = arith.mulf %sub3A_827, %gather3A_1530 : vector<16xf32>
        %mul3A_1546 = arith.mulf %sub3A_831, %gather3A_1532 : vector<16xf32>
        %add3A_1547 = arith.addf %mul3A_1545, %mul3A_1546 : vector<16xf32>
        %mul3A_1548 = arith.mulf %sub3A_835, %gather3A_1534 : vector<16xf32>
        %mul3A_1549 = arith.mulf %sub3A_839, %gather3A_1536 : vector<16xf32>
        %add3A_1550 = arith.addf %mul3A_1548, %mul3A_1549 : vector<16xf32>
        %add3A_1551 = arith.addf %add3A_1547, %add3A_1550 : vector<16xf32>
        %mul3A_1552 = arith.mulf %mul3A_842, %gather3A_1538 : vector<16xf32>
        %mul3A_1553 = arith.mulf %mul3A_845, %gather3A_1540 : vector<16xf32>
        %add3A_1554 = arith.addf %mul3A_1552, %mul3A_1553 : vector<16xf32>
        %mul3A_1555 = arith.mulf %mul3A_848, %gather3A_1542 : vector<16xf32>
        %mul3A_1556 = arith.mulf %mul3A_851, %gather3A_1544 : vector<16xf32>
        %add3A_1557 = arith.addf %mul3A_1555, %mul3A_1556 : vector<16xf32>
        %add3A_1558 = arith.addf %add3A_1554, %add3A_1557 : vector<16xf32>
        %get3A_1559 = arith.constant 208 : index
        %get3A_1560 = tpu.vector_load %arg33[%get3A_1559] {strides = array<i32>} : memref<320xf32, #tpu.memory_space<vmem>>, vector<16xf32>,
        %add3A_1561 = arith.addf %add3A_1551, %add3A_1558 : vector<16xf32>
        %mul3A_1562 = arith.mulf %get3A_1560, %add3A_1561 : vector<16xf32>
        %add3A_1563 = arith.addf %add3A_1371, %mul3A_1562 : vector<16xf32>
        %add3A_1564 = arith.constant 14 : i32
        %add3A_1565 = arith.addi %mul3A_800, %add3A_1564 : i32
        %broadcast_in_dim3A_1566 = vector.broadcast %add3A_1565 : i32 to vector<16xi32>
        %broadcast_in_dim3A_1567 = arith.constant 14 : i32
        %broadcast_in_dim3A_1568 = vector.broadcast %broadcast_in_dim3A_1567 : i32 to vector<16xi32>
        %broadcast_in_dim3A_1569 = vector.shape_cast %broadcast_in_dim3A_1568 : vector<16xi32> to vector<16x1xi32>
        %gather3A_1570 = vector.shape_cast %broadcast_in_dim3A_1569 : vector<16x1xi32> to vector<16xi32>
        %gather3A_1571 = tpu.dynamic_gather %mul3A_873[%gather3A_1570] in [0] : vector<16xi32>, vector<16xi32> -> vector<16xi32>
        %broadcast_in_dim3A_1572 = arith.constant 14 : i32
        %broadcast_in_dim3A_1573 = vector.broadcast %broadcast_in_dim3A_1572 : i32 to vector<16xi32>
        %broadcast_in_dim3A_1574 = vector.shape_cast %broadcast_in_dim3A_1573 : vector<16xi32> to vector<16x1xi32>
        %gather3A_1575 = vector.shape_cast %broadcast_in_dim3A_1574 : vector<16x1xi32> to vector<16xi32>
        %gather3A_1576 = tpu.dynamic_gather %mul3A_885[%gather3A_1575] in [0] : vector<16xi32>, vector<16xi32> -> vector<16xi32>
        %add3A_1577 = arith.addi %gather3A_1571, %add3A_260 : vector<16xi32>
        %gather3A_1578 = tpu.vector_load_idx %arg24[%broadcast_in_dim3A_1566, %add3A_1577] : memref<160x128xf32, #tpu.memory_space<vmem>>[vector<16xi32>, vector<16xi32>], vector<16xf32>,
        %add3A_1579 = arith.addi %gather3A_1571, %add3A_263 : vector<16xi32>
        %gather3A_1580 = tpu.vector_load_idx %arg24[%broadcast_in_dim3A_1566, %add3A_1579] : memref<160x128xf32, #tpu.memory_space<vmem>>[vector<16xi32>, vector<16xi32>], vector<16xf32>,
        %add3A_1581 = arith.addi %gather3A_1571, %add3A_266 : vector<16xi32>
        %gather3A_1582 = tpu.vector_load_idx %arg24[%broadcast_in_dim3A_1566, %add3A_1581] : memref<160x128xf32, #tpu.memory_space<vmem>>[vector<16xi32>, vector<16xi32>], vector<16xf32>,
        %add3A_1583 = arith.addi %gather3A_1571, %add3A_269 : vector<16xi32>
        %gather3A_1584 = tpu.vector_load_idx %arg24[%broadcast_in_dim3A_1566, %add3A_1583] : memref<160x128xf32, #tpu.memory_space<vmem>>[vector<16xi32>, vector<16xi32>], vector<16xf32>,
        %add3A_1585 = arith.addi %gather3A_1576, %add3A_260 : vector<16xi32>
        %gather3A_1586 = tpu.vector_load_idx %arg25[%broadcast_in_dim3A_1566, %add3A_1585] : memref<160x128xf32, #tpu.memory_space<vmem>>[vector<16xi32>, vector<16xi32>], vector<16xf32>,
        %add3A_1587 = arith.addi %gather3A_1576, %add3A_263 : vector<16xi32>
        %gather3A_1588 = tpu.vector_load_idx %arg25[%broadcast_in_dim3A_1566, %add3A_1587] : memref<160x128xf32, #tpu.memory_space<vmem>>[vector<16xi32>, vector<16xi32>], vector<16xf32>,
        %add3A_1589 = arith.addi %gather3A_1576, %add3A_266 : vector<16xi32>
        %gather3A_1590 = tpu.vector_load_idx %arg25[%broadcast_in_dim3A_1566, %add3A_1589] : memref<160x128xf32, #tpu.memory_space<vmem>>[vector<16xi32>, vector<16xi32>], vector<16xf32>,
        %add3A_1591 = arith.addi %gather3A_1576, %add3A_269 : vector<16xi32>
        %gather3A_1592 = tpu.vector_load_idx %arg25[%broadcast_in_dim3A_1566, %add3A_1591] : memref<160x128xf32, #tpu.memory_space<vmem>>[vector<16xi32>, vector<16xi32>], vector<16xf32>,
        %mul3A_1593 = arith.mulf %sub3A_827, %gather3A_1578 : vector<16xf32>
        %mul3A_1594 = arith.mulf %sub3A_831, %gather3A_1580 : vector<16xf32>
        %add3A_1595 = arith.addf %mul3A_1593, %mul3A_1594 : vector<16xf32>
        %mul3A_1596 = arith.mulf %sub3A_835, %gather3A_1582 : vector<16xf32>
        %mul3A_1597 = arith.mulf %sub3A_839, %gather3A_1584 : vector<16xf32>
        %add3A_1598 = arith.addf %mul3A_1596, %mul3A_1597 : vector<16xf32>
        %add3A_1599 = arith.addf %add3A_1595, %add3A_1598 : vector<16xf32>
        %mul3A_1600 = arith.mulf %mul3A_842, %gather3A_1586 : vector<16xf32>
        %mul3A_1601 = arith.mulf %mul3A_845, %gather3A_1588 : vector<16xf32>
        %add3A_1602 = arith.addf %mul3A_1600, %mul3A_1601 : vector<16xf32>
        %mul3A_1603 = arith.mulf %mul3A_848, %gather3A_1590 : vector<16xf32>
        %mul3A_1604 = arith.mulf %mul3A_851, %gather3A_1592 : vector<16xf32>
        %add3A_1605 = arith.addf %mul3A_1603, %mul3A_1604 : vector<16xf32>
        %add3A_1606 = arith.addf %add3A_1602, %add3A_1605 : vector<16xf32>
        %get3A_1607 = arith.constant 224 : index
        %get3A_1608 = tpu.vector_load %arg33[%get3A_1607] {strides = array<i32>} : memref<320xf32, #tpu.memory_space<vmem>>, vector<16xf32>,
        %add3A_1609 = arith.addf %add3A_1599, %add3A_1606 : vector<16xf32>
        %mul3A_1610 = arith.mulf %get3A_1608, %add3A_1609 : vector<16xf32>
        %add3A_1611 = arith.addf %add3A_1419, %mul3A_1610 : vector<16xf32>
        %add3A_1612 = arith.constant 15 : i32
        %add3A_1613 = arith.addi %mul3A_800, %add3A_1612 : i32
        %broadcast_in_dim3A_1614 = vector.broadcast %add3A_1613 : i32 to vector<16xi32>
        %broadcast_in_dim3A_1615 = arith.constant 15 : i32
        %broadcast_in_dim3A_1616 = vector.broadcast %broadcast_in_dim3A_1615 : i32 to vector<16xi32>
        %broadcast_in_dim3A_1617 = vector.shape_cast %broadcast_in_dim3A_1616 : vector<16xi32> to vector<16x1xi32>
        %gather3A_1618 = vector.shape_cast %broadcast_in_dim3A_1617 : vector<16x1xi32> to vector<16xi32>
        %gather3A_1619 = tpu.dynamic_gather %mul3A_873[%gather3A_1618] in [0] : vector<16xi32>, vector<16xi32> -> vector<16xi32>
        %broadcast_in_dim3A_1620 = arith.constant 15 : i32
        %broadcast_in_dim3A_1621 = vector.broadcast %broadcast_in_dim3A_1620 : i32 to vector<16xi32>
        %broadcast_in_dim3A_1622 = vector.shape_cast %broadcast_in_dim3A_1621 : vector<16xi32> to vector<16x1xi32>
        %gather3A_1623 = vector.shape_cast %broadcast_in_dim3A_1622 : vector<16x1xi32> to vector<16xi32>
        %gather3A_1624 = tpu.dynamic_gather %mul3A_885[%gather3A_1623] in [0] : vector<16xi32>, vector<16xi32> -> vector<16xi32>
        %add3A_1625 = arith.addi %gather3A_1619, %add3A_260 : vector<16xi32>
        %gather3A_1626 = tpu.vector_load_idx %arg24[%broadcast_in_dim3A_1614, %add3A_1625] : memref<160x128xf32, #tpu.memory_space<vmem>>[vector<16xi32>, vector<16xi32>], vector<16xf32>,
        %add3A_1627 = arith.addi %gather3A_1619, %add3A_263 : vector<16xi32>
        %gather3A_1628 = tpu.vector_load_idx %arg24[%broadcast_in_dim3A_1614, %add3A_1627] : memref<160x128xf32, #tpu.memory_space<vmem>>[vector<16xi32>, vector<16xi32>], vector<16xf32>,
        %add3A_1629 = arith.addi %gather3A_1619, %add3A_266 : vector<16xi32>
        %gather3A_1630 = tpu.vector_load_idx %arg24[%broadcast_in_dim3A_1614, %add3A_1629] : memref<160x128xf32, #tpu.memory_space<vmem>>[vector<16xi32>, vector<16xi32>], vector<16xf32>,
        %add3A_1631 = arith.addi %gather3A_1619, %add3A_269 : vector<16xi32>
        %gather3A_1632 = tpu.vector_load_idx %arg24[%broadcast_in_dim3A_1614, %add3A_1631] : memref<160x128xf32, #tpu.memory_space<vmem>>[vector<16xi32>, vector<16xi32>], vector<16xf32>,
        %add3A_1633 = arith.addi %gather3A_1624, %add3A_260 : vector<16xi32>
        %gather3A_1634 = tpu.vector_load_idx %arg25[%broadcast_in_dim3A_1614, %add3A_1633] : memref<160x128xf32, #tpu.memory_space<vmem>>[vector<16xi32>, vector<16xi32>], vector<16xf32>,
        %add3A_1635 = arith.addi %gather3A_1624, %add3A_263 : vector<16xi32>
        %gather3A_1636 = tpu.vector_load_idx %arg25[%broadcast_in_dim3A_1614, %add3A_1635] : memref<160x128xf32, #tpu.memory_space<vmem>>[vector<16xi32>, vector<16xi32>], vector<16xf32>,
        %add3A_1637 = arith.addi %gather3A_1624, %add3A_266 : vector<16xi32>
        %gather3A_1638 = tpu.vector_load_idx %arg25[%broadcast_in_dim3A_1614, %add3A_1637] : memref<160x128xf32, #tpu.memory_space<vmem>>[vector<16xi32>, vector<16xi32>], vector<16xf32>,
        %add3A_1639 = arith.addi %gather3A_1624, %add3A_269 : vector<16xi32>
        %gather3A_1640 = tpu.vector_load_idx %arg25[%broadcast_in_dim3A_1614, %add3A_1639] : memref<160x128xf32, #tpu.memory_space<vmem>>[vector<16xi32>, vector<16xi32>], vector<16xf32>,
        %mul3A_1641 = arith.mulf %sub3A_827, %gather3A_1626 : vector<16xf32>
        %mul3A_1642 = arith.mulf %sub3A_831, %gather3A_1628 : vector<16xf32>
        %add3A_1643 = arith.addf %mul3A_1641, %mul3A_1642 : vector<16xf32>
        %mul3A_1644 = arith.mulf %sub3A_835, %gather3A_1630 : vector<16xf32>
        %mul3A_1645 = arith.mulf %sub3A_839, %gather3A_1632 : vector<16xf32>
        %add3A_1646 = arith.addf %mul3A_1644, %mul3A_1645 : vector<16xf32>
        %add3A_1647 = arith.addf %add3A_1643, %add3A_1646 : vector<16xf32>
        %mul3A_1648 = arith.mulf %mul3A_842, %gather3A_1634 : vector<16xf32>
        %mul3A_1649 = arith.mulf %mul3A_845, %gather3A_1636 : vector<16xf32>
        %add3A_1650 = arith.addf %mul3A_1648, %mul3A_1649 : vector<16xf32>
        %mul3A_1651 = arith.mulf %mul3A_848, %gather3A_1638 : vector<16xf32>
        %mul3A_1652 = arith.mulf %mul3A_851, %gather3A_1640 : vector<16xf32>
        %add3A_1653 = arith.addf %mul3A_1651, %mul3A_1652 : vector<16xf32>
        %add3A_1654 = arith.addf %add3A_1650, %add3A_1653 : vector<16xf32>
        %get3A_1655 = arith.constant 240 : index
        %get3A_1656 = tpu.vector_load %arg33[%get3A_1655] {strides = array<i32>} : memref<320xf32, #tpu.memory_space<vmem>>, vector<16xf32>,
        %add3A_1657 = arith.addf %add3A_1647, %add3A_1654 : vector<16xf32>
        %mul3A_1658 = arith.mulf %get3A_1656, %add3A_1657 : vector<16xf32>
        %add3A_1659 = arith.addf %add3A_1467, %mul3A_1658 : vector<16xf32>
        %add3A_1660 = arith.constant 16 : i32
        %add3A_1661 = arith.addi %mul3A_800, %add3A_1660 : i32
        %broadcast_in_dim3A_1662 = vector.broadcast %add3A_1661 : i32 to vector<16xi32>
        %broadcast_in_dim3A_1663 = arith.constant 12 : i32
        %broadcast_in_dim3A_1664 = vector.broadcast %broadcast_in_dim3A_1663 : i32 to vector<16xi32>
        %broadcast_in_dim3A_1665 = vector.shape_cast %broadcast_in_dim3A_1664 : vector<16xi32> to vector<16x1xi32>
        %gather3A_1666 = vector.shape_cast %broadcast_in_dim3A_1665 : vector<16x1xi32> to vector<16xi32>
        %gather3A_1667 = tpu.dynamic_gather %mul3A_879[%gather3A_1666] in [0] : vector<16xi32>, vector<16xi32> -> vector<16xi32>
        %broadcast_in_dim3A_1668 = arith.constant 12 : i32
        %broadcast_in_dim3A_1669 = vector.broadcast %broadcast_in_dim3A_1668 : i32 to vector<16xi32>
        %broadcast_in_dim3A_1670 = vector.shape_cast %broadcast_in_dim3A_1669 : vector<16xi32> to vector<16x1xi32>
        %gather3A_1671 = vector.shape_cast %broadcast_in_dim3A_1670 : vector<16x1xi32> to vector<16xi32>
        %gather3A_1672 = tpu.dynamic_gather %mul3A_891[%gather3A_1671] in [0] : vector<16xi32>, vector<16xi32> -> vector<16xi32>
        %add3A_1673 = arith.addi %gather3A_1667, %add3A_260 : vector<16xi32>
        %gather3A_1674 = tpu.vector_load_idx %arg24[%broadcast_in_dim3A_1662, %add3A_1673] : memref<160x128xf32, #tpu.memory_space<vmem>>[vector<16xi32>, vector<16xi32>], vector<16xf32>,
        %add3A_1675 = arith.addi %gather3A_1667, %add3A_263 : vector<16xi32>
        %gather3A_1676 = tpu.vector_load_idx %arg24[%broadcast_in_dim3A_1662, %add3A_1675] : memref<160x128xf32, #tpu.memory_space<vmem>>[vector<16xi32>, vector<16xi32>], vector<16xf32>,
        %add3A_1677 = arith.addi %gather3A_1667, %add3A_266 : vector<16xi32>
        %gather3A_1678 = tpu.vector_load_idx %arg24[%broadcast_in_dim3A_1662, %add3A_1677] : memref<160x128xf32, #tpu.memory_space<vmem>>[vector<16xi32>, vector<16xi32>], vector<16xf32>,
        %add3A_1679 = arith.addi %gather3A_1667, %add3A_269 : vector<16xi32>
        %gather3A_1680 = tpu.vector_load_idx %arg24[%broadcast_in_dim3A_1662, %add3A_1679] : memref<160x128xf32, #tpu.memory_space<vmem>>[vector<16xi32>, vector<16xi32>], vector<16xf32>,
        %add3A_1681 = arith.addi %gather3A_1672, %add3A_260 : vector<16xi32>
        %gather3A_1682 = tpu.vector_load_idx %arg25[%broadcast_in_dim3A_1662, %add3A_1681] : memref<160x128xf32, #tpu.memory_space<vmem>>[vector<16xi32>, vector<16xi32>], vector<16xf32>,
        %add3A_1683 = arith.addi %gather3A_1672, %add3A_263 : vector<16xi32>
        %gather3A_1684 = tpu.vector_load_idx %arg25[%broadcast_in_dim3A_1662, %add3A_1683] : memref<160x128xf32, #tpu.memory_space<vmem>>[vector<16xi32>, vector<16xi32>], vector<16xf32>,
        %add3A_1685 = arith.addi %gather3A_1672, %add3A_266 : vector<16xi32>
        %gather3A_1686 = tpu.vector_load_idx %arg25[%broadcast_in_dim3A_1662, %add3A_1685] : memref<160x128xf32, #tpu.memory_space<vmem>>[vector<16xi32>, vector<16xi32>], vector<16xf32>,
        %add3A_1687 = arith.addi %gather3A_1672, %add3A_269 : vector<16xi32>
        %gather3A_1688 = tpu.vector_load_idx %arg25[%broadcast_in_dim3A_1662, %add3A_1687] : memref<160x128xf32, #tpu.memory_space<vmem>>[vector<16xi32>, vector<16xi32>], vector<16xf32>,
        %mul3A_1689 = arith.mulf %sub3A_827, %gather3A_1674 : vector<16xf32>
        %mul3A_1690 = arith.mulf %sub3A_831, %gather3A_1676 : vector<16xf32>
        %add3A_1691 = arith.addf %mul3A_1689, %mul3A_1690 : vector<16xf32>
        %mul3A_1692 = arith.mulf %sub3A_835, %gather3A_1678 : vector<16xf32>
        %mul3A_1693 = arith.mulf %sub3A_839, %gather3A_1680 : vector<16xf32>
        %add3A_1694 = arith.addf %mul3A_1692, %mul3A_1693 : vector<16xf32>
        %add3A_1695 = arith.addf %add3A_1691, %add3A_1694 : vector<16xf32>
        %mul3A_1696 = arith.mulf %mul3A_842, %gather3A_1682 : vector<16xf32>
        %mul3A_1697 = arith.mulf %mul3A_845, %gather3A_1684 : vector<16xf32>
        %add3A_1698 = arith.addf %mul3A_1696, %mul3A_1697 : vector<16xf32>
        %mul3A_1699 = arith.mulf %mul3A_848, %gather3A_1686 : vector<16xf32>
        %mul3A_1700 = arith.mulf %mul3A_851, %gather3A_1688 : vector<16xf32>
        %add3A_1701 = arith.addf %mul3A_1699, %mul3A_1700 : vector<16xf32>
        %add3A_1702 = arith.addf %add3A_1698, %add3A_1701 : vector<16xf32>
        %get3A_1703 = arith.constant 256 : index
        %get3A_1704 = tpu.vector_load %arg33[%get3A_1703] {strides = array<i32>} : memref<320xf32, #tpu.memory_space<vmem>>, vector<16xf32>,
        %add3A_1705 = arith.addf %add3A_1695, %add3A_1702 : vector<16xf32>
        %mul3A_1706 = arith.mulf %get3A_1704, %add3A_1705 : vector<16xf32>
        %add3A_1707 = arith.addf %add3A_1515, %mul3A_1706 : vector<16xf32>
        %add3A_1708 = arith.constant 17 : i32
        %add3A_1709 = arith.addi %mul3A_800, %add3A_1708 : i32
        %broadcast_in_dim3A_1710 = vector.broadcast %add3A_1709 : i32 to vector<16xi32>
        %broadcast_in_dim3A_1711 = arith.constant 13 : i32
        %broadcast_in_dim3A_1712 = vector.broadcast %broadcast_in_dim3A_1711 : i32 to vector<16xi32>
        %broadcast_in_dim3A_1713 = vector.shape_cast %broadcast_in_dim3A_1712 : vector<16xi32> to vector<16x1xi32>
        %gather3A_1714 = vector.shape_cast %broadcast_in_dim3A_1713 : vector<16x1xi32> to vector<16xi32>
        %gather3A_1715 = tpu.dynamic_gather %mul3A_879[%gather3A_1714] in [0] : vector<16xi32>, vector<16xi32> -> vector<16xi32>
        %broadcast_in_dim3A_1716 = arith.constant 13 : i32
        %broadcast_in_dim3A_1717 = vector.broadcast %broadcast_in_dim3A_1716 : i32 to vector<16xi32>
        %broadcast_in_dim3A_1718 = vector.shape_cast %broadcast_in_dim3A_1717 : vector<16xi32> to vector<16x1xi32>
        %gather3A_1719 = vector.shape_cast %broadcast_in_dim3A_1718 : vector<16x1xi32> to vector<16xi32>
        %gather3A_1720 = tpu.dynamic_gather %mul3A_891[%gather3A_1719] in [0] : vector<16xi32>, vector<16xi32> -> vector<16xi32>
        %add3A_1721 = arith.addi %gather3A_1715, %add3A_260 : vector<16xi32>
        %gather3A_1722 = tpu.vector_load_idx %arg24[%broadcast_in_dim3A_1710, %add3A_1721] : memref<160x128xf32, #tpu.memory_space<vmem>>[vector<16xi32>, vector<16xi32>], vector<16xf32>,
        %add3A_1723 = arith.addi %gather3A_1715, %add3A_263 : vector<16xi32>
        %gather3A_1724 = tpu.vector_load_idx %arg24[%broadcast_in_dim3A_1710, %add3A_1723] : memref<160x128xf32, #tpu.memory_space<vmem>>[vector<16xi32>, vector<16xi32>], vector<16xf32>,
        %add3A_1725 = arith.addi %gather3A_1715, %add3A_266 : vector<16xi32>
        %gather3A_1726 = tpu.vector_load_idx %arg24[%broadcast_in_dim3A_1710, %add3A_1725] : memref<160x128xf32, #tpu.memory_space<vmem>>[vector<16xi32>, vector<16xi32>], vector<16xf32>,
        %add3A_1727 = arith.addi %gather3A_1715, %add3A_269 : vector<16xi32>
        %gather3A_1728 = tpu.vector_load_idx %arg24[%broadcast_in_dim3A_1710, %add3A_1727] : memref<160x128xf32, #tpu.memory_space<vmem>>[vector<16xi32>, vector<16xi32>], vector<16xf32>,
        %add3A_1729 = arith.addi %gather3A_1720, %add3A_260 : vector<16xi32>
        %gather3A_1730 = tpu.vector_load_idx %arg25[%broadcast_in_dim3A_1710, %add3A_1729] : memref<160x128xf32, #tpu.memory_space<vmem>>[vector<16xi32>, vector<16xi32>], vector<16xf32>,
        %add3A_1731 = arith.addi %gather3A_1720, %add3A_263 : vector<16xi32>
        %gather3A_1732 = tpu.vector_load_idx %arg25[%broadcast_in_dim3A_1710, %add3A_1731] : memref<160x128xf32, #tpu.memory_space<vmem>>[vector<16xi32>, vector<16xi32>], vector<16xf32>,
        %add3A_1733 = arith.addi %gather3A_1720, %add3A_266 : vector<16xi32>
        %gather3A_1734 = tpu.vector_load_idx %arg25[%broadcast_in_dim3A_1710, %add3A_1733] : memref<160x128xf32, #tpu.memory_space<vmem>>[vector<16xi32>, vector<16xi32>], vector<16xf32>,
        %add3A_1735 = arith.addi %gather3A_1720, %add3A_269 : vector<16xi32>
        %gather3A_1736 = tpu.vector_load_idx %arg25[%broadcast_in_dim3A_1710, %add3A_1735] : memref<160x128xf32, #tpu.memory_space<vmem>>[vector<16xi32>, vector<16xi32>], vector<16xf32>,
        %mul3A_1737 = arith.mulf %sub3A_827, %gather3A_1722 : vector<16xf32>
        %mul3A_1738 = arith.mulf %sub3A_831, %gather3A_1724 : vector<16xf32>
        %add3A_1739 = arith.addf %mul3A_1737, %mul3A_1738 : vector<16xf32>
        %mul3A_1740 = arith.mulf %sub3A_835, %gather3A_1726 : vector<16xf32>
        %mul3A_1741 = arith.mulf %sub3A_839, %gather3A_1728 : vector<16xf32>
        %add3A_1742 = arith.addf %mul3A_1740, %mul3A_1741 : vector<16xf32>
        %add3A_1743 = arith.addf %add3A_1739, %add3A_1742 : vector<16xf32>
        %mul3A_1744 = arith.mulf %mul3A_842, %gather3A_1730 : vector<16xf32>
        %mul3A_1745 = arith.mulf %mul3A_845, %gather3A_1732 : vector<16xf32>
        %add3A_1746 = arith.addf %mul3A_1744, %mul3A_1745 : vector<16xf32>
        %mul3A_1747 = arith.mulf %mul3A_848, %gather3A_1734 : vector<16xf32>
        %mul3A_1748 = arith.mulf %mul3A_851, %gather3A_1736 : vector<16xf32>
        %add3A_1749 = arith.addf %mul3A_1747, %mul3A_1748 : vector<16xf32>
        %add3A_1750 = arith.addf %add3A_1746, %add3A_1749 : vector<16xf32>
        %get3A_1751 = arith.constant 272 : index
        %get3A_1752 = tpu.vector_load %arg33[%get3A_1751] {strides = array<i32>} : memref<320xf32, #tpu.memory_space<vmem>>, vector<16xf32>,
        %add3A_1753 = arith.addf %add3A_1743, %add3A_1750 : vector<16xf32>
        %mul3A_1754 = arith.mulf %get3A_1752, %add3A_1753 : vector<16xf32>
        %add3A_1755 = arith.addf %add3A_1563, %mul3A_1754 : vector<16xf32>
        %add3A_1756 = arith.constant 18 : i32
        %add3A_1757 = arith.addi %mul3A_800, %add3A_1756 : i32
        %broadcast_in_dim3A_1758 = vector.broadcast %add3A_1757 : i32 to vector<16xi32>
        %broadcast_in_dim3A_1759 = arith.constant 14 : i32
        %broadcast_in_dim3A_1760 = vector.broadcast %broadcast_in_dim3A_1759 : i32 to vector<16xi32>
        %broadcast_in_dim3A_1761 = vector.shape_cast %broadcast_in_dim3A_1760 : vector<16xi32> to vector<16x1xi32>
        %gather3A_1762 = vector.shape_cast %broadcast_in_dim3A_1761 : vector<16x1xi32> to vector<16xi32>
        %gather3A_1763 = tpu.dynamic_gather %mul3A_879[%gather3A_1762] in [0] : vector<16xi32>, vector<16xi32> -> vector<16xi32>
        %broadcast_in_dim3A_1764 = arith.constant 14 : i32
        %broadcast_in_dim3A_1765 = vector.broadcast %broadcast_in_dim3A_1764 : i32 to vector<16xi32>
        %broadcast_in_dim3A_1766 = vector.shape_cast %broadcast_in_dim3A_1765 : vector<16xi32> to vector<16x1xi32>
        %gather3A_1767 = vector.shape_cast %broadcast_in_dim3A_1766 : vector<16x1xi32> to vector<16xi32>
        %gather3A_1768 = tpu.dynamic_gather %mul3A_891[%gather3A_1767] in [0] : vector<16xi32>, vector<16xi32> -> vector<16xi32>
        %add3A_1769 = arith.addi %gather3A_1763, %add3A_260 : vector<16xi32>
        %gather3A_1770 = tpu.vector_load_idx %arg24[%broadcast_in_dim3A_1758, %add3A_1769] : memref<160x128xf32, #tpu.memory_space<vmem>>[vector<16xi32>, vector<16xi32>], vector<16xf32>,
        %add3A_1771 = arith.addi %gather3A_1763, %add3A_263 : vector<16xi32>
        %gather3A_1772 = tpu.vector_load_idx %arg24[%broadcast_in_dim3A_1758, %add3A_1771] : memref<160x128xf32, #tpu.memory_space<vmem>>[vector<16xi32>, vector<16xi32>], vector<16xf32>,
        %add3A_1773 = arith.addi %gather3A_1763, %add3A_266 : vector<16xi32>
        %gather3A_1774 = tpu.vector_load_idx %arg24[%broadcast_in_dim3A_1758, %add3A_1773] : memref<160x128xf32, #tpu.memory_space<vmem>>[vector<16xi32>, vector<16xi32>], vector<16xf32>,
        %add3A_1775 = arith.addi %gather3A_1763, %add3A_269 : vector<16xi32>
        %gather3A_1776 = tpu.vector_load_idx %arg24[%broadcast_in_dim3A_1758, %add3A_1775] : memref<160x128xf32, #tpu.memory_space<vmem>>[vector<16xi32>, vector<16xi32>], vector<16xf32>,
        %add3A_1777 = arith.addi %gather3A_1768, %add3A_260 : vector<16xi32>
        %gather3A_1778 = tpu.vector_load_idx %arg25[%broadcast_in_dim3A_1758, %add3A_1777] : memref<160x128xf32, #tpu.memory_space<vmem>>[vector<16xi32>, vector<16xi32>], vector<16xf32>,
        %add3A_1779 = arith.addi %gather3A_1768, %add3A_263 : vector<16xi32>
        %gather3A_1780 = tpu.vector_load_idx %arg25[%broadcast_in_dim3A_1758, %add3A_1779] : memref<160x128xf32, #tpu.memory_space<vmem>>[vector<16xi32>, vector<16xi32>], vector<16xf32>,
        %add3A_1781 = arith.addi %gather3A_1768, %add3A_266 : vector<16xi32>
        %gather3A_1782 = tpu.vector_load_idx %arg25[%broadcast_in_dim3A_1758, %add3A_1781] : memref<160x128xf32, #tpu.memory_space<vmem>>[vector<16xi32>, vector<16xi32>], vector<16xf32>,
        %add3A_1783 = arith.addi %gather3A_1768, %add3A_269 : vector<16xi32>
        %gather3A_1784 = tpu.vector_load_idx %arg25[%broadcast_in_dim3A_1758, %add3A_1783] : memref<160x128xf32, #tpu.memory_space<vmem>>[vector<16xi32>, vector<16xi32>], vector<16xf32>,
        %mul3A_1785 = arith.mulf %sub3A_827, %gather3A_1770 : vector<16xf32>
        %mul3A_1786 = arith.mulf %sub3A_831, %gather3A_1772 : vector<16xf32>
        %add3A_1787 = arith.addf %mul3A_1785, %mul3A_1786 : vector<16xf32>
        %mul3A_1788 = arith.mulf %sub3A_835, %gather3A_1774 : vector<16xf32>
        %mul3A_1789 = arith.mulf %sub3A_839, %gather3A_1776 : vector<16xf32>
        %add3A_1790 = arith.addf %mul3A_1788, %mul3A_1789 : vector<16xf32>
        %add3A_1791 = arith.addf %add3A_1787, %add3A_1790 : vector<16xf32>
        %mul3A_1792 = arith.mulf %mul3A_842, %gather3A_1778 : vector<16xf32>
        %mul3A_1793 = arith.mulf %mul3A_845, %gather3A_1780 : vector<16xf32>
        %add3A_1794 = arith.addf %mul3A_1792, %mul3A_1793 : vector<16xf32>
        %mul3A_1795 = arith.mulf %mul3A_848, %gather3A_1782 : vector<16xf32>
        %mul3A_1796 = arith.mulf %mul3A_851, %gather3A_1784 : vector<16xf32>
        %add3A_1797 = arith.addf %mul3A_1795, %mul3A_1796 : vector<16xf32>
        %add3A_1798 = arith.addf %add3A_1794, %add3A_1797 : vector<16xf32>
        %get3A_1799 = arith.constant 288 : index
        %get3A_1800 = tpu.vector_load %arg33[%get3A_1799] {strides = array<i32>} : memref<320xf32, #tpu.memory_space<vmem>>, vector<16xf32>,
        %add3A_1801 = arith.addf %add3A_1791, %add3A_1798 : vector<16xf32>
        %mul3A_1802 = arith.mulf %get3A_1800, %add3A_1801 : vector<16xf32>
        %add3A_1803 = arith.addf %add3A_1611, %mul3A_1802 : vector<16xf32>
        %add3A_1804 = arith.constant 19 : i32
        %add3A_1805 = arith.addi %mul3A_800, %add3A_1804 : i32
        %broadcast_in_dim3A_1806 = vector.broadcast %add3A_1805 : i32 to vector<16xi32>
        %broadcast_in_dim3A_1807 = arith.constant 15 : i32
        %broadcast_in_dim3A_1808 = vector.broadcast %broadcast_in_dim3A_1807 : i32 to vector<16xi32>
        %broadcast_in_dim3A_1809 = vector.shape_cast %broadcast_in_dim3A_1808 : vector<16xi32> to vector<16x1xi32>
        %gather3A_1810 = vector.shape_cast %broadcast_in_dim3A_1809 : vector<16x1xi32> to vector<16xi32>
        %gather3A_1811 = tpu.dynamic_gather %mul3A_879[%gather3A_1810] in [0] : vector<16xi32>, vector<16xi32> -> vector<16xi32>
        %broadcast_in_dim3A_1812 = arith.constant 15 : i32
        %broadcast_in_dim3A_1813 = vector.broadcast %broadcast_in_dim3A_1812 : i32 to vector<16xi32>
        %broadcast_in_dim3A_1814 = vector.shape_cast %broadcast_in_dim3A_1813 : vector<16xi32> to vector<16x1xi32>
        %gather3A_1815 = vector.shape_cast %broadcast_in_dim3A_1814 : vector<16x1xi32> to vector<16xi32>
        %gather3A_1816 = tpu.dynamic_gather %mul3A_891[%gather3A_1815] in [0] : vector<16xi32>, vector<16xi32> -> vector<16xi32>
        %add3A_1817 = arith.addi %gather3A_1811, %add3A_260 : vector<16xi32>
        %gather3A_1818 = tpu.vector_load_idx %arg24[%broadcast_in_dim3A_1806, %add3A_1817] : memref<160x128xf32, #tpu.memory_space<vmem>>[vector<16xi32>, vector<16xi32>], vector<16xf32>,
        %add3A_1819 = arith.addi %gather3A_1811, %add3A_263 : vector<16xi32>
        %gather3A_1820 = tpu.vector_load_idx %arg24[%broadcast_in_dim3A_1806, %add3A_1819] : memref<160x128xf32, #tpu.memory_space<vmem>>[vector<16xi32>, vector<16xi32>], vector<16xf32>,
        %add3A_1821 = arith.addi %gather3A_1811, %add3A_266 : vector<16xi32>
        %gather3A_1822 = tpu.vector_load_idx %arg24[%broadcast_in_dim3A_1806, %add3A_1821] : memref<160x128xf32, #tpu.memory_space<vmem>>[vector<16xi32>, vector<16xi32>], vector<16xf32>,
        %add3A_1823 = arith.addi %gather3A_1811, %add3A_269 : vector<16xi32>
        %gather3A_1824 = tpu.vector_load_idx %arg24[%broadcast_in_dim3A_1806, %add3A_1823] : memref<160x128xf32, #tpu.memory_space<vmem>>[vector<16xi32>, vector<16xi32>], vector<16xf32>,
        %add3A_1825 = arith.addi %gather3A_1816, %add3A_260 : vector<16xi32>
        %gather3A_1826 = tpu.vector_load_idx %arg25[%broadcast_in_dim3A_1806, %add3A_1825] : memref<160x128xf32, #tpu.memory_space<vmem>>[vector<16xi32>, vector<16xi32>], vector<16xf32>,
        %add3A_1827 = arith.addi %gather3A_1816, %add3A_263 : vector<16xi32>
        %gather3A_1828 = tpu.vector_load_idx %arg25[%broadcast_in_dim3A_1806, %add3A_1827] : memref<160x128xf32, #tpu.memory_space<vmem>>[vector<16xi32>, vector<16xi32>], vector<16xf32>,
        %add3A_1829 = arith.addi %gather3A_1816, %add3A_266 : vector<16xi32>
        %gather3A_1830 = tpu.vector_load_idx %arg25[%broadcast_in_dim3A_1806, %add3A_1829] : memref<160x128xf32, #tpu.memory_space<vmem>>[vector<16xi32>, vector<16xi32>], vector<16xf32>,
        %add3A_1831 = arith.addi %gather3A_1816, %add3A_269 : vector<16xi32>
        %gather3A_1832 = tpu.vector_load_idx %arg25[%broadcast_in_dim3A_1806, %add3A_1831] : memref<160x128xf32, #tpu.memory_space<vmem>>[vector<16xi32>, vector<16xi32>], vector<16xf32>,
        %mul3A_1833 = arith.mulf %sub3A_827, %gather3A_1818 : vector<16xf32>
        %mul3A_1834 = arith.mulf %sub3A_831, %gather3A_1820 : vector<16xf32>
        %add3A_1835 = arith.addf %mul3A_1833, %mul3A_1834 : vector<16xf32>
        %mul3A_1836 = arith.mulf %sub3A_835, %gather3A_1822 : vector<16xf32>
        %mul3A_1837 = arith.mulf %sub3A_839, %gather3A_1824 : vector<16xf32>
        %add3A_1838 = arith.addf %mul3A_1836, %mul3A_1837 : vector<16xf32>
        %add3A_1839 = arith.addf %add3A_1835, %add3A_1838 : vector<16xf32>
        %mul3A_1840 = arith.mulf %mul3A_842, %gather3A_1826 : vector<16xf32>
        %mul3A_1841 = arith.mulf %mul3A_845, %gather3A_1828 : vector<16xf32>
        %add3A_1842 = arith.addf %mul3A_1840, %mul3A_1841 : vector<16xf32>
        %mul3A_1843 = arith.mulf %mul3A_848, %gather3A_1830 : vector<16xf32>
        %mul3A_1844 = arith.mulf %mul3A_851, %gather3A_1832 : vector<16xf32>
        %add3A_1845 = arith.addf %mul3A_1843, %mul3A_1844 : vector<16xf32>
        %add3A_1846 = arith.addf %add3A_1842, %add3A_1845 : vector<16xf32>
        %get3A_1847 = arith.constant 304 : index
        %get3A_1848 = tpu.vector_load %arg33[%get3A_1847] {strides = array<i32>} : memref<320xf32, #tpu.memory_space<vmem>>, vector<16xf32>,
        %add3A_1849 = arith.addf %add3A_1839, %add3A_1846 : vector<16xf32>
        %mul3A_1850 = arith.mulf %get3A_1848, %add3A_1849 : vector<16xf32>
        %add3A_1851 = arith.addf %add3A_1659, %mul3A_1850 : vector<16xf32>
        scf.yield %add3A_1707, %add3A_1755, %add3A_1803, %add3A_1851 : vector<16xf32>, vector<16xf32>, vector<16xf32>, vector<16xf32>
      }
      %scan3A_732 = arith.constant 8 : i32
      %lt3A = arith.constant 31 : i32
      %lt3A_733 = arith.cmpi slt, %scan3A_677, %lt3A : i32
      %convert_element_type3A_734 = arith.extui %lt3A_733 : i1 to i32
      %cond3A_735 = arith.constant 0 : i32
      %cond3A_736 = arith.cmpi ne, %convert_element_type3A_734, %cond3A_735 : i32
      scf.if %cond3A_736 {
        %add3A_794 = arith.constant 2 : i32
        %add3A_795 = arith.addi %mul3A_683, %add3A_794 : i32
        %mul3A_796 = arith.constant 160 : i32
        %mul3A_797 = arith.muli %add3A_795, %mul3A_796 : i32
        %mul3A_798 = arith.constant 8 : i32
        %mul3A_799 = arith.muli %add3A_795, %mul3A_798 : i32
        %add3A_800 = arith.constant 0 : i32
        %add3A_801 = arith.addi %mul3A_797, %add3A_800 : i32
        %get3A_802 = arith.index_cast %add3A_801 : i32 to index
        %get3A_803 = tpu.vector_load %arg12[%get3A_802] {strides = array<i32>} : memref<10240xi32, #tpu.memory_space<vmem>>, vector<16xi32>,
        %shift_right_arithmetic3A_804 = arith.constant 1 : i32
        %shift_right_arithmetic3A_805 = vector.broadcast %shift_right_arithmetic3A_804 : i32 to vector<16xi32>
        %shift_right_arithmetic3A_806 = arith.shrsi %get3A_803, %shift_right_arithmetic3A_805 : vector<16xi32>
        %swap3A_807 = arith.constant 0 : index
        %swap3A_808 = tpu.vector_load %arg16[%swap3A_807] {strides = array<i32>} : memref<160xi32, #tpu.memory_space<vmem>>, vector<16xi32>,
        tpu.vector_store %arg16[%swap3A_807], %shift_right_arithmetic3A_806 {strides = array<i32>} : memref<160xi32, #tpu.memory_space<vmem>>, vector<16xi32>,
        %add3A_809 = arith.constant 0 : i32
        %add3A_810 = arith.addi %mul3A_797, %add3A_809 : i32
        %get3A_811 = arith.index_cast %add3A_810 : i32 to index
        %get3A_812 = tpu.vector_load %arg13[%get3A_811] {strides = array<i32>} : memref<10240xi32, #tpu.memory_space<vmem>>, vector<16xi32>,
        %shift_right_arithmetic3A_813 = arith.constant 1 : i32
        %shift_right_arithmetic3A_814 = vector.broadcast %shift_right_arithmetic3A_813 : i32 to vector<16xi32>
        %shift_right_arithmetic3A_815 = arith.shrsi %get3A_812, %shift_right_arithmetic3A_814 : vector<16xi32>
        %swap3A_816 = arith.constant 0 : index
        %swap3A_817 = tpu.vector_load %arg17[%swap3A_816] {strides = array<i32>} : memref<160xi32, #tpu.memory_space<vmem>>, vector<16xi32>,
        tpu.vector_store %arg17[%swap3A_816], %shift_right_arithmetic3A_815 {strides = array<i32>} : memref<160xi32, #tpu.memory_space<vmem>>, vector<16xi32>,
        %add3A_818 = arith.constant 16 : i32
        %add3A_819 = arith.addi %mul3A_797, %add3A_818 : i32
        %get3A_820 = arith.index_cast %add3A_819 : i32 to index
        %get3A_821 = tpu.vector_load %arg12[%get3A_820] {strides = array<i32>} : memref<10240xi32, #tpu.memory_space<vmem>>, vector<16xi32>,
        %shift_right_arithmetic3A_822 = arith.constant 1 : i32
        %shift_right_arithmetic3A_823 = vector.broadcast %shift_right_arithmetic3A_822 : i32 to vector<16xi32>
        %shift_right_arithmetic3A_824 = arith.shrsi %get3A_821, %shift_right_arithmetic3A_823 : vector<16xi32>
        %swap3A_825 = arith.constant 16 : index
        %swap3A_826 = tpu.vector_load %arg16[%swap3A_825] {strides = array<i32>} : memref<160xi32, #tpu.memory_space<vmem>>, vector<16xi32>,
        tpu.vector_store %arg16[%swap3A_825], %shift_right_arithmetic3A_824 {strides = array<i32>} : memref<160xi32, #tpu.memory_space<vmem>>, vector<16xi32>,
        %add3A_827 = arith.constant 16 : i32
        %add3A_828 = arith.addi %mul3A_797, %add3A_827 : i32
        %get3A_829 = arith.index_cast %add3A_828 : i32 to index
        %get3A_830 = tpu.vector_load %arg13[%get3A_829] {strides = array<i32>} : memref<10240xi32, #tpu.memory_space<vmem>>, vector<16xi32>,
        %shift_right_arithmetic3A_831 = arith.constant 1 : i32
        %shift_right_arithmetic3A_832 = vector.broadcast %shift_right_arithmetic3A_831 : i32 to vector<16xi32>
        %shift_right_arithmetic3A_833 = arith.shrsi %get3A_830, %shift_right_arithmetic3A_832 : vector<16xi32>
        %swap3A_834 = arith.constant 16 : index
        %swap3A_835 = tpu.vector_load %arg17[%swap3A_834] {strides = array<i32>} : memref<160xi32, #tpu.memory_space<vmem>>, vector<16xi32>,
        tpu.vector_store %arg17[%swap3A_834], %shift_right_arithmetic3A_833 {strides = array<i32>} : memref<160xi32, #tpu.memory_space<vmem>>, vector<16xi32>,
        %add3A_836 = arith.constant 32 : i32
        %add3A_837 = arith.addi %mul3A_797, %add3A_836 : i32
        %get3A_838 = arith.index_cast %add3A_837 : i32 to index
        %get3A_839 = tpu.vector_load %arg12[%get3A_838] {strides = array<i32>} : memref<10240xi32, #tpu.memory_space<vmem>>, vector<16xi32>,
        %shift_right_arithmetic3A_840 = arith.constant 1 : i32
        %shift_right_arithmetic3A_841 = vector.broadcast %shift_right_arithmetic3A_840 : i32 to vector<16xi32>
        %shift_right_arithmetic3A_842 = arith.shrsi %get3A_839, %shift_right_arithmetic3A_841 : vector<16xi32>
        %swap3A_843 = arith.constant 32 : index
        %swap3A_844 = tpu.vector_load %arg16[%swap3A_843] {strides = array<i32>} : memref<160xi32, #tpu.memory_space<vmem>>, vector<16xi32>,
        tpu.vector_store %arg16[%swap3A_843], %shift_right_arithmetic3A_842 {strides = array<i32>} : memref<160xi32, #tpu.memory_space<vmem>>, vector<16xi32>,
        %add3A_845 = arith.constant 32 : i32
        %add3A_846 = arith.addi %mul3A_797, %add3A_845 : i32
        %get3A_847 = arith.index_cast %add3A_846 : i32 to index
        %get3A_848 = tpu.vector_load %arg13[%get3A_847] {strides = array<i32>} : memref<10240xi32, #tpu.memory_space<vmem>>, vector<16xi32>,
        %shift_right_arithmetic3A_849 = arith.constant 1 : i32
        %shift_right_arithmetic3A_850 = vector.broadcast %shift_right_arithmetic3A_849 : i32 to vector<16xi32>
        %shift_right_arithmetic3A_851 = arith.shrsi %get3A_848, %shift_right_arithmetic3A_850 : vector<16xi32>
        %swap3A_852 = arith.constant 32 : index
        %swap3A_853 = tpu.vector_load %arg17[%swap3A_852] {strides = array<i32>} : memref<160xi32, #tpu.memory_space<vmem>>, vector<16xi32>,
        tpu.vector_store %arg17[%swap3A_852], %shift_right_arithmetic3A_851 {strides = array<i32>} : memref<160xi32, #tpu.memory_space<vmem>>, vector<16xi32>,
        %add3A_854 = arith.constant 48 : i32
        %add3A_855 = arith.addi %mul3A_797, %add3A_854 : i32
        %get3A_856 = arith.index_cast %add3A_855 : i32 to index
        %get3A_857 = tpu.vector_load %arg12[%get3A_856] {strides = array<i32>} : memref<10240xi32, #tpu.memory_space<vmem>>, vector<16xi32>,
        %shift_right_arithmetic3A_858 = arith.constant 1 : i32
        %shift_right_arithmetic3A_859 = vector.broadcast %shift_right_arithmetic3A_858 : i32 to vector<16xi32>
        %shift_right_arithmetic3A_860 = arith.shrsi %get3A_857, %shift_right_arithmetic3A_859 : vector<16xi32>
        %swap3A_861 = arith.constant 48 : index
        %swap3A_862 = tpu.vector_load %arg16[%swap3A_861] {strides = array<i32>} : memref<160xi32, #tpu.memory_space<vmem>>, vector<16xi32>,
        tpu.vector_store %arg16[%swap3A_861], %shift_right_arithmetic3A_860 {strides = array<i32>} : memref<160xi32, #tpu.memory_space<vmem>>, vector<16xi32>,
        %add3A_863 = arith.constant 48 : i32
        %add3A_864 = arith.addi %mul3A_797, %add3A_863 : i32
        %get3A_865 = arith.index_cast %add3A_864 : i32 to index
        %get3A_866 = tpu.vector_load %arg13[%get3A_865] {strides = array<i32>} : memref<10240xi32, #tpu.memory_space<vmem>>, vector<16xi32>,
        %shift_right_arithmetic3A_867 = arith.constant 1 : i32
        %shift_right_arithmetic3A_868 = vector.broadcast %shift_right_arithmetic3A_867 : i32 to vector<16xi32>
        %shift_right_arithmetic3A_869 = arith.shrsi %get3A_866, %shift_right_arithmetic3A_868 : vector<16xi32>
        %swap3A_870 = arith.constant 48 : index
        %swap3A_871 = tpu.vector_load %arg17[%swap3A_870] {strides = array<i32>} : memref<160xi32, #tpu.memory_space<vmem>>, vector<16xi32>,
        tpu.vector_store %arg17[%swap3A_870], %shift_right_arithmetic3A_869 {strides = array<i32>} : memref<160xi32, #tpu.memory_space<vmem>>, vector<16xi32>,
        %add3A_872 = arith.constant 64 : i32
        %add3A_873 = arith.addi %mul3A_797, %add3A_872 : i32
        %get3A_874 = arith.index_cast %add3A_873 : i32 to index
        %get3A_875 = tpu.vector_load %arg12[%get3A_874] {strides = array<i32>} : memref<10240xi32, #tpu.memory_space<vmem>>, vector<16xi32>,
        %shift_right_arithmetic3A_876 = arith.constant 1 : i32
        %shift_right_arithmetic3A_877 = vector.broadcast %shift_right_arithmetic3A_876 : i32 to vector<16xi32>
        %shift_right_arithmetic3A_878 = arith.shrsi %get3A_875, %shift_right_arithmetic3A_877 : vector<16xi32>
        %swap3A_879 = arith.constant 64 : index
        %swap3A_880 = tpu.vector_load %arg16[%swap3A_879] {strides = array<i32>} : memref<160xi32, #tpu.memory_space<vmem>>, vector<16xi32>,
        tpu.vector_store %arg16[%swap3A_879], %shift_right_arithmetic3A_878 {strides = array<i32>} : memref<160xi32, #tpu.memory_space<vmem>>, vector<16xi32>,
        %add3A_881 = arith.constant 64 : i32
        %add3A_882 = arith.addi %mul3A_797, %add3A_881 : i32
        %get3A_883 = arith.index_cast %add3A_882 : i32 to index
        %get3A_884 = tpu.vector_load %arg13[%get3A_883] {strides = array<i32>} : memref<10240xi32, #tpu.memory_space<vmem>>, vector<16xi32>,
        %shift_right_arithmetic3A_885 = arith.constant 1 : i32
        %shift_right_arithmetic3A_886 = vector.broadcast %shift_right_arithmetic3A_885 : i32 to vector<16xi32>
        %shift_right_arithmetic3A_887 = arith.shrsi %get3A_884, %shift_right_arithmetic3A_886 : vector<16xi32>
        %swap3A_888 = arith.constant 64 : index
        %swap3A_889 = tpu.vector_load %arg17[%swap3A_888] {strides = array<i32>} : memref<160xi32, #tpu.memory_space<vmem>>, vector<16xi32>,
        tpu.vector_store %arg17[%swap3A_888], %shift_right_arithmetic3A_887 {strides = array<i32>} : memref<160xi32, #tpu.memory_space<vmem>>, vector<16xi32>,
        %add3A_890 = arith.constant 80 : i32
        %add3A_891 = arith.addi %mul3A_797, %add3A_890 : i32
        %get3A_892 = arith.index_cast %add3A_891 : i32 to index
        %get3A_893 = tpu.vector_load %arg12[%get3A_892] {strides = array<i32>} : memref<10240xi32, #tpu.memory_space<vmem>>, vector<16xi32>,
        %shift_right_arithmetic3A_894 = arith.constant 1 : i32
        %shift_right_arithmetic3A_895 = vector.broadcast %shift_right_arithmetic3A_894 : i32 to vector<16xi32>
        %shift_right_arithmetic3A_896 = arith.shrsi %get3A_893, %shift_right_arithmetic3A_895 : vector<16xi32>
        %swap3A_897 = arith.constant 80 : index
        %swap3A_898 = tpu.vector_load %arg16[%swap3A_897] {strides = array<i32>} : memref<160xi32, #tpu.memory_space<vmem>>, vector<16xi32>,
        tpu.vector_store %arg16[%swap3A_897], %shift_right_arithmetic3A_896 {strides = array<i32>} : memref<160xi32, #tpu.memory_space<vmem>>, vector<16xi32>,
        %add3A_899 = arith.constant 80 : i32
        %add3A_900 = arith.addi %mul3A_797, %add3A_899 : i32
        %get3A_901 = arith.index_cast %add3A_900 : i32 to index
        %get3A_902 = tpu.vector_load %arg13[%get3A_901] {strides = array<i32>} : memref<10240xi32, #tpu.memory_space<vmem>>, vector<16xi32>,
        %shift_right_arithmetic3A_903 = arith.constant 1 : i32
        %shift_right_arithmetic3A_904 = vector.broadcast %shift_right_arithmetic3A_903 : i32 to vector<16xi32>
        %shift_right_arithmetic3A_905 = arith.shrsi %get3A_902, %shift_right_arithmetic3A_904 : vector<16xi32>
        %swap3A_906 = arith.constant 80 : index
        %swap3A_907 = tpu.vector_load %arg17[%swap3A_906] {strides = array<i32>} : memref<160xi32, #tpu.memory_space<vmem>>, vector<16xi32>,
        tpu.vector_store %arg17[%swap3A_906], %shift_right_arithmetic3A_905 {strides = array<i32>} : memref<160xi32, #tpu.memory_space<vmem>>, vector<16xi32>,
        %add3A_908 = arith.constant 96 : i32
        %add3A_909 = arith.addi %mul3A_797, %add3A_908 : i32
        %get3A_910 = arith.index_cast %add3A_909 : i32 to index
        %get3A_911 = tpu.vector_load %arg12[%get3A_910] {strides = array<i32>} : memref<10240xi32, #tpu.memory_space<vmem>>, vector<16xi32>,
        %shift_right_arithmetic3A_912 = arith.constant 1 : i32
        %shift_right_arithmetic3A_913 = vector.broadcast %shift_right_arithmetic3A_912 : i32 to vector<16xi32>
        %shift_right_arithmetic3A_914 = arith.shrsi %get3A_911, %shift_right_arithmetic3A_913 : vector<16xi32>
        %swap3A_915 = arith.constant 96 : index
        %swap3A_916 = tpu.vector_load %arg16[%swap3A_915] {strides = array<i32>} : memref<160xi32, #tpu.memory_space<vmem>>, vector<16xi32>,
        tpu.vector_store %arg16[%swap3A_915], %shift_right_arithmetic3A_914 {strides = array<i32>} : memref<160xi32, #tpu.memory_space<vmem>>, vector<16xi32>,
        %add3A_917 = arith.constant 96 : i32
        %add3A_918 = arith.addi %mul3A_797, %add3A_917 : i32
        %get3A_919 = arith.index_cast %add3A_918 : i32 to index
        %get3A_920 = tpu.vector_load %arg13[%get3A_919] {strides = array<i32>} : memref<10240xi32, #tpu.memory_space<vmem>>, vector<16xi32>,
        %shift_right_arithmetic3A_921 = arith.constant 1 : i32
        %shift_right_arithmetic3A_922 = vector.broadcast %shift_right_arithmetic3A_921 : i32 to vector<16xi32>
        %shift_right_arithmetic3A_923 = arith.shrsi %get3A_920, %shift_right_arithmetic3A_922 : vector<16xi32>
        %swap3A_924 = arith.constant 96 : index
        %swap3A_925 = tpu.vector_load %arg17[%swap3A_924] {strides = array<i32>} : memref<160xi32, #tpu.memory_space<vmem>>, vector<16xi32>,
        tpu.vector_store %arg17[%swap3A_924], %shift_right_arithmetic3A_923 {strides = array<i32>} : memref<160xi32, #tpu.memory_space<vmem>>, vector<16xi32>,
        %add3A_926 = arith.constant 112 : i32
        %add3A_927 = arith.addi %mul3A_797, %add3A_926 : i32
        %get3A_928 = arith.index_cast %add3A_927 : i32 to index
        %get3A_929 = tpu.vector_load %arg12[%get3A_928] {strides = array<i32>} : memref<10240xi32, #tpu.memory_space<vmem>>, vector<16xi32>,
        %shift_right_arithmetic3A_930 = arith.constant 1 : i32
        %shift_right_arithmetic3A_931 = vector.broadcast %shift_right_arithmetic3A_930 : i32 to vector<16xi32>
        %shift_right_arithmetic3A_932 = arith.shrsi %get3A_929, %shift_right_arithmetic3A_931 : vector<16xi32>
        %swap3A_933 = arith.constant 112 : index
        %swap3A_934 = tpu.vector_load %arg16[%swap3A_933] {strides = array<i32>} : memref<160xi32, #tpu.memory_space<vmem>>, vector<16xi32>,
        tpu.vector_store %arg16[%swap3A_933], %shift_right_arithmetic3A_932 {strides = array<i32>} : memref<160xi32, #tpu.memory_space<vmem>>, vector<16xi32>,
        %add3A_935 = arith.constant 112 : i32
        %add3A_936 = arith.addi %mul3A_797, %add3A_935 : i32
        %get3A_937 = arith.index_cast %add3A_936 : i32 to index
        %get3A_938 = tpu.vector_load %arg13[%get3A_937] {strides = array<i32>} : memref<10240xi32, #tpu.memory_space<vmem>>, vector<16xi32>,
        %shift_right_arithmetic3A_939 = arith.constant 1 : i32
        %shift_right_arithmetic3A_940 = vector.broadcast %shift_right_arithmetic3A_939 : i32 to vector<16xi32>
        %shift_right_arithmetic3A_941 = arith.shrsi %get3A_938, %shift_right_arithmetic3A_940 : vector<16xi32>
        %swap3A_942 = arith.constant 112 : index
        %swap3A_943 = tpu.vector_load %arg17[%swap3A_942] {strides = array<i32>} : memref<160xi32, #tpu.memory_space<vmem>>, vector<16xi32>,
        tpu.vector_store %arg17[%swap3A_942], %shift_right_arithmetic3A_941 {strides = array<i32>} : memref<160xi32, #tpu.memory_space<vmem>>, vector<16xi32>,
        %add3A_944 = arith.constant 128 : i32
        %add3A_945 = arith.addi %mul3A_797, %add3A_944 : i32
        %get3A_946 = arith.index_cast %add3A_945 : i32 to index
        %get3A_947 = tpu.vector_load %arg12[%get3A_946] {strides = array<i32>} : memref<10240xi32, #tpu.memory_space<vmem>>, vector<16xi32>,
        %shift_right_arithmetic3A_948 = arith.constant 1 : i32
        %shift_right_arithmetic3A_949 = vector.broadcast %shift_right_arithmetic3A_948 : i32 to vector<16xi32>
        %shift_right_arithmetic3A_950 = arith.shrsi %get3A_947, %shift_right_arithmetic3A_949 : vector<16xi32>
        %swap3A_951 = arith.constant 128 : index
        %swap3A_952 = tpu.vector_load %arg16[%swap3A_951] {strides = array<i32>} : memref<160xi32, #tpu.memory_space<vmem>>, vector<16xi32>,
        tpu.vector_store %arg16[%swap3A_951], %shift_right_arithmetic3A_950 {strides = array<i32>} : memref<160xi32, #tpu.memory_space<vmem>>, vector<16xi32>,
        %add3A_953 = arith.constant 128 : i32
        %add3A_954 = arith.addi %mul3A_797, %add3A_953 : i32
        %get3A_955 = arith.index_cast %add3A_954 : i32 to index
        %get3A_956 = tpu.vector_load %arg13[%get3A_955] {strides = array<i32>} : memref<10240xi32, #tpu.memory_space<vmem>>, vector<16xi32>,
        %shift_right_arithmetic3A_957 = arith.constant 1 : i32
        %shift_right_arithmetic3A_958 = vector.broadcast %shift_right_arithmetic3A_957 : i32 to vector<16xi32>
        %shift_right_arithmetic3A_959 = arith.shrsi %get3A_956, %shift_right_arithmetic3A_958 : vector<16xi32>
        %swap3A_960 = arith.constant 128 : index
        %swap3A_961 = tpu.vector_load %arg17[%swap3A_960] {strides = array<i32>} : memref<160xi32, #tpu.memory_space<vmem>>, vector<16xi32>,
        tpu.vector_store %arg17[%swap3A_960], %shift_right_arithmetic3A_959 {strides = array<i32>} : memref<160xi32, #tpu.memory_space<vmem>>, vector<16xi32>,
        %add3A_962 = arith.constant 144 : i32
        %add3A_963 = arith.addi %mul3A_797, %add3A_962 : i32
        %get3A_964 = arith.index_cast %add3A_963 : i32 to index
        %get3A_965 = tpu.vector_load %arg12[%get3A_964] {strides = array<i32>} : memref<10240xi32, #tpu.memory_space<vmem>>, vector<16xi32>,
        %shift_right_arithmetic3A_966 = arith.constant 1 : i32
        %shift_right_arithmetic3A_967 = vector.broadcast %shift_right_arithmetic3A_966 : i32 to vector<16xi32>
        %shift_right_arithmetic3A_968 = arith.shrsi %get3A_965, %shift_right_arithmetic3A_967 : vector<16xi32>
        %swap3A_969 = arith.constant 144 : index
        %swap3A_970 = tpu.vector_load %arg16[%swap3A_969] {strides = array<i32>} : memref<160xi32, #tpu.memory_space<vmem>>, vector<16xi32>,
        tpu.vector_store %arg16[%swap3A_969], %shift_right_arithmetic3A_968 {strides = array<i32>} : memref<160xi32, #tpu.memory_space<vmem>>, vector<16xi32>,
        %add3A_971 = arith.constant 144 : i32
        %add3A_972 = arith.addi %mul3A_797, %add3A_971 : i32
        %get3A_973 = arith.index_cast %add3A_972 : i32 to index
        %get3A_974 = tpu.vector_load %arg13[%get3A_973] {strides = array<i32>} : memref<10240xi32, #tpu.memory_space<vmem>>, vector<16xi32>,
        %shift_right_arithmetic3A_975 = arith.constant 1 : i32
        %shift_right_arithmetic3A_976 = vector.broadcast %shift_right_arithmetic3A_975 : i32 to vector<16xi32>
        %shift_right_arithmetic3A_977 = arith.shrsi %get3A_974, %shift_right_arithmetic3A_976 : vector<16xi32>
        %swap3A_978 = arith.constant 144 : index
        %swap3A_979 = tpu.vector_load %arg17[%swap3A_978] {strides = array<i32>} : memref<160xi32, #tpu.memory_space<vmem>>, vector<16xi32>,
        tpu.vector_store %arg17[%swap3A_978], %shift_right_arithmetic3A_977 {strides = array<i32>} : memref<160xi32, #tpu.memory_space<vmem>>, vector<16xi32>,
        %get3A_980 = arith.index_cast %mul3A_799 : i32 to index
        %get3A_981 = tpu.vector_load %arg10[%get3A_980] {strides = array<i32>} : memref<528xi32, #tpu.memory_space<vmem>>, vector<16xi32>,
        %shift_right_arithmetic3A_982 = arith.constant 1 : i32
        %shift_right_arithmetic3A_983 = vector.broadcast %shift_right_arithmetic3A_982 : i32 to vector<16xi32>
        %shift_right_arithmetic3A_984 = arith.shrsi %get3A_981, %shift_right_arithmetic3A_983 : vector<16xi32>
        %get3A_985 = arith.index_cast %mul3A_799 : i32 to index
        %get3A_986 = tpu.vector_load %arg11[%get3A_985] {strides = array<i32>} : memref<528xi32, #tpu.memory_space<vmem>>, vector<16xi32>,
        %shift_right_arithmetic3A_987 = arith.constant 1 : i32
        %shift_right_arithmetic3A_988 = vector.broadcast %shift_right_arithmetic3A_987 : i32 to vector<16xi32>
        %shift_right_arithmetic3A_989 = arith.shrsi %get3A_986, %shift_right_arithmetic3A_988 : vector<16xi32>
        %swap3A_990 = arith.constant 0 : index
        %swap3A_991 = tpu.vector_load %arg14[%swap3A_990] {strides = array<i32>} : memref<16xi32, #tpu.memory_space<vmem>>, vector<16xi32>,
        tpu.vector_store %arg14[%swap3A_990], %shift_right_arithmetic3A_984 {strides = array<i32>} : memref<16xi32, #tpu.memory_space<vmem>>, vector<16xi32>,
        %swap3A_992 = arith.constant 0 : index
        %swap3A_993 = tpu.vector_load %arg15[%swap3A_992] {strides = array<i32>} : memref<16xi32, #tpu.memory_space<vmem>>, vector<16xi32>,
        tpu.vector_store %arg15[%swap3A_992], %shift_right_arithmetic3A_989 {strides = array<i32>} : memref<16xi32, #tpu.memory_space<vmem>>, vector<16xi32>,
        %dma_start3A_994 = arith.constant 0 : i32
        %dma_start3A_995 = arith.constant 0 : i32
        %dma_start3A_996 = tpu.memref_slice %arg24[%dma_start3A_994, %dma_start3A_995] : memref<160x128xf32, #tpu.memory_space<vmem>> -> memref<128x128xf32, #tpu.memory_space<vmem>>
        %dma_start3A_997 = arith.constant 0 : i32
        %dma_start3A_998 = tpu.memref_slice %arg16[%dma_start3A_997] : memref<160xi32, #tpu.memory_space<vmem>> -> memref<128xi32, #tpu.memory_space<vmem>>
        %dma_start3A_999 = arith.constant 0 : i32
        %dma_start3A_1000 = arith.constant 0 : i32
        %dma_start3A_1001 = tpu.memref_slice %arg6[%dma_start3A_999, %dma_start3A_1000] : memref<500000x128xf32, #tpu.memory_space<hbm>> -> memref<500000x128xf32, #tpu.memory_space<hbm>>
        tpu.enqueue_indirect_dma source(%dma_start3A_1001 : memref<500000x128xf32, #tpu.memory_space<hbm>>) target(%dma_start3A_996 : memref<128x128xf32, #tpu.memory_space<vmem>>) offsets(%dma_start3A_998 : memref<128xi32, #tpu.memory_space<vmem>>) semaphore(%arg34 : memref<!tpu.dma_semaphore, #tpu.memory_space<semaphore_mem>>)
        %dma_start3A_1002 = arith.constant 0 : i32
        %dma_start3A_1003 = arith.constant 0 : i32
        %dma_start3A_1004 = tpu.memref_slice %arg25[%dma_start3A_1002, %dma_start3A_1003] : memref<160x128xf32, #tpu.memory_space<vmem>> -> memref<128x128xf32, #tpu.memory_space<vmem>>
        %dma_start3A_1005 = arith.constant 0 : i32
        %dma_start3A_1006 = tpu.memref_slice %arg17[%dma_start3A_1005] : memref<160xi32, #tpu.memory_space<vmem>> -> memref<128xi32, #tpu.memory_space<vmem>>
        %dma_start3A_1007 = arith.constant 0 : i32
        %dma_start3A_1008 = arith.constant 0 : i32
        %dma_start3A_1009 = tpu.memref_slice %arg6[%dma_start3A_1007, %dma_start3A_1008] : memref<500000x128xf32, #tpu.memory_space<hbm>> -> memref<500000x128xf32, #tpu.memory_space<hbm>>
        tpu.enqueue_indirect_dma source(%dma_start3A_1009 : memref<500000x128xf32, #tpu.memory_space<hbm>>) target(%dma_start3A_1004 : memref<128x128xf32, #tpu.memory_space<vmem>>) offsets(%dma_start3A_1006 : memref<128xi32, #tpu.memory_space<vmem>>) semaphore(%arg34 : memref<!tpu.dma_semaphore, #tpu.memory_space<semaphore_mem>>)
        %dma_start3A_1010 = arith.constant 128 : i32
        %dma_start3A_1011 = arith.constant 0 : i32
        %dma_start3A_1012 = tpu.memref_slice %arg24[%dma_start3A_1010, %dma_start3A_1011] : memref<160x128xf32, #tpu.memory_space<vmem>> -> memref<32x128xf32, #tpu.memory_space<vmem>>
        %dma_start3A_1013 = arith.constant 128 : i32
        %dma_start3A_1014 = tpu.memref_slice %arg16[%dma_start3A_1013] : memref<160xi32, #tpu.memory_space<vmem>> -> memref<32xi32, #tpu.memory_space<vmem>>
        %dma_start3A_1015 = arith.constant 0 : i32
        %dma_start3A_1016 = arith.constant 0 : i32
        %dma_start3A_1017 = tpu.memref_slice %arg6[%dma_start3A_1015, %dma_start3A_1016] : memref<500000x128xf32, #tpu.memory_space<hbm>> -> memref<500000x128xf32, #tpu.memory_space<hbm>>
        tpu.enqueue_indirect_dma source(%dma_start3A_1017 : memref<500000x128xf32, #tpu.memory_space<hbm>>) target(%dma_start3A_1012 : memref<32x128xf32, #tpu.memory_space<vmem>>) offsets(%dma_start3A_1014 : memref<32xi32, #tpu.memory_space<vmem>>) semaphore(%arg34 : memref<!tpu.dma_semaphore, #tpu.memory_space<semaphore_mem>>)
        %dma_start3A_1018 = arith.constant 128 : i32
        %dma_start3A_1019 = arith.constant 0 : i32
        %dma_start3A_1020 = tpu.memref_slice %arg25[%dma_start3A_1018, %dma_start3A_1019] : memref<160x128xf32, #tpu.memory_space<vmem>> -> memref<32x128xf32, #tpu.memory_space<vmem>>
        %dma_start3A_1021 = arith.constant 128 : i32
        %dma_start3A_1022 = tpu.memref_slice %arg17[%dma_start3A_1021] : memref<160xi32, #tpu.memory_space<vmem>> -> memref<32xi32, #tpu.memory_space<vmem>>
        %dma_start3A_1023 = arith.constant 0 : i32
        %dma_start3A_1024 = arith.constant 0 : i32
        %dma_start3A_1025 = tpu.memref_slice %arg6[%dma_start3A_1023, %dma_start3A_1024] : memref<500000x128xf32, #tpu.memory_space<hbm>> -> memref<500000x128xf32, #tpu.memory_space<hbm>>
        tpu.enqueue_indirect_dma source(%dma_start3A_1025 : memref<500000x128xf32, #tpu.memory_space<hbm>>) target(%dma_start3A_1020 : memref<32x128xf32, #tpu.memory_space<vmem>>) offsets(%dma_start3A_1022 : memref<32xi32, #tpu.memory_space<vmem>>) semaphore(%arg34 : memref<!tpu.dma_semaphore, #tpu.memory_space<semaphore_mem>>)
        %dma_start3A_1026 = arith.constant 0 : i32
        %dma_start3A_1027 = tpu.memref_slice %arg14[%dma_start3A_1026] : memref<16xi32, #tpu.memory_space<vmem>> -> memref<8xi32, #tpu.memory_space<vmem>>
        %dma_start3A_1028 = arith.constant 0 : i32
        %dma_start3A_1029 = arith.constant 0 : i32
        %dma_start3A_1030 = tpu.memref_slice %arg6[%dma_start3A_1028, %dma_start3A_1029] : memref<500000x128xf32, #tpu.memory_space<hbm>> -> memref<500000x128xf32, #tpu.memory_space<hbm>>
        tpu.enqueue_indirect_dma source(%dma_start3A_1030 : memref<500000x128xf32, #tpu.memory_space<hbm>>) target(%arg22 : memref<8x128xf32, #tpu.memory_space<vmem>>) offsets(%dma_start3A_1027 : memref<8xi32, #tpu.memory_space<vmem>>) semaphore(%arg34 : memref<!tpu.dma_semaphore, #tpu.memory_space<semaphore_mem>>)
        %dma_start3A_1031 = arith.constant 0 : i32
        %dma_start3A_1032 = tpu.memref_slice %arg15[%dma_start3A_1031] : memref<16xi32, #tpu.memory_space<vmem>> -> memref<8xi32, #tpu.memory_space<vmem>>
        %dma_start3A_1033 = arith.constant 0 : i32
        %dma_start3A_1034 = arith.constant 0 : i32
        %dma_start3A_1035 = tpu.memref_slice %arg6[%dma_start3A_1033, %dma_start3A_1034] : memref<500000x128xf32, #tpu.memory_space<hbm>> -> memref<500000x128xf32, #tpu.memory_space<hbm>>
        tpu.enqueue_indirect_dma source(%dma_start3A_1035 : memref<500000x128xf32, #tpu.memory_space<hbm>>) target(%arg23 : memref<8x128xf32, #tpu.memory_space<vmem>>) offsets(%dma_start3A_1032 : memref<8xi32, #tpu.memory_space<vmem>>) semaphore(%arg34 : memref<!tpu.dma_semaphore, #tpu.memory_space<semaphore_mem>>)
      } else {
      }
      %dma_wait3A_737 = arith.constant 0 : i32
      %dma_wait3A_738 = arith.constant 0 : i32
      %dma_wait3A_739 = tpu.memref_slice %arg6[%dma_wait3A_737, %dma_wait3A_738] : memref<500000x128xf32, #tpu.memory_space<hbm>> -> memref<160x128xf32, #tpu.memory_space<hbm>>
      %dma_wait3A_740 = arith.constant 0 : i32
      %dma_wait3A_741 = arith.constant 0 : i32
      %dma_wait3A_742 = tpu.memref_slice %arg6[%dma_wait3A_740, %dma_wait3A_741] : memref<500000x128xf32, #tpu.memory_space<hbm>> -> memref<160x128xf32, #tpu.memory_space<hbm>>
      tpu.wait_dma2 semaphore(%arg35 : memref<!tpu.dma_semaphore, #tpu.memory_space<semaphore_mem>>) src(%dma_wait3A_742 : memref<160x128xf32, #tpu.memory_space<hbm>>) dst(%arg28 : memref<160x128xf32, #tpu.memory_space<vmem>>)
      %dma_wait3A_743 = arith.constant 0 : i32
      %dma_wait3A_744 = arith.constant 0 : i32
      %dma_wait3A_745 = tpu.memref_slice %arg6[%dma_wait3A_743, %dma_wait3A_744] : memref<500000x128xf32, #tpu.memory_space<hbm>> -> memref<160x128xf32, #tpu.memory_space<hbm>>
      %dma_wait3A_746 = arith.constant 0 : i32
      %dma_wait3A_747 = arith.constant 0 : i32
      %dma_wait3A_748 = tpu.memref_slice %arg6[%dma_wait3A_746, %dma_wait3A_747] : memref<500000x128xf32, #tpu.memory_space<hbm>> -> memref<160x128xf32, #tpu.memory_space<hbm>>
      tpu.wait_dma2 semaphore(%arg35 : memref<!tpu.dma_semaphore, #tpu.memory_space<semaphore_mem>>) src(%dma_wait3A_748 : memref<160x128xf32, #tpu.memory_space<hbm>>) dst(%arg29 : memref<160x128xf32, #tpu.memory_space<vmem>>)
      %dma_wait3A_749 = arith.constant 0 : i32
      %dma_wait3A_750 = arith.constant 0 : i32
      %dma_wait3A_751 = tpu.memref_slice %arg6[%dma_wait3A_749, %dma_wait3A_750] : memref<500000x128xf32, #tpu.memory_space<hbm>> -> memref<8x128xf32, #tpu.memory_space<hbm>>
      %dma_wait3A_752 = arith.constant 0 : i32
      %dma_wait3A_753 = arith.constant 0 : i32
      %dma_wait3A_754 = tpu.memref_slice %arg6[%dma_wait3A_752, %dma_wait3A_753] : memref<500000x128xf32, #tpu.memory_space<hbm>> -> memref<8x128xf32, #tpu.memory_space<hbm>>
      tpu.wait_dma2 semaphore(%arg35 : memref<!tpu.dma_semaphore, #tpu.memory_space<semaphore_mem>>) src(%dma_wait3A_754 : memref<8x128xf32, #tpu.memory_space<hbm>>) dst(%arg26 : memref<8x128xf32, #tpu.memory_space<vmem>>)
      %dma_wait3A_755 = arith.constant 0 : i32
      %dma_wait3A_756 = arith.constant 0 : i32
      %dma_wait3A_757 = tpu.memref_slice %arg6[%dma_wait3A_755, %dma_wait3A_756] : memref<500000x128xf32, #tpu.memory_space<hbm>> -> memref<8x128xf32, #tpu.memory_space<hbm>>
      %dma_wait3A_758 = arith.constant 0 : i32
      %dma_wait3A_759 = arith.constant 0 : i32
      %dma_wait3A_760 = tpu.memref_slice %arg6[%dma_wait3A_758, %dma_wait3A_759] : memref<500000x128xf32, #tpu.memory_space<hbm>> -> memref<8x128xf32, #tpu.memory_space<hbm>>
      tpu.wait_dma2 semaphore(%arg35 : memref<!tpu.dma_semaphore, #tpu.memory_space<semaphore_mem>>) src(%dma_wait3A_760 : memref<8x128xf32, #tpu.memory_space<hbm>>) dst(%arg27 : memref<8x128xf32, #tpu.memory_space<vmem>>)
      %add3A_761 = arith.constant 1 : i32
      %add3A_762 = arith.addi %mul3A_683, %add3A_761 : i32
      %mul3A_763 = arith.constant 160 : i32
      %mul3A_764 = arith.muli %add3A_762, %mul3A_763 : i32
      %mul3A_765 = arith.constant 8 : i32
      %mul3A_766 = arith.muli %add3A_762, %mul3A_765 : i32
      %get3A_767 = arith.index_cast %mul3A_766 : i32 to index
      %get3A_768 = tpu.vector_load %arg10[%get3A_767] {strides = array<i32>} : memref<528xi32, #tpu.memory_space<vmem>>, vector<16xi32>,
      %and3A_769 = arith.constant 1 : i32
      %and3A_770 = vector.broadcast %and3A_769 : i32 to vector<16xi32>
      %and3A_771 = arith.andi %get3A_768, %and3A_770 : vector<16xi32>
      %mul3A_772 = arith.constant 64 : i32
      %mul3A_773 = vector.broadcast %mul3A_772 : i32 to vector<16xi32>
      %mul3A_774 = arith.muli %and3A_771, %mul3A_773 : vector<16xi32>
      %get3A_775 = arith.index_cast %mul3A_766 : i32 to index
      %get3A_776 = tpu.vector_load %arg11[%get3A_775] {strides = array<i32>} : memref<528xi32, #tpu.memory_space<vmem>>, vector<16xi32>,
      %and3A_777 = arith.constant 1 : i32
      %and3A_778 = vector.broadcast %and3A_777 : i32 to vector<16xi32>
      %and3A_779 = arith.andi %get3A_776, %and3A_778 : vector<16xi32>
      %mul3A_780 = arith.constant 64 : i32
      %mul3A_781 = vector.broadcast %mul3A_780 : i32 to vector<16xi32>
      %mul3A_782 = arith.muli %and3A_779, %mul3A_781 : vector<16xi32>
      %scan3A_783 = arith.constant 0 : i32
      %scan3A_784 = arith.constant 8 : i32
      %scan3A_785 = arith.addi %scan3A_783, %scan3A_784 : i32
      %scan3A_786 = arith.constant 1 : i32
      %scan3A_787:4 = scf.for %scan3A_794 = %scan3A_783 to %scan3A_785 step %scan3A_786 iter_args(%scan3A_795 = %scan3A_731#0, %scan3A_796 = %scan3A_731#1, %scan3A_797 = %scan3A_731#2, %scan3A_798 = %scan3A_731#3) -> (vector<16xf32>, vector<16xf32>, vector<16xf32>, vector<16xf32>)  : i32 {
        %mul3A_799 = arith.constant 20 : i32
        %mul3A_800 = arith.muli %scan3A_794, %mul3A_799 : i32
        %broadcast_in_dim3A_801 = vector.broadcast %scan3A_794 : i32 to vector<16xi32>
        %broadcast_in_dim3A_802 = vector.shape_cast %broadcast_in_dim3A_801 : vector<16xi32> to vector<16x1xi32>
        %gather3A_803 = vector.shape_cast %broadcast_in_dim3A_802 : vector<16x1xi32> to vector<16xi32>
        %gather3A_804 = tpu.dynamic_gather %mul3A_774[%gather3A_803] in [0] : vector<16xi32>, vector<16xi32> -> vector<16xi32>
        %broadcast_in_dim3A_805 = vector.shape_cast %broadcast_in_dim3A_801 : vector<16xi32> to vector<16x1xi32>
        %gather3A_806 = vector.shape_cast %broadcast_in_dim3A_805 : vector<16x1xi32> to vector<16xi32>
        %gather3A_807 = tpu.dynamic_gather %mul3A_782[%gather3A_806] in [0] : vector<16xi32>, vector<16xi32> -> vector<16xi32>
        %add3A_808 = arith.addi %gather3A_804, %add3A_260 : vector<16xi32>
        %gather3A_809 = tpu.vector_load_idx %arg26[%broadcast_in_dim3A_801, %add3A_808] : memref<8x128xf32, #tpu.memory_space<vmem>>[vector<16xi32>, vector<16xi32>], vector<16xf32>,
        %add3A_810 = arith.addi %gather3A_804, %add3A_263 : vector<16xi32>
        %gather3A_811 = tpu.vector_load_idx %arg26[%broadcast_in_dim3A_801, %add3A_810] : memref<8x128xf32, #tpu.memory_space<vmem>>[vector<16xi32>, vector<16xi32>], vector<16xf32>,
        %add3A_812 = arith.addi %gather3A_804, %add3A_266 : vector<16xi32>
        %gather3A_813 = tpu.vector_load_idx %arg26[%broadcast_in_dim3A_801, %add3A_812] : memref<8x128xf32, #tpu.memory_space<vmem>>[vector<16xi32>, vector<16xi32>], vector<16xf32>,
        %add3A_814 = arith.addi %gather3A_804, %add3A_269 : vector<16xi32>
        %gather3A_815 = tpu.vector_load_idx %arg26[%broadcast_in_dim3A_801, %add3A_814] : memref<8x128xf32, #tpu.memory_space<vmem>>[vector<16xi32>, vector<16xi32>], vector<16xf32>,
        %add3A_816 = arith.addi %gather3A_807, %add3A_260 : vector<16xi32>
        %gather3A_817 = tpu.vector_load_idx %arg27[%broadcast_in_dim3A_801, %add3A_816] : memref<8x128xf32, #tpu.memory_space<vmem>>[vector<16xi32>, vector<16xi32>], vector<16xf32>,
        %add3A_818 = arith.addi %gather3A_807, %add3A_263 : vector<16xi32>
        %gather3A_819 = tpu.vector_load_idx %arg27[%broadcast_in_dim3A_801, %add3A_818] : memref<8x128xf32, #tpu.memory_space<vmem>>[vector<16xi32>, vector<16xi32>], vector<16xf32>,
        %add3A_820 = arith.addi %gather3A_807, %add3A_266 : vector<16xi32>
        %gather3A_821 = tpu.vector_load_idx %arg27[%broadcast_in_dim3A_801, %add3A_820] : memref<8x128xf32, #tpu.memory_space<vmem>>[vector<16xi32>, vector<16xi32>], vector<16xf32>,
        %add3A_822 = arith.addi %gather3A_807, %add3A_269 : vector<16xi32>
        %gather3A_823 = tpu.vector_load_idx %arg27[%broadcast_in_dim3A_801, %add3A_822] : memref<8x128xf32, #tpu.memory_space<vmem>>[vector<16xi32>, vector<16xi32>], vector<16xf32>,
        %mul3A_824 = arith.constant 5.000000e-01 : f32
        %mul3A_825 = vector.broadcast %mul3A_824 : f32 to vector<16xf32>
        %mul3A_826 = arith.mulf %mul3A_825, %gather3A_817 : vector<16xf32>
        %sub3A_827 = arith.subf %mul3A_826, %gather3A_809 : vector<16xf32>
        %mul3A_828 = arith.constant 5.000000e-01 : f32
        %mul3A_829 = vector.broadcast %mul3A_828 : f32 to vector<16xf32>
        %mul3A_830 = arith.mulf %mul3A_829, %gather3A_819 : vector<16xf32>
        %sub3A_831 = arith.subf %mul3A_830, %gather3A_811 : vector<16xf32>
        %mul3A_832 = arith.constant 5.000000e-01 : f32
        %mul3A_833 = vector.broadcast %mul3A_832 : f32 to vector<16xf32>
        %mul3A_834 = arith.mulf %mul3A_833, %gather3A_821 : vector<16xf32>
        %sub3A_835 = arith.subf %mul3A_834, %gather3A_813 : vector<16xf32>
        %mul3A_836 = arith.constant 5.000000e-01 : f32
        %mul3A_837 = vector.broadcast %mul3A_836 : f32 to vector<16xf32>
        %mul3A_838 = arith.mulf %mul3A_837, %gather3A_823 : vector<16xf32>
        %sub3A_839 = arith.subf %mul3A_838, %gather3A_815 : vector<16xf32>
        %mul3A_840 = arith.constant 5.000000e-01 : f32
        %mul3A_841 = vector.broadcast %mul3A_840 : f32 to vector<16xf32>
        %mul3A_842 = arith.mulf %mul3A_841, %gather3A_809 : vector<16xf32>
        %mul3A_843 = arith.constant 5.000000e-01 : f32
        %mul3A_844 = vector.broadcast %mul3A_843 : f32 to vector<16xf32>
        %mul3A_845 = arith.mulf %mul3A_844, %gather3A_811 : vector<16xf32>
        %mul3A_846 = arith.constant 5.000000e-01 : f32
        %mul3A_847 = vector.broadcast %mul3A_846 : f32 to vector<16xf32>
        %mul3A_848 = arith.mulf %mul3A_847, %gather3A_813 : vector<16xf32>
        %mul3A_849 = arith.constant 5.000000e-01 : f32
        %mul3A_850 = vector.broadcast %mul3A_849 : f32 to vector<16xf32>
        %mul3A_851 = arith.mulf %mul3A_850, %gather3A_815 : vector<16xf32>
        %add3A_852 = arith.addi %mul3A_764, %mul3A_800 : i32
        %get3A_853 = arith.index_cast %add3A_852 : i32 to index
        %get3A_854 = tpu.vector_load %arg12[%get3A_853] {strides = array<i32>} : memref<10240xi32, #tpu.memory_space<vmem>>, vector<16xi32>,
        %add3A_855 = arith.addi %mul3A_764, %mul3A_800 : i32
        %add3A_856 = arith.constant 4 : i32
        %add3A_857 = arith.addi %add3A_855, %add3A_856 : i32
        %get3A_858 = arith.index_cast %add3A_857 : i32 to index
        %get3A_859 = tpu.vector_load %arg12[%get3A_858] {strides = array<i32>} : memref<10240xi32, #tpu.memory_space<vmem>>, vector<16xi32>,
        %add3A_860 = arith.addi %mul3A_764, %mul3A_800 : i32
        %get3A_861 = arith.index_cast %add3A_860 : i32 to index
        %get3A_862 = tpu.vector_load %arg13[%get3A_861] {strides = array<i32>} : memref<10240xi32, #tpu.memory_space<vmem>>, vector<16xi32>,
        %add3A_863 = arith.addi %mul3A_764, %mul3A_800 : i32
        %add3A_864 = arith.constant 4 : i32
        %add3A_865 = arith.addi %add3A_863, %add3A_864 : i32
        %get3A_866 = arith.index_cast %add3A_865 : i32 to index
        %get3A_867 = tpu.vector_load %arg13[%get3A_866] {strides = array<i32>} : memref<10240xi32, #tpu.memory_space<vmem>>, vector<16xi32>,
        %and3A_868 = arith.constant 1 : i32
        %and3A_869 = vector.broadcast %and3A_868 : i32 to vector<16xi32>
        %and3A_870 = arith.andi %get3A_854, %and3A_869 : vector<16xi32>
        %mul3A_871 = arith.constant 64 : i32
        %mul3A_872 = vector.broadcast %mul3A_871 : i32 to vector<16xi32>
        %mul3A_873 = arith.muli %and3A_870, %mul3A_872 : vector<16xi32>
        %and3A_874 = arith.constant 1 : i32
        %and3A_875 = vector.broadcast %and3A_874 : i32 to vector<16xi32>
        %and3A_876 = arith.andi %get3A_859, %and3A_875 : vector<16xi32>
        %mul3A_877 = arith.constant 64 : i32
        %mul3A_878 = vector.broadcast %mul3A_877 : i32 to vector<16xi32>
        %mul3A_879 = arith.muli %and3A_876, %mul3A_878 : vector<16xi32>
        %and3A_880 = arith.constant 1 : i32
        %and3A_881 = vector.broadcast %and3A_880 : i32 to vector<16xi32>
        %and3A_882 = arith.andi %get3A_862, %and3A_881 : vector<16xi32>
        %mul3A_883 = arith.constant 64 : i32
        %mul3A_884 = vector.broadcast %mul3A_883 : i32 to vector<16xi32>
        %mul3A_885 = arith.muli %and3A_882, %mul3A_884 : vector<16xi32>
        %and3A_886 = arith.constant 1 : i32
        %and3A_887 = vector.broadcast %and3A_886 : i32 to vector<16xi32>
        %and3A_888 = arith.andi %get3A_867, %and3A_887 : vector<16xi32>
        %mul3A_889 = arith.constant 64 : i32
        %mul3A_890 = vector.broadcast %mul3A_889 : i32 to vector<16xi32>
        %mul3A_891 = arith.muli %and3A_888, %mul3A_890 : vector<16xi32>
        %add3A_892 = arith.constant 0 : i32
        %add3A_893 = arith.addi %mul3A_800, %add3A_892 : i32
        %broadcast_in_dim3A_894 = vector.broadcast %add3A_893 : i32 to vector<16xi32>
        %broadcast_in_dim3A_895 = arith.constant 0 : i32
        %broadcast_in_dim3A_896 = vector.broadcast %broadcast_in_dim3A_895 : i32 to vector<16xi32>
        %broadcast_in_dim3A_897 = vector.shape_cast %broadcast_in_dim3A_896 : vector<16xi32> to vector<16x1xi32>
        %gather3A_898 = vector.shape_cast %broadcast_in_dim3A_897 : vector<16x1xi32> to vector<16xi32>
        %gather3A_899 = tpu.dynamic_gather %mul3A_873[%gather3A_898] in [0] : vector<16xi32>, vector<16xi32> -> vector<16xi32>
        %broadcast_in_dim3A_900 = arith.constant 0 : i32
        %broadcast_in_dim3A_901 = vector.broadcast %broadcast_in_dim3A_900 : i32 to vector<16xi32>
        %broadcast_in_dim3A_902 = vector.shape_cast %broadcast_in_dim3A_901 : vector<16xi32> to vector<16x1xi32>
        %gather3A_903 = vector.shape_cast %broadcast_in_dim3A_902 : vector<16x1xi32> to vector<16xi32>
        %gather3A_904 = tpu.dynamic_gather %mul3A_885[%gather3A_903] in [0] : vector<16xi32>, vector<16xi32> -> vector<16xi32>
        %add3A_905 = arith.addi %gather3A_899, %add3A_260 : vector<16xi32>
        %gather3A_906 = tpu.vector_load_idx %arg28[%broadcast_in_dim3A_894, %add3A_905] : memref<160x128xf32, #tpu.memory_space<vmem>>[vector<16xi32>, vector<16xi32>], vector<16xf32>,
        %add3A_907 = arith.addi %gather3A_899, %add3A_263 : vector<16xi32>
        %gather3A_908 = tpu.vector_load_idx %arg28[%broadcast_in_dim3A_894, %add3A_907] : memref<160x128xf32, #tpu.memory_space<vmem>>[vector<16xi32>, vector<16xi32>], vector<16xf32>,
        %add3A_909 = arith.addi %gather3A_899, %add3A_266 : vector<16xi32>
        %gather3A_910 = tpu.vector_load_idx %arg28[%broadcast_in_dim3A_894, %add3A_909] : memref<160x128xf32, #tpu.memory_space<vmem>>[vector<16xi32>, vector<16xi32>], vector<16xf32>,
        %add3A_911 = arith.addi %gather3A_899, %add3A_269 : vector<16xi32>
        %gather3A_912 = tpu.vector_load_idx %arg28[%broadcast_in_dim3A_894, %add3A_911] : memref<160x128xf32, #tpu.memory_space<vmem>>[vector<16xi32>, vector<16xi32>], vector<16xf32>,
        %add3A_913 = arith.addi %gather3A_904, %add3A_260 : vector<16xi32>
        %gather3A_914 = tpu.vector_load_idx %arg29[%broadcast_in_dim3A_894, %add3A_913] : memref<160x128xf32, #tpu.memory_space<vmem>>[vector<16xi32>, vector<16xi32>], vector<16xf32>,
        %add3A_915 = arith.addi %gather3A_904, %add3A_263 : vector<16xi32>
        %gather3A_916 = tpu.vector_load_idx %arg29[%broadcast_in_dim3A_894, %add3A_915] : memref<160x128xf32, #tpu.memory_space<vmem>>[vector<16xi32>, vector<16xi32>], vector<16xf32>,
        %add3A_917 = arith.addi %gather3A_904, %add3A_266 : vector<16xi32>
        %gather3A_918 = tpu.vector_load_idx %arg29[%broadcast_in_dim3A_894, %add3A_917] : memref<160x128xf32, #tpu.memory_space<vmem>>[vector<16xi32>, vector<16xi32>], vector<16xf32>,
        %add3A_919 = arith.addi %gather3A_904, %add3A_269 : vector<16xi32>
        %gather3A_920 = tpu.vector_load_idx %arg29[%broadcast_in_dim3A_894, %add3A_919] : memref<160x128xf32, #tpu.memory_space<vmem>>[vector<16xi32>, vector<16xi32>], vector<16xf32>,
        %mul3A_921 = arith.mulf %sub3A_827, %gather3A_906 : vector<16xf32>
        %mul3A_922 = arith.mulf %sub3A_831, %gather3A_908 : vector<16xf32>
        %add3A_923 = arith.addf %mul3A_921, %mul3A_922 : vector<16xf32>
        %mul3A_924 = arith.mulf %sub3A_835, %gather3A_910 : vector<16xf32>
        %mul3A_925 = arith.mulf %sub3A_839, %gather3A_912 : vector<16xf32>
        %add3A_926 = arith.addf %mul3A_924, %mul3A_925 : vector<16xf32>
        %add3A_927 = arith.addf %add3A_923, %add3A_926 : vector<16xf32>
        %mul3A_928 = arith.mulf %mul3A_842, %gather3A_914 : vector<16xf32>
        %mul3A_929 = arith.mulf %mul3A_845, %gather3A_916 : vector<16xf32>
        %add3A_930 = arith.addf %mul3A_928, %mul3A_929 : vector<16xf32>
        %mul3A_931 = arith.mulf %mul3A_848, %gather3A_918 : vector<16xf32>
        %mul3A_932 = arith.mulf %mul3A_851, %gather3A_920 : vector<16xf32>
        %add3A_933 = arith.addf %mul3A_931, %mul3A_932 : vector<16xf32>
        %add3A_934 = arith.addf %add3A_930, %add3A_933 : vector<16xf32>
        %get3A_935 = arith.constant 0 : index
        %get3A_936 = tpu.vector_load %arg33[%get3A_935] {strides = array<i32>} : memref<320xf32, #tpu.memory_space<vmem>>, vector<16xf32>,
        %add3A_937 = arith.addf %add3A_927, %add3A_934 : vector<16xf32>
        %mul3A_938 = arith.mulf %get3A_936, %add3A_937 : vector<16xf32>
        %add3A_939 = arith.addf %scan3A_795, %mul3A_938 : vector<16xf32>
        %add3A_940 = arith.constant 1 : i32
        %add3A_941 = arith.addi %mul3A_800, %add3A_940 : i32
        %broadcast_in_dim3A_942 = vector.broadcast %add3A_941 : i32 to vector<16xi32>
        %broadcast_in_dim3A_943 = arith.constant 1 : i32
        %broadcast_in_dim3A_944 = vector.broadcast %broadcast_in_dim3A_943 : i32 to vector<16xi32>
        %broadcast_in_dim3A_945 = vector.shape_cast %broadcast_in_dim3A_944 : vector<16xi32> to vector<16x1xi32>
        %gather3A_946 = vector.shape_cast %broadcast_in_dim3A_945 : vector<16x1xi32> to vector<16xi32>
        %gather3A_947 = tpu.dynamic_gather %mul3A_873[%gather3A_946] in [0] : vector<16xi32>, vector<16xi32> -> vector<16xi32>
        %broadcast_in_dim3A_948 = arith.constant 1 : i32
        %broadcast_in_dim3A_949 = vector.broadcast %broadcast_in_dim3A_948 : i32 to vector<16xi32>
        %broadcast_in_dim3A_950 = vector.shape_cast %broadcast_in_dim3A_949 : vector<16xi32> to vector<16x1xi32>
        %gather3A_951 = vector.shape_cast %broadcast_in_dim3A_950 : vector<16x1xi32> to vector<16xi32>
        %gather3A_952 = tpu.dynamic_gather %mul3A_885[%gather3A_951] in [0] : vector<16xi32>, vector<16xi32> -> vector<16xi32>
        %add3A_953 = arith.addi %gather3A_947, %add3A_260 : vector<16xi32>
        %gather3A_954 = tpu.vector_load_idx %arg28[%broadcast_in_dim3A_942, %add3A_953] : memref<160x128xf32, #tpu.memory_space<vmem>>[vector<16xi32>, vector<16xi32>], vector<16xf32>,
        %add3A_955 = arith.addi %gather3A_947, %add3A_263 : vector<16xi32>
        %gather3A_956 = tpu.vector_load_idx %arg28[%broadcast_in_dim3A_942, %add3A_955] : memref<160x128xf32, #tpu.memory_space<vmem>>[vector<16xi32>, vector<16xi32>], vector<16xf32>,
        %add3A_957 = arith.addi %gather3A_947, %add3A_266 : vector<16xi32>
        %gather3A_958 = tpu.vector_load_idx %arg28[%broadcast_in_dim3A_942, %add3A_957] : memref<160x128xf32, #tpu.memory_space<vmem>>[vector<16xi32>, vector<16xi32>], vector<16xf32>,
        %add3A_959 = arith.addi %gather3A_947, %add3A_269 : vector<16xi32>
        %gather3A_960 = tpu.vector_load_idx %arg28[%broadcast_in_dim3A_942, %add3A_959] : memref<160x128xf32, #tpu.memory_space<vmem>>[vector<16xi32>, vector<16xi32>], vector<16xf32>,
        %add3A_961 = arith.addi %gather3A_952, %add3A_260 : vector<16xi32>
        %gather3A_962 = tpu.vector_load_idx %arg29[%broadcast_in_dim3A_942, %add3A_961] : memref<160x128xf32, #tpu.memory_space<vmem>>[vector<16xi32>, vector<16xi32>], vector<16xf32>,
        %add3A_963 = arith.addi %gather3A_952, %add3A_263 : vector<16xi32>
        %gather3A_964 = tpu.vector_load_idx %arg29[%broadcast_in_dim3A_942, %add3A_963] : memref<160x128xf32, #tpu.memory_space<vmem>>[vector<16xi32>, vector<16xi32>], vector<16xf32>,
        %add3A_965 = arith.addi %gather3A_952, %add3A_266 : vector<16xi32>
        %gather3A_966 = tpu.vector_load_idx %arg29[%broadcast_in_dim3A_942, %add3A_965] : memref<160x128xf32, #tpu.memory_space<vmem>>[vector<16xi32>, vector<16xi32>], vector<16xf32>,
        %add3A_967 = arith.addi %gather3A_952, %add3A_269 : vector<16xi32>
        %gather3A_968 = tpu.vector_load_idx %arg29[%broadcast_in_dim3A_942, %add3A_967] : memref<160x128xf32, #tpu.memory_space<vmem>>[vector<16xi32>, vector<16xi32>], vector<16xf32>,
        %mul3A_969 = arith.mulf %sub3A_827, %gather3A_954 : vector<16xf32>
        %mul3A_970 = arith.mulf %sub3A_831, %gather3A_956 : vector<16xf32>
        %add3A_971 = arith.addf %mul3A_969, %mul3A_970 : vector<16xf32>
        %mul3A_972 = arith.mulf %sub3A_835, %gather3A_958 : vector<16xf32>
        %mul3A_973 = arith.mulf %sub3A_839, %gather3A_960 : vector<16xf32>
        %add3A_974 = arith.addf %mul3A_972, %mul3A_973 : vector<16xf32>
        %add3A_975 = arith.addf %add3A_971, %add3A_974 : vector<16xf32>
        %mul3A_976 = arith.mulf %mul3A_842, %gather3A_962 : vector<16xf32>
        %mul3A_977 = arith.mulf %mul3A_845, %gather3A_964 : vector<16xf32>
        %add3A_978 = arith.addf %mul3A_976, %mul3A_977 : vector<16xf32>
        %mul3A_979 = arith.mulf %mul3A_848, %gather3A_966 : vector<16xf32>
        %mul3A_980 = arith.mulf %mul3A_851, %gather3A_968 : vector<16xf32>
        %add3A_981 = arith.addf %mul3A_979, %mul3A_980 : vector<16xf32>
        %add3A_982 = arith.addf %add3A_978, %add3A_981 : vector<16xf32>
        %get3A_983 = arith.constant 16 : index
        %get3A_984 = tpu.vector_load %arg33[%get3A_983] {strides = array<i32>} : memref<320xf32, #tpu.memory_space<vmem>>, vector<16xf32>,
        %add3A_985 = arith.addf %add3A_975, %add3A_982 : vector<16xf32>
        %mul3A_986 = arith.mulf %get3A_984, %add3A_985 : vector<16xf32>
        %add3A_987 = arith.addf %scan3A_796, %mul3A_986 : vector<16xf32>
        %add3A_988 = arith.constant 2 : i32
        %add3A_989 = arith.addi %mul3A_800, %add3A_988 : i32
        %broadcast_in_dim3A_990 = vector.broadcast %add3A_989 : i32 to vector<16xi32>
        %broadcast_in_dim3A_991 = arith.constant 2 : i32
        %broadcast_in_dim3A_992 = vector.broadcast %broadcast_in_dim3A_991 : i32 to vector<16xi32>
        %broadcast_in_dim3A_993 = vector.shape_cast %broadcast_in_dim3A_992 : vector<16xi32> to vector<16x1xi32>
        %gather3A_994 = vector.shape_cast %broadcast_in_dim3A_993 : vector<16x1xi32> to vector<16xi32>
        %gather3A_995 = tpu.dynamic_gather %mul3A_873[%gather3A_994] in [0] : vector<16xi32>, vector<16xi32> -> vector<16xi32>
        %broadcast_in_dim3A_996 = arith.constant 2 : i32
        %broadcast_in_dim3A_997 = vector.broadcast %broadcast_in_dim3A_996 : i32 to vector<16xi32>
        %broadcast_in_dim3A_998 = vector.shape_cast %broadcast_in_dim3A_997 : vector<16xi32> to vector<16x1xi32>
        %gather3A_999 = vector.shape_cast %broadcast_in_dim3A_998 : vector<16x1xi32> to vector<16xi32>
        %gather3A_1000 = tpu.dynamic_gather %mul3A_885[%gather3A_999] in [0] : vector<16xi32>, vector<16xi32> -> vector<16xi32>
        %add3A_1001 = arith.addi %gather3A_995, %add3A_260 : vector<16xi32>
        %gather3A_1002 = tpu.vector_load_idx %arg28[%broadcast_in_dim3A_990, %add3A_1001] : memref<160x128xf32, #tpu.memory_space<vmem>>[vector<16xi32>, vector<16xi32>], vector<16xf32>,
        %add3A_1003 = arith.addi %gather3A_995, %add3A_263 : vector<16xi32>
        %gather3A_1004 = tpu.vector_load_idx %arg28[%broadcast_in_dim3A_990, %add3A_1003] : memref<160x128xf32, #tpu.memory_space<vmem>>[vector<16xi32>, vector<16xi32>], vector<16xf32>,
        %add3A_1005 = arith.addi %gather3A_995, %add3A_266 : vector<16xi32>
        %gather3A_1006 = tpu.vector_load_idx %arg28[%broadcast_in_dim3A_990, %add3A_1005] : memref<160x128xf32, #tpu.memory_space<vmem>>[vector<16xi32>, vector<16xi32>], vector<16xf32>,
        %add3A_1007 = arith.addi %gather3A_995, %add3A_269 : vector<16xi32>
        %gather3A_1008 = tpu.vector_load_idx %arg28[%broadcast_in_dim3A_990, %add3A_1007] : memref<160x128xf32, #tpu.memory_space<vmem>>[vector<16xi32>, vector<16xi32>], vector<16xf32>,
        %add3A_1009 = arith.addi %gather3A_1000, %add3A_260 : vector<16xi32>
        %gather3A_1010 = tpu.vector_load_idx %arg29[%broadcast_in_dim3A_990, %add3A_1009] : memref<160x128xf32, #tpu.memory_space<vmem>>[vector<16xi32>, vector<16xi32>], vector<16xf32>,
        %add3A_1011 = arith.addi %gather3A_1000, %add3A_263 : vector<16xi32>
        %gather3A_1012 = tpu.vector_load_idx %arg29[%broadcast_in_dim3A_990, %add3A_1011] : memref<160x128xf32, #tpu.memory_space<vmem>>[vector<16xi32>, vector<16xi32>], vector<16xf32>,
        %add3A_1013 = arith.addi %gather3A_1000, %add3A_266 : vector<16xi32>
        %gather3A_1014 = tpu.vector_load_idx %arg29[%broadcast_in_dim3A_990, %add3A_1013] : memref<160x128xf32, #tpu.memory_space<vmem>>[vector<16xi32>, vector<16xi32>], vector<16xf32>,
        %add3A_1015 = arith.addi %gather3A_1000, %add3A_269 : vector<16xi32>
        %gather3A_1016 = tpu.vector_load_idx %arg29[%broadcast_in_dim3A_990, %add3A_1015] : memref<160x128xf32, #tpu.memory_space<vmem>>[vector<16xi32>, vector<16xi32>], vector<16xf32>,
        %mul3A_1017 = arith.mulf %sub3A_827, %gather3A_1002 : vector<16xf32>
        %mul3A_1018 = arith.mulf %sub3A_831, %gather3A_1004 : vector<16xf32>
        %add3A_1019 = arith.addf %mul3A_1017, %mul3A_1018 : vector<16xf32>
        %mul3A_1020 = arith.mulf %sub3A_835, %gather3A_1006 : vector<16xf32>
        %mul3A_1021 = arith.mulf %sub3A_839, %gather3A_1008 : vector<16xf32>
        %add3A_1022 = arith.addf %mul3A_1020, %mul3A_1021 : vector<16xf32>
        %add3A_1023 = arith.addf %add3A_1019, %add3A_1022 : vector<16xf32>
        %mul3A_1024 = arith.mulf %mul3A_842, %gather3A_1010 : vector<16xf32>
        %mul3A_1025 = arith.mulf %mul3A_845, %gather3A_1012 : vector<16xf32>
        %add3A_1026 = arith.addf %mul3A_1024, %mul3A_1025 : vector<16xf32>
        %mul3A_1027 = arith.mulf %mul3A_848, %gather3A_1014 : vector<16xf32>
        %mul3A_1028 = arith.mulf %mul3A_851, %gather3A_1016 : vector<16xf32>
        %add3A_1029 = arith.addf %mul3A_1027, %mul3A_1028 : vector<16xf32>
        %add3A_1030 = arith.addf %add3A_1026, %add3A_1029 : vector<16xf32>
        %get3A_1031 = arith.constant 32 : index
        %get3A_1032 = tpu.vector_load %arg33[%get3A_1031] {strides = array<i32>} : memref<320xf32, #tpu.memory_space<vmem>>, vector<16xf32>,
        %add3A_1033 = arith.addf %add3A_1023, %add3A_1030 : vector<16xf32>
        %mul3A_1034 = arith.mulf %get3A_1032, %add3A_1033 : vector<16xf32>
        %add3A_1035 = arith.addf %scan3A_797, %mul3A_1034 : vector<16xf32>
        %add3A_1036 = arith.constant 3 : i32
        %add3A_1037 = arith.addi %mul3A_800, %add3A_1036 : i32
        %broadcast_in_dim3A_1038 = vector.broadcast %add3A_1037 : i32 to vector<16xi32>
        %broadcast_in_dim3A_1039 = arith.constant 3 : i32
        %broadcast_in_dim3A_1040 = vector.broadcast %broadcast_in_dim3A_1039 : i32 to vector<16xi32>
        %broadcast_in_dim3A_1041 = vector.shape_cast %broadcast_in_dim3A_1040 : vector<16xi32> to vector<16x1xi32>
        %gather3A_1042 = vector.shape_cast %broadcast_in_dim3A_1041 : vector<16x1xi32> to vector<16xi32>
        %gather3A_1043 = tpu.dynamic_gather %mul3A_873[%gather3A_1042] in [0] : vector<16xi32>, vector<16xi32> -> vector<16xi32>
        %broadcast_in_dim3A_1044 = arith.constant 3 : i32
        %broadcast_in_dim3A_1045 = vector.broadcast %broadcast_in_dim3A_1044 : i32 to vector<16xi32>
        %broadcast_in_dim3A_1046 = vector.shape_cast %broadcast_in_dim3A_1045 : vector<16xi32> to vector<16x1xi32>
        %gather3A_1047 = vector.shape_cast %broadcast_in_dim3A_1046 : vector<16x1xi32> to vector<16xi32>
        %gather3A_1048 = tpu.dynamic_gather %mul3A_885[%gather3A_1047] in [0] : vector<16xi32>, vector<16xi32> -> vector<16xi32>
        %add3A_1049 = arith.addi %gather3A_1043, %add3A_260 : vector<16xi32>
        %gather3A_1050 = tpu.vector_load_idx %arg28[%broadcast_in_dim3A_1038, %add3A_1049] : memref<160x128xf32, #tpu.memory_space<vmem>>[vector<16xi32>, vector<16xi32>], vector<16xf32>,
        %add3A_1051 = arith.addi %gather3A_1043, %add3A_263 : vector<16xi32>
        %gather3A_1052 = tpu.vector_load_idx %arg28[%broadcast_in_dim3A_1038, %add3A_1051] : memref<160x128xf32, #tpu.memory_space<vmem>>[vector<16xi32>, vector<16xi32>], vector<16xf32>,
        %add3A_1053 = arith.addi %gather3A_1043, %add3A_266 : vector<16xi32>
        %gather3A_1054 = tpu.vector_load_idx %arg28[%broadcast_in_dim3A_1038, %add3A_1053] : memref<160x128xf32, #tpu.memory_space<vmem>>[vector<16xi32>, vector<16xi32>], vector<16xf32>,
        %add3A_1055 = arith.addi %gather3A_1043, %add3A_269 : vector<16xi32>
        %gather3A_1056 = tpu.vector_load_idx %arg28[%broadcast_in_dim3A_1038, %add3A_1055] : memref<160x128xf32, #tpu.memory_space<vmem>>[vector<16xi32>, vector<16xi32>], vector<16xf32>,
        %add3A_1057 = arith.addi %gather3A_1048, %add3A_260 : vector<16xi32>
        %gather3A_1058 = tpu.vector_load_idx %arg29[%broadcast_in_dim3A_1038, %add3A_1057] : memref<160x128xf32, #tpu.memory_space<vmem>>[vector<16xi32>, vector<16xi32>], vector<16xf32>,
        %add3A_1059 = arith.addi %gather3A_1048, %add3A_263 : vector<16xi32>
        %gather3A_1060 = tpu.vector_load_idx %arg29[%broadcast_in_dim3A_1038, %add3A_1059] : memref<160x128xf32, #tpu.memory_space<vmem>>[vector<16xi32>, vector<16xi32>], vector<16xf32>,
        %add3A_1061 = arith.addi %gather3A_1048, %add3A_266 : vector<16xi32>
        %gather3A_1062 = tpu.vector_load_idx %arg29[%broadcast_in_dim3A_1038, %add3A_1061] : memref<160x128xf32, #tpu.memory_space<vmem>>[vector<16xi32>, vector<16xi32>], vector<16xf32>,
        %add3A_1063 = arith.addi %gather3A_1048, %add3A_269 : vector<16xi32>
        %gather3A_1064 = tpu.vector_load_idx %arg29[%broadcast_in_dim3A_1038, %add3A_1063] : memref<160x128xf32, #tpu.memory_space<vmem>>[vector<16xi32>, vector<16xi32>], vector<16xf32>,
        %mul3A_1065 = arith.mulf %sub3A_827, %gather3A_1050 : vector<16xf32>
        %mul3A_1066 = arith.mulf %sub3A_831, %gather3A_1052 : vector<16xf32>
        %add3A_1067 = arith.addf %mul3A_1065, %mul3A_1066 : vector<16xf32>
        %mul3A_1068 = arith.mulf %sub3A_835, %gather3A_1054 : vector<16xf32>
        %mul3A_1069 = arith.mulf %sub3A_839, %gather3A_1056 : vector<16xf32>
        %add3A_1070 = arith.addf %mul3A_1068, %mul3A_1069 : vector<16xf32>
        %add3A_1071 = arith.addf %add3A_1067, %add3A_1070 : vector<16xf32>
        %mul3A_1072 = arith.mulf %mul3A_842, %gather3A_1058 : vector<16xf32>
        %mul3A_1073 = arith.mulf %mul3A_845, %gather3A_1060 : vector<16xf32>
        %add3A_1074 = arith.addf %mul3A_1072, %mul3A_1073 : vector<16xf32>
        %mul3A_1075 = arith.mulf %mul3A_848, %gather3A_1062 : vector<16xf32>
        %mul3A_1076 = arith.mulf %mul3A_851, %gather3A_1064 : vector<16xf32>
        %add3A_1077 = arith.addf %mul3A_1075, %mul3A_1076 : vector<16xf32>
        %add3A_1078 = arith.addf %add3A_1074, %add3A_1077 : vector<16xf32>
        %get3A_1079 = arith.constant 48 : index
        %get3A_1080 = tpu.vector_load %arg33[%get3A_1079] {strides = array<i32>} : memref<320xf32, #tpu.memory_space<vmem>>, vector<16xf32>,
        %add3A_1081 = arith.addf %add3A_1071, %add3A_1078 : vector<16xf32>
        %mul3A_1082 = arith.mulf %get3A_1080, %add3A_1081 : vector<16xf32>
        %add3A_1083 = arith.addf %scan3A_798, %mul3A_1082 : vector<16xf32>
        %add3A_1084 = arith.constant 4 : i32
        %add3A_1085 = arith.addi %mul3A_800, %add3A_1084 : i32
        %broadcast_in_dim3A_1086 = vector.broadcast %add3A_1085 : i32 to vector<16xi32>
        %broadcast_in_dim3A_1087 = arith.constant 4 : i32
        %broadcast_in_dim3A_1088 = vector.broadcast %broadcast_in_dim3A_1087 : i32 to vector<16xi32>
        %broadcast_in_dim3A_1089 = vector.shape_cast %broadcast_in_dim3A_1088 : vector<16xi32> to vector<16x1xi32>
        %gather3A_1090 = vector.shape_cast %broadcast_in_dim3A_1089 : vector<16x1xi32> to vector<16xi32>
        %gather3A_1091 = tpu.dynamic_gather %mul3A_873[%gather3A_1090] in [0] : vector<16xi32>, vector<16xi32> -> vector<16xi32>
        %broadcast_in_dim3A_1092 = arith.constant 4 : i32
        %broadcast_in_dim3A_1093 = vector.broadcast %broadcast_in_dim3A_1092 : i32 to vector<16xi32>
        %broadcast_in_dim3A_1094 = vector.shape_cast %broadcast_in_dim3A_1093 : vector<16xi32> to vector<16x1xi32>
        %gather3A_1095 = vector.shape_cast %broadcast_in_dim3A_1094 : vector<16x1xi32> to vector<16xi32>
        %gather3A_1096 = tpu.dynamic_gather %mul3A_885[%gather3A_1095] in [0] : vector<16xi32>, vector<16xi32> -> vector<16xi32>
        %add3A_1097 = arith.addi %gather3A_1091, %add3A_260 : vector<16xi32>
        %gather3A_1098 = tpu.vector_load_idx %arg28[%broadcast_in_dim3A_1086, %add3A_1097] : memref<160x128xf32, #tpu.memory_space<vmem>>[vector<16xi32>, vector<16xi32>], vector<16xf32>,
        %add3A_1099 = arith.addi %gather3A_1091, %add3A_263 : vector<16xi32>
        %gather3A_1100 = tpu.vector_load_idx %arg28[%broadcast_in_dim3A_1086, %add3A_1099] : memref<160x128xf32, #tpu.memory_space<vmem>>[vector<16xi32>, vector<16xi32>], vector<16xf32>,
        %add3A_1101 = arith.addi %gather3A_1091, %add3A_266 : vector<16xi32>
        %gather3A_1102 = tpu.vector_load_idx %arg28[%broadcast_in_dim3A_1086, %add3A_1101] : memref<160x128xf32, #tpu.memory_space<vmem>>[vector<16xi32>, vector<16xi32>], vector<16xf32>,
        %add3A_1103 = arith.addi %gather3A_1091, %add3A_269 : vector<16xi32>
        %gather3A_1104 = tpu.vector_load_idx %arg28[%broadcast_in_dim3A_1086, %add3A_1103] : memref<160x128xf32, #tpu.memory_space<vmem>>[vector<16xi32>, vector<16xi32>], vector<16xf32>,
        %add3A_1105 = arith.addi %gather3A_1096, %add3A_260 : vector<16xi32>
        %gather3A_1106 = tpu.vector_load_idx %arg29[%broadcast_in_dim3A_1086, %add3A_1105] : memref<160x128xf32, #tpu.memory_space<vmem>>[vector<16xi32>, vector<16xi32>], vector<16xf32>,
        %add3A_1107 = arith.addi %gather3A_1096, %add3A_263 : vector<16xi32>
        %gather3A_1108 = tpu.vector_load_idx %arg29[%broadcast_in_dim3A_1086, %add3A_1107] : memref<160x128xf32, #tpu.memory_space<vmem>>[vector<16xi32>, vector<16xi32>], vector<16xf32>,
        %add3A_1109 = arith.addi %gather3A_1096, %add3A_266 : vector<16xi32>
        %gather3A_1110 = tpu.vector_load_idx %arg29[%broadcast_in_dim3A_1086, %add3A_1109] : memref<160x128xf32, #tpu.memory_space<vmem>>[vector<16xi32>, vector<16xi32>], vector<16xf32>,
        %add3A_1111 = arith.addi %gather3A_1096, %add3A_269 : vector<16xi32>
        %gather3A_1112 = tpu.vector_load_idx %arg29[%broadcast_in_dim3A_1086, %add3A_1111] : memref<160x128xf32, #tpu.memory_space<vmem>>[vector<16xi32>, vector<16xi32>], vector<16xf32>,
        %mul3A_1113 = arith.mulf %sub3A_827, %gather3A_1098 : vector<16xf32>
        %mul3A_1114 = arith.mulf %sub3A_831, %gather3A_1100 : vector<16xf32>
        %add3A_1115 = arith.addf %mul3A_1113, %mul3A_1114 : vector<16xf32>
        %mul3A_1116 = arith.mulf %sub3A_835, %gather3A_1102 : vector<16xf32>
        %mul3A_1117 = arith.mulf %sub3A_839, %gather3A_1104 : vector<16xf32>
        %add3A_1118 = arith.addf %mul3A_1116, %mul3A_1117 : vector<16xf32>
        %add3A_1119 = arith.addf %add3A_1115, %add3A_1118 : vector<16xf32>
        %mul3A_1120 = arith.mulf %mul3A_842, %gather3A_1106 : vector<16xf32>
        %mul3A_1121 = arith.mulf %mul3A_845, %gather3A_1108 : vector<16xf32>
        %add3A_1122 = arith.addf %mul3A_1120, %mul3A_1121 : vector<16xf32>
        %mul3A_1123 = arith.mulf %mul3A_848, %gather3A_1110 : vector<16xf32>
        %mul3A_1124 = arith.mulf %mul3A_851, %gather3A_1112 : vector<16xf32>
        %add3A_1125 = arith.addf %mul3A_1123, %mul3A_1124 : vector<16xf32>
        %add3A_1126 = arith.addf %add3A_1122, %add3A_1125 : vector<16xf32>
        %get3A_1127 = arith.constant 64 : index
        %get3A_1128 = tpu.vector_load %arg33[%get3A_1127] {strides = array<i32>} : memref<320xf32, #tpu.memory_space<vmem>>, vector<16xf32>,
        %add3A_1129 = arith.addf %add3A_1119, %add3A_1126 : vector<16xf32>
        %mul3A_1130 = arith.mulf %get3A_1128, %add3A_1129 : vector<16xf32>
        %add3A_1131 = arith.addf %add3A_939, %mul3A_1130 : vector<16xf32>
        %add3A_1132 = arith.constant 5 : i32
        %add3A_1133 = arith.addi %mul3A_800, %add3A_1132 : i32
        %broadcast_in_dim3A_1134 = vector.broadcast %add3A_1133 : i32 to vector<16xi32>
        %broadcast_in_dim3A_1135 = arith.constant 5 : i32
        %broadcast_in_dim3A_1136 = vector.broadcast %broadcast_in_dim3A_1135 : i32 to vector<16xi32>
        %broadcast_in_dim3A_1137 = vector.shape_cast %broadcast_in_dim3A_1136 : vector<16xi32> to vector<16x1xi32>
        %gather3A_1138 = vector.shape_cast %broadcast_in_dim3A_1137 : vector<16x1xi32> to vector<16xi32>
        %gather3A_1139 = tpu.dynamic_gather %mul3A_873[%gather3A_1138] in [0] : vector<16xi32>, vector<16xi32> -> vector<16xi32>
        %broadcast_in_dim3A_1140 = arith.constant 5 : i32
        %broadcast_in_dim3A_1141 = vector.broadcast %broadcast_in_dim3A_1140 : i32 to vector<16xi32>
        %broadcast_in_dim3A_1142 = vector.shape_cast %broadcast_in_dim3A_1141 : vector<16xi32> to vector<16x1xi32>
        %gather3A_1143 = vector.shape_cast %broadcast_in_dim3A_1142 : vector<16x1xi32> to vector<16xi32>
        %gather3A_1144 = tpu.dynamic_gather %mul3A_885[%gather3A_1143] in [0] : vector<16xi32>, vector<16xi32> -> vector<16xi32>
        %add3A_1145 = arith.addi %gather3A_1139, %add3A_260 : vector<16xi32>
        %gather3A_1146 = tpu.vector_load_idx %arg28[%broadcast_in_dim3A_1134, %add3A_1145] : memref<160x128xf32, #tpu.memory_space<vmem>>[vector<16xi32>, vector<16xi32>], vector<16xf32>,
        %add3A_1147 = arith.addi %gather3A_1139, %add3A_263 : vector<16xi32>
        %gather3A_1148 = tpu.vector_load_idx %arg28[%broadcast_in_dim3A_1134, %add3A_1147] : memref<160x128xf32, #tpu.memory_space<vmem>>[vector<16xi32>, vector<16xi32>], vector<16xf32>,
        %add3A_1149 = arith.addi %gather3A_1139, %add3A_266 : vector<16xi32>
        %gather3A_1150 = tpu.vector_load_idx %arg28[%broadcast_in_dim3A_1134, %add3A_1149] : memref<160x128xf32, #tpu.memory_space<vmem>>[vector<16xi32>, vector<16xi32>], vector<16xf32>,
        %add3A_1151 = arith.addi %gather3A_1139, %add3A_269 : vector<16xi32>
        %gather3A_1152 = tpu.vector_load_idx %arg28[%broadcast_in_dim3A_1134, %add3A_1151] : memref<160x128xf32, #tpu.memory_space<vmem>>[vector<16xi32>, vector<16xi32>], vector<16xf32>,
        %add3A_1153 = arith.addi %gather3A_1144, %add3A_260 : vector<16xi32>
        %gather3A_1154 = tpu.vector_load_idx %arg29[%broadcast_in_dim3A_1134, %add3A_1153] : memref<160x128xf32, #tpu.memory_space<vmem>>[vector<16xi32>, vector<16xi32>], vector<16xf32>,
        %add3A_1155 = arith.addi %gather3A_1144, %add3A_263 : vector<16xi32>
        %gather3A_1156 = tpu.vector_load_idx %arg29[%broadcast_in_dim3A_1134, %add3A_1155] : memref<160x128xf32, #tpu.memory_space<vmem>>[vector<16xi32>, vector<16xi32>], vector<16xf32>,
        %add3A_1157 = arith.addi %gather3A_1144, %add3A_266 : vector<16xi32>
        %gather3A_1158 = tpu.vector_load_idx %arg29[%broadcast_in_dim3A_1134, %add3A_1157] : memref<160x128xf32, #tpu.memory_space<vmem>>[vector<16xi32>, vector<16xi32>], vector<16xf32>,
        %add3A_1159 = arith.addi %gather3A_1144, %add3A_269 : vector<16xi32>
        %gather3A_1160 = tpu.vector_load_idx %arg29[%broadcast_in_dim3A_1134, %add3A_1159] : memref<160x128xf32, #tpu.memory_space<vmem>>[vector<16xi32>, vector<16xi32>], vector<16xf32>,
        %mul3A_1161 = arith.mulf %sub3A_827, %gather3A_1146 : vector<16xf32>
        %mul3A_1162 = arith.mulf %sub3A_831, %gather3A_1148 : vector<16xf32>
        %add3A_1163 = arith.addf %mul3A_1161, %mul3A_1162 : vector<16xf32>
        %mul3A_1164 = arith.mulf %sub3A_835, %gather3A_1150 : vector<16xf32>
        %mul3A_1165 = arith.mulf %sub3A_839, %gather3A_1152 : vector<16xf32>
        %add3A_1166 = arith.addf %mul3A_1164, %mul3A_1165 : vector<16xf32>
        %add3A_1167 = arith.addf %add3A_1163, %add3A_1166 : vector<16xf32>
        %mul3A_1168 = arith.mulf %mul3A_842, %gather3A_1154 : vector<16xf32>
        %mul3A_1169 = arith.mulf %mul3A_845, %gather3A_1156 : vector<16xf32>
        %add3A_1170 = arith.addf %mul3A_1168, %mul3A_1169 : vector<16xf32>
        %mul3A_1171 = arith.mulf %mul3A_848, %gather3A_1158 : vector<16xf32>
        %mul3A_1172 = arith.mulf %mul3A_851, %gather3A_1160 : vector<16xf32>
        %add3A_1173 = arith.addf %mul3A_1171, %mul3A_1172 : vector<16xf32>
        %add3A_1174 = arith.addf %add3A_1170, %add3A_1173 : vector<16xf32>
        %get3A_1175 = arith.constant 80 : index
        %get3A_1176 = tpu.vector_load %arg33[%get3A_1175] {strides = array<i32>} : memref<320xf32, #tpu.memory_space<vmem>>, vector<16xf32>,
        %add3A_1177 = arith.addf %add3A_1167, %add3A_1174 : vector<16xf32>
        %mul3A_1178 = arith.mulf %get3A_1176, %add3A_1177 : vector<16xf32>
        %add3A_1179 = arith.addf %add3A_987, %mul3A_1178 : vector<16xf32>
        %add3A_1180 = arith.constant 6 : i32
        %add3A_1181 = arith.addi %mul3A_800, %add3A_1180 : i32
        %broadcast_in_dim3A_1182 = vector.broadcast %add3A_1181 : i32 to vector<16xi32>
        %broadcast_in_dim3A_1183 = arith.constant 6 : i32
        %broadcast_in_dim3A_1184 = vector.broadcast %broadcast_in_dim3A_1183 : i32 to vector<16xi32>
        %broadcast_in_dim3A_1185 = vector.shape_cast %broadcast_in_dim3A_1184 : vector<16xi32> to vector<16x1xi32>
        %gather3A_1186 = vector.shape_cast %broadcast_in_dim3A_1185 : vector<16x1xi32> to vector<16xi32>
        %gather3A_1187 = tpu.dynamic_gather %mul3A_873[%gather3A_1186] in [0] : vector<16xi32>, vector<16xi32> -> vector<16xi32>
        %broadcast_in_dim3A_1188 = arith.constant 6 : i32
        %broadcast_in_dim3A_1189 = vector.broadcast %broadcast_in_dim3A_1188 : i32 to vector<16xi32>
        %broadcast_in_dim3A_1190 = vector.shape_cast %broadcast_in_dim3A_1189 : vector<16xi32> to vector<16x1xi32>
        %gather3A_1191 = vector.shape_cast %broadcast_in_dim3A_1190 : vector<16x1xi32> to vector<16xi32>
        %gather3A_1192 = tpu.dynamic_gather %mul3A_885[%gather3A_1191] in [0] : vector<16xi32>, vector<16xi32> -> vector<16xi32>
        %add3A_1193 = arith.addi %gather3A_1187, %add3A_260 : vector<16xi32>
        %gather3A_1194 = tpu.vector_load_idx %arg28[%broadcast_in_dim3A_1182, %add3A_1193] : memref<160x128xf32, #tpu.memory_space<vmem>>[vector<16xi32>, vector<16xi32>], vector<16xf32>,
        %add3A_1195 = arith.addi %gather3A_1187, %add3A_263 : vector<16xi32>
        %gather3A_1196 = tpu.vector_load_idx %arg28[%broadcast_in_dim3A_1182, %add3A_1195] : memref<160x128xf32, #tpu.memory_space<vmem>>[vector<16xi32>, vector<16xi32>], vector<16xf32>,
        %add3A_1197 = arith.addi %gather3A_1187, %add3A_266 : vector<16xi32>
        %gather3A_1198 = tpu.vector_load_idx %arg28[%broadcast_in_dim3A_1182, %add3A_1197] : memref<160x128xf32, #tpu.memory_space<vmem>>[vector<16xi32>, vector<16xi32>], vector<16xf32>,
        %add3A_1199 = arith.addi %gather3A_1187, %add3A_269 : vector<16xi32>
        %gather3A_1200 = tpu.vector_load_idx %arg28[%broadcast_in_dim3A_1182, %add3A_1199] : memref<160x128xf32, #tpu.memory_space<vmem>>[vector<16xi32>, vector<16xi32>], vector<16xf32>,
        %add3A_1201 = arith.addi %gather3A_1192, %add3A_260 : vector<16xi32>
        %gather3A_1202 = tpu.vector_load_idx %arg29[%broadcast_in_dim3A_1182, %add3A_1201] : memref<160x128xf32, #tpu.memory_space<vmem>>[vector<16xi32>, vector<16xi32>], vector<16xf32>,
        %add3A_1203 = arith.addi %gather3A_1192, %add3A_263 : vector<16xi32>
        %gather3A_1204 = tpu.vector_load_idx %arg29[%broadcast_in_dim3A_1182, %add3A_1203] : memref<160x128xf32, #tpu.memory_space<vmem>>[vector<16xi32>, vector<16xi32>], vector<16xf32>,
        %add3A_1205 = arith.addi %gather3A_1192, %add3A_266 : vector<16xi32>
        %gather3A_1206 = tpu.vector_load_idx %arg29[%broadcast_in_dim3A_1182, %add3A_1205] : memref<160x128xf32, #tpu.memory_space<vmem>>[vector<16xi32>, vector<16xi32>], vector<16xf32>,
        %add3A_1207 = arith.addi %gather3A_1192, %add3A_269 : vector<16xi32>
        %gather3A_1208 = tpu.vector_load_idx %arg29[%broadcast_in_dim3A_1182, %add3A_1207] : memref<160x128xf32, #tpu.memory_space<vmem>>[vector<16xi32>, vector<16xi32>], vector<16xf32>,
        %mul3A_1209 = arith.mulf %sub3A_827, %gather3A_1194 : vector<16xf32>
        %mul3A_1210 = arith.mulf %sub3A_831, %gather3A_1196 : vector<16xf32>
        %add3A_1211 = arith.addf %mul3A_1209, %mul3A_1210 : vector<16xf32>
        %mul3A_1212 = arith.mulf %sub3A_835, %gather3A_1198 : vector<16xf32>
        %mul3A_1213 = arith.mulf %sub3A_839, %gather3A_1200 : vector<16xf32>
        %add3A_1214 = arith.addf %mul3A_1212, %mul3A_1213 : vector<16xf32>
        %add3A_1215 = arith.addf %add3A_1211, %add3A_1214 : vector<16xf32>
        %mul3A_1216 = arith.mulf %mul3A_842, %gather3A_1202 : vector<16xf32>
        %mul3A_1217 = arith.mulf %mul3A_845, %gather3A_1204 : vector<16xf32>
        %add3A_1218 = arith.addf %mul3A_1216, %mul3A_1217 : vector<16xf32>
        %mul3A_1219 = arith.mulf %mul3A_848, %gather3A_1206 : vector<16xf32>
        %mul3A_1220 = arith.mulf %mul3A_851, %gather3A_1208 : vector<16xf32>
        %add3A_1221 = arith.addf %mul3A_1219, %mul3A_1220 : vector<16xf32>
        %add3A_1222 = arith.addf %add3A_1218, %add3A_1221 : vector<16xf32>
        %get3A_1223 = arith.constant 96 : index
        %get3A_1224 = tpu.vector_load %arg33[%get3A_1223] {strides = array<i32>} : memref<320xf32, #tpu.memory_space<vmem>>, vector<16xf32>,
        %add3A_1225 = arith.addf %add3A_1215, %add3A_1222 : vector<16xf32>
        %mul3A_1226 = arith.mulf %get3A_1224, %add3A_1225 : vector<16xf32>
        %add3A_1227 = arith.addf %add3A_1035, %mul3A_1226 : vector<16xf32>
        %add3A_1228 = arith.constant 7 : i32
        %add3A_1229 = arith.addi %mul3A_800, %add3A_1228 : i32
        %broadcast_in_dim3A_1230 = vector.broadcast %add3A_1229 : i32 to vector<16xi32>
        %broadcast_in_dim3A_1231 = arith.constant 7 : i32
        %broadcast_in_dim3A_1232 = vector.broadcast %broadcast_in_dim3A_1231 : i32 to vector<16xi32>
        %broadcast_in_dim3A_1233 = vector.shape_cast %broadcast_in_dim3A_1232 : vector<16xi32> to vector<16x1xi32>
        %gather3A_1234 = vector.shape_cast %broadcast_in_dim3A_1233 : vector<16x1xi32> to vector<16xi32>
        %gather3A_1235 = tpu.dynamic_gather %mul3A_873[%gather3A_1234] in [0] : vector<16xi32>, vector<16xi32> -> vector<16xi32>
        %broadcast_in_dim3A_1236 = arith.constant 7 : i32
        %broadcast_in_dim3A_1237 = vector.broadcast %broadcast_in_dim3A_1236 : i32 to vector<16xi32>
        %broadcast_in_dim3A_1238 = vector.shape_cast %broadcast_in_dim3A_1237 : vector<16xi32> to vector<16x1xi32>
        %gather3A_1239 = vector.shape_cast %broadcast_in_dim3A_1238 : vector<16x1xi32> to vector<16xi32>
        %gather3A_1240 = tpu.dynamic_gather %mul3A_885[%gather3A_1239] in [0] : vector<16xi32>, vector<16xi32> -> vector<16xi32>
        %add3A_1241 = arith.addi %gather3A_1235, %add3A_260 : vector<16xi32>
        %gather3A_1242 = tpu.vector_load_idx %arg28[%broadcast_in_dim3A_1230, %add3A_1241] : memref<160x128xf32, #tpu.memory_space<vmem>>[vector<16xi32>, vector<16xi32>], vector<16xf32>,
        %add3A_1243 = arith.addi %gather3A_1235, %add3A_263 : vector<16xi32>
        %gather3A_1244 = tpu.vector_load_idx %arg28[%broadcast_in_dim3A_1230, %add3A_1243] : memref<160x128xf32, #tpu.memory_space<vmem>>[vector<16xi32>, vector<16xi32>], vector<16xf32>,
        %add3A_1245 = arith.addi %gather3A_1235, %add3A_266 : vector<16xi32>
        %gather3A_1246 = tpu.vector_load_idx %arg28[%broadcast_in_dim3A_1230, %add3A_1245] : memref<160x128xf32, #tpu.memory_space<vmem>>[vector<16xi32>, vector<16xi32>], vector<16xf32>,
        %add3A_1247 = arith.addi %gather3A_1235, %add3A_269 : vector<16xi32>
        %gather3A_1248 = tpu.vector_load_idx %arg28[%broadcast_in_dim3A_1230, %add3A_1247] : memref<160x128xf32, #tpu.memory_space<vmem>>[vector<16xi32>, vector<16xi32>], vector<16xf32>,
        %add3A_1249 = arith.addi %gather3A_1240, %add3A_260 : vector<16xi32>
        %gather3A_1250 = tpu.vector_load_idx %arg29[%broadcast_in_dim3A_1230, %add3A_1249] : memref<160x128xf32, #tpu.memory_space<vmem>>[vector<16xi32>, vector<16xi32>], vector<16xf32>,
        %add3A_1251 = arith.addi %gather3A_1240, %add3A_263 : vector<16xi32>
        %gather3A_1252 = tpu.vector_load_idx %arg29[%broadcast_in_dim3A_1230, %add3A_1251] : memref<160x128xf32, #tpu.memory_space<vmem>>[vector<16xi32>, vector<16xi32>], vector<16xf32>,
        %add3A_1253 = arith.addi %gather3A_1240, %add3A_266 : vector<16xi32>
        %gather3A_1254 = tpu.vector_load_idx %arg29[%broadcast_in_dim3A_1230, %add3A_1253] : memref<160x128xf32, #tpu.memory_space<vmem>>[vector<16xi32>, vector<16xi32>], vector<16xf32>,
        %add3A_1255 = arith.addi %gather3A_1240, %add3A_269 : vector<16xi32>
        %gather3A_1256 = tpu.vector_load_idx %arg29[%broadcast_in_dim3A_1230, %add3A_1255] : memref<160x128xf32, #tpu.memory_space<vmem>>[vector<16xi32>, vector<16xi32>], vector<16xf32>,
        %mul3A_1257 = arith.mulf %sub3A_827, %gather3A_1242 : vector<16xf32>
        %mul3A_1258 = arith.mulf %sub3A_831, %gather3A_1244 : vector<16xf32>
        %add3A_1259 = arith.addf %mul3A_1257, %mul3A_1258 : vector<16xf32>
        %mul3A_1260 = arith.mulf %sub3A_835, %gather3A_1246 : vector<16xf32>
        %mul3A_1261 = arith.mulf %sub3A_839, %gather3A_1248 : vector<16xf32>
        %add3A_1262 = arith.addf %mul3A_1260, %mul3A_1261 : vector<16xf32>
        %add3A_1263 = arith.addf %add3A_1259, %add3A_1262 : vector<16xf32>
        %mul3A_1264 = arith.mulf %mul3A_842, %gather3A_1250 : vector<16xf32>
        %mul3A_1265 = arith.mulf %mul3A_845, %gather3A_1252 : vector<16xf32>
        %add3A_1266 = arith.addf %mul3A_1264, %mul3A_1265 : vector<16xf32>
        %mul3A_1267 = arith.mulf %mul3A_848, %gather3A_1254 : vector<16xf32>
        %mul3A_1268 = arith.mulf %mul3A_851, %gather3A_1256 : vector<16xf32>
        %add3A_1269 = arith.addf %mul3A_1267, %mul3A_1268 : vector<16xf32>
        %add3A_1270 = arith.addf %add3A_1266, %add3A_1269 : vector<16xf32>
        %get3A_1271 = arith.constant 112 : index
        %get3A_1272 = tpu.vector_load %arg33[%get3A_1271] {strides = array<i32>} : memref<320xf32, #tpu.memory_space<vmem>>, vector<16xf32>,
        %add3A_1273 = arith.addf %add3A_1263, %add3A_1270 : vector<16xf32>
        %mul3A_1274 = arith.mulf %get3A_1272, %add3A_1273 : vector<16xf32>
        %add3A_1275 = arith.addf %add3A_1083, %mul3A_1274 : vector<16xf32>
        %add3A_1276 = arith.constant 8 : i32
        %add3A_1277 = arith.addi %mul3A_800, %add3A_1276 : i32
        %broadcast_in_dim3A_1278 = vector.broadcast %add3A_1277 : i32 to vector<16xi32>
        %broadcast_in_dim3A_1279 = arith.constant 8 : i32
        %broadcast_in_dim3A_1280 = vector.broadcast %broadcast_in_dim3A_1279 : i32 to vector<16xi32>
        %broadcast_in_dim3A_1281 = vector.shape_cast %broadcast_in_dim3A_1280 : vector<16xi32> to vector<16x1xi32>
        %gather3A_1282 = vector.shape_cast %broadcast_in_dim3A_1281 : vector<16x1xi32> to vector<16xi32>
        %gather3A_1283 = tpu.dynamic_gather %mul3A_873[%gather3A_1282] in [0] : vector<16xi32>, vector<16xi32> -> vector<16xi32>
        %broadcast_in_dim3A_1284 = arith.constant 8 : i32
        %broadcast_in_dim3A_1285 = vector.broadcast %broadcast_in_dim3A_1284 : i32 to vector<16xi32>
        %broadcast_in_dim3A_1286 = vector.shape_cast %broadcast_in_dim3A_1285 : vector<16xi32> to vector<16x1xi32>
        %gather3A_1287 = vector.shape_cast %broadcast_in_dim3A_1286 : vector<16x1xi32> to vector<16xi32>
        %gather3A_1288 = tpu.dynamic_gather %mul3A_885[%gather3A_1287] in [0] : vector<16xi32>, vector<16xi32> -> vector<16xi32>
        %add3A_1289 = arith.addi %gather3A_1283, %add3A_260 : vector<16xi32>
        %gather3A_1290 = tpu.vector_load_idx %arg28[%broadcast_in_dim3A_1278, %add3A_1289] : memref<160x128xf32, #tpu.memory_space<vmem>>[vector<16xi32>, vector<16xi32>], vector<16xf32>,
        %add3A_1291 = arith.addi %gather3A_1283, %add3A_263 : vector<16xi32>
        %gather3A_1292 = tpu.vector_load_idx %arg28[%broadcast_in_dim3A_1278, %add3A_1291] : memref<160x128xf32, #tpu.memory_space<vmem>>[vector<16xi32>, vector<16xi32>], vector<16xf32>,
        %add3A_1293 = arith.addi %gather3A_1283, %add3A_266 : vector<16xi32>
        %gather3A_1294 = tpu.vector_load_idx %arg28[%broadcast_in_dim3A_1278, %add3A_1293] : memref<160x128xf32, #tpu.memory_space<vmem>>[vector<16xi32>, vector<16xi32>], vector<16xf32>,
        %add3A_1295 = arith.addi %gather3A_1283, %add3A_269 : vector<16xi32>
        %gather3A_1296 = tpu.vector_load_idx %arg28[%broadcast_in_dim3A_1278, %add3A_1295] : memref<160x128xf32, #tpu.memory_space<vmem>>[vector<16xi32>, vector<16xi32>], vector<16xf32>,
        %add3A_1297 = arith.addi %gather3A_1288, %add3A_260 : vector<16xi32>
        %gather3A_1298 = tpu.vector_load_idx %arg29[%broadcast_in_dim3A_1278, %add3A_1297] : memref<160x128xf32, #tpu.memory_space<vmem>>[vector<16xi32>, vector<16xi32>], vector<16xf32>,
        %add3A_1299 = arith.addi %gather3A_1288, %add3A_263 : vector<16xi32>
        %gather3A_1300 = tpu.vector_load_idx %arg29[%broadcast_in_dim3A_1278, %add3A_1299] : memref<160x128xf32, #tpu.memory_space<vmem>>[vector<16xi32>, vector<16xi32>], vector<16xf32>,
        %add3A_1301 = arith.addi %gather3A_1288, %add3A_266 : vector<16xi32>
        %gather3A_1302 = tpu.vector_load_idx %arg29[%broadcast_in_dim3A_1278, %add3A_1301] : memref<160x128xf32, #tpu.memory_space<vmem>>[vector<16xi32>, vector<16xi32>], vector<16xf32>,
        %add3A_1303 = arith.addi %gather3A_1288, %add3A_269 : vector<16xi32>
        %gather3A_1304 = tpu.vector_load_idx %arg29[%broadcast_in_dim3A_1278, %add3A_1303] : memref<160x128xf32, #tpu.memory_space<vmem>>[vector<16xi32>, vector<16xi32>], vector<16xf32>,
        %mul3A_1305 = arith.mulf %sub3A_827, %gather3A_1290 : vector<16xf32>
        %mul3A_1306 = arith.mulf %sub3A_831, %gather3A_1292 : vector<16xf32>
        %add3A_1307 = arith.addf %mul3A_1305, %mul3A_1306 : vector<16xf32>
        %mul3A_1308 = arith.mulf %sub3A_835, %gather3A_1294 : vector<16xf32>
        %mul3A_1309 = arith.mulf %sub3A_839, %gather3A_1296 : vector<16xf32>
        %add3A_1310 = arith.addf %mul3A_1308, %mul3A_1309 : vector<16xf32>
        %add3A_1311 = arith.addf %add3A_1307, %add3A_1310 : vector<16xf32>
        %mul3A_1312 = arith.mulf %mul3A_842, %gather3A_1298 : vector<16xf32>
        %mul3A_1313 = arith.mulf %mul3A_845, %gather3A_1300 : vector<16xf32>
        %add3A_1314 = arith.addf %mul3A_1312, %mul3A_1313 : vector<16xf32>
        %mul3A_1315 = arith.mulf %mul3A_848, %gather3A_1302 : vector<16xf32>
        %mul3A_1316 = arith.mulf %mul3A_851, %gather3A_1304 : vector<16xf32>
        %add3A_1317 = arith.addf %mul3A_1315, %mul3A_1316 : vector<16xf32>
        %add3A_1318 = arith.addf %add3A_1314, %add3A_1317 : vector<16xf32>
        %get3A_1319 = arith.constant 128 : index
        %get3A_1320 = tpu.vector_load %arg33[%get3A_1319] {strides = array<i32>} : memref<320xf32, #tpu.memory_space<vmem>>, vector<16xf32>,
        %add3A_1321 = arith.addf %add3A_1311, %add3A_1318 : vector<16xf32>
        %mul3A_1322 = arith.mulf %get3A_1320, %add3A_1321 : vector<16xf32>
        %add3A_1323 = arith.addf %add3A_1131, %mul3A_1322 : vector<16xf32>
        %add3A_1324 = arith.constant 9 : i32
        %add3A_1325 = arith.addi %mul3A_800, %add3A_1324 : i32
        %broadcast_in_dim3A_1326 = vector.broadcast %add3A_1325 : i32 to vector<16xi32>
        %broadcast_in_dim3A_1327 = arith.constant 9 : i32
        %broadcast_in_dim3A_1328 = vector.broadcast %broadcast_in_dim3A_1327 : i32 to vector<16xi32>
        %broadcast_in_dim3A_1329 = vector.shape_cast %broadcast_in_dim3A_1328 : vector<16xi32> to vector<16x1xi32>
        %gather3A_1330 = vector.shape_cast %broadcast_in_dim3A_1329 : vector<16x1xi32> to vector<16xi32>
        %gather3A_1331 = tpu.dynamic_gather %mul3A_873[%gather3A_1330] in [0] : vector<16xi32>, vector<16xi32> -> vector<16xi32>
        %broadcast_in_dim3A_1332 = arith.constant 9 : i32
        %broadcast_in_dim3A_1333 = vector.broadcast %broadcast_in_dim3A_1332 : i32 to vector<16xi32>
        %broadcast_in_dim3A_1334 = vector.shape_cast %broadcast_in_dim3A_1333 : vector<16xi32> to vector<16x1xi32>
        %gather3A_1335 = vector.shape_cast %broadcast_in_dim3A_1334 : vector<16x1xi32> to vector<16xi32>
        %gather3A_1336 = tpu.dynamic_gather %mul3A_885[%gather3A_1335] in [0] : vector<16xi32>, vector<16xi32> -> vector<16xi32>
        %add3A_1337 = arith.addi %gather3A_1331, %add3A_260 : vector<16xi32>
        %gather3A_1338 = tpu.vector_load_idx %arg28[%broadcast_in_dim3A_1326, %add3A_1337] : memref<160x128xf32, #tpu.memory_space<vmem>>[vector<16xi32>, vector<16xi32>], vector<16xf32>,
        %add3A_1339 = arith.addi %gather3A_1331, %add3A_263 : vector<16xi32>
        %gather3A_1340 = tpu.vector_load_idx %arg28[%broadcast_in_dim3A_1326, %add3A_1339] : memref<160x128xf32, #tpu.memory_space<vmem>>[vector<16xi32>, vector<16xi32>], vector<16xf32>,
        %add3A_1341 = arith.addi %gather3A_1331, %add3A_266 : vector<16xi32>
        %gather3A_1342 = tpu.vector_load_idx %arg28[%broadcast_in_dim3A_1326, %add3A_1341] : memref<160x128xf32, #tpu.memory_space<vmem>>[vector<16xi32>, vector<16xi32>], vector<16xf32>,
        %add3A_1343 = arith.addi %gather3A_1331, %add3A_269 : vector<16xi32>
        %gather3A_1344 = tpu.vector_load_idx %arg28[%broadcast_in_dim3A_1326, %add3A_1343] : memref<160x128xf32, #tpu.memory_space<vmem>>[vector<16xi32>, vector<16xi32>], vector<16xf32>,
        %add3A_1345 = arith.addi %gather3A_1336, %add3A_260 : vector<16xi32>
        %gather3A_1346 = tpu.vector_load_idx %arg29[%broadcast_in_dim3A_1326, %add3A_1345] : memref<160x128xf32, #tpu.memory_space<vmem>>[vector<16xi32>, vector<16xi32>], vector<16xf32>,
        %add3A_1347 = arith.addi %gather3A_1336, %add3A_263 : vector<16xi32>
        %gather3A_1348 = tpu.vector_load_idx %arg29[%broadcast_in_dim3A_1326, %add3A_1347] : memref<160x128xf32, #tpu.memory_space<vmem>>[vector<16xi32>, vector<16xi32>], vector<16xf32>,
        %add3A_1349 = arith.addi %gather3A_1336, %add3A_266 : vector<16xi32>
        %gather3A_1350 = tpu.vector_load_idx %arg29[%broadcast_in_dim3A_1326, %add3A_1349] : memref<160x128xf32, #tpu.memory_space<vmem>>[vector<16xi32>, vector<16xi32>], vector<16xf32>,
        %add3A_1351 = arith.addi %gather3A_1336, %add3A_269 : vector<16xi32>
        %gather3A_1352 = tpu.vector_load_idx %arg29[%broadcast_in_dim3A_1326, %add3A_1351] : memref<160x128xf32, #tpu.memory_space<vmem>>[vector<16xi32>, vector<16xi32>], vector<16xf32>,
        %mul3A_1353 = arith.mulf %sub3A_827, %gather3A_1338 : vector<16xf32>
        %mul3A_1354 = arith.mulf %sub3A_831, %gather3A_1340 : vector<16xf32>
        %add3A_1355 = arith.addf %mul3A_1353, %mul3A_1354 : vector<16xf32>
        %mul3A_1356 = arith.mulf %sub3A_835, %gather3A_1342 : vector<16xf32>
        %mul3A_1357 = arith.mulf %sub3A_839, %gather3A_1344 : vector<16xf32>
        %add3A_1358 = arith.addf %mul3A_1356, %mul3A_1357 : vector<16xf32>
        %add3A_1359 = arith.addf %add3A_1355, %add3A_1358 : vector<16xf32>
        %mul3A_1360 = arith.mulf %mul3A_842, %gather3A_1346 : vector<16xf32>
        %mul3A_1361 = arith.mulf %mul3A_845, %gather3A_1348 : vector<16xf32>
        %add3A_1362 = arith.addf %mul3A_1360, %mul3A_1361 : vector<16xf32>
        %mul3A_1363 = arith.mulf %mul3A_848, %gather3A_1350 : vector<16xf32>
        %mul3A_1364 = arith.mulf %mul3A_851, %gather3A_1352 : vector<16xf32>
        %add3A_1365 = arith.addf %mul3A_1363, %mul3A_1364 : vector<16xf32>
        %add3A_1366 = arith.addf %add3A_1362, %add3A_1365 : vector<16xf32>
        %get3A_1367 = arith.constant 144 : index
        %get3A_1368 = tpu.vector_load %arg33[%get3A_1367] {strides = array<i32>} : memref<320xf32, #tpu.memory_space<vmem>>, vector<16xf32>,
        %add3A_1369 = arith.addf %add3A_1359, %add3A_1366 : vector<16xf32>
        %mul3A_1370 = arith.mulf %get3A_1368, %add3A_1369 : vector<16xf32>
        %add3A_1371 = arith.addf %add3A_1179, %mul3A_1370 : vector<16xf32>
        %add3A_1372 = arith.constant 10 : i32
        %add3A_1373 = arith.addi %mul3A_800, %add3A_1372 : i32
        %broadcast_in_dim3A_1374 = vector.broadcast %add3A_1373 : i32 to vector<16xi32>
        %broadcast_in_dim3A_1375 = arith.constant 10 : i32
        %broadcast_in_dim3A_1376 = vector.broadcast %broadcast_in_dim3A_1375 : i32 to vector<16xi32>
        %broadcast_in_dim3A_1377 = vector.shape_cast %broadcast_in_dim3A_1376 : vector<16xi32> to vector<16x1xi32>
        %gather3A_1378 = vector.shape_cast %broadcast_in_dim3A_1377 : vector<16x1xi32> to vector<16xi32>
        %gather3A_1379 = tpu.dynamic_gather %mul3A_873[%gather3A_1378] in [0] : vector<16xi32>, vector<16xi32> -> vector<16xi32>
        %broadcast_in_dim3A_1380 = arith.constant 10 : i32
        %broadcast_in_dim3A_1381 = vector.broadcast %broadcast_in_dim3A_1380 : i32 to vector<16xi32>
        %broadcast_in_dim3A_1382 = vector.shape_cast %broadcast_in_dim3A_1381 : vector<16xi32> to vector<16x1xi32>
        %gather3A_1383 = vector.shape_cast %broadcast_in_dim3A_1382 : vector<16x1xi32> to vector<16xi32>
        %gather3A_1384 = tpu.dynamic_gather %mul3A_885[%gather3A_1383] in [0] : vector<16xi32>, vector<16xi32> -> vector<16xi32>
        %add3A_1385 = arith.addi %gather3A_1379, %add3A_260 : vector<16xi32>
        %gather3A_1386 = tpu.vector_load_idx %arg28[%broadcast_in_dim3A_1374, %add3A_1385] : memref<160x128xf32, #tpu.memory_space<vmem>>[vector<16xi32>, vector<16xi32>], vector<16xf32>,
        %add3A_1387 = arith.addi %gather3A_1379, %add3A_263 : vector<16xi32>
        %gather3A_1388 = tpu.vector_load_idx %arg28[%broadcast_in_dim3A_1374, %add3A_1387] : memref<160x128xf32, #tpu.memory_space<vmem>>[vector<16xi32>, vector<16xi32>], vector<16xf32>,
        %add3A_1389 = arith.addi %gather3A_1379, %add3A_266 : vector<16xi32>
        %gather3A_1390 = tpu.vector_load_idx %arg28[%broadcast_in_dim3A_1374, %add3A_1389] : memref<160x128xf32, #tpu.memory_space<vmem>>[vector<16xi32>, vector<16xi32>], vector<16xf32>,
        %add3A_1391 = arith.addi %gather3A_1379, %add3A_269 : vector<16xi32>
        %gather3A_1392 = tpu.vector_load_idx %arg28[%broadcast_in_dim3A_1374, %add3A_1391] : memref<160x128xf32, #tpu.memory_space<vmem>>[vector<16xi32>, vector<16xi32>], vector<16xf32>,
        %add3A_1393 = arith.addi %gather3A_1384, %add3A_260 : vector<16xi32>
        %gather3A_1394 = tpu.vector_load_idx %arg29[%broadcast_in_dim3A_1374, %add3A_1393] : memref<160x128xf32, #tpu.memory_space<vmem>>[vector<16xi32>, vector<16xi32>], vector<16xf32>,
        %add3A_1395 = arith.addi %gather3A_1384, %add3A_263 : vector<16xi32>
        %gather3A_1396 = tpu.vector_load_idx %arg29[%broadcast_in_dim3A_1374, %add3A_1395] : memref<160x128xf32, #tpu.memory_space<vmem>>[vector<16xi32>, vector<16xi32>], vector<16xf32>,
        %add3A_1397 = arith.addi %gather3A_1384, %add3A_266 : vector<16xi32>
        %gather3A_1398 = tpu.vector_load_idx %arg29[%broadcast_in_dim3A_1374, %add3A_1397] : memref<160x128xf32, #tpu.memory_space<vmem>>[vector<16xi32>, vector<16xi32>], vector<16xf32>,
        %add3A_1399 = arith.addi %gather3A_1384, %add3A_269 : vector<16xi32>
        %gather3A_1400 = tpu.vector_load_idx %arg29[%broadcast_in_dim3A_1374, %add3A_1399] : memref<160x128xf32, #tpu.memory_space<vmem>>[vector<16xi32>, vector<16xi32>], vector<16xf32>,
        %mul3A_1401 = arith.mulf %sub3A_827, %gather3A_1386 : vector<16xf32>
        %mul3A_1402 = arith.mulf %sub3A_831, %gather3A_1388 : vector<16xf32>
        %add3A_1403 = arith.addf %mul3A_1401, %mul3A_1402 : vector<16xf32>
        %mul3A_1404 = arith.mulf %sub3A_835, %gather3A_1390 : vector<16xf32>
        %mul3A_1405 = arith.mulf %sub3A_839, %gather3A_1392 : vector<16xf32>
        %add3A_1406 = arith.addf %mul3A_1404, %mul3A_1405 : vector<16xf32>
        %add3A_1407 = arith.addf %add3A_1403, %add3A_1406 : vector<16xf32>
        %mul3A_1408 = arith.mulf %mul3A_842, %gather3A_1394 : vector<16xf32>
        %mul3A_1409 = arith.mulf %mul3A_845, %gather3A_1396 : vector<16xf32>
        %add3A_1410 = arith.addf %mul3A_1408, %mul3A_1409 : vector<16xf32>
        %mul3A_1411 = arith.mulf %mul3A_848, %gather3A_1398 : vector<16xf32>
        %mul3A_1412 = arith.mulf %mul3A_851, %gather3A_1400 : vector<16xf32>
        %add3A_1413 = arith.addf %mul3A_1411, %mul3A_1412 : vector<16xf32>
        %add3A_1414 = arith.addf %add3A_1410, %add3A_1413 : vector<16xf32>
        %get3A_1415 = arith.constant 160 : index
        %get3A_1416 = tpu.vector_load %arg33[%get3A_1415] {strides = array<i32>} : memref<320xf32, #tpu.memory_space<vmem>>, vector<16xf32>,
        %add3A_1417 = arith.addf %add3A_1407, %add3A_1414 : vector<16xf32>
        %mul3A_1418 = arith.mulf %get3A_1416, %add3A_1417 : vector<16xf32>
        %add3A_1419 = arith.addf %add3A_1227, %mul3A_1418 : vector<16xf32>
        %add3A_1420 = arith.constant 11 : i32
        %add3A_1421 = arith.addi %mul3A_800, %add3A_1420 : i32
        %broadcast_in_dim3A_1422 = vector.broadcast %add3A_1421 : i32 to vector<16xi32>
        %broadcast_in_dim3A_1423 = arith.constant 11 : i32
        %broadcast_in_dim3A_1424 = vector.broadcast %broadcast_in_dim3A_1423 : i32 to vector<16xi32>
        %broadcast_in_dim3A_1425 = vector.shape_cast %broadcast_in_dim3A_1424 : vector<16xi32> to vector<16x1xi32>
        %gather3A_1426 = vector.shape_cast %broadcast_in_dim3A_1425 : vector<16x1xi32> to vector<16xi32>
        %gather3A_1427 = tpu.dynamic_gather %mul3A_873[%gather3A_1426] in [0] : vector<16xi32>, vector<16xi32> -> vector<16xi32>
        %broadcast_in_dim3A_1428 = arith.constant 11 : i32
        %broadcast_in_dim3A_1429 = vector.broadcast %broadcast_in_dim3A_1428 : i32 to vector<16xi32>
        %broadcast_in_dim3A_1430 = vector.shape_cast %broadcast_in_dim3A_1429 : vector<16xi32> to vector<16x1xi32>
        %gather3A_1431 = vector.shape_cast %broadcast_in_dim3A_1430 : vector<16x1xi32> to vector<16xi32>
        %gather3A_1432 = tpu.dynamic_gather %mul3A_885[%gather3A_1431] in [0] : vector<16xi32>, vector<16xi32> -> vector<16xi32>
        %add3A_1433 = arith.addi %gather3A_1427, %add3A_260 : vector<16xi32>
        %gather3A_1434 = tpu.vector_load_idx %arg28[%broadcast_in_dim3A_1422, %add3A_1433] : memref<160x128xf32, #tpu.memory_space<vmem>>[vector<16xi32>, vector<16xi32>], vector<16xf32>,
        %add3A_1435 = arith.addi %gather3A_1427, %add3A_263 : vector<16xi32>
        %gather3A_1436 = tpu.vector_load_idx %arg28[%broadcast_in_dim3A_1422, %add3A_1435] : memref<160x128xf32, #tpu.memory_space<vmem>>[vector<16xi32>, vector<16xi32>], vector<16xf32>,
        %add3A_1437 = arith.addi %gather3A_1427, %add3A_266 : vector<16xi32>
        %gather3A_1438 = tpu.vector_load_idx %arg28[%broadcast_in_dim3A_1422, %add3A_1437] : memref<160x128xf32, #tpu.memory_space<vmem>>[vector<16xi32>, vector<16xi32>], vector<16xf32>,
        %add3A_1439 = arith.addi %gather3A_1427, %add3A_269 : vector<16xi32>
        %gather3A_1440 = tpu.vector_load_idx %arg28[%broadcast_in_dim3A_1422, %add3A_1439] : memref<160x128xf32, #tpu.memory_space<vmem>>[vector<16xi32>, vector<16xi32>], vector<16xf32>,
        %add3A_1441 = arith.addi %gather3A_1432, %add3A_260 : vector<16xi32>
        %gather3A_1442 = tpu.vector_load_idx %arg29[%broadcast_in_dim3A_1422, %add3A_1441] : memref<160x128xf32, #tpu.memory_space<vmem>>[vector<16xi32>, vector<16xi32>], vector<16xf32>,
        %add3A_1443 = arith.addi %gather3A_1432, %add3A_263 : vector<16xi32>
        %gather3A_1444 = tpu.vector_load_idx %arg29[%broadcast_in_dim3A_1422, %add3A_1443] : memref<160x128xf32, #tpu.memory_space<vmem>>[vector<16xi32>, vector<16xi32>], vector<16xf32>,
        %add3A_1445 = arith.addi %gather3A_1432, %add3A_266 : vector<16xi32>
        %gather3A_1446 = tpu.vector_load_idx %arg29[%broadcast_in_dim3A_1422, %add3A_1445] : memref<160x128xf32, #tpu.memory_space<vmem>>[vector<16xi32>, vector<16xi32>], vector<16xf32>,
        %add3A_1447 = arith.addi %gather3A_1432, %add3A_269 : vector<16xi32>
        %gather3A_1448 = tpu.vector_load_idx %arg29[%broadcast_in_dim3A_1422, %add3A_1447] : memref<160x128xf32, #tpu.memory_space<vmem>>[vector<16xi32>, vector<16xi32>], vector<16xf32>,
        %mul3A_1449 = arith.mulf %sub3A_827, %gather3A_1434 : vector<16xf32>
        %mul3A_1450 = arith.mulf %sub3A_831, %gather3A_1436 : vector<16xf32>
        %add3A_1451 = arith.addf %mul3A_1449, %mul3A_1450 : vector<16xf32>
        %mul3A_1452 = arith.mulf %sub3A_835, %gather3A_1438 : vector<16xf32>
        %mul3A_1453 = arith.mulf %sub3A_839, %gather3A_1440 : vector<16xf32>
        %add3A_1454 = arith.addf %mul3A_1452, %mul3A_1453 : vector<16xf32>
        %add3A_1455 = arith.addf %add3A_1451, %add3A_1454 : vector<16xf32>
        %mul3A_1456 = arith.mulf %mul3A_842, %gather3A_1442 : vector<16xf32>
        %mul3A_1457 = arith.mulf %mul3A_845, %gather3A_1444 : vector<16xf32>
        %add3A_1458 = arith.addf %mul3A_1456, %mul3A_1457 : vector<16xf32>
        %mul3A_1459 = arith.mulf %mul3A_848, %gather3A_1446 : vector<16xf32>
        %mul3A_1460 = arith.mulf %mul3A_851, %gather3A_1448 : vector<16xf32>
        %add3A_1461 = arith.addf %mul3A_1459, %mul3A_1460 : vector<16xf32>
        %add3A_1462 = arith.addf %add3A_1458, %add3A_1461 : vector<16xf32>
        %get3A_1463 = arith.constant 176 : index
        %get3A_1464 = tpu.vector_load %arg33[%get3A_1463] {strides = array<i32>} : memref<320xf32, #tpu.memory_space<vmem>>, vector<16xf32>,
        %add3A_1465 = arith.addf %add3A_1455, %add3A_1462 : vector<16xf32>
        %mul3A_1466 = arith.mulf %get3A_1464, %add3A_1465 : vector<16xf32>
        %add3A_1467 = arith.addf %add3A_1275, %mul3A_1466 : vector<16xf32>
        %add3A_1468 = arith.constant 12 : i32
        %add3A_1469 = arith.addi %mul3A_800, %add3A_1468 : i32
        %broadcast_in_dim3A_1470 = vector.broadcast %add3A_1469 : i32 to vector<16xi32>
        %broadcast_in_dim3A_1471 = arith.constant 12 : i32
        %broadcast_in_dim3A_1472 = vector.broadcast %broadcast_in_dim3A_1471 : i32 to vector<16xi32>
        %broadcast_in_dim3A_1473 = vector.shape_cast %broadcast_in_dim3A_1472 : vector<16xi32> to vector<16x1xi32>
        %gather3A_1474 = vector.shape_cast %broadcast_in_dim3A_1473 : vector<16x1xi32> to vector<16xi32>
        %gather3A_1475 = tpu.dynamic_gather %mul3A_873[%gather3A_1474] in [0] : vector<16xi32>, vector<16xi32> -> vector<16xi32>
        %broadcast_in_dim3A_1476 = arith.constant 12 : i32
        %broadcast_in_dim3A_1477 = vector.broadcast %broadcast_in_dim3A_1476 : i32 to vector<16xi32>
        %broadcast_in_dim3A_1478 = vector.shape_cast %broadcast_in_dim3A_1477 : vector<16xi32> to vector<16x1xi32>
        %gather3A_1479 = vector.shape_cast %broadcast_in_dim3A_1478 : vector<16x1xi32> to vector<16xi32>
        %gather3A_1480 = tpu.dynamic_gather %mul3A_885[%gather3A_1479] in [0] : vector<16xi32>, vector<16xi32> -> vector<16xi32>
        %add3A_1481 = arith.addi %gather3A_1475, %add3A_260 : vector<16xi32>
        %gather3A_1482 = tpu.vector_load_idx %arg28[%broadcast_in_dim3A_1470, %add3A_1481] : memref<160x128xf32, #tpu.memory_space<vmem>>[vector<16xi32>, vector<16xi32>], vector<16xf32>,
        %add3A_1483 = arith.addi %gather3A_1475, %add3A_263 : vector<16xi32>
        %gather3A_1484 = tpu.vector_load_idx %arg28[%broadcast_in_dim3A_1470, %add3A_1483] : memref<160x128xf32, #tpu.memory_space<vmem>>[vector<16xi32>, vector<16xi32>], vector<16xf32>,
        %add3A_1485 = arith.addi %gather3A_1475, %add3A_266 : vector<16xi32>
        %gather3A_1486 = tpu.vector_load_idx %arg28[%broadcast_in_dim3A_1470, %add3A_1485] : memref<160x128xf32, #tpu.memory_space<vmem>>[vector<16xi32>, vector<16xi32>], vector<16xf32>,
        %add3A_1487 = arith.addi %gather3A_1475, %add3A_269 : vector<16xi32>
        %gather3A_1488 = tpu.vector_load_idx %arg28[%broadcast_in_dim3A_1470, %add3A_1487] : memref<160x128xf32, #tpu.memory_space<vmem>>[vector<16xi32>, vector<16xi32>], vector<16xf32>,
        %add3A_1489 = arith.addi %gather3A_1480, %add3A_260 : vector<16xi32>
        %gather3A_1490 = tpu.vector_load_idx %arg29[%broadcast_in_dim3A_1470, %add3A_1489] : memref<160x128xf32, #tpu.memory_space<vmem>>[vector<16xi32>, vector<16xi32>], vector<16xf32>,
        %add3A_1491 = arith.addi %gather3A_1480, %add3A_263 : vector<16xi32>
        %gather3A_1492 = tpu.vector_load_idx %arg29[%broadcast_in_dim3A_1470, %add3A_1491] : memref<160x128xf32, #tpu.memory_space<vmem>>[vector<16xi32>, vector<16xi32>], vector<16xf32>,
        %add3A_1493 = arith.addi %gather3A_1480, %add3A_266 : vector<16xi32>
        %gather3A_1494 = tpu.vector_load_idx %arg29[%broadcast_in_dim3A_1470, %add3A_1493] : memref<160x128xf32, #tpu.memory_space<vmem>>[vector<16xi32>, vector<16xi32>], vector<16xf32>,
        %add3A_1495 = arith.addi %gather3A_1480, %add3A_269 : vector<16xi32>
        %gather3A_1496 = tpu.vector_load_idx %arg29[%broadcast_in_dim3A_1470, %add3A_1495] : memref<160x128xf32, #tpu.memory_space<vmem>>[vector<16xi32>, vector<16xi32>], vector<16xf32>,
        %mul3A_1497 = arith.mulf %sub3A_827, %gather3A_1482 : vector<16xf32>
        %mul3A_1498 = arith.mulf %sub3A_831, %gather3A_1484 : vector<16xf32>
        %add3A_1499 = arith.addf %mul3A_1497, %mul3A_1498 : vector<16xf32>
        %mul3A_1500 = arith.mulf %sub3A_835, %gather3A_1486 : vector<16xf32>
        %mul3A_1501 = arith.mulf %sub3A_839, %gather3A_1488 : vector<16xf32>
        %add3A_1502 = arith.addf %mul3A_1500, %mul3A_1501 : vector<16xf32>
        %add3A_1503 = arith.addf %add3A_1499, %add3A_1502 : vector<16xf32>
        %mul3A_1504 = arith.mulf %mul3A_842, %gather3A_1490 : vector<16xf32>
        %mul3A_1505 = arith.mulf %mul3A_845, %gather3A_1492 : vector<16xf32>
        %add3A_1506 = arith.addf %mul3A_1504, %mul3A_1505 : vector<16xf32>
        %mul3A_1507 = arith.mulf %mul3A_848, %gather3A_1494 : vector<16xf32>
        %mul3A_1508 = arith.mulf %mul3A_851, %gather3A_1496 : vector<16xf32>
        %add3A_1509 = arith.addf %mul3A_1507, %mul3A_1508 : vector<16xf32>
        %add3A_1510 = arith.addf %add3A_1506, %add3A_1509 : vector<16xf32>
        %get3A_1511 = arith.constant 192 : index
        %get3A_1512 = tpu.vector_load %arg33[%get3A_1511] {strides = array<i32>} : memref<320xf32, #tpu.memory_space<vmem>>, vector<16xf32>,
        %add3A_1513 = arith.addf %add3A_1503, %add3A_1510 : vector<16xf32>
        %mul3A_1514 = arith.mulf %get3A_1512, %add3A_1513 : vector<16xf32>
        %add3A_1515 = arith.addf %add3A_1323, %mul3A_1514 : vector<16xf32>
        %add3A_1516 = arith.constant 13 : i32
        %add3A_1517 = arith.addi %mul3A_800, %add3A_1516 : i32
        %broadcast_in_dim3A_1518 = vector.broadcast %add3A_1517 : i32 to vector<16xi32>
        %broadcast_in_dim3A_1519 = arith.constant 13 : i32
        %broadcast_in_dim3A_1520 = vector.broadcast %broadcast_in_dim3A_1519 : i32 to vector<16xi32>
        %broadcast_in_dim3A_1521 = vector.shape_cast %broadcast_in_dim3A_1520 : vector<16xi32> to vector<16x1xi32>
        %gather3A_1522 = vector.shape_cast %broadcast_in_dim3A_1521 : vector<16x1xi32> to vector<16xi32>
        %gather3A_1523 = tpu.dynamic_gather %mul3A_873[%gather3A_1522] in [0] : vector<16xi32>, vector<16xi32> -> vector<16xi32>
        %broadcast_in_dim3A_1524 = arith.constant 13 : i32
        %broadcast_in_dim3A_1525 = vector.broadcast %broadcast_in_dim3A_1524 : i32 to vector<16xi32>
        %broadcast_in_dim3A_1526 = vector.shape_cast %broadcast_in_dim3A_1525 : vector<16xi32> to vector<16x1xi32>
        %gather3A_1527 = vector.shape_cast %broadcast_in_dim3A_1526 : vector<16x1xi32> to vector<16xi32>
        %gather3A_1528 = tpu.dynamic_gather %mul3A_885[%gather3A_1527] in [0] : vector<16xi32>, vector<16xi32> -> vector<16xi32>
        %add3A_1529 = arith.addi %gather3A_1523, %add3A_260 : vector<16xi32>
        %gather3A_1530 = tpu.vector_load_idx %arg28[%broadcast_in_dim3A_1518, %add3A_1529] : memref<160x128xf32, #tpu.memory_space<vmem>>[vector<16xi32>, vector<16xi32>], vector<16xf32>,
        %add3A_1531 = arith.addi %gather3A_1523, %add3A_263 : vector<16xi32>
        %gather3A_1532 = tpu.vector_load_idx %arg28[%broadcast_in_dim3A_1518, %add3A_1531] : memref<160x128xf32, #tpu.memory_space<vmem>>[vector<16xi32>, vector<16xi32>], vector<16xf32>,
        %add3A_1533 = arith.addi %gather3A_1523, %add3A_266 : vector<16xi32>
        %gather3A_1534 = tpu.vector_load_idx %arg28[%broadcast_in_dim3A_1518, %add3A_1533] : memref<160x128xf32, #tpu.memory_space<vmem>>[vector<16xi32>, vector<16xi32>], vector<16xf32>,
        %add3A_1535 = arith.addi %gather3A_1523, %add3A_269 : vector<16xi32>
        %gather3A_1536 = tpu.vector_load_idx %arg28[%broadcast_in_dim3A_1518, %add3A_1535] : memref<160x128xf32, #tpu.memory_space<vmem>>[vector<16xi32>, vector<16xi32>], vector<16xf32>,
        %add3A_1537 = arith.addi %gather3A_1528, %add3A_260 : vector<16xi32>
        %gather3A_1538 = tpu.vector_load_idx %arg29[%broadcast_in_dim3A_1518, %add3A_1537] : memref<160x128xf32, #tpu.memory_space<vmem>>[vector<16xi32>, vector<16xi32>], vector<16xf32>,
        %add3A_1539 = arith.addi %gather3A_1528, %add3A_263 : vector<16xi32>
        %gather3A_1540 = tpu.vector_load_idx %arg29[%broadcast_in_dim3A_1518, %add3A_1539] : memref<160x128xf32, #tpu.memory_space<vmem>>[vector<16xi32>, vector<16xi32>], vector<16xf32>,
        %add3A_1541 = arith.addi %gather3A_1528, %add3A_266 : vector<16xi32>
        %gather3A_1542 = tpu.vector_load_idx %arg29[%broadcast_in_dim3A_1518, %add3A_1541] : memref<160x128xf32, #tpu.memory_space<vmem>>[vector<16xi32>, vector<16xi32>], vector<16xf32>,
        %add3A_1543 = arith.addi %gather3A_1528, %add3A_269 : vector<16xi32>
        %gather3A_1544 = tpu.vector_load_idx %arg29[%broadcast_in_dim3A_1518, %add3A_1543] : memref<160x128xf32, #tpu.memory_space<vmem>>[vector<16xi32>, vector<16xi32>], vector<16xf32>,
        %mul3A_1545 = arith.mulf %sub3A_827, %gather3A_1530 : vector<16xf32>
        %mul3A_1546 = arith.mulf %sub3A_831, %gather3A_1532 : vector<16xf32>
        %add3A_1547 = arith.addf %mul3A_1545, %mul3A_1546 : vector<16xf32>
        %mul3A_1548 = arith.mulf %sub3A_835, %gather3A_1534 : vector<16xf32>
        %mul3A_1549 = arith.mulf %sub3A_839, %gather3A_1536 : vector<16xf32>
        %add3A_1550 = arith.addf %mul3A_1548, %mul3A_1549 : vector<16xf32>
        %add3A_1551 = arith.addf %add3A_1547, %add3A_1550 : vector<16xf32>
        %mul3A_1552 = arith.mulf %mul3A_842, %gather3A_1538 : vector<16xf32>
        %mul3A_1553 = arith.mulf %mul3A_845, %gather3A_1540 : vector<16xf32>
        %add3A_1554 = arith.addf %mul3A_1552, %mul3A_1553 : vector<16xf32>
        %mul3A_1555 = arith.mulf %mul3A_848, %gather3A_1542 : vector<16xf32>
        %mul3A_1556 = arith.mulf %mul3A_851, %gather3A_1544 : vector<16xf32>
        %add3A_1557 = arith.addf %mul3A_1555, %mul3A_1556 : vector<16xf32>
        %add3A_1558 = arith.addf %add3A_1554, %add3A_1557 : vector<16xf32>
        %get3A_1559 = arith.constant 208 : index
        %get3A_1560 = tpu.vector_load %arg33[%get3A_1559] {strides = array<i32>} : memref<320xf32, #tpu.memory_space<vmem>>, vector<16xf32>,
        %add3A_1561 = arith.addf %add3A_1551, %add3A_1558 : vector<16xf32>
        %mul3A_1562 = arith.mulf %get3A_1560, %add3A_1561 : vector<16xf32>
        %add3A_1563 = arith.addf %add3A_1371, %mul3A_1562 : vector<16xf32>
        %add3A_1564 = arith.constant 14 : i32
        %add3A_1565 = arith.addi %mul3A_800, %add3A_1564 : i32
        %broadcast_in_dim3A_1566 = vector.broadcast %add3A_1565 : i32 to vector<16xi32>
        %broadcast_in_dim3A_1567 = arith.constant 14 : i32
        %broadcast_in_dim3A_1568 = vector.broadcast %broadcast_in_dim3A_1567 : i32 to vector<16xi32>
        %broadcast_in_dim3A_1569 = vector.shape_cast %broadcast_in_dim3A_1568 : vector<16xi32> to vector<16x1xi32>
        %gather3A_1570 = vector.shape_cast %broadcast_in_dim3A_1569 : vector<16x1xi32> to vector<16xi32>
        %gather3A_1571 = tpu.dynamic_gather %mul3A_873[%gather3A_1570] in [0] : vector<16xi32>, vector<16xi32> -> vector<16xi32>
        %broadcast_in_dim3A_1572 = arith.constant 14 : i32
        %broadcast_in_dim3A_1573 = vector.broadcast %broadcast_in_dim3A_1572 : i32 to vector<16xi32>
        %broadcast_in_dim3A_1574 = vector.shape_cast %broadcast_in_dim3A_1573 : vector<16xi32> to vector<16x1xi32>
        %gather3A_1575 = vector.shape_cast %broadcast_in_dim3A_1574 : vector<16x1xi32> to vector<16xi32>
        %gather3A_1576 = tpu.dynamic_gather %mul3A_885[%gather3A_1575] in [0] : vector<16xi32>, vector<16xi32> -> vector<16xi32>
        %add3A_1577 = arith.addi %gather3A_1571, %add3A_260 : vector<16xi32>
        %gather3A_1578 = tpu.vector_load_idx %arg28[%broadcast_in_dim3A_1566, %add3A_1577] : memref<160x128xf32, #tpu.memory_space<vmem>>[vector<16xi32>, vector<16xi32>], vector<16xf32>,
        %add3A_1579 = arith.addi %gather3A_1571, %add3A_263 : vector<16xi32>
        %gather3A_1580 = tpu.vector_load_idx %arg28[%broadcast_in_dim3A_1566, %add3A_1579] : memref<160x128xf32, #tpu.memory_space<vmem>>[vector<16xi32>, vector<16xi32>], vector<16xf32>,
        %add3A_1581 = arith.addi %gather3A_1571, %add3A_266 : vector<16xi32>
        %gather3A_1582 = tpu.vector_load_idx %arg28[%broadcast_in_dim3A_1566, %add3A_1581] : memref<160x128xf32, #tpu.memory_space<vmem>>[vector<16xi32>, vector<16xi32>], vector<16xf32>,
        %add3A_1583 = arith.addi %gather3A_1571, %add3A_269 : vector<16xi32>
        %gather3A_1584 = tpu.vector_load_idx %arg28[%broadcast_in_dim3A_1566, %add3A_1583] : memref<160x128xf32, #tpu.memory_space<vmem>>[vector<16xi32>, vector<16xi32>], vector<16xf32>,
        %add3A_1585 = arith.addi %gather3A_1576, %add3A_260 : vector<16xi32>
        %gather3A_1586 = tpu.vector_load_idx %arg29[%broadcast_in_dim3A_1566, %add3A_1585] : memref<160x128xf32, #tpu.memory_space<vmem>>[vector<16xi32>, vector<16xi32>], vector<16xf32>,
        %add3A_1587 = arith.addi %gather3A_1576, %add3A_263 : vector<16xi32>
        %gather3A_1588 = tpu.vector_load_idx %arg29[%broadcast_in_dim3A_1566, %add3A_1587] : memref<160x128xf32, #tpu.memory_space<vmem>>[vector<16xi32>, vector<16xi32>], vector<16xf32>,
        %add3A_1589 = arith.addi %gather3A_1576, %add3A_266 : vector<16xi32>
        %gather3A_1590 = tpu.vector_load_idx %arg29[%broadcast_in_dim3A_1566, %add3A_1589] : memref<160x128xf32, #tpu.memory_space<vmem>>[vector<16xi32>, vector<16xi32>], vector<16xf32>,
        %add3A_1591 = arith.addi %gather3A_1576, %add3A_269 : vector<16xi32>
        %gather3A_1592 = tpu.vector_load_idx %arg29[%broadcast_in_dim3A_1566, %add3A_1591] : memref<160x128xf32, #tpu.memory_space<vmem>>[vector<16xi32>, vector<16xi32>], vector<16xf32>,
        %mul3A_1593 = arith.mulf %sub3A_827, %gather3A_1578 : vector<16xf32>
        %mul3A_1594 = arith.mulf %sub3A_831, %gather3A_1580 : vector<16xf32>
        %add3A_1595 = arith.addf %mul3A_1593, %mul3A_1594 : vector<16xf32>
        %mul3A_1596 = arith.mulf %sub3A_835, %gather3A_1582 : vector<16xf32>
        %mul3A_1597 = arith.mulf %sub3A_839, %gather3A_1584 : vector<16xf32>
        %add3A_1598 = arith.addf %mul3A_1596, %mul3A_1597 : vector<16xf32>
        %add3A_1599 = arith.addf %add3A_1595, %add3A_1598 : vector<16xf32>
        %mul3A_1600 = arith.mulf %mul3A_842, %gather3A_1586 : vector<16xf32>
        %mul3A_1601 = arith.mulf %mul3A_845, %gather3A_1588 : vector<16xf32>
        %add3A_1602 = arith.addf %mul3A_1600, %mul3A_1601 : vector<16xf32>
        %mul3A_1603 = arith.mulf %mul3A_848, %gather3A_1590 : vector<16xf32>
        %mul3A_1604 = arith.mulf %mul3A_851, %gather3A_1592 : vector<16xf32>
        %add3A_1605 = arith.addf %mul3A_1603, %mul3A_1604 : vector<16xf32>
        %add3A_1606 = arith.addf %add3A_1602, %add3A_1605 : vector<16xf32>
        %get3A_1607 = arith.constant 224 : index
        %get3A_1608 = tpu.vector_load %arg33[%get3A_1607] {strides = array<i32>} : memref<320xf32, #tpu.memory_space<vmem>>, vector<16xf32>,
        %add3A_1609 = arith.addf %add3A_1599, %add3A_1606 : vector<16xf32>
        %mul3A_1610 = arith.mulf %get3A_1608, %add3A_1609 : vector<16xf32>
        %add3A_1611 = arith.addf %add3A_1419, %mul3A_1610 : vector<16xf32>
        %add3A_1612 = arith.constant 15 : i32
        %add3A_1613 = arith.addi %mul3A_800, %add3A_1612 : i32
        %broadcast_in_dim3A_1614 = vector.broadcast %add3A_1613 : i32 to vector<16xi32>
        %broadcast_in_dim3A_1615 = arith.constant 15 : i32
        %broadcast_in_dim3A_1616 = vector.broadcast %broadcast_in_dim3A_1615 : i32 to vector<16xi32>
        %broadcast_in_dim3A_1617 = vector.shape_cast %broadcast_in_dim3A_1616 : vector<16xi32> to vector<16x1xi32>
        %gather3A_1618 = vector.shape_cast %broadcast_in_dim3A_1617 : vector<16x1xi32> to vector<16xi32>
        %gather3A_1619 = tpu.dynamic_gather %mul3A_873[%gather3A_1618] in [0] : vector<16xi32>, vector<16xi32> -> vector<16xi32>
        %broadcast_in_dim3A_1620 = arith.constant 15 : i32
        %broadcast_in_dim3A_1621 = vector.broadcast %broadcast_in_dim3A_1620 : i32 to vector<16xi32>
        %broadcast_in_dim3A_1622 = vector.shape_cast %broadcast_in_dim3A_1621 : vector<16xi32> to vector<16x1xi32>
        %gather3A_1623 = vector.shape_cast %broadcast_in_dim3A_1622 : vector<16x1xi32> to vector<16xi32>
        %gather3A_1624 = tpu.dynamic_gather %mul3A_885[%gather3A_1623] in [0] : vector<16xi32>, vector<16xi32> -> vector<16xi32>
        %add3A_1625 = arith.addi %gather3A_1619, %add3A_260 : vector<16xi32>
        %gather3A_1626 = tpu.vector_load_idx %arg28[%broadcast_in_dim3A_1614, %add3A_1625] : memref<160x128xf32, #tpu.memory_space<vmem>>[vector<16xi32>, vector<16xi32>], vector<16xf32>,
        %add3A_1627 = arith.addi %gather3A_1619, %add3A_263 : vector<16xi32>
        %gather3A_1628 = tpu.vector_load_idx %arg28[%broadcast_in_dim3A_1614, %add3A_1627] : memref<160x128xf32, #tpu.memory_space<vmem>>[vector<16xi32>, vector<16xi32>], vector<16xf32>,
        %add3A_1629 = arith.addi %gather3A_1619, %add3A_266 : vector<16xi32>
        %gather3A_1630 = tpu.vector_load_idx %arg28[%broadcast_in_dim3A_1614, %add3A_1629] : memref<160x128xf32, #tpu.memory_space<vmem>>[vector<16xi32>, vector<16xi32>], vector<16xf32>,
        %add3A_1631 = arith.addi %gather3A_1619, %add3A_269 : vector<16xi32>
        %gather3A_1632 = tpu.vector_load_idx %arg28[%broadcast_in_dim3A_1614, %add3A_1631] : memref<160x128xf32, #tpu.memory_space<vmem>>[vector<16xi32>, vector<16xi32>], vector<16xf32>,
        %add3A_1633 = arith.addi %gather3A_1624, %add3A_260 : vector<16xi32>
        %gather3A_1634 = tpu.vector_load_idx %arg29[%broadcast_in_dim3A_1614, %add3A_1633] : memref<160x128xf32, #tpu.memory_space<vmem>>[vector<16xi32>, vector<16xi32>], vector<16xf32>,
        %add3A_1635 = arith.addi %gather3A_1624, %add3A_263 : vector<16xi32>
        %gather3A_1636 = tpu.vector_load_idx %arg29[%broadcast_in_dim3A_1614, %add3A_1635] : memref<160x128xf32, #tpu.memory_space<vmem>>[vector<16xi32>, vector<16xi32>], vector<16xf32>,
        %add3A_1637 = arith.addi %gather3A_1624, %add3A_266 : vector<16xi32>
        %gather3A_1638 = tpu.vector_load_idx %arg29[%broadcast_in_dim3A_1614, %add3A_1637] : memref<160x128xf32, #tpu.memory_space<vmem>>[vector<16xi32>, vector<16xi32>], vector<16xf32>,
        %add3A_1639 = arith.addi %gather3A_1624, %add3A_269 : vector<16xi32>
        %gather3A_1640 = tpu.vector_load_idx %arg29[%broadcast_in_dim3A_1614, %add3A_1639] : memref<160x128xf32, #tpu.memory_space<vmem>>[vector<16xi32>, vector<16xi32>], vector<16xf32>,
        %mul3A_1641 = arith.mulf %sub3A_827, %gather3A_1626 : vector<16xf32>
        %mul3A_1642 = arith.mulf %sub3A_831, %gather3A_1628 : vector<16xf32>
        %add3A_1643 = arith.addf %mul3A_1641, %mul3A_1642 : vector<16xf32>
        %mul3A_1644 = arith.mulf %sub3A_835, %gather3A_1630 : vector<16xf32>
        %mul3A_1645 = arith.mulf %sub3A_839, %gather3A_1632 : vector<16xf32>
        %add3A_1646 = arith.addf %mul3A_1644, %mul3A_1645 : vector<16xf32>
        %add3A_1647 = arith.addf %add3A_1643, %add3A_1646 : vector<16xf32>
        %mul3A_1648 = arith.mulf %mul3A_842, %gather3A_1634 : vector<16xf32>
        %mul3A_1649 = arith.mulf %mul3A_845, %gather3A_1636 : vector<16xf32>
        %add3A_1650 = arith.addf %mul3A_1648, %mul3A_1649 : vector<16xf32>
        %mul3A_1651 = arith.mulf %mul3A_848, %gather3A_1638 : vector<16xf32>
        %mul3A_1652 = arith.mulf %mul3A_851, %gather3A_1640 : vector<16xf32>
        %add3A_1653 = arith.addf %mul3A_1651, %mul3A_1652 : vector<16xf32>
        %add3A_1654 = arith.addf %add3A_1650, %add3A_1653 : vector<16xf32>
        %get3A_1655 = arith.constant 240 : index
        %get3A_1656 = tpu.vector_load %arg33[%get3A_1655] {strides = array<i32>} : memref<320xf32, #tpu.memory_space<vmem>>, vector<16xf32>,
        %add3A_1657 = arith.addf %add3A_1647, %add3A_1654 : vector<16xf32>
        %mul3A_1658 = arith.mulf %get3A_1656, %add3A_1657 : vector<16xf32>
        %add3A_1659 = arith.addf %add3A_1467, %mul3A_1658 : vector<16xf32>
        %add3A_1660 = arith.constant 16 : i32
        %add3A_1661 = arith.addi %mul3A_800, %add3A_1660 : i32
        %broadcast_in_dim3A_1662 = vector.broadcast %add3A_1661 : i32 to vector<16xi32>
        %broadcast_in_dim3A_1663 = arith.constant 12 : i32
        %broadcast_in_dim3A_1664 = vector.broadcast %broadcast_in_dim3A_1663 : i32 to vector<16xi32>
        %broadcast_in_dim3A_1665 = vector.shape_cast %broadcast_in_dim3A_1664 : vector<16xi32> to vector<16x1xi32>
        %gather3A_1666 = vector.shape_cast %broadcast_in_dim3A_1665 : vector<16x1xi32> to vector<16xi32>
        %gather3A_1667 = tpu.dynamic_gather %mul3A_879[%gather3A_1666] in [0] : vector<16xi32>, vector<16xi32> -> vector<16xi32>
        %broadcast_in_dim3A_1668 = arith.constant 12 : i32
        %broadcast_in_dim3A_1669 = vector.broadcast %broadcast_in_dim3A_1668 : i32 to vector<16xi32>
        %broadcast_in_dim3A_1670 = vector.shape_cast %broadcast_in_dim3A_1669 : vector<16xi32> to vector<16x1xi32>
        %gather3A_1671 = vector.shape_cast %broadcast_in_dim3A_1670 : vector<16x1xi32> to vector<16xi32>
        %gather3A_1672 = tpu.dynamic_gather %mul3A_891[%gather3A_1671] in [0] : vector<16xi32>, vector<16xi32> -> vector<16xi32>
        %add3A_1673 = arith.addi %gather3A_1667, %add3A_260 : vector<16xi32>
        %gather3A_1674 = tpu.vector_load_idx %arg28[%broadcast_in_dim3A_1662, %add3A_1673] : memref<160x128xf32, #tpu.memory_space<vmem>>[vector<16xi32>, vector<16xi32>], vector<16xf32>,
        %add3A_1675 = arith.addi %gather3A_1667, %add3A_263 : vector<16xi32>
        %gather3A_1676 = tpu.vector_load_idx %arg28[%broadcast_in_dim3A_1662, %add3A_1675] : memref<160x128xf32, #tpu.memory_space<vmem>>[vector<16xi32>, vector<16xi32>], vector<16xf32>,
        %add3A_1677 = arith.addi %gather3A_1667, %add3A_266 : vector<16xi32>
        %gather3A_1678 = tpu.vector_load_idx %arg28[%broadcast_in_dim3A_1662, %add3A_1677] : memref<160x128xf32, #tpu.memory_space<vmem>>[vector<16xi32>, vector<16xi32>], vector<16xf32>,
        %add3A_1679 = arith.addi %gather3A_1667, %add3A_269 : vector<16xi32>
        %gather3A_1680 = tpu.vector_load_idx %arg28[%broadcast_in_dim3A_1662, %add3A_1679] : memref<160x128xf32, #tpu.memory_space<vmem>>[vector<16xi32>, vector<16xi32>], vector<16xf32>,
        %add3A_1681 = arith.addi %gather3A_1672, %add3A_260 : vector<16xi32>
        %gather3A_1682 = tpu.vector_load_idx %arg29[%broadcast_in_dim3A_1662, %add3A_1681] : memref<160x128xf32, #tpu.memory_space<vmem>>[vector<16xi32>, vector<16xi32>], vector<16xf32>,
        %add3A_1683 = arith.addi %gather3A_1672, %add3A_263 : vector<16xi32>
        %gather3A_1684 = tpu.vector_load_idx %arg29[%broadcast_in_dim3A_1662, %add3A_1683] : memref<160x128xf32, #tpu.memory_space<vmem>>[vector<16xi32>, vector<16xi32>], vector<16xf32>,
        %add3A_1685 = arith.addi %gather3A_1672, %add3A_266 : vector<16xi32>
        %gather3A_1686 = tpu.vector_load_idx %arg29[%broadcast_in_dim3A_1662, %add3A_1685] : memref<160x128xf32, #tpu.memory_space<vmem>>[vector<16xi32>, vector<16xi32>], vector<16xf32>,
        %add3A_1687 = arith.addi %gather3A_1672, %add3A_269 : vector<16xi32>
        %gather3A_1688 = tpu.vector_load_idx %arg29[%broadcast_in_dim3A_1662, %add3A_1687] : memref<160x128xf32, #tpu.memory_space<vmem>>[vector<16xi32>, vector<16xi32>], vector<16xf32>,
        %mul3A_1689 = arith.mulf %sub3A_827, %gather3A_1674 : vector<16xf32>
        %mul3A_1690 = arith.mulf %sub3A_831, %gather3A_1676 : vector<16xf32>
        %add3A_1691 = arith.addf %mul3A_1689, %mul3A_1690 : vector<16xf32>
        %mul3A_1692 = arith.mulf %sub3A_835, %gather3A_1678 : vector<16xf32>
        %mul3A_1693 = arith.mulf %sub3A_839, %gather3A_1680 : vector<16xf32>
        %add3A_1694 = arith.addf %mul3A_1692, %mul3A_1693 : vector<16xf32>
        %add3A_1695 = arith.addf %add3A_1691, %add3A_1694 : vector<16xf32>
        %mul3A_1696 = arith.mulf %mul3A_842, %gather3A_1682 : vector<16xf32>
        %mul3A_1697 = arith.mulf %mul3A_845, %gather3A_1684 : vector<16xf32>
        %add3A_1698 = arith.addf %mul3A_1696, %mul3A_1697 : vector<16xf32>
        %mul3A_1699 = arith.mulf %mul3A_848, %gather3A_1686 : vector<16xf32>
        %mul3A_1700 = arith.mulf %mul3A_851, %gather3A_1688 : vector<16xf32>
        %add3A_1701 = arith.addf %mul3A_1699, %mul3A_1700 : vector<16xf32>
        %add3A_1702 = arith.addf %add3A_1698, %add3A_1701 : vector<16xf32>
        %get3A_1703 = arith.constant 256 : index
        %get3A_1704 = tpu.vector_load %arg33[%get3A_1703] {strides = array<i32>} : memref<320xf32, #tpu.memory_space<vmem>>, vector<16xf32>,
        %add3A_1705 = arith.addf %add3A_1695, %add3A_1702 : vector<16xf32>
        %mul3A_1706 = arith.mulf %get3A_1704, %add3A_1705 : vector<16xf32>
        %add3A_1707 = arith.addf %add3A_1515, %mul3A_1706 : vector<16xf32>
        %add3A_1708 = arith.constant 17 : i32
        %add3A_1709 = arith.addi %mul3A_800, %add3A_1708 : i32
        %broadcast_in_dim3A_1710 = vector.broadcast %add3A_1709 : i32 to vector<16xi32>
        %broadcast_in_dim3A_1711 = arith.constant 13 : i32
        %broadcast_in_dim3A_1712 = vector.broadcast %broadcast_in_dim3A_1711 : i32 to vector<16xi32>
        %broadcast_in_dim3A_1713 = vector.shape_cast %broadcast_in_dim3A_1712 : vector<16xi32> to vector<16x1xi32>
        %gather3A_1714 = vector.shape_cast %broadcast_in_dim3A_1713 : vector<16x1xi32> to vector<16xi32>
        %gather3A_1715 = tpu.dynamic_gather %mul3A_879[%gather3A_1714] in [0] : vector<16xi32>, vector<16xi32> -> vector<16xi32>
        %broadcast_in_dim3A_1716 = arith.constant 13 : i32
        %broadcast_in_dim3A_1717 = vector.broadcast %broadcast_in_dim3A_1716 : i32 to vector<16xi32>
        %broadcast_in_dim3A_1718 = vector.shape_cast %broadcast_in_dim3A_1717 : vector<16xi32> to vector<16x1xi32>
        %gather3A_1719 = vector.shape_cast %broadcast_in_dim3A_1718 : vector<16x1xi32> to vector<16xi32>
        %gather3A_1720 = tpu.dynamic_gather %mul3A_891[%gather3A_1719] in [0] : vector<16xi32>, vector<16xi32> -> vector<16xi32>
        %add3A_1721 = arith.addi %gather3A_1715, %add3A_260 : vector<16xi32>
        %gather3A_1722 = tpu.vector_load_idx %arg28[%broadcast_in_dim3A_1710, %add3A_1721] : memref<160x128xf32, #tpu.memory_space<vmem>>[vector<16xi32>, vector<16xi32>], vector<16xf32>,
        %add3A_1723 = arith.addi %gather3A_1715, %add3A_263 : vector<16xi32>
        %gather3A_1724 = tpu.vector_load_idx %arg28[%broadcast_in_dim3A_1710, %add3A_1723] : memref<160x128xf32, #tpu.memory_space<vmem>>[vector<16xi32>, vector<16xi32>], vector<16xf32>,
        %add3A_1725 = arith.addi %gather3A_1715, %add3A_266 : vector<16xi32>
        %gather3A_1726 = tpu.vector_load_idx %arg28[%broadcast_in_dim3A_1710, %add3A_1725] : memref<160x128xf32, #tpu.memory_space<vmem>>[vector<16xi32>, vector<16xi32>], vector<16xf32>,
        %add3A_1727 = arith.addi %gather3A_1715, %add3A_269 : vector<16xi32>
        %gather3A_1728 = tpu.vector_load_idx %arg28[%broadcast_in_dim3A_1710, %add3A_1727] : memref<160x128xf32, #tpu.memory_space<vmem>>[vector<16xi32>, vector<16xi32>], vector<16xf32>,
        %add3A_1729 = arith.addi %gather3A_1720, %add3A_260 : vector<16xi32>
        %gather3A_1730 = tpu.vector_load_idx %arg29[%broadcast_in_dim3A_1710, %add3A_1729] : memref<160x128xf32, #tpu.memory_space<vmem>>[vector<16xi32>, vector<16xi32>], vector<16xf32>,
        %add3A_1731 = arith.addi %gather3A_1720, %add3A_263 : vector<16xi32>
        %gather3A_1732 = tpu.vector_load_idx %arg29[%broadcast_in_dim3A_1710, %add3A_1731] : memref<160x128xf32, #tpu.memory_space<vmem>>[vector<16xi32>, vector<16xi32>], vector<16xf32>,
        %add3A_1733 = arith.addi %gather3A_1720, %add3A_266 : vector<16xi32>
        %gather3A_1734 = tpu.vector_load_idx %arg29[%broadcast_in_dim3A_1710, %add3A_1733] : memref<160x128xf32, #tpu.memory_space<vmem>>[vector<16xi32>, vector<16xi32>], vector<16xf32>,
        %add3A_1735 = arith.addi %gather3A_1720, %add3A_269 : vector<16xi32>
        %gather3A_1736 = tpu.vector_load_idx %arg29[%broadcast_in_dim3A_1710, %add3A_1735] : memref<160x128xf32, #tpu.memory_space<vmem>>[vector<16xi32>, vector<16xi32>], vector<16xf32>,
        %mul3A_1737 = arith.mulf %sub3A_827, %gather3A_1722 : vector<16xf32>
        %mul3A_1738 = arith.mulf %sub3A_831, %gather3A_1724 : vector<16xf32>
        %add3A_1739 = arith.addf %mul3A_1737, %mul3A_1738 : vector<16xf32>
        %mul3A_1740 = arith.mulf %sub3A_835, %gather3A_1726 : vector<16xf32>
        %mul3A_1741 = arith.mulf %sub3A_839, %gather3A_1728 : vector<16xf32>
        %add3A_1742 = arith.addf %mul3A_1740, %mul3A_1741 : vector<16xf32>
        %add3A_1743 = arith.addf %add3A_1739, %add3A_1742 : vector<16xf32>
        %mul3A_1744 = arith.mulf %mul3A_842, %gather3A_1730 : vector<16xf32>
        %mul3A_1745 = arith.mulf %mul3A_845, %gather3A_1732 : vector<16xf32>
        %add3A_1746 = arith.addf %mul3A_1744, %mul3A_1745 : vector<16xf32>
        %mul3A_1747 = arith.mulf %mul3A_848, %gather3A_1734 : vector<16xf32>
        %mul3A_1748 = arith.mulf %mul3A_851, %gather3A_1736 : vector<16xf32>
        %add3A_1749 = arith.addf %mul3A_1747, %mul3A_1748 : vector<16xf32>
        %add3A_1750 = arith.addf %add3A_1746, %add3A_1749 : vector<16xf32>
        %get3A_1751 = arith.constant 272 : index
        %get3A_1752 = tpu.vector_load %arg33[%get3A_1751] {strides = array<i32>} : memref<320xf32, #tpu.memory_space<vmem>>, vector<16xf32>,
        %add3A_1753 = arith.addf %add3A_1743, %add3A_1750 : vector<16xf32>
        %mul3A_1754 = arith.mulf %get3A_1752, %add3A_1753 : vector<16xf32>
        %add3A_1755 = arith.addf %add3A_1563, %mul3A_1754 : vector<16xf32>
        %add3A_1756 = arith.constant 18 : i32
        %add3A_1757 = arith.addi %mul3A_800, %add3A_1756 : i32
        %broadcast_in_dim3A_1758 = vector.broadcast %add3A_1757 : i32 to vector<16xi32>
        %broadcast_in_dim3A_1759 = arith.constant 14 : i32
        %broadcast_in_dim3A_1760 = vector.broadcast %broadcast_in_dim3A_1759 : i32 to vector<16xi32>
        %broadcast_in_dim3A_1761 = vector.shape_cast %broadcast_in_dim3A_1760 : vector<16xi32> to vector<16x1xi32>
        %gather3A_1762 = vector.shape_cast %broadcast_in_dim3A_1761 : vector<16x1xi32> to vector<16xi32>
        %gather3A_1763 = tpu.dynamic_gather %mul3A_879[%gather3A_1762] in [0] : vector<16xi32>, vector<16xi32> -> vector<16xi32>
        %broadcast_in_dim3A_1764 = arith.constant 14 : i32
        %broadcast_in_dim3A_1765 = vector.broadcast %broadcast_in_dim3A_1764 : i32 to vector<16xi32>
        %broadcast_in_dim3A_1766 = vector.shape_cast %broadcast_in_dim3A_1765 : vector<16xi32> to vector<16x1xi32>
        %gather3A_1767 = vector.shape_cast %broadcast_in_dim3A_1766 : vector<16x1xi32> to vector<16xi32>
        %gather3A_1768 = tpu.dynamic_gather %mul3A_891[%gather3A_1767] in [0] : vector<16xi32>, vector<16xi32> -> vector<16xi32>
        %add3A_1769 = arith.addi %gather3A_1763, %add3A_260 : vector<16xi32>
        %gather3A_1770 = tpu.vector_load_idx %arg28[%broadcast_in_dim3A_1758, %add3A_1769] : memref<160x128xf32, #tpu.memory_space<vmem>>[vector<16xi32>, vector<16xi32>], vector<16xf32>,
        %add3A_1771 = arith.addi %gather3A_1763, %add3A_263 : vector<16xi32>
        %gather3A_1772 = tpu.vector_load_idx %arg28[%broadcast_in_dim3A_1758, %add3A_1771] : memref<160x128xf32, #tpu.memory_space<vmem>>[vector<16xi32>, vector<16xi32>], vector<16xf32>,
        %add3A_1773 = arith.addi %gather3A_1763, %add3A_266 : vector<16xi32>
        %gather3A_1774 = tpu.vector_load_idx %arg28[%broadcast_in_dim3A_1758, %add3A_1773] : memref<160x128xf32, #tpu.memory_space<vmem>>[vector<16xi32>, vector<16xi32>], vector<16xf32>,
        %add3A_1775 = arith.addi %gather3A_1763, %add3A_269 : vector<16xi32>
        %gather3A_1776 = tpu.vector_load_idx %arg28[%broadcast_in_dim3A_1758, %add3A_1775] : memref<160x128xf32, #tpu.memory_space<vmem>>[vector<16xi32>, vector<16xi32>], vector<16xf32>,
        %add3A_1777 = arith.addi %gather3A_1768, %add3A_260 : vector<16xi32>
        %gather3A_1778 = tpu.vector_load_idx %arg29[%broadcast_in_dim3A_1758, %add3A_1777] : memref<160x128xf32, #tpu.memory_space<vmem>>[vector<16xi32>, vector<16xi32>], vector<16xf32>,
        %add3A_1779 = arith.addi %gather3A_1768, %add3A_263 : vector<16xi32>
        %gather3A_1780 = tpu.vector_load_idx %arg29[%broadcast_in_dim3A_1758, %add3A_1779] : memref<160x128xf32, #tpu.memory_space<vmem>>[vector<16xi32>, vector<16xi32>], vector<16xf32>,
        %add3A_1781 = arith.addi %gather3A_1768, %add3A_266 : vector<16xi32>
        %gather3A_1782 = tpu.vector_load_idx %arg29[%broadcast_in_dim3A_1758, %add3A_1781] : memref<160x128xf32, #tpu.memory_space<vmem>>[vector<16xi32>, vector<16xi32>], vector<16xf32>,
        %add3A_1783 = arith.addi %gather3A_1768, %add3A_269 : vector<16xi32>
        %gather3A_1784 = tpu.vector_load_idx %arg29[%broadcast_in_dim3A_1758, %add3A_1783] : memref<160x128xf32, #tpu.memory_space<vmem>>[vector<16xi32>, vector<16xi32>], vector<16xf32>,
        %mul3A_1785 = arith.mulf %sub3A_827, %gather3A_1770 : vector<16xf32>
        %mul3A_1786 = arith.mulf %sub3A_831, %gather3A_1772 : vector<16xf32>
        %add3A_1787 = arith.addf %mul3A_1785, %mul3A_1786 : vector<16xf32>
        %mul3A_1788 = arith.mulf %sub3A_835, %gather3A_1774 : vector<16xf32>
        %mul3A_1789 = arith.mulf %sub3A_839, %gather3A_1776 : vector<16xf32>
        %add3A_1790 = arith.addf %mul3A_1788, %mul3A_1789 : vector<16xf32>
        %add3A_1791 = arith.addf %add3A_1787, %add3A_1790 : vector<16xf32>
        %mul3A_1792 = arith.mulf %mul3A_842, %gather3A_1778 : vector<16xf32>
        %mul3A_1793 = arith.mulf %mul3A_845, %gather3A_1780 : vector<16xf32>
        %add3A_1794 = arith.addf %mul3A_1792, %mul3A_1793 : vector<16xf32>
        %mul3A_1795 = arith.mulf %mul3A_848, %gather3A_1782 : vector<16xf32>
        %mul3A_1796 = arith.mulf %mul3A_851, %gather3A_1784 : vector<16xf32>
        %add3A_1797 = arith.addf %mul3A_1795, %mul3A_1796 : vector<16xf32>
        %add3A_1798 = arith.addf %add3A_1794, %add3A_1797 : vector<16xf32>
        %get3A_1799 = arith.constant 288 : index
        %get3A_1800 = tpu.vector_load %arg33[%get3A_1799] {strides = array<i32>} : memref<320xf32, #tpu.memory_space<vmem>>, vector<16xf32>,
        %add3A_1801 = arith.addf %add3A_1791, %add3A_1798 : vector<16xf32>
        %mul3A_1802 = arith.mulf %get3A_1800, %add3A_1801 : vector<16xf32>
        %add3A_1803 = arith.addf %add3A_1611, %mul3A_1802 : vector<16xf32>
        %add3A_1804 = arith.constant 19 : i32
        %add3A_1805 = arith.addi %mul3A_800, %add3A_1804 : i32
        %broadcast_in_dim3A_1806 = vector.broadcast %add3A_1805 : i32 to vector<16xi32>
        %broadcast_in_dim3A_1807 = arith.constant 15 : i32
        %broadcast_in_dim3A_1808 = vector.broadcast %broadcast_in_dim3A_1807 : i32 to vector<16xi32>
        %broadcast_in_dim3A_1809 = vector.shape_cast %broadcast_in_dim3A_1808 : vector<16xi32> to vector<16x1xi32>
        %gather3A_1810 = vector.shape_cast %broadcast_in_dim3A_1809 : vector<16x1xi32> to vector<16xi32>
        %gather3A_1811 = tpu.dynamic_gather %mul3A_879[%gather3A_1810] in [0] : vector<16xi32>, vector<16xi32> -> vector<16xi32>
        %broadcast_in_dim3A_1812 = arith.constant 15 : i32
        %broadcast_in_dim3A_1813 = vector.broadcast %broadcast_in_dim3A_1812 : i32 to vector<16xi32>
        %broadcast_in_dim3A_1814 = vector.shape_cast %broadcast_in_dim3A_1813 : vector<16xi32> to vector<16x1xi32>
        %gather3A_1815 = vector.shape_cast %broadcast_in_dim3A_1814 : vector<16x1xi32> to vector<16xi32>
        %gather3A_1816 = tpu.dynamic_gather %mul3A_891[%gather3A_1815] in [0] : vector<16xi32>, vector<16xi32> -> vector<16xi32>
        %add3A_1817 = arith.addi %gather3A_1811, %add3A_260 : vector<16xi32>
        %gather3A_1818 = tpu.vector_load_idx %arg28[%broadcast_in_dim3A_1806, %add3A_1817] : memref<160x128xf32, #tpu.memory_space<vmem>>[vector<16xi32>, vector<16xi32>], vector<16xf32>,
        %add3A_1819 = arith.addi %gather3A_1811, %add3A_263 : vector<16xi32>
        %gather3A_1820 = tpu.vector_load_idx %arg28[%broadcast_in_dim3A_1806, %add3A_1819] : memref<160x128xf32, #tpu.memory_space<vmem>>[vector<16xi32>, vector<16xi32>], vector<16xf32>,
        %add3A_1821 = arith.addi %gather3A_1811, %add3A_266 : vector<16xi32>
        %gather3A_1822 = tpu.vector_load_idx %arg28[%broadcast_in_dim3A_1806, %add3A_1821] : memref<160x128xf32, #tpu.memory_space<vmem>>[vector<16xi32>, vector<16xi32>], vector<16xf32>,
        %add3A_1823 = arith.addi %gather3A_1811, %add3A_269 : vector<16xi32>
        %gather3A_1824 = tpu.vector_load_idx %arg28[%broadcast_in_dim3A_1806, %add3A_1823] : memref<160x128xf32, #tpu.memory_space<vmem>>[vector<16xi32>, vector<16xi32>], vector<16xf32>,
        %add3A_1825 = arith.addi %gather3A_1816, %add3A_260 : vector<16xi32>
        %gather3A_1826 = tpu.vector_load_idx %arg29[%broadcast_in_dim3A_1806, %add3A_1825] : memref<160x128xf32, #tpu.memory_space<vmem>>[vector<16xi32>, vector<16xi32>], vector<16xf32>,
        %add3A_1827 = arith.addi %gather3A_1816, %add3A_263 : vector<16xi32>
        %gather3A_1828 = tpu.vector_load_idx %arg29[%broadcast_in_dim3A_1806, %add3A_1827] : memref<160x128xf32, #tpu.memory_space<vmem>>[vector<16xi32>, vector<16xi32>], vector<16xf32>,
        %add3A_1829 = arith.addi %gather3A_1816, %add3A_266 : vector<16xi32>
        %gather3A_1830 = tpu.vector_load_idx %arg29[%broadcast_in_dim3A_1806, %add3A_1829] : memref<160x128xf32, #tpu.memory_space<vmem>>[vector<16xi32>, vector<16xi32>], vector<16xf32>,
        %add3A_1831 = arith.addi %gather3A_1816, %add3A_269 : vector<16xi32>
        %gather3A_1832 = tpu.vector_load_idx %arg29[%broadcast_in_dim3A_1806, %add3A_1831] : memref<160x128xf32, #tpu.memory_space<vmem>>[vector<16xi32>, vector<16xi32>], vector<16xf32>,
        %mul3A_1833 = arith.mulf %sub3A_827, %gather3A_1818 : vector<16xf32>
        %mul3A_1834 = arith.mulf %sub3A_831, %gather3A_1820 : vector<16xf32>
        %add3A_1835 = arith.addf %mul3A_1833, %mul3A_1834 : vector<16xf32>
        %mul3A_1836 = arith.mulf %sub3A_835, %gather3A_1822 : vector<16xf32>
        %mul3A_1837 = arith.mulf %sub3A_839, %gather3A_1824 : vector<16xf32>
        %add3A_1838 = arith.addf %mul3A_1836, %mul3A_1837 : vector<16xf32>
        %add3A_1839 = arith.addf %add3A_1835, %add3A_1838 : vector<16xf32>
        %mul3A_1840 = arith.mulf %mul3A_842, %gather3A_1826 : vector<16xf32>
        %mul3A_1841 = arith.mulf %mul3A_845, %gather3A_1828 : vector<16xf32>
        %add3A_1842 = arith.addf %mul3A_1840, %mul3A_1841 : vector<16xf32>
        %mul3A_1843 = arith.mulf %mul3A_848, %gather3A_1830 : vector<16xf32>
        %mul3A_1844 = arith.mulf %mul3A_851, %gather3A_1832 : vector<16xf32>
        %add3A_1845 = arith.addf %mul3A_1843, %mul3A_1844 : vector<16xf32>
        %add3A_1846 = arith.addf %add3A_1842, %add3A_1845 : vector<16xf32>
        %get3A_1847 = arith.constant 304 : index
        %get3A_1848 = tpu.vector_load %arg33[%get3A_1847] {strides = array<i32>} : memref<320xf32, #tpu.memory_space<vmem>>, vector<16xf32>,
        %add3A_1849 = arith.addf %add3A_1839, %add3A_1846 : vector<16xf32>
        %mul3A_1850 = arith.mulf %get3A_1848, %add3A_1849 : vector<16xf32>
        %add3A_1851 = arith.addf %add3A_1659, %mul3A_1850 : vector<16xf32>
        scf.yield %add3A_1707, %add3A_1755, %add3A_1803, %add3A_1851 : vector<16xf32>, vector<16xf32>, vector<16xf32>, vector<16xf32>
      }
      %scan3A_788 = arith.constant 8 : i32
      %lt3A_789 = arith.constant 31 : i32
      %lt3A_790 = arith.cmpi slt, %scan3A_677, %lt3A_789 : i32
      %convert_element_type3A_791 = arith.extui %lt3A_790 : i1 to i32
      %cond3A_792 = arith.constant 0 : i32
      %cond3A_793 = arith.cmpi ne, %convert_element_type3A_791, %cond3A_792 : i32
      scf.if %cond3A_793 {
        %add3A_794 = arith.constant 3 : i32
        %add3A_795 = arith.addi %mul3A_683, %add3A_794 : i32
        %mul3A_796 = arith.constant 160 : i32
        %mul3A_797 = arith.muli %add3A_795, %mul3A_796 : i32
        %mul3A_798 = arith.constant 8 : i32
        %mul3A_799 = arith.muli %add3A_795, %mul3A_798 : i32
        %add3A_800 = arith.constant 0 : i32
        %add3A_801 = arith.addi %mul3A_797, %add3A_800 : i32
        %get3A_802 = arith.index_cast %add3A_801 : i32 to index
        %get3A_803 = tpu.vector_load %arg12[%get3A_802] {strides = array<i32>} : memref<10240xi32, #tpu.memory_space<vmem>>, vector<16xi32>,
        %shift_right_arithmetic3A_804 = arith.constant 1 : i32
        %shift_right_arithmetic3A_805 = vector.broadcast %shift_right_arithmetic3A_804 : i32 to vector<16xi32>
        %shift_right_arithmetic3A_806 = arith.shrsi %get3A_803, %shift_right_arithmetic3A_805 : vector<16xi32>
        %swap3A_807 = arith.constant 0 : index
        %swap3A_808 = tpu.vector_load %arg20[%swap3A_807] {strides = array<i32>} : memref<160xi32, #tpu.memory_space<vmem>>, vector<16xi32>,
        tpu.vector_store %arg20[%swap3A_807], %shift_right_arithmetic3A_806 {strides = array<i32>} : memref<160xi32, #tpu.memory_space<vmem>>, vector<16xi32>,
        %add3A_809 = arith.constant 0 : i32
        %add3A_810 = arith.addi %mul3A_797, %add3A_809 : i32
        %get3A_811 = arith.index_cast %add3A_810 : i32 to index
        %get3A_812 = tpu.vector_load %arg13[%get3A_811] {strides = array<i32>} : memref<10240xi32, #tpu.memory_space<vmem>>, vector<16xi32>,
        %shift_right_arithmetic3A_813 = arith.constant 1 : i32
        %shift_right_arithmetic3A_814 = vector.broadcast %shift_right_arithmetic3A_813 : i32 to vector<16xi32>
        %shift_right_arithmetic3A_815 = arith.shrsi %get3A_812, %shift_right_arithmetic3A_814 : vector<16xi32>
        %swap3A_816 = arith.constant 0 : index
        %swap3A_817 = tpu.vector_load %arg21[%swap3A_816] {strides = array<i32>} : memref<160xi32, #tpu.memory_space<vmem>>, vector<16xi32>,
        tpu.vector_store %arg21[%swap3A_816], %shift_right_arithmetic3A_815 {strides = array<i32>} : memref<160xi32, #tpu.memory_space<vmem>>, vector<16xi32>,
        %add3A_818 = arith.constant 16 : i32
        %add3A_819 = arith.addi %mul3A_797, %add3A_818 : i32
        %get3A_820 = arith.index_cast %add3A_819 : i32 to index
        %get3A_821 = tpu.vector_load %arg12[%get3A_820] {strides = array<i32>} : memref<10240xi32, #tpu.memory_space<vmem>>, vector<16xi32>,
        %shift_right_arithmetic3A_822 = arith.constant 1 : i32
        %shift_right_arithmetic3A_823 = vector.broadcast %shift_right_arithmetic3A_822 : i32 to vector<16xi32>
        %shift_right_arithmetic3A_824 = arith.shrsi %get3A_821, %shift_right_arithmetic3A_823 : vector<16xi32>
        %swap3A_825 = arith.constant 16 : index
        %swap3A_826 = tpu.vector_load %arg20[%swap3A_825] {strides = array<i32>} : memref<160xi32, #tpu.memory_space<vmem>>, vector<16xi32>,
        tpu.vector_store %arg20[%swap3A_825], %shift_right_arithmetic3A_824 {strides = array<i32>} : memref<160xi32, #tpu.memory_space<vmem>>, vector<16xi32>,
        %add3A_827 = arith.constant 16 : i32
        %add3A_828 = arith.addi %mul3A_797, %add3A_827 : i32
        %get3A_829 = arith.index_cast %add3A_828 : i32 to index
        %get3A_830 = tpu.vector_load %arg13[%get3A_829] {strides = array<i32>} : memref<10240xi32, #tpu.memory_space<vmem>>, vector<16xi32>,
        %shift_right_arithmetic3A_831 = arith.constant 1 : i32
        %shift_right_arithmetic3A_832 = vector.broadcast %shift_right_arithmetic3A_831 : i32 to vector<16xi32>
        %shift_right_arithmetic3A_833 = arith.shrsi %get3A_830, %shift_right_arithmetic3A_832 : vector<16xi32>
        %swap3A_834 = arith.constant 16 : index
        %swap3A_835 = tpu.vector_load %arg21[%swap3A_834] {strides = array<i32>} : memref<160xi32, #tpu.memory_space<vmem>>, vector<16xi32>,
        tpu.vector_store %arg21[%swap3A_834], %shift_right_arithmetic3A_833 {strides = array<i32>} : memref<160xi32, #tpu.memory_space<vmem>>, vector<16xi32>,
        %add3A_836 = arith.constant 32 : i32
        %add3A_837 = arith.addi %mul3A_797, %add3A_836 : i32
        %get3A_838 = arith.index_cast %add3A_837 : i32 to index
        %get3A_839 = tpu.vector_load %arg12[%get3A_838] {strides = array<i32>} : memref<10240xi32, #tpu.memory_space<vmem>>, vector<16xi32>,
        %shift_right_arithmetic3A_840 = arith.constant 1 : i32
        %shift_right_arithmetic3A_841 = vector.broadcast %shift_right_arithmetic3A_840 : i32 to vector<16xi32>
        %shift_right_arithmetic3A_842 = arith.shrsi %get3A_839, %shift_right_arithmetic3A_841 : vector<16xi32>
        %swap3A_843 = arith.constant 32 : index
        %swap3A_844 = tpu.vector_load %arg20[%swap3A_843] {strides = array<i32>} : memref<160xi32, #tpu.memory_space<vmem>>, vector<16xi32>,
        tpu.vector_store %arg20[%swap3A_843], %shift_right_arithmetic3A_842 {strides = array<i32>} : memref<160xi32, #tpu.memory_space<vmem>>, vector<16xi32>,
        %add3A_845 = arith.constant 32 : i32
        %add3A_846 = arith.addi %mul3A_797, %add3A_845 : i32
        %get3A_847 = arith.index_cast %add3A_846 : i32 to index
        %get3A_848 = tpu.vector_load %arg13[%get3A_847] {strides = array<i32>} : memref<10240xi32, #tpu.memory_space<vmem>>, vector<16xi32>,
        %shift_right_arithmetic3A_849 = arith.constant 1 : i32
        %shift_right_arithmetic3A_850 = vector.broadcast %shift_right_arithmetic3A_849 : i32 to vector<16xi32>
        %shift_right_arithmetic3A_851 = arith.shrsi %get3A_848, %shift_right_arithmetic3A_850 : vector<16xi32>
        %swap3A_852 = arith.constant 32 : index
        %swap3A_853 = tpu.vector_load %arg21[%swap3A_852] {strides = array<i32>} : memref<160xi32, #tpu.memory_space<vmem>>, vector<16xi32>,
        tpu.vector_store %arg21[%swap3A_852], %shift_right_arithmetic3A_851 {strides = array<i32>} : memref<160xi32, #tpu.memory_space<vmem>>, vector<16xi32>,
        %add3A_854 = arith.constant 48 : i32
        %add3A_855 = arith.addi %mul3A_797, %add3A_854 : i32
        %get3A_856 = arith.index_cast %add3A_855 : i32 to index
        %get3A_857 = tpu.vector_load %arg12[%get3A_856] {strides = array<i32>} : memref<10240xi32, #tpu.memory_space<vmem>>, vector<16xi32>,
        %shift_right_arithmetic3A_858 = arith.constant 1 : i32
        %shift_right_arithmetic3A_859 = vector.broadcast %shift_right_arithmetic3A_858 : i32 to vector<16xi32>
        %shift_right_arithmetic3A_860 = arith.shrsi %get3A_857, %shift_right_arithmetic3A_859 : vector<16xi32>
        %swap3A_861 = arith.constant 48 : index
        %swap3A_862 = tpu.vector_load %arg20[%swap3A_861] {strides = array<i32>} : memref<160xi32, #tpu.memory_space<vmem>>, vector<16xi32>,
        tpu.vector_store %arg20[%swap3A_861], %shift_right_arithmetic3A_860 {strides = array<i32>} : memref<160xi32, #tpu.memory_space<vmem>>, vector<16xi32>,
        %add3A_863 = arith.constant 48 : i32
        %add3A_864 = arith.addi %mul3A_797, %add3A_863 : i32
        %get3A_865 = arith.index_cast %add3A_864 : i32 to index
        %get3A_866 = tpu.vector_load %arg13[%get3A_865] {strides = array<i32>} : memref<10240xi32, #tpu.memory_space<vmem>>, vector<16xi32>,
        %shift_right_arithmetic3A_867 = arith.constant 1 : i32
        %shift_right_arithmetic3A_868 = vector.broadcast %shift_right_arithmetic3A_867 : i32 to vector<16xi32>
        %shift_right_arithmetic3A_869 = arith.shrsi %get3A_866, %shift_right_arithmetic3A_868 : vector<16xi32>
        %swap3A_870 = arith.constant 48 : index
        %swap3A_871 = tpu.vector_load %arg21[%swap3A_870] {strides = array<i32>} : memref<160xi32, #tpu.memory_space<vmem>>, vector<16xi32>,
        tpu.vector_store %arg21[%swap3A_870], %shift_right_arithmetic3A_869 {strides = array<i32>} : memref<160xi32, #tpu.memory_space<vmem>>, vector<16xi32>,
        %add3A_872 = arith.constant 64 : i32
        %add3A_873 = arith.addi %mul3A_797, %add3A_872 : i32
        %get3A_874 = arith.index_cast %add3A_873 : i32 to index
        %get3A_875 = tpu.vector_load %arg12[%get3A_874] {strides = array<i32>} : memref<10240xi32, #tpu.memory_space<vmem>>, vector<16xi32>,
        %shift_right_arithmetic3A_876 = arith.constant 1 : i32
        %shift_right_arithmetic3A_877 = vector.broadcast %shift_right_arithmetic3A_876 : i32 to vector<16xi32>
        %shift_right_arithmetic3A_878 = arith.shrsi %get3A_875, %shift_right_arithmetic3A_877 : vector<16xi32>
        %swap3A_879 = arith.constant 64 : index
        %swap3A_880 = tpu.vector_load %arg20[%swap3A_879] {strides = array<i32>} : memref<160xi32, #tpu.memory_space<vmem>>, vector<16xi32>,
        tpu.vector_store %arg20[%swap3A_879], %shift_right_arithmetic3A_878 {strides = array<i32>} : memref<160xi32, #tpu.memory_space<vmem>>, vector<16xi32>,
        %add3A_881 = arith.constant 64 : i32
        %add3A_882 = arith.addi %mul3A_797, %add3A_881 : i32
        %get3A_883 = arith.index_cast %add3A_882 : i32 to index
        %get3A_884 = tpu.vector_load %arg13[%get3A_883] {strides = array<i32>} : memref<10240xi32, #tpu.memory_space<vmem>>, vector<16xi32>,
        %shift_right_arithmetic3A_885 = arith.constant 1 : i32
        %shift_right_arithmetic3A_886 = vector.broadcast %shift_right_arithmetic3A_885 : i32 to vector<16xi32>
        %shift_right_arithmetic3A_887 = arith.shrsi %get3A_884, %shift_right_arithmetic3A_886 : vector<16xi32>
        %swap3A_888 = arith.constant 64 : index
        %swap3A_889 = tpu.vector_load %arg21[%swap3A_888] {strides = array<i32>} : memref<160xi32, #tpu.memory_space<vmem>>, vector<16xi32>,
        tpu.vector_store %arg21[%swap3A_888], %shift_right_arithmetic3A_887 {strides = array<i32>} : memref<160xi32, #tpu.memory_space<vmem>>, vector<16xi32>,
        %add3A_890 = arith.constant 80 : i32
        %add3A_891 = arith.addi %mul3A_797, %add3A_890 : i32
        %get3A_892 = arith.index_cast %add3A_891 : i32 to index
        %get3A_893 = tpu.vector_load %arg12[%get3A_892] {strides = array<i32>} : memref<10240xi32, #tpu.memory_space<vmem>>, vector<16xi32>,
        %shift_right_arithmetic3A_894 = arith.constant 1 : i32
        %shift_right_arithmetic3A_895 = vector.broadcast %shift_right_arithmetic3A_894 : i32 to vector<16xi32>
        %shift_right_arithmetic3A_896 = arith.shrsi %get3A_893, %shift_right_arithmetic3A_895 : vector<16xi32>
        %swap3A_897 = arith.constant 80 : index
        %swap3A_898 = tpu.vector_load %arg20[%swap3A_897] {strides = array<i32>} : memref<160xi32, #tpu.memory_space<vmem>>, vector<16xi32>,
        tpu.vector_store %arg20[%swap3A_897], %shift_right_arithmetic3A_896 {strides = array<i32>} : memref<160xi32, #tpu.memory_space<vmem>>, vector<16xi32>,
        %add3A_899 = arith.constant 80 : i32
        %add3A_900 = arith.addi %mul3A_797, %add3A_899 : i32
        %get3A_901 = arith.index_cast %add3A_900 : i32 to index
        %get3A_902 = tpu.vector_load %arg13[%get3A_901] {strides = array<i32>} : memref<10240xi32, #tpu.memory_space<vmem>>, vector<16xi32>,
        %shift_right_arithmetic3A_903 = arith.constant 1 : i32
        %shift_right_arithmetic3A_904 = vector.broadcast %shift_right_arithmetic3A_903 : i32 to vector<16xi32>
        %shift_right_arithmetic3A_905 = arith.shrsi %get3A_902, %shift_right_arithmetic3A_904 : vector<16xi32>
        %swap3A_906 = arith.constant 80 : index
        %swap3A_907 = tpu.vector_load %arg21[%swap3A_906] {strides = array<i32>} : memref<160xi32, #tpu.memory_space<vmem>>, vector<16xi32>,
        tpu.vector_store %arg21[%swap3A_906], %shift_right_arithmetic3A_905 {strides = array<i32>} : memref<160xi32, #tpu.memory_space<vmem>>, vector<16xi32>,
        %add3A_908 = arith.constant 96 : i32
        %add3A_909 = arith.addi %mul3A_797, %add3A_908 : i32
        %get3A_910 = arith.index_cast %add3A_909 : i32 to index
        %get3A_911 = tpu.vector_load %arg12[%get3A_910] {strides = array<i32>} : memref<10240xi32, #tpu.memory_space<vmem>>, vector<16xi32>,
        %shift_right_arithmetic3A_912 = arith.constant 1 : i32
        %shift_right_arithmetic3A_913 = vector.broadcast %shift_right_arithmetic3A_912 : i32 to vector<16xi32>
        %shift_right_arithmetic3A_914 = arith.shrsi %get3A_911, %shift_right_arithmetic3A_913 : vector<16xi32>
        %swap3A_915 = arith.constant 96 : index
        %swap3A_916 = tpu.vector_load %arg20[%swap3A_915] {strides = array<i32>} : memref<160xi32, #tpu.memory_space<vmem>>, vector<16xi32>,
        tpu.vector_store %arg20[%swap3A_915], %shift_right_arithmetic3A_914 {strides = array<i32>} : memref<160xi32, #tpu.memory_space<vmem>>, vector<16xi32>,
        %add3A_917 = arith.constant 96 : i32
        %add3A_918 = arith.addi %mul3A_797, %add3A_917 : i32
        %get3A_919 = arith.index_cast %add3A_918 : i32 to index
        %get3A_920 = tpu.vector_load %arg13[%get3A_919] {strides = array<i32>} : memref<10240xi32, #tpu.memory_space<vmem>>, vector<16xi32>,
        %shift_right_arithmetic3A_921 = arith.constant 1 : i32
        %shift_right_arithmetic3A_922 = vector.broadcast %shift_right_arithmetic3A_921 : i32 to vector<16xi32>
        %shift_right_arithmetic3A_923 = arith.shrsi %get3A_920, %shift_right_arithmetic3A_922 : vector<16xi32>
        %swap3A_924 = arith.constant 96 : index
        %swap3A_925 = tpu.vector_load %arg21[%swap3A_924] {strides = array<i32>} : memref<160xi32, #tpu.memory_space<vmem>>, vector<16xi32>,
        tpu.vector_store %arg21[%swap3A_924], %shift_right_arithmetic3A_923 {strides = array<i32>} : memref<160xi32, #tpu.memory_space<vmem>>, vector<16xi32>,
        %add3A_926 = arith.constant 112 : i32
        %add3A_927 = arith.addi %mul3A_797, %add3A_926 : i32
        %get3A_928 = arith.index_cast %add3A_927 : i32 to index
        %get3A_929 = tpu.vector_load %arg12[%get3A_928] {strides = array<i32>} : memref<10240xi32, #tpu.memory_space<vmem>>, vector<16xi32>,
        %shift_right_arithmetic3A_930 = arith.constant 1 : i32
        %shift_right_arithmetic3A_931 = vector.broadcast %shift_right_arithmetic3A_930 : i32 to vector<16xi32>
        %shift_right_arithmetic3A_932 = arith.shrsi %get3A_929, %shift_right_arithmetic3A_931 : vector<16xi32>
        %swap3A_933 = arith.constant 112 : index
        %swap3A_934 = tpu.vector_load %arg20[%swap3A_933] {strides = array<i32>} : memref<160xi32, #tpu.memory_space<vmem>>, vector<16xi32>,
        tpu.vector_store %arg20[%swap3A_933], %shift_right_arithmetic3A_932 {strides = array<i32>} : memref<160xi32, #tpu.memory_space<vmem>>, vector<16xi32>,
        %add3A_935 = arith.constant 112 : i32
        %add3A_936 = arith.addi %mul3A_797, %add3A_935 : i32
        %get3A_937 = arith.index_cast %add3A_936 : i32 to index
        %get3A_938 = tpu.vector_load %arg13[%get3A_937] {strides = array<i32>} : memref<10240xi32, #tpu.memory_space<vmem>>, vector<16xi32>,
        %shift_right_arithmetic3A_939 = arith.constant 1 : i32
        %shift_right_arithmetic3A_940 = vector.broadcast %shift_right_arithmetic3A_939 : i32 to vector<16xi32>
        %shift_right_arithmetic3A_941 = arith.shrsi %get3A_938, %shift_right_arithmetic3A_940 : vector<16xi32>
        %swap3A_942 = arith.constant 112 : index
        %swap3A_943 = tpu.vector_load %arg21[%swap3A_942] {strides = array<i32>} : memref<160xi32, #tpu.memory_space<vmem>>, vector<16xi32>,
        tpu.vector_store %arg21[%swap3A_942], %shift_right_arithmetic3A_941 {strides = array<i32>} : memref<160xi32, #tpu.memory_space<vmem>>, vector<16xi32>,
        %add3A_944 = arith.constant 128 : i32
        %add3A_945 = arith.addi %mul3A_797, %add3A_944 : i32
        %get3A_946 = arith.index_cast %add3A_945 : i32 to index
        %get3A_947 = tpu.vector_load %arg12[%get3A_946] {strides = array<i32>} : memref<10240xi32, #tpu.memory_space<vmem>>, vector<16xi32>,
        %shift_right_arithmetic3A_948 = arith.constant 1 : i32
        %shift_right_arithmetic3A_949 = vector.broadcast %shift_right_arithmetic3A_948 : i32 to vector<16xi32>
        %shift_right_arithmetic3A_950 = arith.shrsi %get3A_947, %shift_right_arithmetic3A_949 : vector<16xi32>
        %swap3A_951 = arith.constant 128 : index
        %swap3A_952 = tpu.vector_load %arg20[%swap3A_951] {strides = array<i32>} : memref<160xi32, #tpu.memory_space<vmem>>, vector<16xi32>,
        tpu.vector_store %arg20[%swap3A_951], %shift_right_arithmetic3A_950 {strides = array<i32>} : memref<160xi32, #tpu.memory_space<vmem>>, vector<16xi32>,
        %add3A_953 = arith.constant 128 : i32
        %add3A_954 = arith.addi %mul3A_797, %add3A_953 : i32
        %get3A_955 = arith.index_cast %add3A_954 : i32 to index
        %get3A_956 = tpu.vector_load %arg13[%get3A_955] {strides = array<i32>} : memref<10240xi32, #tpu.memory_space<vmem>>, vector<16xi32>,
        %shift_right_arithmetic3A_957 = arith.constant 1 : i32
        %shift_right_arithmetic3A_958 = vector.broadcast %shift_right_arithmetic3A_957 : i32 to vector<16xi32>
        %shift_right_arithmetic3A_959 = arith.shrsi %get3A_956, %shift_right_arithmetic3A_958 : vector<16xi32>
        %swap3A_960 = arith.constant 128 : index
        %swap3A_961 = tpu.vector_load %arg21[%swap3A_960] {strides = array<i32>} : memref<160xi32, #tpu.memory_space<vmem>>, vector<16xi32>,
        tpu.vector_store %arg21[%swap3A_960], %shift_right_arithmetic3A_959 {strides = array<i32>} : memref<160xi32, #tpu.memory_space<vmem>>, vector<16xi32>,
        %add3A_962 = arith.constant 144 : i32
        %add3A_963 = arith.addi %mul3A_797, %add3A_962 : i32
        %get3A_964 = arith.index_cast %add3A_963 : i32 to index
        %get3A_965 = tpu.vector_load %arg12[%get3A_964] {strides = array<i32>} : memref<10240xi32, #tpu.memory_space<vmem>>, vector<16xi32>,
        %shift_right_arithmetic3A_966 = arith.constant 1 : i32
        %shift_right_arithmetic3A_967 = vector.broadcast %shift_right_arithmetic3A_966 : i32 to vector<16xi32>
        %shift_right_arithmetic3A_968 = arith.shrsi %get3A_965, %shift_right_arithmetic3A_967 : vector<16xi32>
        %swap3A_969 = arith.constant 144 : index
        %swap3A_970 = tpu.vector_load %arg20[%swap3A_969] {strides = array<i32>} : memref<160xi32, #tpu.memory_space<vmem>>, vector<16xi32>,
        tpu.vector_store %arg20[%swap3A_969], %shift_right_arithmetic3A_968 {strides = array<i32>} : memref<160xi32, #tpu.memory_space<vmem>>, vector<16xi32>,
        %add3A_971 = arith.constant 144 : i32
        %add3A_972 = arith.addi %mul3A_797, %add3A_971 : i32
        %get3A_973 = arith.index_cast %add3A_972 : i32 to index
        %get3A_974 = tpu.vector_load %arg13[%get3A_973] {strides = array<i32>} : memref<10240xi32, #tpu.memory_space<vmem>>, vector<16xi32>,
        %shift_right_arithmetic3A_975 = arith.constant 1 : i32
        %shift_right_arithmetic3A_976 = vector.broadcast %shift_right_arithmetic3A_975 : i32 to vector<16xi32>
        %shift_right_arithmetic3A_977 = arith.shrsi %get3A_974, %shift_right_arithmetic3A_976 : vector<16xi32>
        %swap3A_978 = arith.constant 144 : index
        %swap3A_979 = tpu.vector_load %arg21[%swap3A_978] {strides = array<i32>} : memref<160xi32, #tpu.memory_space<vmem>>, vector<16xi32>,
        tpu.vector_store %arg21[%swap3A_978], %shift_right_arithmetic3A_977 {strides = array<i32>} : memref<160xi32, #tpu.memory_space<vmem>>, vector<16xi32>,
        %get3A_980 = arith.index_cast %mul3A_799 : i32 to index
        %get3A_981 = tpu.vector_load %arg10[%get3A_980] {strides = array<i32>} : memref<528xi32, #tpu.memory_space<vmem>>, vector<16xi32>,
        %shift_right_arithmetic3A_982 = arith.constant 1 : i32
        %shift_right_arithmetic3A_983 = vector.broadcast %shift_right_arithmetic3A_982 : i32 to vector<16xi32>
        %shift_right_arithmetic3A_984 = arith.shrsi %get3A_981, %shift_right_arithmetic3A_983 : vector<16xi32>
        %get3A_985 = arith.index_cast %mul3A_799 : i32 to index
        %get3A_986 = tpu.vector_load %arg11[%get3A_985] {strides = array<i32>} : memref<528xi32, #tpu.memory_space<vmem>>, vector<16xi32>,
        %shift_right_arithmetic3A_987 = arith.constant 1 : i32
        %shift_right_arithmetic3A_988 = vector.broadcast %shift_right_arithmetic3A_987 : i32 to vector<16xi32>
        %shift_right_arithmetic3A_989 = arith.shrsi %get3A_986, %shift_right_arithmetic3A_988 : vector<16xi32>
        %swap3A_990 = arith.constant 0 : index
        %swap3A_991 = tpu.vector_load %arg18[%swap3A_990] {strides = array<i32>} : memref<16xi32, #tpu.memory_space<vmem>>, vector<16xi32>,
        tpu.vector_store %arg18[%swap3A_990], %shift_right_arithmetic3A_984 {strides = array<i32>} : memref<16xi32, #tpu.memory_space<vmem>>, vector<16xi32>,
        %swap3A_992 = arith.constant 0 : index
        %swap3A_993 = tpu.vector_load %arg19[%swap3A_992] {strides = array<i32>} : memref<16xi32, #tpu.memory_space<vmem>>, vector<16xi32>,
        tpu.vector_store %arg19[%swap3A_992], %shift_right_arithmetic3A_989 {strides = array<i32>} : memref<16xi32, #tpu.memory_space<vmem>>, vector<16xi32>,
        %dma_start3A_994 = arith.constant 0 : i32
        %dma_start3A_995 = arith.constant 0 : i32
        %dma_start3A_996 = tpu.memref_slice %arg28[%dma_start3A_994, %dma_start3A_995] : memref<160x128xf32, #tpu.memory_space<vmem>> -> memref<128x128xf32, #tpu.memory_space<vmem>>
        %dma_start3A_997 = arith.constant 0 : i32
        %dma_start3A_998 = tpu.memref_slice %arg20[%dma_start3A_997] : memref<160xi32, #tpu.memory_space<vmem>> -> memref<128xi32, #tpu.memory_space<vmem>>
        %dma_start3A_999 = arith.constant 0 : i32
        %dma_start3A_1000 = arith.constant 0 : i32
        %dma_start3A_1001 = tpu.memref_slice %arg6[%dma_start3A_999, %dma_start3A_1000] : memref<500000x128xf32, #tpu.memory_space<hbm>> -> memref<500000x128xf32, #tpu.memory_space<hbm>>
        tpu.enqueue_indirect_dma source(%dma_start3A_1001 : memref<500000x128xf32, #tpu.memory_space<hbm>>) target(%dma_start3A_996 : memref<128x128xf32, #tpu.memory_space<vmem>>) offsets(%dma_start3A_998 : memref<128xi32, #tpu.memory_space<vmem>>) semaphore(%arg35 : memref<!tpu.dma_semaphore, #tpu.memory_space<semaphore_mem>>)
        %dma_start3A_1002 = arith.constant 0 : i32
        %dma_start3A_1003 = arith.constant 0 : i32
        %dma_start3A_1004 = tpu.memref_slice %arg29[%dma_start3A_1002, %dma_start3A_1003] : memref<160x128xf32, #tpu.memory_space<vmem>> -> memref<128x128xf32, #tpu.memory_space<vmem>>
        %dma_start3A_1005 = arith.constant 0 : i32
        %dma_start3A_1006 = tpu.memref_slice %arg21[%dma_start3A_1005] : memref<160xi32, #tpu.memory_space<vmem>> -> memref<128xi32, #tpu.memory_space<vmem>>
        %dma_start3A_1007 = arith.constant 0 : i32
        %dma_start3A_1008 = arith.constant 0 : i32
        %dma_start3A_1009 = tpu.memref_slice %arg6[%dma_start3A_1007, %dma_start3A_1008] : memref<500000x128xf32, #tpu.memory_space<hbm>> -> memref<500000x128xf32, #tpu.memory_space<hbm>>
        tpu.enqueue_indirect_dma source(%dma_start3A_1009 : memref<500000x128xf32, #tpu.memory_space<hbm>>) target(%dma_start3A_1004 : memref<128x128xf32, #tpu.memory_space<vmem>>) offsets(%dma_start3A_1006 : memref<128xi32, #tpu.memory_space<vmem>>) semaphore(%arg35 : memref<!tpu.dma_semaphore, #tpu.memory_space<semaphore_mem>>)
        %dma_start3A_1010 = arith.constant 128 : i32
        %dma_start3A_1011 = arith.constant 0 : i32
        %dma_start3A_1012 = tpu.memref_slice %arg28[%dma_start3A_1010, %dma_start3A_1011] : memref<160x128xf32, #tpu.memory_space<vmem>> -> memref<32x128xf32, #tpu.memory_space<vmem>>
        %dma_start3A_1013 = arith.constant 128 : i32
        %dma_start3A_1014 = tpu.memref_slice %arg20[%dma_start3A_1013] : memref<160xi32, #tpu.memory_space<vmem>> -> memref<32xi32, #tpu.memory_space<vmem>>
        %dma_start3A_1015 = arith.constant 0 : i32
        %dma_start3A_1016 = arith.constant 0 : i32
        %dma_start3A_1017 = tpu.memref_slice %arg6[%dma_start3A_1015, %dma_start3A_1016] : memref<500000x128xf32, #tpu.memory_space<hbm>> -> memref<500000x128xf32, #tpu.memory_space<hbm>>
        tpu.enqueue_indirect_dma source(%dma_start3A_1017 : memref<500000x128xf32, #tpu.memory_space<hbm>>) target(%dma_start3A_1012 : memref<32x128xf32, #tpu.memory_space<vmem>>) offsets(%dma_start3A_1014 : memref<32xi32, #tpu.memory_space<vmem>>) semaphore(%arg35 : memref<!tpu.dma_semaphore, #tpu.memory_space<semaphore_mem>>)
        %dma_start3A_1018 = arith.constant 128 : i32
        %dma_start3A_1019 = arith.constant 0 : i32
        %dma_start3A_1020 = tpu.memref_slice %arg29[%dma_start3A_1018, %dma_start3A_1019] : memref<160x128xf32, #tpu.memory_space<vmem>> -> memref<32x128xf32, #tpu.memory_space<vmem>>
        %dma_start3A_1021 = arith.constant 128 : i32
        %dma_start3A_1022 = tpu.memref_slice %arg21[%dma_start3A_1021] : memref<160xi32, #tpu.memory_space<vmem>> -> memref<32xi32, #tpu.memory_space<vmem>>
        %dma_start3A_1023 = arith.constant 0 : i32
        %dma_start3A_1024 = arith.constant 0 : i32
        %dma_start3A_1025 = tpu.memref_slice %arg6[%dma_start3A_1023, %dma_start3A_1024] : memref<500000x128xf32, #tpu.memory_space<hbm>> -> memref<500000x128xf32, #tpu.memory_space<hbm>>
        tpu.enqueue_indirect_dma source(%dma_start3A_1025 : memref<500000x128xf32, #tpu.memory_space<hbm>>) target(%dma_start3A_1020 : memref<32x128xf32, #tpu.memory_space<vmem>>) offsets(%dma_start3A_1022 : memref<32xi32, #tpu.memory_space<vmem>>) semaphore(%arg35 : memref<!tpu.dma_semaphore, #tpu.memory_space<semaphore_mem>>)
        %dma_start3A_1026 = arith.constant 0 : i32
        %dma_start3A_1027 = tpu.memref_slice %arg18[%dma_start3A_1026] : memref<16xi32, #tpu.memory_space<vmem>> -> memref<8xi32, #tpu.memory_space<vmem>>
        %dma_start3A_1028 = arith.constant 0 : i32
        %dma_start3A_1029 = arith.constant 0 : i32
        %dma_start3A_1030 = tpu.memref_slice %arg6[%dma_start3A_1028, %dma_start3A_1029] : memref<500000x128xf32, #tpu.memory_space<hbm>> -> memref<500000x128xf32, #tpu.memory_space<hbm>>
        tpu.enqueue_indirect_dma source(%dma_start3A_1030 : memref<500000x128xf32, #tpu.memory_space<hbm>>) target(%arg26 : memref<8x128xf32, #tpu.memory_space<vmem>>) offsets(%dma_start3A_1027 : memref<8xi32, #tpu.memory_space<vmem>>) semaphore(%arg35 : memref<!tpu.dma_semaphore, #tpu.memory_space<semaphore_mem>>)
        %dma_start3A_1031 = arith.constant 0 : i32
        %dma_start3A_1032 = tpu.memref_slice %arg19[%dma_start3A_1031] : memref<16xi32, #tpu.memory_space<vmem>> -> memref<8xi32, #tpu.memory_space<vmem>>
        %dma_start3A_1033 = arith.constant 0 : i32
        %dma_start3A_1034 = arith.constant 0 : i32
        %dma_start3A_1035 = tpu.memref_slice %arg6[%dma_start3A_1033, %dma_start3A_1034] : memref<500000x128xf32, #tpu.memory_space<hbm>> -> memref<500000x128xf32, #tpu.memory_space<hbm>>
        tpu.enqueue_indirect_dma source(%dma_start3A_1035 : memref<500000x128xf32, #tpu.memory_space<hbm>>) target(%arg27 : memref<8x128xf32, #tpu.memory_space<vmem>>) offsets(%dma_start3A_1032 : memref<8xi32, #tpu.memory_space<vmem>>) semaphore(%arg35 : memref<!tpu.dma_semaphore, #tpu.memory_space<semaphore_mem>>)
      } else {
      }
      scf.yield %scan3A_787#0, %scan3A_787#1, %scan3A_787#2, %scan3A_787#3 : vector<16xf32>, vector<16xf32>, vector<16xf32>, vector<16xf32>
    }
    %scan3A_666 = arith.constant 32 : i32
    %add3A_667 = arith.addf %scan3A_665#0, %scan3A_665#1 : vector<16xf32>
    %add3A_668 = arith.addf %scan3A_665#2, %scan3A_665#3 : vector<16xf32>
    %add3A_669 = arith.addf %add3A_667, %add3A_668 : vector<16xf32>
    %swap3A_670 = arith.constant 0 : index
    %swap3A_671 = tpu.vector_load %arg32[%swap3A_670] {strides = array<i32>} : memref<16xf32, #tpu.memory_space<vmem>>, vector<16xf32>,
    tpu.vector_store %arg32[%swap3A_670], %add3A_669 {strides = array<i32>} : memref<16xf32, #tpu.memory_space<vmem>>, vector<16xf32>,
    %eq3A = arith.constant 0 : i32
    %eq3A_672 = arith.cmpi eq, %add3A, %eq3A : i32
    %convert_element_type3A = arith.extui %eq3A_672 : i1 to i32
    %cond3A = arith.constant 0 : i32
    %cond3A_673 = arith.cmpi ne, %convert_element_type3A, %cond3A : i32
    scf.if %cond3A_673 {
      "tpu.region"() ({
        %run_scoped3A = tpu.sem_alloc : memref<!tpu.dma_semaphore, #tpu.memory_space<semaphore_mem>>
        tpu.enqueue_dma source(%arg8 : memref<4096xf32, #tpu.memory_space<hbm>>) target(%arg31 : memref<4096xf32, #tpu.memory_space<vmem>>) target_semaphore(%run_scoped3A : memref<!tpu.dma_semaphore, #tpu.memory_space<semaphore_mem>>)
        tpu.wait_dma2 semaphore(%run_scoped3A : memref<!tpu.dma_semaphore, #tpu.memory_space<semaphore_mem>>) src(%arg8 : memref<4096xf32, #tpu.memory_space<hbm>>) dst(%arg31 : memref<4096xf32, #tpu.memory_space<vmem>>)
        tpu.yield
      }) : () -> ()
      %broadcast_in_dim3A_677 = arith.constant 0.000000e+00 : f32
      %broadcast_in_dim3A_678 = vector.broadcast %broadcast_in_dim3A_677 : f32 to vector<16xf32>
      %scan3A_679 = arith.constant 0 : i32
      %scan3A_680 = arith.constant 256 : i32
      %scan3A_681 = arith.addi %scan3A_679, %scan3A_680 : i32
      %scan3A_682 = arith.constant 1 : i32
      %scan3A_683 = scf.for %scan3A_693 = %scan3A_679 to %scan3A_681 step %scan3A_682 iter_args(%scan3A_694 = %broadcast_in_dim3A_678) -> (vector<16xf32>)  : i32 {
        %mul3A_695 = arith.constant 16 : i32
        %mul3A_696 = arith.muli %scan3A_693, %mul3A_695 : i32
        %multiple_of3A_697 = tpu.assume_multiple %mul3A_696, 16 : i32
        %get3A_698 = arith.index_cast %multiple_of3A_697 : i32 to index
        %get3A_699 = tpu.vector_load %arg31[%get3A_698] {strides = array<i32>} : memref<4096xf32, #tpu.memory_space<vmem>>, vector<16xf32>,
        %mul3A_700 = arith.mulf %get3A_699, %get3A_699 : vector<16xf32>
        %add3A_701 = arith.addf %scan3A_694, %mul3A_700 : vector<16xf32>
        scf.yield %add3A_701 : vector<16xf32>
      }
      %scan3A_684 = arith.constant 256 : i32
      %get3A_685 = arith.constant 0 : index
      %get3A_686 = tpu.vector_load %arg32[%get3A_685] {strides = array<i32>} : memref<16xf32, #tpu.memory_space<vmem>>, vector<16xf32>,
      %mul3A_687 = arith.constant 4.000000e-01 : f32
      %mul3A_688 = vector.broadcast %mul3A_687 : f32 to vector<16xf32>
      %mul3A_689 = arith.mulf %mul3A_688, %scan3A_683 : vector<16xf32>
      %add3A_690 = arith.addf %get3A_686, %mul3A_689 : vector<16xf32>
      %swap3A_691 = arith.constant 0 : index
      %swap3A_692 = tpu.vector_load %arg32[%swap3A_691] {strides = array<i32>} : memref<16xf32, #tpu.memory_space<vmem>>, vector<16xf32>,
      tpu.vector_store %arg32[%swap3A_691], %add3A_690 {strides = array<i32>} : memref<16xf32, #tpu.memory_space<vmem>>, vector<16xf32>,
    } else {
    }
    %mul3A_674 = arith.constant 16 : i32
    %mul3A_675 = arith.muli %add3A, %mul3A_674 : i32
    %multiple_of3A_676 = tpu.assume_multiple %mul3A_675, 16 : i32
    "tpu.region"() ({
      %run_scoped3A = tpu.sem_alloc : memref<!tpu.dma_semaphore, #tpu.memory_space<semaphore_mem>>
      %dma_start3A_677 = tpu.memref_slice %arg9[%multiple_of3A_676] : memref<512xf32, #tpu.memory_space<hbm>> -> memref<16xf32, #tpu.memory_space<hbm>>
      %dma_start3A_678 = tpu.memref_slice %arg9[%multiple_of3A_676] : memref<512xf32, #tpu.memory_space<hbm>> -> memref<16xf32, #tpu.memory_space<hbm>>
      tpu.enqueue_dma source(%arg32 : memref<16xf32, #tpu.memory_space<vmem>>) target(%dma_start3A_678 : memref<16xf32, #tpu.memory_space<hbm>>) target_semaphore(%run_scoped3A : memref<!tpu.dma_semaphore, #tpu.memory_space<semaphore_mem>>)
      %dma_wait3A = tpu.memref_slice %arg9[%multiple_of3A_676] : memref<512xf32, #tpu.memory_space<hbm>> -> memref<16xf32, #tpu.memory_space<hbm>>
      %dma_wait3A_679 = tpu.memref_slice %arg9[%multiple_of3A_676] : memref<512xf32, #tpu.memory_space<hbm>> -> memref<16xf32, #tpu.memory_space<hbm>>
      tpu.wait_dma2 semaphore(%run_scoped3A : memref<!tpu.dma_semaphore, #tpu.memory_space<semaphore_mem>>) src(%arg32 : memref<16xf32, #tpu.memory_space<vmem>>) dst(%dma_wait3A_679 : memref<16xf32, #tpu.memory_space<hbm>>)
      tpu.yield
    }) : () -> ()
    return
  }
}

</mosaic_0001>

<sc_bundles>
// kernel: kernel.3.cloned.1.call-start
scs
__scs_entry_jumppad:
0x0: {  	(pc) =	sbr.rel $0x88, $3  }
0x1: {  	(tag) =	ssettag $0x0;
	lr =	simm.s32 $0x1  }
0x2: {  	[smem:$0x3F9A] =	sst lr;
	_ =	strace $0xD0000000  }
0x3: {  	_ = 	snop  }
0x4: {  	_ = 	snop  }
0x5: {  	_ = 	snop  }
0x6: {  	_ = 	snop  }
0x7: {  	_ = 	snop  }
__scs_overlays_trampoline_lowered:
0x8: {  	[smem:$0x3FA9] =	sst s0  }
0x9: {  	[smem:$0x3FAA] =	sst s1  }
0xa: {  	[smem:$0x3FAB] =	sst s2  }
0xb: {  	[smem:$0x3FAC] =	sst s3  }
0xc: {  	[smem:$0x3FAD] =	sst s4  }
0xd: {  	[smem:$0x3FAE] =	sst s5  }
0xe: {  	[smem:$0x3FAF] =	sst s6  }
0xf: {  	[smem:$0x3FB0] =	sst s7  }
0x10: {  	[smem:$0x3FB1] =	sst s8  }
0x11: {  	[smem:$0x3FB2] =	sst s9;
	s0 =	simm.s32 @!p0 $0x0  }
0x12: {  	s1 =	sld [smem:$0x3F98];
	s0 =	simm.s32 @p0 $0x1  }
0x13: {  	[smem:$0x3FB3] =	sst s0;
	s0 =	simm.s32 @!p1 $0x0  }
0x14: {  	s2 =	sld [smem:$0x3F97];
	s0 =	simm.s32 @p1 $0x1  }
0x15: {  	[smem:$0x3FB4] =	sst s0;
	s0 =	simm.s32 @!p2 $0x0  }
0x16: {  	s3 =	sld [smem:$0x3FDB];
	s0 =	simm.s32 @p2 $0x1  }
0x17: {  	s4 =	simm.s32 $0x1BF5;
	[smem:$0x3FB6] =	sst s0  }
0x18: {  	s0 =	sld [smem:$0x3F99];
	_ =	swait.ge [sflag:s4], $0x0  }
0x19: {  	s7 =	sld [smem:$0x3F9A]  }
0x1a: {  	s8 =	sadd.s32 $0xFFFFE003, lr  }
0x1b: {  	s9 =	sadd.s32 $0xFFFFFEF7, lr;
	s5 =	simm.s32 $0xFFFFFFFF;
	p2 =	slt.u32 s8, $0xFFFFF086  }
0x1c: {  	p1 =	slt.u32 s9, $0xF7A;
	s5 =	simm.s32 @!p2 $0x0  }
0x1d: {  	s5 =	simm.s32 @p1 $0x1;
	p0 =	seq.s32 s7, s2  }
0x1e: {  	s7 =	smul.u32 @!p0 $0xF7A, s2;
	p2 =	seq.s32 @!p0 s5, $0x0  }
0x1f: {  	s9 =	smul.u32 $0xF7A, s1;
	s8 =	simm.s32 @!p0 $0x1BF5;
	p2 =	por !p2, p0  }
0x20: {  	[sflag:s8] =	ssyncset.s32 @!p0 $0xFFFFF086;
	s6 =	sadd.s32 @!p0 s3, s7;
	s7 =	simm.s32 @!p0 $0x108  }
0x21: {  	s3 =	sadd.s32 s3, s9;
	s6 =	sadd.s32 @!p0 $0x88, s6;
	s7 =	simm.s32 @p2 $0x1082  }
0x22: {  	[simem:s7], [sflag:s8] =	dma.local @!p0 [hbm:s6], $0xF7A  }
0x23: {  	s9 =	sor.u32 $0xD0000000, s2;
	s6 =	simm.s32 $0x108;
	_ =	swait.ge @!p0 [sflag:s8], $0x0  }
0x24: {  	s3 =	sadd.s32 $0x88, s3;
	s6 =	simm.s32 @!p1 $0x1082;
	[sflag:s4] =	ssyncset.s32 $0xFFFFF086  }
0x25: {  	[simem:s6], [sflag:s4] =	dma.local [hbm:s3], $0xF7A  }
0x26: {  	[smem:$0x3F9A] =	sst s1;
	(tag) =	ssettag s2;
	_ =	strace s9  }
0x27: {  	s1 =	sld [smem:$0x3FAA]  }
0x28: {  	s2 =	sld [smem:$0x3FAB]  }
0x29: {  	s4 =	sld [smem:$0x3FAD]  }
0x2a: {  	p0 =	seq.s32 s5, $0x0;
	s5 =	sld [smem:$0x3FAE]  }
0x2b: {  	s6 =	sld [smem:$0x3FAF]  }
0x2c: {  	s7 =	sld [smem:$0x3FB0]  }
0x2d: {  	s3 =	simm.s32 $0x108;
	s8 =	sld [smem:$0x3FB1]  }
0x2e: {  	s3 =	simm.s32 @!p0 $0x1082;
	s9 =	sld [smem:$0x3FB2]  }
0x2f: {  	lr =	sadd.s32 s0, s3;
	s0 =	sld [smem:$0x3FA9]  }
0x30: {  	s3 =	sld [smem:$0x3FAC]  }
0x31: {  	[smem:$0x3FB5] =	sst s10  }
0x32: {  	s10 =	sld [smem:$0x3FB3];
	_ =	sdelay $0x3  }
0x33: {  	p0 =	seq.s32 s10, $0x1;
	s10 =	sld [smem:$0x3FB5];
	_ =	sdelay $0x3  }
0x34: {  	[smem:$0x3FB5] =	sst s10  }
0x35: {  	s10 =	sld [smem:$0x3FB4];
	_ =	sdelay $0x3  }
0x36: {  	p1 =	seq.s32 s10, $0x1;
	s10 =	sld [smem:$0x3FB5];
	_ =	sdelay $0x3  }
0x37: {  	[smem:$0x3FB5] =	sst s10  }
0x38: {  	s10 =	sld [smem:$0x3FB6]  }
0x39: {  	_ = 	snop;
	(pc) =	sbr.ind lr, $3  }
0x3a: {  	_ = 	snop  }
0x3b: {  	_ = 	snop  }
0x3c: {  	p2 =	seq.s32 s10, $0x1;
	s10 =	sld [smem:$0x3FB5]  }
0x3d: {  	_ =	shalt  }
0x3e: {  	_ =	shalt  }
0x3f: {  	_ =	shalt  }
0x40: {  	_ =	shalt  }
0x41: {  	_ =	shalt  }
0x42: {  	_ =	shalt  }
0x43: {  	_ =	shalt  }
0x44: {  	_ =	shalt  }
0x45: {  	_ =	shalt  }
0x46: {  	_ =	shalt  }
0x47: {  	_ =	shalt  }
0x48: {  	_ =	shalt  }
0x49: {  	_ =	shalt  }
0x4a: {  	_ =	shalt  }
0x4b: {  	_ =	shalt  }
0x4c: {  	_ =	shalt  }
0x4d: {  	_ =	shalt  }
0x4e: {  	_ =	shalt  }
0x4f: {  	_ =	shalt  }
0x50: {  	_ =	shalt  }
0x51: {  	_ =	shalt  }
0x52: {  	_ =	shalt  }
0x53: {  	_ =	shalt  }
0x54: {  	_ =	shalt  }
0x55: {  	_ =	shalt  }
0x56: {  	_ =	shalt  }
0x57: {  	_ =	shalt  }
0x58: {  	_ =	shalt  }
0x59: {  	_ =	shalt  }
0x5a: {  	_ =	shalt  }
0x5b: {  	_ =	shalt  }
0x5c: {  	_ =	shalt  }
0x5d: {  	_ =	shalt  }
0x5e: {  	_ =	shalt  }
0x5f: {  	_ =	shalt  }
0x60: {  	_ =	shalt  }
0x61: {  	_ =	shalt  }
0x62: {  	_ =	shalt  }
0x63: {  	_ =	shalt  }
0x64: {  	_ =	shalt  }
0x65: {  	_ =	shalt  }
0x66: {  	_ =	shalt  }
0x67: {  	_ =	shalt  }
0x68: {  	_ =	shalt  }
0x69: {  	_ =	shalt  }
0x6a: {  	_ =	shalt  }
0x6b: {  	_ =	shalt  }
0x6c: {  	_ =	shalt  }
0x6d: {  	_ =	shalt  }
0x6e: {  	_ =	shalt  }
0x6f: {  	_ =	shalt  }
0x70: {  	_ =	shalt  }
0x71: {  	_ =	shalt  }
0x72: {  	_ =	shalt  }
0x73: {  	_ =	shalt  }
0x74: {  	_ =	shalt  }
0x75: {  	_ =	shalt  }
0x76: {  	_ =	shalt  }
0x77: {  	_ =	shalt  }
0x78: {  	_ =	shalt  }
0x79: {  	_ =	shalt  }
0x7a: {  	_ =	shalt  }
0x7b: {  	_ =	shalt  }
0x7c: {  	_ =	shalt  }
0x7d: {  	_ =	shalt  }
0x7e: {  	_ =	shalt  }
0x7f: {  	_ =	shalt  }
0x80: {  	_ =	shalt  }
0x81: {  	_ =	shalt  }
0x82: {  	_ =	shalt  }
0x83: {  	_ =	shalt  }
0x84: {  	_ =	shalt  }
0x85: {  	_ =	shalt  }
0x86: {  	_ =	shalt  }
0x87: {  	_ =	shalt  }
.Lfunc_end0:
.L_simem_size_0:
called_computation_lowered:
.L_overlay_start_0:
0x88: {  	s2 =	sld [smem:$0x3FD9]  }
0x89: {  	s3 =	sld [smem:$0x3FFE];
	_ =	sdelay $0x1  }
0x8a: {  	s1 =	srdreg.scid  }
0x8b: {  	s0 =	sand.u32 $0x1, s1  }
0x8c: {  	s17 =	sshll.u32 s0, $0xA;
	s2 =	sadd.s32 s3, s2  }
0x8d: {  	s2 =	sadd.s32 s2, s17  }
0x8e: {  	[smem:$0x3FC1] =	sst s2  }
0x8f: {  	_ = 	snop  }
0x90: {  	s2 =	sld [smem:$0x3FC9]  }
0x91: {  	s18 =	sld [smem:$0x3FC7]  }
0x92: {  	s4 =	sld [smem:$0x3FD0];
	(tm) =	ssettm $0x1  }
0x93: {  	s5 =	sld [smem:$0x3FFB];
	_ =	sdelay $0x3  }
0x94: {  	_ =	strace s5  }
0x95: {  	s5 =	sld [smem:$0x3FFC];
	_ =	sdelay $0x3  }
0x96: {  	_ =	strace s5  }
0x97: {  	s5 =	sld [smem:$0x3FFD];
	_ =	sdelay $0x3  }
0x98: {  	_ =	strace s5  }
0x99: {  	_ =	strace $0x8FFFFFFF  }
0x9a: {  	s19 =	sld [smem:$0x3FDB];
	_ =	sdelay $0x1  }
0x9b: {  	s6 =	simm.s32 $_scs_section_size  }
0x9c: {  	s7 =	simm.s32 $_size__tile_overlayer_lowered;
	s8 =	simm.s32 $_tile_overlayer_lowered  }
0x9d: {  	s22 =	simm.s32 $0x1BFF;
	s21 =	sshll.u32 s8, $0x1;
	s5 =	sadd.s32 s6, s19  }
0x9e: {  	s9 =	simm.s32 $0x0;
	s20 =	sshll.u32 s7, $0x1;
	s7 =	sadd.s32 s21, s5  }
0x9f: {  	[timem:s9], [sflag:s22] =	dma.local [hbm:s7], s20  }
0xa0: {  	_ =	swait.ge [sflag:s22], s20  }
0xa1: {  	s6 =	ssub.s32 $0x0, s20;
	[sflag:s22] =	ssyncset.done $0x0  }
0xa2: {  	[sflag:s22] =	ssyncadd.s32 s6;
	_ =	sdelay $0x1  }
0xa3: {  	s23 =	simm.s32 $0x1B8B  }
0xa4: {  	_ =	swait.ge [sflag:s23], $0x1  }
0xa5: {  	[sflag:s23] =	ssyncset.done $0x0  }
0xa6: {  	s25 =	simm.s32 $0x1B8E;
	s24 =	sld [smem:$0x3FFE];
	[sflag:s23] =	ssyncadd.s32 $0xFFFFFFFF  }
0xa7: {  	s26 =	simm.s32 $execute0_lowered;
	[smem:$0x3FD2] =	sst s25  }
0xa8: {  	s7 =	sshll.u32 s26, $0x1;
	_ =	strace $0x80000046;
	[dreg:$0x1] =	wrdreg $0xFFFFFFFF  }
0xa9: {  	s28 =	simm.s32 $_size_execute0_lowered;
	s5 =	sadd.s32 s5, s7;
	[dreg:$0x0] =	wrdreg $0x0  }
0xaa: {  	s7 =	sshll.u32 s28, $0x1;
	[dreg:$0x2] =	wrdreg s5  }
0xab: {  	[dreg:$0x3] =	wrdreg s7  }
0xac: {  	[dreg:$0x4] =	wrdreg $0xC0  }
0xad: {  	_ =	task [dreg:s9], $0x5FFFF  }
0xae: {  	[dreg:$0x1] =	wrdreg $0xFFFFFFFF  }
0xaf: {  	[dreg:$0x0] =	wrdreg $0x60  }
0xb0: {  	[dreg:$0x2] =	wrdreg s2  }
0xb1: {  	[dreg:$0x3] =	wrdreg s24  }
0xb2: {  	[dreg:$0x4] =	wrdreg s18  }
0xb3: {  	[dreg:$0x5] =	wrdreg s4  }
0xb4: {  	[dreg:$0x6] =	wrdreg $0x9  }
0xb5: {  	_ =	task.clear_ibuf [dreg:s9], $0x7FFFF;
	_ =	strace $0x90000046  }
0xb6: {  	s29 =	simm.s32 $0x9;
	_ =	strace $0x80000048  }
0xb7: {  	_ =	swait.ge [sflag:s29], $0x1  }
0xb8: {  	[sflag:s29] =	ssyncadd.s32 $0xFFFFFFFF  }
0xb9: {  	_ =	strace $0x90000048  }
0xba: {  	_ =	sfence  }
0xbb: {  	s30 =	sld [smem:$0x0];
	_ =	sdelay $0x2  }
0xbc: {  	s31 =	sshll.u32 s1, $0xD;
	s1 =	sshrl.u32 s1, $0x2  }
0xbd: {  	s3 =	sand.u32 $0x4000, s31;
	s1 =	sadd.s32 s1, s30  }
0xbe: {  	s0 =	sor.u32 s3, s0;
	s1 =	sshll.u32 s1, $0x11  }
0xbf: {  	s0 =	sor.u32 s1, s0  }
0xc0: {  	s0 =	sadd.s32 $0x8F2B, s0  }
0xc1: {  	[sflag:s0] =	ssyncadd.remote.s32 $0x1  }
0xc2: {  	_ =	sfence.sel $0xFFFF  }
0xc3: {  	[dreg:$0x0] =	wrdreg $0xFFFFFFFF;
	(pc) =	sbr.abs _section_cstart, $3  }
0xc4: {  	[dreg:$0x1] =	wrdreg $0xFFFFFFFF  }
0xc5: {  	_ =	task.clear_ibuf [dreg:s9], $0x2FFFF;
	_ =	strace $0x9FFFFFFF  }
0xc6: {  	(tm) =	ssettm $0x7FFFFFFF  }
0xc7: {  	_ =	shalt  }
tec
execute0_lowered:
.L_overlay_start_1:
0x0: {  	(tag) =	ssettag $0x1  }
0x1: {  	s0 =	rddreg [dreg:$0x0]  }
0x2: {  	s1 =	rddreg [dreg:$0x1];
	s2 =	srdreg.scid  }
0x3: {  	s4 =	stileid.u32;
	s3 =	rddreg [dreg:$0x2];
	v0 =	vimm.s32 $0xFEDCBA98;
	v1 =	vimm.s32 $0x76543210  }
0x4: {  	s12 =	simm.s32 $0x0;
	v2 =	vimm.s32 $0x3210FEDC;
	v3 =	vimm.s32 $0xBA987654;
	v4 =	vimm.s32 $0x10FEDCBA;
	s14 =	simm.s32 $0x3;
	s17 =	simm.s32 $0x80  }
0x5: {  	v5 =	vimm.s32 $0x98765432;
	v6 =	vimm.s32 $0xFEDCBA9;
	s19 =	simm.s32 $0x6300;
	s21 =	simm.s32 $0xB300;
	s22 =	simm.s32 $0x20  }
0x6: {  	v7 =	vimm.s32 $0x87654321;
	v63 =	vimm.s32 $0x0;
	s28 =	simm.s32 $0x8;
	v57 =	vimm.s32 $0x1;
	s30 =	simm.s32 $0x5B00;
	s13 =	simm.s32 $0x15B00  }
0x7: {  	v58 =	vimm.s32 $0x2;
	v8 =	vimm.s32 $0xA;
	s15 =	simm.s32 $0x14B00;
	s16 =	simm.s32 $0x5A80;
	v9 =	vimm.s32 $0xB;
	s10 =	simm.s32 $0x10700  }
0x8: {  	v16 =	vimm.s32 $0xC;
	v17 =	vimm.s32 $0xD;
	v18 =	vimm.s32 $0xE;
	s11 =	simm.s32 $0x1;
	s18 =	simm.s32 $0x0;
	s2 =	sand.u32 $0x1, s2  }
0x9: {  	v19 =	vimm.s32 $0xF;
	v20 =	vlaneseq.u32;
	s4 =	sshll.u32 s4, $0x1;
	[smem:$0x7FF] =	sst s12;
	v0 =	vunpack.c.l.s4.s8 v0;
	s7 =	sadd.s32 $0x14800, s1  }
0xa: {  	v1 =	vunpack.c.l.s4.s8 v1;
	v2 =	vunpack.c.l.s4.s8 v2;
	v3 =	vunpack.c.l.s4.s8 v3;
	s5 =	sor.u32 s2, s4;
	_ =	strace $0x80000047;
	[dreg:$0x5] =	wrdreg s7  }
0xb: {  	v4 =	vunpack.c.l.s4.s8 v4;
	v5 =	vunpack.c.l.s4.s8 v5;
	v6 =	vunpack.c.l.s4.s8 v6;
	s2 =	ssub.s32 $0x2, s2;
	s7 =	simm.s32 $0x5800;
	s4 =	smul.u32 $0x500, s5  }
0xc: {  	s24 =	sshll.u32 s5, $0x1;
	v0 =	vunpack.c.0.s8.s32 v0;
	s25 =	sshrl.u32 s2, $0x1;
	s8 =	sshll.u32 s5, $0x6;
	v2 =	vunpack.c.0.s8.s32 v2;
	v3 =	vunpack.c.0.s8.s32 v3  }
0xd: {  	v7 =	vunpack.c.l.s4.s8 v7;
	v4 =	vunpack.c.0.s8.s32 v4;
	v1 =	vunpack.c.0.s8.s32 v1;
	p0 =	sne.s32 s5, $0x0;
	s26 =	ssub.s32 s2, s25;
	s0 =	sadd.s32 s0, s8  }
0xe: {  	v5 =	vunpack.c.0.s8.s32 v5;
	s29 =	sadd.s32 s3, s8;
	s6 =	sadd.s32 s4, s1;
	[dreg:$0x9] =	wrdreg s0;
	v2 =	vcombine.low v3, v2;
	v3 =	vand.u32 $0xF, v0  }
0xf: {  	v6 =	vunpack.c.0.s8.s32 v6;
	v7 =	vunpack.c.0.s8.s32 v7;
	s4 =	sadd.s32 $0xF42C00, s1;
	[dreg:$0xa] =	wrdreg s29;
	s31 =	smax.u32 s26, $0x1;
	v0 =	vcombine.low v3, v1  }
.Ltmp0:
0x10: {  	v21 =	vor.u32 $0x10, v20;
	v22 =	vor.u32 $0x20, v20;
	v4 =	vcombine.low v5, v4;
	s9 =	sadd.s32 $0x800, s6;
	[dreg:$0xb] =	wrdreg s31;
	(pc) =	sbr.rel .LBB2_1-.Ltmp0, $4  }
0x11: {  	v23 =	vor.u32 $0x30, v20;
	s1 =	sadd.s32 s24, s1;
	v5 =	vcombine.low v7, v6;
	s6 =	sadd.s32 $0xA800, s6;
	[dreg:$0x6] =	wrdreg s9;
	v60 =	vand.u32 $0xF, v2;
	[tilespmem:$0x1FFC0] =	vst v0  }
0x12: {  	s5 =	simm.s32 $0x10B00;
	v6 =	vimm.s32 $0x8;
	v7 =	vimm.s32 $0x9;
	s1 =	sadd.s32 $0x14A00, s1;
	[dreg:$0x7] =	wrdreg s6;
	v61 =	vand.u32 $0xF, v4;
	[tilespmem:$0x1FFD0] =	vst v60  }
0x13: {  	s8 =	simm.s32 $0x10300;
	s3 =	simm.s32 $0x2;
	[dreg:$0x8] =	wrdreg s1;
	v62 =	vand.u32 $0xF, v5;
	v4 =	vimm.s32 $0x6;
	v5 =	vimm.s32 $0x7;
	[tilespmem:$0x1FFE0] =	vst v61  }
0x14: {  	s1 =	simm.s32 $0x5F00;
	s6 =	simm.s32 $0x19B00;
	s9 =	simm.s32 $0x5880;
	[tilespmem:$0x1FFF0] =	vst v62;
	v60 =	vimm.s32 $0x3;
	v61 =	vimm.s32 $0x4;
	v62 =	vimm.s32 $0x5  }
.LBB2_10:
0x15: {  	_ = 	snop  }
.Ltmp1:
0x16: {  	v0 =	vadd.f32 v56, v59;
	v1 =	vadd.f32 v54, v55;
	(pc) =	sbr.rel @!p0 .LBB2_11-.Ltmp1, $4  }
0x17: {  	_ = 	snop  }
0x18: {  	v0 =	vadd.f32 v1, v0  }
0x19: {  	v4 =	vimm.s32 $0x6;
	v5 =	vimm.s32 $0x7;
	v6 =	vimm.s32 $0x8  }
0x1a: {  	s12 =	simm.s32 $0x0;
	s14 =	simm.s32 $0x3;
	v7 =	vimm.s32 $0x9;
	v8 =	vimm.s32 $0xA;
	v9 =	vimm.s32 $0xB;
	s18 =	rddreg [dreg:$0xc];
	[tilespmem:$0x1BB80] =	vst v0  }
.LBB2_14:
0x1b: {  	s0 =	rddreg [dreg:$0x8];
	s2 =	simm.s32 $0x1BB80  }
0x1c: {  	[hbm4b:s0+s12] =	stream.linear.scatter [tilespmem:s2], [sflag:$0x3], $0x10, $0x38;
	[tilespmem:$0x1BD80] =	vst v63  }
0x1d: {  	_ =	swait.ge [sflag:s14], $0x10  }
0x1e: {  	s18 =	sadd.s32 $0x1, s18;
	s31 =	rddreg [dreg:$0xb]  }
0x1f: {  	p1 =	sne.s32 s18, s31  }
.Ltmp2:
0x20: {  	_ = 	snop;
	(pc) =	sbr.rel @!p1 .LBB2_15-.Ltmp2, $3  }
0x21: {  	_ =	sdelay $0x1  }
0x22: {  	[sflag:s14] =	ssyncset.done $0x0  }
0x23: {  	[sflag:s14] =	ssyncadd.s32 $0xFFFFFFF0  }
.LBB2_1:
0x24: {  	[dreg:$0xc] =	wrdreg s18  }
0x25: {  	s0 =	rddreg [dreg:$0x9]  }
0x26: {  	[tilespmem:s12], [sflag:$0x3] =	stream.linear.gather [hbm4b:s0+s12], $0x200, $0x38;
	[tilespmem:$0x1BD80] =	vst v63  }
0x27: {  	_ =	swait.ge [sflag:s14], $0x200  }
0x28: {  	[sflag:s14] =	ssyncset.done $0x0  }
0x29: {  	s2 =	simm.s32 $0x280;
	s20 =	rddreg [dreg:$0xa];
	[sflag:s14] =	ssyncadd.s32 $0xFFFFFE00  }
0x2a: {  	[tilespmem:s2], [sflag:$0x3] =	stream.linear.gather [hbm4b:s20+s12], $0x200, $0x38;
	[tilespmem:$0x1BD80] =	vst v63  }
0x2b: {  	_ =	swait.ge [sflag:s14], $0x200  }
0x2c: {  	[sflag:s14] =	ssyncset.done $0x0  }
0x2d: {  	s24 =	simm.s32 $0x500;
	s23 =	rddreg [dreg:$0x6];
	[sflag:s14] =	ssyncadd.s32 $0xFFFFFE00  }
0x2e: {  	[tilespmem:s24], [sflag:$0x3] =	stream.linear.gather [hbm4b:s23+s12], $0x2800, $0x38;
	[tilespmem:$0x1BD80] =	vst v63  }
0x2f: {  	_ =	swait.ge [sflag:s14], $0x2800  }
0x30: {  	[sflag:s14] =	ssyncset.done $0x0  }
0x31: {  	s26 =	simm.s32 $0x2D00;
	s25 =	rddreg [dreg:$0x7];
	[sflag:s14] =	ssyncadd.s32 $0xFFFFD800  }
0x32: {  	[tilespmem:s26], [sflag:$0x3] =	stream.linear.gather [hbm4b:s25+s12], $0x2800, $0x38;
	[tilespmem:$0x1BD80] =	vst v63  }
0x33: {  	_ =	swait.ge [sflag:s14], $0x2800  }
0x34: {  	[sflag:s14] =	ssyncset.done $0x0  }
0x35: {  	[sflag:s14] =	ssyncadd.s32 $0xFFFFD800  }
0x36: {  	[tilespmem:$0x200] =	vst v63  }
0x37: {  	s31 =	simm.s32 $0x1AB00;
	[tilespmem:$0x480] =	vst v63;
	s29 =	rddreg [dreg:$0x3]  }
0x38: {  	[tilespmem:s31], [sflag:$0x3] =	stream.linear.gather [hbm4b:s29+s12], $0x80, $0x38;
	[tilespmem:$0x1BD80] =	vst v63  }
0x39: {  	_ =	swait.ge [sflag:s14], $0x80  }
0x3a: {  	[sflag:s14] =	ssyncset.done $0x0  }
0x3b: {  	[sflag:s14] =	ssyncadd.s32 $0xFFFFFF80  }
0x3c: {  	v24 =	vld [tilespmem:$0x1AB00]  }
0x3d: {  	v25 =	vld [tilespmem:$0x1AB10]  }
0x3e: {  	v0 =	vld [tilespmem:$0x1FFC0];
	_ =	sdelay $0x2  }
0x3f: {  	v1 =	vld [tilespmem:$0x1FFD0]  }
0x40: {  	v26 =	vmax.f32 v24, v25  }
0x41: {  	v27 =	vperm.xlane v26, v0  }
0x42: {  	v2 =	vld [tilespmem:$0x1FFE0]  }
0x43: {  	v26 =	vmax.f32 v26, v27  }
0x44: {  	v27 =	vperm.xlane v26, v1  }
0x45: {  	v3 =	vld [tilespmem:$0x1FFF0]  }
0x46: {  	v26 =	vmax.f32 v26, v27  }
0x47: {  	v27 =	vperm.xlane v26, v2;
	_ =	sdelay $0x1  }
0x48: {  	v26 =	vmax.f32 v26, v27  }
0x49: {  	v27 =	vperm.xlane v26, v3;
	_ =	sdelay $0x1  }
0x4a: {  	v26 =	vmax.f32 v26, v27  }
0x4b: {  	v24 =	vsub.f32 v24, v26  }
0x4c: {  	v25 =	vsub.f32 v25, v26  }
0x4d: {  	v24 =	vmul.f32 $1.442695020e+00, v24  }
0x4e: {  	v25 =	vmul.f32 $1.442695020e+00, v25  }
0x4f: {  	(erf) = vpow2.f32 v24  }
0x50: {  	(erf) = vpow2.f32 v25;
	_ =	sdelay $0x7  }
0x51: {  	v24 =	vpop (erf)  }
0x52: {  	v25 =	vpop (erf)  }
0x53: {  	v32 =	vadd.f32 v25, v24;
	_ =	sdelay $0x1  }
0x54: {  	v33 =	vperm.xlane v32, v0;
	_ =	sdelay $0x1  }
0x55: {  	v26 =	vadd.f32 v32, v33;
	_ =	sdelay $0x1  }
0x56: {  	v27 =	vperm.xlane v26, v1;
	_ =	sdelay $0x1  }
0x57: {  	v26 =	vadd.f32 v26, v27;
	_ =	sdelay $0x1  }
0x58: {  	v27 =	vperm.xlane v26, v2;
	_ =	sdelay $0x1  }
0x59: {  	v26 =	vadd.f32 v26, v27;
	_ =	sdelay $0x1  }
0x5a: {  	v27 =	vperm.xlane v26, v3;
	_ =	sdelay $0x1  }
0x5b: {  	v26 =	vadd.f32 v26, v27  }
0x5c: {  	v34 =	vperm.xlane v24, v63  }
0x5d: {  	v28 =	vperm.xlane v24, v57;
	(erf) = vrcp.f32 v26  }
0x5e: {  	v29 =	vperm.xlane v24, v58;
	v30 =	vperm.xlane v24, v60  }
0x5f: {  	v37 =	vperm.xlane v24, v61;
	v39 =	vperm.xlane v24, v62  }
0x60: {  	v41 =	vperm.xlane v24, v4;
	v43 =	vperm.xlane v24, v5  }
0x61: {  	v45 =	vperm.xlane v24, v6;
	v47 =	vperm.xlane v24, v7  }
0x62: {  	v49 =	vperm.xlane v24, v8;
	v51 =	vperm.xlane v24, v9  }
0x63: {  	v53 =	vperm.xlane v24, v16;
	v55 =	vperm.xlane v24, v17  }
0x64: {  	v59 =	vperm.xlane v24, v18;
	v24 =	vperm.xlane v24, v19  }
0x65: {  	v0 =	vperm.xlane v25, v63;
	v1 =	vperm.xlane v25, v57  }
0x66: {  	v3 =	vperm.xlane v25, v58;
	v25 =	vperm.xlane v25, v60;
	v35 =	vpop (erf)  }
0x67: {  	v26 =	vmul.f32 v35, v34;
	v28 =	vmul.f32 v35, v28  }
0x68: {  	v4 =	vld [tilespmem:$0x500];
	v36 =	vmul.f32 v35, v29;
	v38 =	vmul.f32 v30, v35  }
0x69: {  	v6 =	vld [tilespmem:$0x2D00];
	v40 =	vmul.f32 v37, v35;
	v42 =	vmul.f32 v39, v35  }
0x6a: {  	v8 =	vld [tilespmem:$0x510];
	v44 =	vmul.f32 v41, v35;
	v46 =	vmul.f32 v43, v35  }
0x6b: {  	v10 =	vld [tilespmem:$0x2D10];
	v48 =	vmul.f32 v45, v35;
	v50 =	vmul.f32 v47, v35  }
0x6c: {  	v11 =	vld [tilespmem:$0x520];
	v52 =	vmul.f32 v49, v35;
	v54 =	vmul.f32 v51, v35  }
0x6d: {  	v13 =	vld [tilespmem:$0x2D20];
	v12 =	vshra.s32 v4, $0x1;
	v56 =	vmul.f32 v53, v35;
	v61 =	vmul.f32 v55, v35  }
0x6e: {  	v14 =	vshra.s32 v6, $0x1;
	v32 =	vld [tilespmem:$0x530];
	[tilespmem:$0x5600] =	vst v12;
	v62 =	vmul.f32 v59, v35;
	v24 =	vmul.f32 v24, v35  }
0x6f: {  	v33 =	vshra.s32 v8, $0x1;
	[tilespmem:$0x5700] =	vst v14;
	v60 =	vld [tilespmem:$0x0];
	v2 =	vmul.f32 v0, v35;
	v5 =	vmul.f32 v1, v35  }
0x70: {  	[tilespmem:$0x5610] =	vst v33;
	v7 =	vmul.f32 v3, v35;
	v9 =	vmul.f32 v25, v35;
	v35 =	vshra.s32 v10, $0x1  }
0x71: {  	v37 =	vshra.s32 v11, $0x1;
	[tilespmem:$0x5710] =	vst v35  }
0x72: {  	v39 =	vshra.s32 v13, $0x1;
	[tilespmem:$0x5620] =	vst v37  }
0x73: {  	v41 =	vshra.s32 v32, $0x1;
	[tilespmem:$0x5720] =	vst v39  }
0x74: {  	v3 =	vshra.s32 v60, $0x1;
	[tilespmem:$0x5630] =	vst v41  }
0x75: {  	[tilespmem:$0x5500] =	vst v3  }
0x76: {  	[tilespmem:$0x1BC00] =	vst v26  }
0x77: {  	[tilespmem:$0x1BC10] =	vst v28  }
0x78: {  	[tilespmem:$0x1BC20] =	vst v36  }
0x79: {  	[tilespmem:$0x1BC30] =	vst v38  }
0x7a: {  	[tilespmem:$0x1BC40] =	vst v40  }
0x7b: {  	[tilespmem:$0x1BC50] =	vst v42  }
0x7c: {  	[tilespmem:$0x1BC60] =	vst v44  }
0x7d: {  	[tilespmem:$0x1BC70] =	vst v46  }
0x7e: {  	[tilespmem:$0x1BC80] =	vst v48  }
0x7f: {  	[tilespmem:$0x1BC90] =	vst v50  }
0x80: {  	[tilespmem:$0x1BCA0] =	vst v52  }
0x81: {  	[tilespmem:$0x1BCB0] =	vst v54  }
0x82: {  	[tilespmem:$0x1BCC0] =	vst v56  }
0x83: {  	[tilespmem:$0x1BCD0] =	vst v61  }
0x84: {  	v58 =	vld [tilespmem:$0x2D90];
	[tilespmem:$0x1BCE0] =	vst v62  }
0x85: {  	v34 =	vld [tilespmem:$0x2D30];
	[tilespmem:$0x1BCF0] =	vst v24  }
0x86: {  	[tilespmem:$0x1BD00] =	vst v2;
	v36 =	vld [tilespmem:$0x540]  }
0x87: {  	[tilespmem:$0x1BD10] =	vst v5;
	v38 =	vld [tilespmem:$0x2D40]  }
0x88: {  	[tilespmem:$0x1BD20] =	vst v7;
	v40 =	vld [tilespmem:$0x550]  }
0x89: {  	[tilespmem:$0x1BD30] =	vst v9;
	v42 =	vld [tilespmem:$0x2D50];
	v2 =	vshra.s32 v58, $0x1  }
0x8a: {  	v44 =	vld [tilespmem:$0x560];
	[tilespmem:$0x5790] =	vst v2;
	v43 =	vshra.s32 v34, $0x1  }
0x8b: {  	v46 =	vld [tilespmem:$0x2D60];
	[tilespmem:$0x5730] =	vst v43;
	v45 =	vshra.s32 v36, $0x1  }
0x8c: {  	v48 =	vld [tilespmem:$0x570];
	v47 =	vshra.s32 v38, $0x1;
	[tilespmem:$0x5640] =	vst v45  }
0x8d: {  	v50 =	vld [tilespmem:$0x2D70];
	v49 =	vshra.s32 v40, $0x1;
	[tilespmem:$0x5740] =	vst v47  }
0x8e: {  	v52 =	vld [tilespmem:$0x580];
	v51 =	vshra.s32 v42, $0x1;
	[tilespmem:$0x5650] =	vst v49  }
0x8f: {  	v54 =	vld [tilespmem:$0x2D80];
	v53 =	vshra.s32 v44, $0x1;
	[tilespmem:$0x5750] =	vst v51  }
0x90: {  	v56 =	vld [tilespmem:$0x590];
	v55 =	vshra.s32 v46, $0x1;
	[tilespmem:$0x5660] =	vst v53  }
0x91: {  	v62 =	vld [tilespmem:$0x280];
	v57 =	vshra.s32 v48, $0x1;
	[tilespmem:$0x5760] =	vst v55  }
0x92: {  	v59 =	vshra.s32 v50, $0x1;
	[tilespmem:$0x5670] =	vst v57  }
0x93: {  	v61 =	vshra.s32 v52, $0x1;
	[tilespmem:$0x5770] =	vst v59  }
0x94: {  	v0 =	vshra.s32 v54, $0x1;
	[tilespmem:$0x5680] =	vst v61  }
0x95: {  	v1 =	vshra.s32 v56, $0x1;
	[tilespmem:$0x5780] =	vst v0  }
0x96: {  	v4 =	vshra.s32 v62, $0x1;
	[tilespmem:$0x5690] =	vst v1  }
0x97: {  	s2 =	simm.s32 $0x5600;
	[tilespmem:$0x5580] =	vst v4  }
0x98: {  	[tilespmem:s19], [sflag:$0x1] =	stream.indirect.gather [hbm4b:s4+s17], $0x80, s2, s17, $0xb8;
	[tilespmem:$0x1BD80] =	vst v63  }
0x99: {  	s12 =	simm.s32 $0x5700  }
0x9a: {  	[tilespmem:s21], [sflag:$0x1] =	stream.indirect.gather [hbm4b:s4+s17], $0x80, s12, s17, $0xb8;
	[tilespmem:$0x1BD80] =	vst v63  }
0x9b: {  	s18 =	simm.s32 $0xA300;
	s14 =	simm.s32 $0x5680  }
0x9c: {  	[tilespmem:s18], [sflag:$0x1] =	stream.indirect.gather [hbm4b:s4+s22], $0x80, s14, s22, $0xb8;
	[tilespmem:$0x1BD80] =	vst v63  }
0x9d: {  	s20 =	simm.s32 $0x5780;
	s23 =	simm.s32 $0xF300  }
0x9e: {  	[tilespmem:s23], [sflag:$0x1] =	stream.indirect.gather [hbm4b:s4+s22], $0x80, s20, s22, $0xb8;
	[tilespmem:$0x1BD80] =	vst v63  }
0x9f: {  	s24 =	simm.s32 $0x5500  }
0xa0: {  	[tilespmem:s30], [sflag:$0x1] =	stream.indirect.gather [hbm4b:s4+s28], $0x80, s24, s28, $0xb8;
	[tilespmem:$0x1BD80] =	vst v63  }
0xa1: {  	s25 =	simm.s32 $0x5580  }
0xa2: {  	[tilespmem:s1], [sflag:$0x1] =	stream.indirect.gather [hbm4b:s4+s28], $0x80, s25, s28, $0xb8;
	[tilespmem:$0x1BD80] =	vst v63  }
0xa3: {  	v5 =	vld [tilespmem:$0x5A0]  }
0xa4: {  	v6 =	vld [tilespmem:$0x2DA0]  }
0xa5: {  	v7 =	vld [tilespmem:$0x5B0]  }
0xa6: {  	v8 =	vld [tilespmem:$0x2DB0]  }
0xa7: {  	v9 =	vld [tilespmem:$0x5C0]  }
0xa8: {  	v10 =	vld [tilespmem:$0x2DC0];
	v24 =	vshra.s32 v5, $0x1  }
0xa9: {  	v12 =	vld [tilespmem:$0x5D0];
	v11 =	vshra.s32 v6, $0x1;
	[tilespmem:$0x5900] =	vst v24  }
0xaa: {  	v14 =	vld [tilespmem:$0x2DD0];
	v13 =	vshra.s32 v7, $0x1;
	[tilespmem:$0x5A00] =	vst v11  }
0xab: {  	v32 =	vld [tilespmem:$0x5E0];
	v31 =	vshra.s32 v8, $0x1;
	[tilespmem:$0x5910] =	vst v13  }
0xac: {  	v34 =	vld [tilespmem:$0x2DE0];
	v33 =	vshra.s32 v9, $0x1;
	[tilespmem:$0x5A10] =	vst v31  }
0xad: {  	v36 =	vld [tilespmem:$0x5F0];
	v35 =	vshra.s32 v10, $0x1;
	[tilespmem:$0x5920] =	vst v33  }
0xae: {  	v38 =	vld [tilespmem:$0x2DF0];
	v37 =	vshra.s32 v12, $0x1;
	[tilespmem:$0x5A20] =	vst v35  }
0xaf: {  	v40 =	vld [tilespmem:$0x600];
	v39 =	vshra.s32 v14, $0x1;
	[tilespmem:$0x5930] =	vst v37  }
0xb0: {  	v42 =	vld [tilespmem:$0x2E00];
	v41 =	vshra.s32 v32, $0x1;
	[tilespmem:$0x5A30] =	vst v39  }
0xb1: {  	v44 =	vld [tilespmem:$0x610];
	v43 =	vshra.s32 v34, $0x1;
	[tilespmem:$0x5940] =	vst v41  }
0xb2: {  	v46 =	vld [tilespmem:$0x2E10];
	v45 =	vshra.s32 v36, $0x1;
	[tilespmem:$0x5A40] =	vst v43  }
0xb3: {  	v48 =	vld [tilespmem:$0x620];
	v47 =	vshra.s32 v38, $0x1;
	[tilespmem:$0x5950] =	vst v45  }
0xb4: {  	v50 =	vld [tilespmem:$0x2E20];
	v49 =	vshra.s32 v40, $0x1;
	[tilespmem:$0x5A50] =	vst v47  }
0xb5: {  	v52 =	vld [tilespmem:$0x630];
	v51 =	vshra.s32 v42, $0x1;
	[tilespmem:$0x5960] =	vst v49  }
0xb6: {  	v54 =	vld [tilespmem:$0x2E30];
	v53 =	vshra.s32 v44, $0x1;
	[tilespmem:$0x5A60] =	vst v51  }
0xb7: {  	v56 =	vld [tilespmem:$0x8];
	v55 =	vshra.s32 v46, $0x1;
	[tilespmem:$0x5970] =	vst v53  }
0xb8: {  	v58 =	vld [tilespmem:$0x288];
	v57 =	vshra.s32 v48, $0x1;
	[tilespmem:$0x5A70] =	vst v55  }
0xb9: {  	v59 =	vshra.s32 v50, $0x1;
	[tilespmem:$0x5980] =	vst v57  }
0xba: {  	v60 =	vshra.s32 v52, $0x1;
	[tilespmem:$0x5A80] =	vst v59  }
0xbb: {  	v61 =	vshra.s32 v54, $0x1;
	[tilespmem:$0x5990] =	vst v60  }
0xbc: {  	v62 =	vshra.s32 v56, $0x1;
	[tilespmem:$0x5A90] =	vst v61  }
0xbd: {  	v25 =	vshra.s32 v58, $0x1;
	[tilespmem:$0x5800] =	vst v62  }
0xbe: {  	s26 =	simm.s32 $0x5900;
	[tilespmem:$0x5880] =	vst v25  }
0xbf: {  	[tilespmem:s5], [sflag:$0x2] =	stream.indirect.gather [hbm4b:s4+s17], $0x80, s26, s17, $0xb8;
	[tilespmem:$0x1BD80] =	vst v63  }
0xc0: {  	s29 =	simm.s32 $0x5A00  }
0xc1: {  	[tilespmem:s13], [sflag:$0x2] =	stream.indirect.gather [hbm4b:s4+s17], $0x80, s29, s17, $0xb8;
	[tilespmem:$0x1BD80] =	vst v63  }
0xc2: {  	s31 =	simm.s32 $0x5980  }
0xc3: {  	[tilespmem:s15], [sflag:$0x2] =	stream.indirect.gather [hbm4b:s4+s22], $0x80, s31, s22, $0xb8;
	[tilespmem:$0x1BD80] =	vst v63  }
0xc4: {  	_ = 	snop  }
0xc5: {  	[tilespmem:s6], [sflag:$0x2] =	stream.indirect.gather [hbm4b:s4+s22], $0x80, s16, s22, $0xb8;
	[tilespmem:$0x1BD80] =	vst v63  }
0xc6: {  	s0 =	simm.s32 $0x5A4;
	s12 =	simm.s32 $0x2DA4  }
0xc7: {  	[tilespmem:s8], [sflag:$0x2] =	stream.indirect.gather [hbm4b:s4+s28], $0x80, s7, s28, $0xb8;
	[tilespmem:$0x1BD80] =	vst v63  }
0xc8: {  	s18 =	simm.s32 $0x504;
	s20 =	simm.s32 $0x2D04;
	s25 =	simm.s32 $0x0;
	v54 =	vimm.f32 $0.0e+00  }
0xc9: {  	v56 =	vimm.f32 $0.0e+00;
	v55 =	vimm.f32 $0.0e+00;
	v59 =	vimm.f32 $0.0e+00;
	[tilespmem:s10], [sflag:$0x2] =	stream.indirect.gather [hbm4b:s4+s28], $0x80, s9, s28, $0xb8;
	[tilespmem:$0x1BD80] =	vst v63  }
.LBB2_2:
0xca: {  	_ =	swait.ge [sflag:s11], $0x5000  }
0xcb: {  	[sflag:s11] =	ssyncset.done $0x0  }
0xcc: {  	[sflag:s11] =	ssyncadd.s32 $0xFFFFB000  }
0xcd: {  	_ =	swait.ge [sflag:s11], $0x5000  }
0xce: {  	[sflag:s11] =	ssyncset.done $0x0  }
0xcf: {  	[sflag:s11] =	ssyncadd.s32 $0xFFFFB000  }
0xd0: {  	_ =	swait.ge [sflag:s11], $0x400  }
0xd1: {  	[sflag:s11] =	ssyncset.done $0x0  }
0xd2: {  	[sflag:s11] =	ssyncadd.s32 $0xFFFFFC00  }
0xd3: {  	_ =	swait.ge [sflag:s11], $0x400  }
0xd4: {  	[sflag:s11] =	ssyncset.done $0x0  }
0xd5: {  	s2 =	sshll.u32 s25, $0x4;
	[sflag:s11] =	ssyncadd.s32 $0xFFFFFC00  }
0xd6: {  	v42 =	vld [tilespmem:s2+$0x0]  }
0xd7: {  	v43 =	vld [tilespmem:s2+$0x280]  }
0xd8: {  	v0 =	vld [tilespmem:$0x1BC00]  }
0xd9: {  	v51 =	vld [tilespmem:$0x1BC10]  }
0xda: {  	v52 =	vld [tilespmem:$0x1BC20]  }
0xdb: {  	v53 =	vld [tilespmem:$0x1BC30]  }
0xdc: {  	v57 =	vld [tilespmem:$0x1BC40]  }
0xdd: {  	v58 =	vld [tilespmem:$0x1BC50]  }
0xde: {  	v60 =	vld [tilespmem:$0x1BC60]  }
0xdf: {  	v61 =	vld [tilespmem:$0x1BC70]  }
0xe0: {  	v62 =	vld [tilespmem:$0x1BC80]  }
0xe1: {  	v33 =	vld [tilespmem:$0x1BC90]  }
0xe2: {  	v34 =	vld [tilespmem:$0x1BCA0]  }
0xe3: {  	v35 =	vld [tilespmem:$0x1BCB0];
	[tilespmem:$0x1FF30] =	vst v0  }
0xe4: {  	v36 =	vld [tilespmem:$0x1BCC0];
	[tilespmem:$0x1FF40] =	vst v51  }
0xe5: {  	v37 =	vld [tilespmem:$0x1BCD0];
	[tilespmem:$0x1FF50] =	vst v52  }
0xe6: {  	v38 =	vld [tilespmem:$0x1BCE0];
	[tilespmem:$0x1FF60] =	vst v53  }
0xe7: {  	v39 =	vld [tilespmem:$0x1BCF0];
	[tilespmem:$0x1FF70] =	vst v57  }
0xe8: {  	v40 =	vld [tilespmem:$0x1BD00];
	[tilespmem:$0x1FF80] =	vst v58  }
0xe9: {  	v41 =	vld [tilespmem:$0x1BD10];
	[tilespmem:$0x1FF90] =	vst v60  }
0xea: {  	s23 =	simm.s32 $0x0;
	[tilespmem:$0x1FFA0] =	vst v61;
	v44 =	vshll.u32 v42, $0x6;
	v45 =	vshll.u32 v43, $0x6;
	v42 =	vld [tilespmem:$0x1BD20]  }
0xeb: {  	s24 =	simm.s32 $0x13;
	s26 =	smov.u32 s20;
	s29 =	smov.u32 s18;
	[tilespmem:$0x1FFB0] =	vst v62;
	v43 =	vand.u32 $0x40, v44;
	v44 =	vand.u32 $0x40, v45;
	v45 =	vld [tilespmem:$0x1BD30]  }
.LBB2_3:
0xec: {  	v46 =	vmov s23  }
0xed: {  	v47 =	vperm.xlane v43, v46;
	_ =	sdelay $0x1  }
0xee: {  	v50 =	vshll.u32 v46, $0x7;
	v46 =	vperm.xlane v44, v46;
	v48 =	vadd.s32 v20, v47  }
0xef: {  	v51 =	vadd.s32 v21, v47;
	v52 =	vadd.s32 v22, v47;
	v47 =	vadd.s32 v23, v47  }
0xf0: {  	v6 =	vadd.s32 v20, v46;
	v57 =	vadd.s32 v21, v46;
	v7 =	vadd.s32 v22, v46  }
0xf1: {  	v46 =	vadd.s32 v23, v46;
	v49 =	vand.u32 $0xFFFFFF80, v48;
	v48 =	vand.u32 $0x7F, v48  }
0xf2: {  	v5 =	vld [tilespmem:s29+$0xFFFFFFFC];
	v2 =	vand.u32 $0xFFFFFF80, v51;
	v51 =	vand.u32 $0x7F, v51;
	v3 =	vand.u32 $0xFFFFFF80, v52  }
0xf3: {  	v61 =	vld [tilespmem:s26+$0xFFFFFFFC];
	v52 =	vand.u32 $0x7F, v52;
	v53 =	vand.u32 $0xFFFFFF80, v47;
	v47 =	vand.u32 $0x7F, v47  }
0xf4: {  	v58 =	vand.u32 $0xFFFFFF80, v6;
	v60 =	vand.u32 $0xFFFFFF80, v57;
	v57 =	vand.u32 $0x7F, v57  }
0xf5: {  	v8 =	vand.u32 $0xFFFFFF80, v7;
	v62 =	vand.u32 $0x7F, v7;
	v10 =	vand.u32 $0xFFFFFF80, v46  }
0xf6: {  	v46 =	vand.u32 $0x7F, v46;
	v7 =	vimm.s32 $0x1;
	v49 =	vadd.s32 v50, v49  }
0xf7: {  	v4 =	vadd.s32 v50, v53;
	v58 =	vadd.s32 v50, v58;
	v60 =	vadd.s32 v50, v60  }
0xf8: {  	v53 =	vshll.u32 v5, $0x6;
	v12 =	vshll.u32 v61, $0x6;
	v48 =	vor.u32 v48, v49  }
0xf9: {  	v49 =	vadd.s32 v50, v2;
	v47 =	vor.u32 v47, v4;
	v60 =	vor.u32 v57, v60  }
0xfa: {  	v57 =	vand.u32 $0x40, v53;
	v49 =	vor.u32 v51, v49;
	v51 =	vadd.s32 v50, v3  }
0xfb: {  	v11 =	vperm.xlane v57, v63;
	v51 =	vor.u32 v52, v51;
	v52 =	vand.u32 $0x7F, v6  }
0xfc: {  	v52 =	vor.u32 v52, v58;
	v58 =	vadd.s32 v50, v8;
	v50 =	vadd.s32 v50, v10  }
0xfd: {  	v13 =	vadd.s32 v20, v11;
	v1 =	vadd.s32 v21, v11;
	v3 =	vadd.s32 v22, v11  }
0xfe: {  	v9 =	vor.u32 v62, v58;
	v46 =	vor.u32 v46, v50;
	v58 =	vand.u32 $0x40, v12  }
0xff: {  	s2 =	sshll.u32 s24, $0x7;
	v24 =	vand.u32 $0xFFFFFF80, v13;
	v50 =	vand.u32 $0x7F, v13;
	v2 =	vand.u32 $0xFFFFFF80, v1  }
0x100: {  	s31 =	sadd.s32 $0xFFFFF680, s2;
	v1 =	vand.u32 $0x7F, v1;
	v25 =	vand.u32 $0xFFFFFF80, v3;
	v3 =	vand.u32 $0x7F, v3  }
0x101: {  	v62 =	vadd.s32 v23, v11;
	v14 =	vperm.xlane v58, v63;
	v63 =	vadd.s32 s31, v24  }
0x102: {  	v2 =	vadd.s32 s31, v2;
	v26 =	vand.u32 $0xFFFFFF80, v62;
	v28 =	vand.u32 $0x7F, v62  }
0x103: {  	v50 =	vor.u32 v50, v63;
	v1 =	vor.u32 v1, v2;
	v2 =	vadd.s32 s31, v25  }
0x104: {  	v2 =	vor.u32 v3, v2;
	v27 =	vadd.s32 v20, v14;
	v3 =	vadd.s32 s31, v26  }
0x105: {  	v60 =	vld.idx.msk [tilespmem:v60+s1+$0x0], $0xffff;
	v0 =	vadd.s32 v21, v14;
	v32 =	vadd.s32 v22, v14;
	v61 =	vadd.s32 v23, v14  }
0x106: {  	v63 =	vld.idx.msk [tilespmem:v51+s30+$0x0], $0xffff;
	v29 =	vand.u32 $0xFFFFFF80, v27;
	v51 =	vand.u32 $0x7F, v27;
	v3 =	vor.u32 v28, v3  }
0x107: {  	v49 =	vld.idx.msk [tilespmem:v49+s30+$0x0], $0xffff;
	v31 =	vand.u32 $0xFFFFFF80, v0;
	v0 =	vand.u32 $0x7F, v0;
	v8 =	vand.u32 $0xFFFFFF80, v32  }
0x108: {  	v4 =	vld.idx.msk [tilespmem:v47+s30+$0x0], $0xffff;
	v10 =	vand.u32 $0xFFFFFF80, v61;
	v11 =	vand.u32 $0x7F, v61;
	v28 =	vperm.xlane v57, v7  }
0x109: {  	v62 =	vadd.s32 s31, v29;
	v53 =	vld.idx.msk [tilespmem:v9+s1+$0x0], $0xffff;
	v9 =	vand.u32 $0x7F, v32;
	v12 =	vadd.s32 s31, v10  }
0x10a: {  	v52 =	vld.idx.msk [tilespmem:v52+s1+$0x0], $0xffff;
	v30 =	vor.u32 v51, v62;
	v51 =	vadd.s32 s31, v31;
	v61 =	vor.u32 v11, v12  }
0x10b: {  	v48 =	vld.idx.msk [tilespmem:v48+s30+$0x0], $0xffff;
	v14 =	vmul.f32 $5.000000000e-01, v60;
	v29 =	vadd.s32 v20, v28;
	v0 =	vor.u32 v0, v51  }
0x10c: {  	v46 =	vld.idx.msk [tilespmem:v46+s1+$0x0], $0xffff;
	v51 =	vadd.s32 s31, v8;
	v47 =	vmul.f32 $5.000000000e-01, v49;
	v31 =	vand.u32 $0xFFFFFF80, v29  }
0x10d: {  	v62 =	vand.u32 $0x7F, v29;
	v8 =	vadd.s32 v21, v28;
	v6 =	vor.u32 v9, v51  }
0x10e: {  	v51 =	vsub.f32 v14, v49;
	v49 =	vmul.f32 $5.000000000e-01, v4;
	v32 =	vand.u32 $0xFFFFFF80, v8  }
0x10f: {  	v1 =	vld.idx.msk [tilespmem:v1+s19+$0x0], $0xffff;
	v9 =	vadd.s32 v22, v28;
	v8 =	vand.u32 $0x7F, v8;
	v13 =	vmul.f32 $5.000000000e-01, v52  }
0x110: {  	s14 =	sadd.s32 $0xFFFFF700, s2;
	v5 =	vld.idx.msk [tilespmem:v50+s19+$0x0], $0xffff;
	v10 =	vand.u32 $0xFFFFFF80, v9;
	v9 =	vand.u32 $0x7F, v9;
	v25 =	vmul.f32 $5.000000000e-01, v53  }
0x111: {  	v2 =	vld.idx.msk [tilespmem:v2+s19+$0x0], $0xffff;
	v26 =	vmul.f32 $5.000000000e-01, v46;
	v46 =	vmul.f32 $5.000000000e-01, v48;
	v10 =	vadd.s32 s14, v10  }
0x112: {  	v24 =	vld.idx.msk [tilespmem:v30+s21+$0x0], $0xffff;
	v50 =	vsub.f32 v13, v48;
	v48 =	vmul.f32 $5.000000000e-01, v63;
	v30 =	vperm.xlane v58, v7  }
0x113: {  	v3 =	vld.idx.msk [tilespmem:v3+s19+$0x0], $0xffff;
	v7 =	vadd.s32 s14, v31;
	v9 =	vor.u32 v9, v10;
	v52 =	vsub.f32 v25, v63  }
0x114: {  	v53 =	vsub.f32 v26, v4;
	v1 =	vmul.f32 v1, v51;
	v7 =	vor.u32 v62, v7  }
0x115: {  	v62 =	vadd.s32 s14, v32;
	v27 =	vmul.f32 v5, v50;
	v5 =	vadd.s32 v23, v28  }
0x116: {  	v61 =	vld.idx.msk [tilespmem:v61+s21+$0x0], $0xffff;
	v8 =	vor.u32 v8, v62;
	v12 =	vadd.s32 v20, v30;
	v11 =	vadd.s32 v21, v30  }
0x117: {  	v0 =	vld.idx.msk [tilespmem:v0+s21+$0x0], $0xffff;
	v26 =	vadd.s32 v22, v30;
	v30 =	vadd.s32 v23, v30;
	v2 =	vmul.f32 v2, v52  }
0x118: {  	v6 =	vld.idx.msk [tilespmem:v6+s21+$0x0], $0xffff;
	v3 =	vmul.f32 v3, v53;
	v62 =	vand.u32 $0xFFFFFF80, v5;
	v5 =	vand.u32 $0x7F, v5  }
0x119: {  	v13 =	vand.u32 $0xFFFFFF80, v12;
	v32 =	vand.u32 $0xFFFFFF80, v30;
	v10 =	vadd.s32 s14, v62  }
0x11a: {  	v62 =	vand.u32 $0x7F, v12;
	v12 =	vand.u32 $0xFFFFFF80, v11;
	v11 =	vand.u32 $0x7F, v11  }
0x11b: {  	v1 =	vadd.f32 v1, v27;
	v27 =	vand.u32 $0xFFFFFF80, v26;
	v60 =	vmul.f32 v24, v46;
	v25 =	vld.idx.msk [tilespmem:v9+s19+$0x0], $0xffff  }
0x11c: {  	v61 =	vmul.f32 v61, v49;
	v5 =	vor.u32 v5, v10;
	v10 =	vadd.s32 s14, v13;
	v7 =	vld.idx.msk [tilespmem:v7+s19+$0x0], $0xffff  }
0x11d: {  	v12 =	vadd.s32 s14, v12;
	v0 =	vmul.f32 v0, v47;
	v6 =	vmul.f32 v6, v48;
	v14 =	vld.idx.msk [tilespmem:v8+s19+$0x0], $0xffff  }
0x11e: {  	v2 =	vadd.f32 v3, v2;
	v9 =	vand.u32 $0x7F, v26;
	v24 =	vor.u32 v11, v12  }
0x11f: {  	v10 =	vor.u32 v62, v10;
	v0 =	vadd.f32 v0, v60;
	v6 =	vadd.f32 v61, v6  }
0x120: {  	v1 =	vadd.f32 v2, v1;
	v2 =	vadd.s32 s14, v27;
	v61 =	vimm.s32 $0x2  }
0x121: {  	v8 =	vmul.f32 v25, v52;
	v62 =	vperm.xlane v57, v61;
	v0 =	vadd.f32 v6, v0  }
0x122: {  	v31 =	vmul.f32 v7, v50;
	v7 =	vadd.s32 s14, v32;
	v3 =	vmul.f32 v14, v51  }
0x123: {  	v29 =	vld.idx.msk [tilespmem:v24+s21+$0x0], $0xffff;
	v63 =	vadd.s32 v20, v62;
	v13 =	vadd.s32 v21, v62;
	v24 =	vadd.s32 v22, v62  }
0x124: {  	v5 =	vld.idx.msk [tilespmem:v5+s19+$0x0], $0xffff;
	v60 =	vadd.f32 v0, v1;
	v1 =	vor.u32 v9, v2;
	v2 =	vand.u32 $0x7F, v30  }
0x125: {  	v12 =	vand.u32 $0xFFFFFF80, v63;
	v6 =	vand.u32 $0x7F, v63;
	v14 =	vand.u32 $0xFFFFFF80, v13  }
0x126: {  	v28 =	vld.idx.msk [tilespmem:v10+s21+$0x0], $0xffff;
	v10 =	vand.u32 $0x7F, v13;
	v25 =	vand.u32 $0xFFFFFF80, v24;
	v26 =	vand.u32 $0x7F, v24  }
0x127: {  	s14 =	sadd.s32 $0xFFFFF780, s2;
	v9 =	vadd.s32 v23, v62;
	v2 =	vor.u32 v2, v7;
	v3 =	vadd.f32 v3, v31  }
0x128: {  	v7 =	vperm.xlane v58, v61;
	v11 =	vadd.s32 s14, v14;
	v27 =	vand.u32 $0xFFFFFF80, v9  }
0x129: {  	v9 =	vand.u32 $0x7F, v9;
	v14 =	vimm.s32 $0x3;
	v5 =	vmul.f32 v5, v53  }
0x12a: {  	v13 =	vperm.xlane v57, v14;
	v0 =	vmul.f32 v29, v47;
	v30 =	vadd.s32 v21, v7  }
0x12b: {  	v24 =	vadd.s32 v22, v7;
	v4 =	vadd.f32 v5, v8;
	v5 =	vmul.f32 v28, v46  }
0x12c: {  	v8 =	vadd.s32 s14, v12;
	v28 =	vadd.s32 v20, v7;
	v31 =	vand.u32 $0xFFFFFF80, v30  }
0x12d: {  	v32 =	vand.u32 $0x7F, v30;
	v7 =	vadd.s32 v23, v7;
	v62 =	vand.u32 $0x7F, v24  }
0x12e: {  	v15 =	vadd.s32 v21, v13;
	v6 =	vor.u32 v6, v8;
	v8 =	vor.u32 v10, v11  }
0x12f: {  	v10 =	vadd.s32 s14, v25;
	v11 =	vadd.s32 s14, v27;
	v29 =	vand.u32 $0xFFFFFF80, v28  }
0x130: {  	v12 =	vand.u32 $0x7F, v28;
	v25 =	vand.u32 $0xFFFFFF80, v24;
	v27 =	vadd.s32 v20, v13  }
0x131: {  	v24 =	vand.u32 $0xFFFFFF80, v15;
	v15 =	vand.u32 $0x7F, v15;
	v10 =	vor.u32 v26, v10  }
0x132: {  	v61 =	vadd.s32 s14, v29;
	v9 =	vor.u32 v9, v11;
	v26 =	vand.u32 $0xFFFFFF80, v7  }
0x133: {  	v7 =	vand.u32 $0x7F, v7;
	v28 =	vand.u32 $0xFFFFFF80, v27;
	v0 =	vadd.f32 v0, v5  }
0x134: {  	v11 =	vor.u32 v12, v61;
	v12 =	vadd.s32 s14, v31;
	v61 =	vadd.s32 s14, v25  }
0x135: {  	v63 =	vadd.s32 s14, v26;
	v25 =	vadd.s32 v22, v13;
	v13 =	vadd.s32 v23, v13  }
0x136: {  	s14 =	sadd.s32 $0xFFFFF800, s2;
	v12 =	vor.u32 v32, v12;
	v61 =	vor.u32 v62, v61;
	v7 =	vor.u32 v7, v63  }
0x137: {  	v1 =	vld.idx.msk [tilespmem:v1+s21+$0x0], $0xffff;
	v63 =	vperm.xlane v58, v14;
	v62 =	vand.u32 $0x7F, v27;
	v14 =	vadd.s32 s14, v28  }
0x138: {  	v2 =	vld.idx.msk [tilespmem:v2+s21+$0x0], $0xffff;
	v24 =	vadd.s32 s14, v24;
	v29 =	vand.u32 $0xFFFFFF80, v25;
	v25 =	vand.u32 $0x7F, v25  }
0x139: {  	v30 =	vand.u32 $0xFFFFFF80, v13;
	v15 =	vor.u32 v15, v24;
	v24 =	vadd.s32 s14, v29;
	v6 =	vld.idx.msk [tilespmem:v6+s19+$0x0], $0xffff  }
0x13a: {  	v13 =	vand.u32 $0x7F, v13;
	v14 =	vor.u32 v62, v14;
	v8 =	vld.idx.msk [tilespmem:v8+s19+$0x0], $0xffff;
	v24 =	vor.u32 v25, v24  }
0x13b: {  	v31 =	vadd.s32 v20, v63;
	v25 =	vadd.s32 s14, v30;
	v27 =	vadd.s32 v21, v63;
	v10 =	vld.idx.msk [tilespmem:v10+s19+$0x0], $0xffff  }
0x13c: {  	v30 =	vadd.s32 v22, v63;
	v63 =	vadd.s32 v23, v63;
	v1 =	vmul.f32 v1, v48;
	v9 =	vld.idx.msk [tilespmem:v9+s19+$0x0], $0xffff  }
0x13d: {  	v26 =	vand.u32 $0xFFFFFF80, v31;
	v62 =	vand.u32 $0x7F, v31;
	v13 =	vor.u32 v13, v25;
	v11 =	vld.idx.msk [tilespmem:v11+s21+$0x0], $0xffff  }
0x13e: {  	v32 =	vand.u32 $0xFFFFFF80, v27;
	v27 =	vand.u32 $0x7F, v27;
	v31 =	vand.u32 $0xFFFFFF80, v30;
	v12 =	vld.idx.msk [tilespmem:v12+s21+$0x0], $0xffff  }
0x13f: {  	v28 =	vand.u32 $0xFFFFFF80, v63;
	v2 =	vmul.f32 v2, v49;
	v26 =	vadd.s32 s14, v26;
	v61 =	vld.idx.msk [tilespmem:v61+s21+$0x0], $0xffff  }
0x140: {  	v28 =	vadd.s32 s14, v28;
	v25 =	vor.u32 v62, v26;
	v26 =	vadd.s32 s14, v32;
	v7 =	vld.idx.msk [tilespmem:v7+s21+$0x0], $0xffff  }
0x141: {  	v62 =	vand.u32 $0x7F, v30;
	v32 =	vand.u32 $0x7F, v63;
	v1 =	vadd.f32 v2, v1;
	v14 =	vld.idx.msk [tilespmem:v14+s19+$0x0], $0xffff  }
0x142: {  	v26 =	vor.u32 v27, v26;
	v27 =	vadd.s32 s14, v31;
	v15 =	vld.idx.msk [tilespmem:v15+s19+$0x0], $0xffff;
	v28 =	vor.u32 v32, v28  }
0x143: {  	v27 =	vor.u32 v62, v27;
	v24 =	vld.idx.msk [tilespmem:v24+s19+$0x0], $0xffff;
	v5 =	vmul.f32 v6, v50;
	v62 =	vmul.f32 v8, v51  }
0x144: {  	v8 =	vld.idx.msk [tilespmem:v13+s19+$0x0], $0xffff;
	v63 =	vmul.f32 v10, v52;
	v9 =	vmul.f32 v9, v53  }
0x145: {  	v3 =	vadd.f32 v4, v3;
	v0 =	vadd.f32 v1, v0;
	v29 =	vmul.f32 v11, v46;
	v10 =	vld.idx.msk [tilespmem:v25+s21+$0x0], $0xffff  }
0x146: {  	v5 =	vadd.f32 v62, v5;
	v30 =	vmul.f32 v12, v47;
	v2 =	vadd.f32 v9, v63;
	v63 =	vld [tilespmem:$0x1FF30]  }
0x147: {  	v0 =	vadd.f32 v0, v3;
	v32 =	vmul.f32 v61, v48;
	v7 =	vmul.f32 v7, v49;
	v31 =	vld.idx.msk [tilespmem:v26+s21+$0x0], $0xffff  }
0x148: {  	v62 =	vld.idx.msk [tilespmem:v28+s21+$0x0], $0xffff;
	v25 =	vmul.f32 v14, v50;
	v26 =	vmul.f32 v15, v51;
	v4 =	vadd.f32 v30, v29  }
0x149: {  	v61 =	vld.idx.msk [tilespmem:v27+s21+$0x0], $0xffff;
	v1 =	vadd.f32 v7, v32;
	v2 =	vadd.f32 v2, v5;
	v27 =	vmul.f32 v24, v52  }
0x14a: {  	v32 =	vimm.s32 $0x4;
	v8 =	vmul.f32 v8, v53;
	v5 =	vadd.f32 v26, v25  }
0x14b: {  	v1 =	vadd.f32 v1, v4;
	v9 =	vmul.f32 v60, v63;
	v28 =	vmul.f32 v10, v46  }
0x14c: {  	v4 =	vadd.f32 v8, v27;
	v60 =	vperm.xlane v57, v32;
	v63 =	vperm.xlane v58, v32  }
0x14d: {  	v29 =	vmul.f32 v31, v47;
	v1 =	vadd.f32 v1, v2;
	v6 =	vmul.f32 v62, v49  }
0x14e: {  	v30 =	vmul.f32 v61, v48;
	v59 =	vadd.f32 v9, v59;
	v62 =	vadd.s32 v20, v60  }
0x14f: {  	v12 =	vadd.s32 v21, v60;
	v14 =	vadd.s32 v22, v60;
	v27 =	vadd.s32 v20, v63  }
0x150: {  	v31 =	vld [tilespmem:$0x1FF40];
	v32 =	vadd.s32 v22, v63;
	v3 =	vadd.f32 v29, v28;
	v11 =	vand.u32 $0xFFFFFF80, v62  }
0x151: {  	v13 =	vand.u32 $0xFFFFFF80, v12;
	v7 =	vand.u32 $0x7F, v12;
	v24 =	vand.u32 $0xFFFFFF80, v14  }
0x152: {  	s14 =	sadd.s32 $0xFFFFF880, s2;
	v25 =	vand.u32 $0x7F, v14;
	v28 =	vand.u32 $0xFFFFFF80, v27;
	v9 =	vand.u32 $0x7F, v27  }
0x153: {  	v61 =	vld [tilespmem:$0x1FF50];
	v29 =	vadd.s32 v21, v63;
	v2 =	vadd.f32 v6, v30;
	v8 =	vadd.s32 s14, v13  }
0x154: {  	v6 =	vadd.s32 v23, v60;
	v10 =	vadd.s32 s14, v28;
	v30 =	vand.u32 $0xFFFFFF80, v29  }
0x155: {  	v60 =	vand.u32 $0xFFFFFF80, v32;
	v26 =	vand.u32 $0xFFFFFF80, v6;
	v0 =	vmul.f32 v0, v31  }
0x156: {  	v6 =	vand.u32 $0x7F, v6;
	v2 =	vadd.f32 v2, v3;
	v3 =	vand.u32 $0x7F, v62  }
0x157: {  	v31 =	vand.u32 $0x7F, v29;
	v62 =	vimm.s32 $0x5;
	v56 =	vadd.f32 v0, v56  }
0x158: {  	v0 =	vmul.f32 v1, v61;
	v1 =	vadd.f32 v4, v5;
	v5 =	vadd.s32 s14, v11  }
0x159: {  	v4 =	vadd.s32 v23, v63;
	v11 =	vand.u32 $0x7F, v32;
	v63 =	vperm.xlane v57, v62  }
0x15a: {  	v3 =	vor.u32 v3, v5;
	v5 =	vor.u32 v7, v8;
	v7 =	vadd.s32 s14, v24  }
0x15b: {  	v8 =	vadd.s32 s14, v26;
	v61 =	vand.u32 $0xFFFFFF80, v4;
	v4 =	vand.u32 $0x7F, v4  }
0x15c: {  	v7 =	vor.u32 v25, v7;
	v6 =	vor.u32 v6, v8;
	v8 =	vor.u32 v9, v10  }
0x15d: {  	v9 =	vadd.s32 s14, v30;
	v10 =	vadd.s32 s14, v60;
	v12 =	vadd.s32 s14, v61  }
0x15e: {  	v28 =	vadd.s32 v20, v63;
	v15 =	vadd.s32 v21, v63;
	v13 =	vadd.s32 v23, v63  }
0x15f: {  	v1 =	vadd.f32 v2, v1;
	v9 =	vor.u32 v31, v9;
	v10 =	vor.u32 v11, v10  }
0x160: {  	v4 =	vor.u32 v4, v12;
	v12 =	vperm.xlane v58, v62;
	v29 =	vand.u32 $0xFFFFFF80, v28  }
0x161: {  	v11 =	vand.u32 $0x7F, v28;
	v30 =	vand.u32 $0xFFFFFF80, v15;
	v15 =	vand.u32 $0x7F, v15  }
0x162: {  	s14 =	sadd.s32 $0xFFFFF900, s2;
	v31 =	vadd.s32 v22, v63;
	v60 =	vand.u32 $0xFFFFFF80, v13;
	v13 =	vand.u32 $0x7F, v13  }
0x163: {  	v14 =	vadd.s32 s14, v29;
	v24 =	vadd.s32 s14, v30;
	v32 =	vand.u32 $0x7F, v31;
	v3 =	vld.idx.msk [tilespmem:v3+s19+$0x0], $0xffff  }
0x164: {  	v11 =	vor.u32 v11, v14;
	v14 =	vor.u32 v15, v24;
	v15 =	vand.u32 $0xFFFFFF80, v31;
	v5 =	vld.idx.msk [tilespmem:v5+s19+$0x0], $0xffff  }
0x165: {  	v61 =	vadd.s32 v20, v12;
	v24 =	vadd.s32 s14, v60;
	v63 =	vadd.s32 v21, v12;
	v7 =	vld.idx.msk [tilespmem:v7+s19+$0x0], $0xffff  }
0x166: {  	v15 =	vadd.s32 s14, v15;
	v62 =	vand.u32 $0xFFFFFF80, v61;
	v25 =	vand.u32 $0x7F, v61;
	v6 =	vld.idx.msk [tilespmem:v6+s19+$0x0], $0xffff  }
0x167: {  	v13 =	vor.u32 v13, v24;
	v30 =	vand.u32 $0xFFFFFF80, v63;
	v31 =	vand.u32 $0x7F, v63;
	v8 =	vld.idx.msk [tilespmem:v8+s21+$0x0], $0xffff  }
0x168: {  	v15 =	vor.u32 v32, v15;
	v26 =	vadd.s32 s14, v62;
	v32 =	vadd.s32 v22, v12;
	v9 =	vld.idx.msk [tilespmem:v9+s21+$0x0], $0xffff  }
0x169: {  	v12 =	vadd.s32 v23, v12;
	v24 =	vor.u32 v25, v26;
	v10 =	vld.idx.msk [tilespmem:v10+s21+$0x0], $0xffff;
	v25 =	vadd.s32 s14, v30  }
0x16a: {  	v4 =	vld.idx.msk [tilespmem:v4+s21+$0x0], $0xffff;
	v60 =	vand.u32 $0xFFFFFF80, v32;
	v27 =	vand.u32 $0x7F, v32;
	v61 =	vand.u32 $0xFFFFFF80, v12  }
0x16b: {  	v12 =	vand.u32 $0x7F, v12;
	v32 =	vld [tilespmem:$0x1FF60];
	v25 =	vor.u32 v31, v25;
	v26 =	vadd.s32 s14, v60  }
0x16c: {  	v62 =	vadd.s32 s14, v61;
	v11 =	vld.idx.msk [tilespmem:v11+s19+$0x0], $0xffff;
	v3 =	vmul.f32 v3, v50;
	v5 =	vmul.f32 v5, v51  }
0x16d: {  	v14 =	vld.idx.msk [tilespmem:v14+s19+$0x0], $0xffff;
	v26 =	vor.u32 v27, v26;
	v63 =	vmul.f32 v7, v52;
	v6 =	vmul.f32 v6, v53  }
0x16e: {  	v12 =	vor.u32 v12, v62;
	v15 =	vld.idx.msk [tilespmem:v15+s19+$0x0], $0xffff;
	v27 =	vmul.f32 v8, v46;
	v28 =	vmul.f32 v9, v47  }
0x16f: {  	v55 =	vadd.f32 v0, v55;
	v7 =	vld.idx.msk [tilespmem:v13+s19+$0x0], $0xffff;
	v30 =	vmul.f32 v10, v48;
	v4 =	vmul.f32 v4, v49  }
0x170: {  	v29 =	vld.idx.msk [tilespmem:v24+s21+$0x0], $0xffff;
	v3 =	vadd.f32 v5, v3;
	v1 =	vmul.f32 v1, v32;
	v0 =	vadd.f32 v6, v63  }
0x171: {  	v31 =	vld.idx.msk [tilespmem:v25+s21+$0x0], $0xffff;
	v25 =	vimm.s32 $0x6;
	v2 =	vadd.f32 v28, v27;
	v4 =	vadd.f32 v4, v30  }
0x172: {  	v60 =	vld.idx.msk [tilespmem:v26+s21+$0x0], $0xffff;
	v62 =	vmul.f32 v11, v50;
	v63 =	vmul.f32 v14, v51;
	v54 =	vadd.f32 v1, v54  }
0x173: {  	v61 =	vld.idx.msk [tilespmem:v12+s21+$0x0], $0xffff;
	v26 =	vperm.xlane v57, v25;
	v12 =	vperm.xlane v58, v25;
	v0 =	vadd.f32 v0, v3  }
0x174: {  	v24 =	vmul.f32 v15, v52;
	v7 =	vmul.f32 v7, v53;
	v2 =	vadd.f32 v4, v2  }
0x175: {  	v27 =	vadd.f32 v63, v62;
	v30 =	vadd.s32 v20, v26;
	v32 =	vadd.s32 v21, v26  }
0x176: {  	v3 =	vadd.s32 v23, v26;
	v25 =	vadd.s32 v20, v12;
	v15 =	vimm.s32 $0x7  }
0x177: {  	v28 =	vmul.f32 v29, v46;
	v9 =	vand.u32 $0x7F, v30;
	v11 =	vand.u32 $0x7F, v32  }
0x178: {  	v63 =	vand.u32 $0xFFFFFF80, v3;
	v3 =	vand.u32 $0x7F, v3;
	v4 =	vand.u32 $0x7F, v25  }
0x179: {  	s14 =	sadd.s32 $0xFFFFF980, s2;
	v1 =	vadd.f32 v7, v24;
	v29 =	vmul.f32 v31, v47;
	v31 =	vand.u32 $0xFFFFFF80, v30  }
0x17a: {  	v24 =	vadd.s32 s14, v63;
	v6 =	vmul.f32 v60, v48;
	v5 =	vmul.f32 v61, v49  }
0x17b: {  	v10 =	vadd.s32 s14, v31;
	v60 =	vand.u32 $0xFFFFFF80, v32;
	v61 =	vadd.s32 v22, v26  }
0x17c: {  	v3 =	vor.u32 v3, v24;
	v26 =	vand.u32 $0xFFFFFF80, v25;
	v32 =	vadd.s32 v22, v12  }
0x17d: {  	v9 =	vor.u32 v9, v10;
	v10 =	vadd.s32 s14, v60;
	v62 =	vand.u32 $0xFFFFFF80, v61  }
0x17e: {  	v13 =	vand.u32 $0x7F, v61;
	v1 =	vadd.f32 v1, v27;
	v7 =	vadd.f32 v29, v28  }
0x17f: {  	v28 =	vadd.s32 v21, v12;
	v60 =	vand.u32 $0xFFFFFF80, v32;
	v12 =	vadd.s32 v23, v12  }
0x180: {  	v10 =	vor.u32 v11, v10;
	v11 =	vadd.s32 s14, v62;
	v5 =	vadd.f32 v5, v6  }
0x181: {  	v6 =	vadd.s32 s14, v26;
	v30 =	vand.u32 $0xFFFFFF80, v28;
	v61 =	vand.u32 $0xFFFFFF80, v12  }
0x182: {  	v12 =	vand.u32 $0x7F, v12;
	v62 =	vperm.xlane v57, v15;
	v11 =	vor.u32 v13, v11  }
0x183: {  	v4 =	vor.u32 v4, v6;
	v6 =	vadd.s32 s14, v30;
	v13 =	vadd.s32 s14, v61  }
0x184: {  	v5 =	vadd.f32 v5, v7;
	v63 =	vor.u32 v12, v13;
	v13 =	vperm.xlane v58, v15;
	v3 =	vld.idx.msk [tilespmem:v3+s19+$0x0], $0xffff  }
0x185: {  	v30 =	vadd.s32 v22, v62;
	v14 =	vadd.s32 v23, v62;
	v27 =	vld.idx.msk [tilespmem:v9+s19+$0x0], $0xffff;
	v9 =	vand.u32 $0x7F, v28  }
0x186: {  	v25 =	vand.u32 $0x7F, v30;
	v28 =	vadd.s32 v20, v62;
	v29 =	vld.idx.msk [tilespmem:v10+s19+$0x0], $0xffff;
	v6 =	vor.u32 v9, v6  }
0x187: {  	v9 =	vadd.s32 s14, v60;
	v15 =	vand.u32 $0xFFFFFF80, v28;
	s14 =	sadd.s32 $0xFFFFFA00, s2;
	v12 =	vand.u32 $0x7F, v28;
	v31 =	vld.idx.msk [tilespmem:v11+s19+$0x0], $0xffff  }
0x188: {  	v60 =	vadd.s32 v20, v13;
	v11 =	vand.u32 $0x7F, v32;
	v15 =	vadd.s32 s14, v15  }
0x189: {  	v4 =	vld.idx.msk [tilespmem:v4+s21+$0x0], $0xffff;
	v32 =	vand.u32 $0xFFFFFF80, v14;
	v14 =	vand.u32 $0x7F, v14;
	v61 =	vand.u32 $0xFFFFFF80, v60  }
0x18a: {  	v9 =	vor.u32 v11, v9;
	v12 =	vor.u32 v12, v15;
	v3 =	vmul.f32 v3, v53  }
0x18b: {  	v8 =	vmul.f32 v27, v50;
	v7 =	vmul.f32 v29, v51;
	v29 =	vadd.s32 v21, v62  }
0x18c: {  	v62 =	vadd.s32 v21, v13;
	v10 =	vmul.f32 v31, v52;
	v15 =	vand.u32 $0xFFFFFF80, v29  }
0x18d: {  	v11 =	vld.idx.msk [tilespmem:v63+s21+$0x0], $0xffff;
	v24 =	vand.u32 $0x7F, v29;
	v31 =	vand.u32 $0xFFFFFF80, v30;
	v63 =	vand.u32 $0xFFFFFF80, v62  }
0x18e: {  	v4 =	vmul.f32 v4, v46;
	v29 =	vadd.s32 v23, v13;
	v15 =	vadd.s32 s14, v15  }
0x18f: {  	v6 =	vld.idx.msk [tilespmem:v6+s21+$0x0], $0xffff;
	v26 =	vadd.s32 s14, v31;
	v31 =	vand.u32 $0x7F, v62;
	v62 =	vadd.f32 v2, v0  }
0x190: {  	v15 =	vor.u32 v24, v15;
	v24 =	vor.u32 v25, v26;
	v25 =	vadd.s32 s14, v32  }
0x191: {  	v9 =	vld.idx.msk [tilespmem:v9+s21+$0x0], $0xffff;
	v26 =	vand.u32 $0x7F, v60;
	v32 =	vadd.s32 s14, v63;
	v60 =	vadd.f32 v5, v1  }
0x192: {  	v3 =	vadd.f32 v3, v10;
	v14 =	vor.u32 v14, v25;
	v25 =	vadd.s32 s14, v61  }
0x193: {  	v30 =	vor.u32 v31, v32;
	v31 =	vadd.f32 v7, v8;
	v32 =	vadd.s32 v22, v13  }
0x194: {  	v12 =	vld.idx.msk [tilespmem:v12+s19+$0x0], $0xffff;
	v8 =	vand.u32 $0x7F, v29;
	v25 =	vor.u32 v26, v25;
	v6 =	vmul.f32 v6, v47  }
0x195: {  	v27 =	vand.u32 $0x7F, v32;
	v61 =	vadd.f32 v3, v31;
	v31 =	vand.u32 $0xFFFFFF80, v29;
	v0 =	vld.idx.msk [tilespmem:v15+s19+$0x0], $0xffff  }
0x196: {  	v9 =	vmul.f32 v9, v48;
	v4 =	vadd.f32 v6, v4;
	v10 =	vadd.s32 s14, v31;
	v5 =	vld.idx.msk [tilespmem:v24+s19+$0x0], $0xffff  }
0x197: {  	v24 =	vand.u32 $0xFFFFFF80, v32;
	v32 =	vimm.s32 $0x8;
	v7 =	vld.idx.msk [tilespmem:v14+s19+$0x0], $0xffff;
	v14 =	vmul.f32 v11, v49  }
0x198: {  	v8 =	vor.u32 v8, v10;
	v28 =	vadd.s32 s14, v24;
	v63 =	vperm.xlane v57, v32  }
0x199: {  	v1 =	vld.idx.msk [tilespmem:v30+s21+$0x0], $0xffff;
	v30 =	vmul.f32 v12, v50;
	v3 =	vor.u32 v27, v28;
	v6 =	vadd.f32 v14, v9  }
0x19a: {  	v24 =	vadd.s32 v20, v63;
	v9 =	vperm.xlane v58, v32;
	v28 =	vadd.s32 v22, v63  }
0x19b: {  	v26 =	vld.idx.msk [tilespmem:v25+s21+$0x0], $0xffff;
	v11 =	vadd.s32 v23, v63;
	v25 =	vand.u32 $0xFFFFFF80, v24;
	v29 =	vand.u32 $0xFFFFFF80, v28  }
0x19c: {  	s14 =	sadd.s32 $0xFFFFFA80, s2;
	v31 =	vand.u32 $0xFFFFFF80, v11;
	v11 =	vand.u32 $0x7F, v11;
	v0 =	vmul.f32 v0, v51  }
0x19d: {  	v5 =	vmul.f32 v5, v52;
	v10 =	vadd.s32 s14, v25;
	v32 =	vadd.s32 v20, v9  }
0x19e: {  	v4 =	vadd.f32 v6, v4;
	v7 =	vmul.f32 v7, v53;
	v1 =	vmul.f32 v1, v47  }
0x19f: {  	v15 =	vand.u32 $0xFFFFFF80, v32;
	v14 =	vand.u32 $0x7F, v32;
	v0 =	vadd.f32 v0, v30  }
0x1a0: {  	v2 =	vmul.f32 v26, v46;
	v26 =	vadd.s32 v21, v63;
	v30 =	vand.u32 $0x7F, v28  }
0x1a1: {  	v8 =	vld.idx.msk [tilespmem:v8+s21+$0x0], $0xffff;
	v15 =	vadd.s32 s14, v15;
	v63 =	vadd.s32 v21, v9;
	v4 =	vadd.f32 v4, v61  }
0x1a2: {  	v5 =	vadd.f32 v7, v5;
	v7 =	vand.u32 $0x7F, v24;
	v27 =	vand.u32 $0xFFFFFF80, v26  }
0x1a3: {  	v12 =	vand.u32 $0x7F, v26;
	v28 =	vand.u32 $0xFFFFFF80, v63;
	v13 =	vadd.s32 s14, v27  }
0x1a4: {  	v7 =	vor.u32 v7, v10;
	v1 =	vadd.f32 v1, v2;
	v10 =	vor.u32 v12, v13  }
0x1a5: {  	v12 =	vadd.s32 s14, v29;
	v13 =	vadd.s32 s14, v31;
	v29 =	vadd.s32 v22, v9  }
0x1a6: {  	v9 =	vadd.s32 v23, v9;
	v31 =	vimm.s32 $0x9;
	v8 =	vmul.f32 v8, v49  }
0x1a7: {  	v0 =	vadd.f32 v5, v0;
	v12 =	vor.u32 v30, v12;
	v11 =	vor.u32 v11, v13  }
0x1a8: {  	v13 =	vor.u32 v14, v15;
	v15 =	vand.u32 $0x7F, v63;
	v14 =	vadd.s32 s14, v28  }
0x1a9: {  	v30 =	vand.u32 $0xFFFFFF80, v9;
	v26 =	vperm.xlane v57, v31;
	v9 =	vand.u32 $0x7F, v9  }
0x1aa: {  	v14 =	vor.u32 v15, v14;
	v15 =	vand.u32 $0xFFFFFF80, v29;
	v25 =	vadd.s32 s14, v30  }
0x1ab: {  	v24 =	vand.u32 $0x7F, v29;
	v15 =	vadd.s32 s14, v15;
	v9 =	vor.u32 v9, v25  }
0x1ac: {  	v32 =	vadd.s32 v20, v26;
	v25 =	vperm.xlane v58, v31;
	v28 =	vadd.s32 v21, v26  }
0x1ad: {  	v3 =	vld.idx.msk [tilespmem:v3+s21+$0x0], $0xffff;
	v29 =	vadd.s32 v22, v26;
	v26 =	vadd.s32 v23, v26;
	v15 =	vor.u32 v24, v15  }
0x1ae: {  	s14 =	sadd.s32 $0xFFFFFB00, s2;
	v63 =	vand.u32 $0xFFFFFF80, v32;
	v24 =	vand.u32 $0x7F, v32;
	v32 =	vand.u32 $0xFFFFFF80, v28;
	v7 =	vld.idx.msk [tilespmem:v7+s19+$0x0], $0xffff  }
0x1af: {  	v28 =	vand.u32 $0x7F, v28;
	v27 =	vadd.s32 s14, v63;
	v63 =	vadd.s32 s14, v32;
	v10 =	vld.idx.msk [tilespmem:v10+s19+$0x0], $0xffff  }
0x1b0: {  	v24 =	vor.u32 v24, v27;
	v27 =	vor.u32 v28, v63;
	v63 =	vand.u32 $0xFFFFFF80, v29;
	v12 =	vld.idx.msk [tilespmem:v12+s19+$0x0], $0xffff  }
0x1b1: {  	v32 =	vand.u32 $0xFFFFFF80, v26;
	v29 =	vand.u32 $0x7F, v29;
	v11 =	vld.idx.msk [tilespmem:v11+s19+$0x0], $0xffff;
	v28 =	vadd.s32 s14, v63  }
0x1b2: {  	v63 =	vadd.s32 v20, v25;
	v28 =	vor.u32 v29, v28;
	v29 =	vadd.s32 s14, v32;
	v32 =	vld [tilespmem:$0x1FF70]  }
0x1b3: {  	v3 =	vmul.f32 v3, v48;
	v26 =	vand.u32 $0x7F, v26;
	v13 =	vld.idx.msk [tilespmem:v13+s21+$0x0], $0xffff;
	v30 =	vand.u32 $0xFFFFFF80, v63  }
0x1b4: {  	v31 =	vadd.s32 v21, v25;
	v14 =	vld.idx.msk [tilespmem:v14+s21+$0x0], $0xffff;
	v63 =	vand.u32 $0x7F, v63;
	v30 =	vadd.s32 s14, v30  }
0x1b5: {  	v9 =	vld.idx.msk [tilespmem:v9+s21+$0x0], $0xffff;
	v26 =	vor.u32 v26, v29;
	v29 =	vor.u32 v63, v30;
	v63 =	vand.u32 $0xFFFFFF80, v31  }
0x1b6: {  	v15 =	vld.idx.msk [tilespmem:v15+s21+$0x0], $0xffff;
	v2 =	vmul.f32 v7, v50;
	v31 =	vand.u32 $0x7F, v31;
	v30 =	vadd.s32 s14, v63  }
0x1b7: {  	v63 =	vadd.s32 v22, v25;
	v62 =	vmul.f32 v62, v32;
	v32 =	vadd.f32 v8, v3;
	v3 =	vld.idx.msk [tilespmem:v28+s19+$0x0], $0xffff  }
0x1b8: {  	v25 =	vadd.s32 v23, v25;
	v30 =	vor.u32 v31, v30;
	v31 =	vand.u32 $0xFFFFFF80, v63;
	v28 =	vld [tilespmem:$0x1FF80]  }
0x1b9: {  	v27 =	vld.idx.msk [tilespmem:v27+s19+$0x0], $0xffff;
	v61 =	vmul.f32 v12, v52;
	v63 =	vand.u32 $0x7F, v63;
	v31 =	vadd.s32 s14, v31  }
0x1ba: {  	v24 =	vld.idx.msk [tilespmem:v24+s19+$0x0], $0xffff;
	v11 =	vmul.f32 v11, v53;
	v9 =	vmul.f32 v9, v49;
	v31 =	vor.u32 v63, v31  }
0x1bb: {  	v63 =	vand.u32 $0xFFFFFF80, v25;
	v25 =	vand.u32 $0x7F, v25;
	v5 =	vld.idx.msk [tilespmem:v26+s19+$0x0], $0xffff;
	v26 =	vmul.f32 v13, v46  }
0x1bc: {  	v63 =	vadd.s32 s14, v63;
	v1 =	vadd.f32 v32, v1;
	v32 =	vmul.f32 v10, v51  }
0x1bd: {  	v10 =	vadd.f32 v11, v61;
	v8 =	vor.u32 v25, v63;
	v25 =	vmul.f32 v60, v28;
	v60 =	vld.idx.msk [tilespmem:v29+s21+$0x0], $0xffff  }
0x1be: {  	v63 =	vld.idx.msk [tilespmem:v30+s21+$0x0], $0xffff;
	v2 =	vadd.f32 v32, v2;
	v30 =	vmul.f32 v15, v48;
	v32 =	vmul.f32 v27, v51  }
0x1bf: {  	v0 =	vadd.f32 v1, v0;
	v28 =	vmul.f32 v14, v47;
	v3 =	vmul.f32 v3, v52;
	v29 =	vld.idx.msk [tilespmem:v31+s21+$0x0], $0xffff  }
0x1c0: {  	v31 =	vmul.f32 v24, v50;
	v6 =	vadd.f32 v9, v30;
	v5 =	vmul.f32 v5, v53  }
0x1c1: {  	v61 =	vimm.s32 $0xA;
	v2 =	vadd.f32 v10, v2;
	v1 =	vadd.f32 v28, v26  }
0x1c2: {  	v8 =	vld.idx.msk [tilespmem:v8+s21+$0x0], $0xffff;
	v9 =	vadd.f32 v32, v31;
	v3 =	vadd.f32 v5, v3;
	v7 =	vmul.f32 v60, v46  }
0x1c3: {  	v1 =	vadd.f32 v6, v1;
	v60 =	vmul.f32 v63, v47;
	v63 =	vperm.xlane v57, v61  }
0x1c4: {  	v3 =	vadd.f32 v3, v9;
	v24 =	vmul.f32 v29, v48  }
0x1c5: {  	v1 =	vadd.f32 v1, v2;
	v5 =	vadd.f32 v60, v7;
	v26 =	vadd.s32 v20, v63  }
0x1c6: {  	v28 =	vadd.s32 v21, v63;
	v30 =	vadd.s32 v22, v63;
	v10 =	vadd.s32 v23, v63  }
0x1c7: {  	v8 =	vmul.f32 v8, v49;
	v27 =	vand.u32 $0xFFFFFF80, v26;
	v6 =	vand.u32 $0x7F, v26  }
0x1c8: {  	v29 =	vand.u32 $0xFFFFFF80, v28;
	v12 =	vand.u32 $0x7F, v28;
	v31 =	vand.u32 $0xFFFFFF80, v30  }
0x1c9: {  	s14 =	sadd.s32 $0xFFFFFB80, s2;
	v13 =	vand.u32 $0x7F, v30;
	v32 =	vand.u32 $0xFFFFFF80, v10;
	v30 =	vadd.f32 v62, v59  }
0x1ca: {  	v11 =	vadd.s32 s14, v27;
	v14 =	vadd.s32 s14, v31;
	v7 =	vadd.f32 v8, v24  }
0x1cb: {  	v62 =	vld [tilespmem:$0x1FFB0];
	v8 =	vperm.xlane v58, v61;
	v6 =	vor.u32 v6, v11;
	v11 =	vadd.s32 s14, v29  }
0x1cc: {  	v10 =	vand.u32 $0x7F, v10;
	v11 =	vor.u32 v12, v11;
	v12 =	vor.u32 v13, v14  }
0x1cd: {  	v31 =	vld [tilespmem:$0x1FF90];
	v13 =	vadd.s32 s14, v32;
	v32 =	vadd.f32 v25, v56;
	v60 =	vadd.s32 v20, v8  }
0x1ce: {  	v10 =	vor.u32 v10, v13;
	v15 =	vadd.s32 v21, v8;
	v5 =	vadd.f32 v7, v5  }
0x1cf: {  	v24 =	vadd.s32 v22, v8;
	v61 =	vand.u32 $0xFFFFFF80, v60;
	v14 =	vand.u32 $0x7F, v60  }
0x1d0: {  	v63 =	vand.u32 $0xFFFFFF80, v15;
	v28 =	vand.u32 $0x7F, v15;
	v1 =	vmul.f32 v1, v62  }
0x1d1: {  	v27 =	vand.u32 $0xFFFFFF80, v24;
	v13 =	vadd.s32 s14, v61;
	v15 =	vadd.s32 s14, v63;
	v61 =	vld [tilespmem:$0x1FFA0]  }
0x1d2: {  	v4 =	vmul.f32 v4, v31;
	v3 =	vadd.f32 v5, v3;
	v31 =	vadd.s32 v23, v8;
	v6 =	vld.idx.msk [tilespmem:v6+s19+$0x0], $0xffff  }
0x1d3: {  	v13 =	vor.u32 v14, v13;
	v29 =	vor.u32 v28, v15;
	v56 =	vadd.f32 v1, v30;
	v2 =	vld.idx.msk [tilespmem:v11+s19+$0x0], $0xffff  }
0x1d4: {  	v30 =	vadd.s32 s14, v27;
	v8 =	vand.u32 $0xFFFFFF80, v31;
	v5 =	vld.idx.msk [tilespmem:v12+s19+$0x0], $0xffff;
	v25 =	vmul.f32 v3, v33  }
0x1d5: {  	v7 =	vand.u32 $0x7F, v31;
	v60 =	vadd.f32 v4, v55;
	v8 =	vadd.s32 s14, v8  }
0x1d6: {  	v55 =	vadd.f32 v25, v32;
	v32 =	vimm.s32 $0xB;
	v0 =	vmul.f32 v0, v61  }
0x1d7: {  	v63 =	vld.idx.msk [tilespmem:v10+s19+$0x0], $0xffff;
	v7 =	vor.u32 v7, v8;
	v59 =	vperm.xlane v57, v32;
	v10 =	vperm.xlane v58, v32  }
0x1d8: {  	v28 =	vld.idx.msk [tilespmem:v29+s21+$0x0], $0xffff;
	v29 =	vand.u32 $0x7F, v24;
	v6 =	vmul.f32 v6, v50;
	v54 =	vadd.f32 v0, v54  }
0x1d9: {  	v0 =	vor.u32 v29, v30;
	v2 =	vmul.f32 v2, v51;
	v5 =	vmul.f32 v5, v52  }
0x1da: {  	v61 =	vadd.s32 v20, v59;
	v25 =	vadd.s32 v22, v59;
	v9 =	vadd.s32 v23, v59  }
0x1db: {  	v29 =	vadd.s32 v20, v10;
	v30 =	vadd.s32 v21, v10;
	v32 =	vadd.s32 v22, v10  }
0x1dc: {  	v10 =	vadd.s32 v23, v10;
	v4 =	vmul.f32 v63, v53;
	v62 =	vand.u32 $0xFFFFFF80, v61  }
0x1dd: {  	v26 =	vld.idx.msk [tilespmem:v13+s21+$0x0], $0xffff;
	v63 =	vadd.s32 v21, v59;
	v8 =	vand.u32 $0x7F, v61;
	v27 =	vand.u32 $0x7F, v25  }
0x1de: {  	s14 =	sadd.s32 $0xFFFFFC00, s2;
	v15 =	vand.u32 $0xFFFFFF80, v29;
	v14 =	vand.u32 $0x7F, v29;
	v31 =	vand.u32 $0xFFFFFF80, v30  }
0x1df: {  	v59 =	vand.u32 $0xFFFFFF80, v10;
	v10 =	vand.u32 $0x7F, v10;
	v11 =	vadd.s32 s14, v62  }
0x1e0: {  	v24 =	vand.u32 $0xFFFFFF80, v63;
	v12 =	vand.u32 $0x7F, v63;
	v15 =	vadd.s32 s14, v15  }
0x1e1: {  	v2 =	vadd.f32 v2, v6;
	v13 =	vadd.s32 s14, v24;
	v8 =	vor.u32 v8, v11  }
0x1e2: {  	v24 =	vand.u32 $0x7F, v32;
	v4 =	vadd.f32 v4, v5;
	v3 =	vmul.f32 v26, v46  }
0x1e3: {  	v7 =	vld.idx.msk [tilespmem:v7+s21+$0x0], $0xffff;
	v1 =	vmul.f32 v28, v47;
	v11 =	vor.u32 v12, v13;
	v26 =	vand.u32 $0xFFFFFF80, v25  }
0x1e4: {  	v28 =	vand.u32 $0xFFFFFF80, v9;
	v9 =	vand.u32 $0x7F, v9;
	v25 =	vadd.s32 s14, v59  }
0x1e5: {  	v12 =	vadd.s32 s14, v26;
	v13 =	vadd.s32 s14, v28;
	v26 =	vperm.xlane v57, v16  }
0x1e6: {  	v10 =	vor.u32 v10, v25;
	v2 =	vadd.f32 v4, v2;
	v12 =	vor.u32 v27, v12  }
0x1e7: {  	v9 =	vor.u32 v9, v13;
	v13 =	vor.u32 v14, v15;
	v15 =	vand.u32 $0x7F, v30  }
0x1e8: {  	v14 =	vadd.s32 s14, v31;
	v27 =	vperm.xlane v58, v16;
	v7 =	vmul.f32 v7, v49  }
0x1e9: {  	v1 =	vadd.f32 v1, v3;
	v14 =	vor.u32 v15, v14;
	v15 =	vand.u32 $0xFFFFFF80, v32  }
0x1ea: {  	v25 =	vld [tilespmem:s29+$0x0];
	v61 =	vadd.s32 v20, v26;
	v63 =	vadd.s32 v21, v26;
	v15 =	vadd.s32 s14, v15  }
0x1eb: {  	v0 =	vld.idx.msk [tilespmem:v0+s21+$0x0], $0xffff;
	v62 =	vand.u32 $0xFFFFFF80, v61;
	s14 =	sadd.s32 $0xFFFFFC80, s2;
	v59 =	vand.u32 $0xFFFFFF80, v63;
	v29 =	vand.u32 $0x7F, v63  }
0x1ec: {  	v15 =	vor.u32 v24, v15;
	v24 =	vand.u32 $0x7F, v61;
	v28 =	vadd.s32 s14, v62  }
0x1ed: {  	v30 =	vadd.s32 s14, v59;
	v61 =	vadd.s32 v22, v26;
	v26 =	vadd.s32 v23, v26  }
0x1ee: {  	v24 =	vor.u32 v24, v28;
	v28 =	vor.u32 v29, v30;
	v62 =	vand.u32 $0xFFFFFF80, v61  }
0x1ef: {  	v8 =	vld.idx.msk [tilespmem:v8+s19+$0x0], $0xffff;
	v63 =	vand.u32 $0x7F, v61;
	v59 =	vand.u32 $0xFFFFFF80, v26;
	v61 =	vadd.s32 v20, v27  }
0x1f0: {  	v11 =	vld.idx.msk [tilespmem:v11+s19+$0x0], $0xffff;
	v26 =	vand.u32 $0x7F, v26;
	v0 =	vmul.f32 v0, v48;
	v25 =	vshll.u32 v25, $0x6  }
0x1f1: {  	v10 =	vld.idx.msk [tilespmem:v10+s21+$0x0], $0xffff;
	v29 =	vadd.s32 s14, v62;
	v30 =	vadd.s32 s14, v59;
	v62 =	vand.u32 $0xFFFFFF80, v61  }
0x1f2: {  	v12 =	vld.idx.msk [tilespmem:v12+s19+$0x0], $0xffff;
	v31 =	vand.u32 $0x7F, v61;
	v61 =	vadd.s32 v21, v27;
	v29 =	vor.u32 v63, v29  }
0x1f3: {  	v9 =	vld.idx.msk [tilespmem:v9+s19+$0x0], $0xffff;
	v59 =	vadd.s32 s14, v62;
	v26 =	vor.u32 v26, v30;
	v63 =	vand.u32 $0xFFFFFF80, v61  }
0x1f4: {  	v13 =	vld.idx.msk [tilespmem:v13+s21+$0x0], $0xffff;
	v0 =	vadd.f32 v7, v0;
	v30 =	vor.u32 v31, v59;
	v59 =	vand.u32 $0x7F, v61  }
0x1f5: {  	v14 =	vld.idx.msk [tilespmem:v14+s21+$0x0], $0xffff;
	v31 =	vadd.s32 s14, v63;
	v61 =	vadd.s32 v22, v27;
	v27 =	vadd.s32 v23, v27  }
0x1f6: {  	v15 =	vld.idx.msk [tilespmem:v15+s21+$0x0], $0xffff;
	v31 =	vor.u32 v59, v31;
	v32 =	vand.u32 $0xFFFFFF80, v61;
	v61 =	vand.u32 $0x7F, v61  }
0x1f7: {  	v62 =	vmul.f32 v11, v51;
	v0 =	vadd.f32 v0, v1;
	v24 =	vld.idx.msk [tilespmem:v24+s19+$0x0], $0xffff;
	v59 =	vadd.s32 s14, v32  }
0x1f8: {  	v32 =	vand.u32 $0xFFFFFF80, v27;
	v28 =	vld.idx.msk [tilespmem:v28+s19+$0x0], $0xffff;
	v27 =	vand.u32 $0x7F, v27;
	v61 =	vor.u32 v61, v59  }
0x1f9: {  	v63 =	vadd.s32 s14, v32;
	v59 =	vand.u32 $0x40, v25;
	v32 =	vmul.f32 v8, v50;
	v29 =	vld.idx.msk [tilespmem:v29+s19+$0x0], $0xffff  }
0x1fa: {  	v25 =	vmul.f32 v9, v53;
	v27 =	vor.u32 v27, v63;
	v5 =	vld.idx.msk [tilespmem:v26+s19+$0x0], $0xffff;
	v63 =	vmul.f32 v12, v52  }
0x1fb: {  	v6 =	vmul.f32 v13, v46;
	v26 =	vmul.f32 v14, v47;
	v4 =	vadd.f32 v62, v32  }
0x1fc: {  	v10 =	vmul.f32 v10, v49;
	v3 =	vld.idx.msk [tilespmem:v30+s21+$0x0], $0xffff;
	v62 =	vadd.f32 v0, v2;
	v1 =	vadd.f32 v25, v63  }
0x1fd: {  	v7 =	vld.idx.msk [tilespmem:v31+s21+$0x0], $0xffff;
	v31 =	vmul.f32 v15, v48;
	v6 =	vadd.f32 v26, v6;
	v14 =	vmul.f32 v24, v50  }
0x1fe: {  	v32 =	vld [tilespmem:s26+$0x0];
	v24 =	vmul.f32 v28, v51;
	v28 =	vperm.xlane v57, v17;
	v1 =	vadd.f32 v1, v4  }
0x1ff: {  	v8 =	vadd.f32 v10, v31;
	v25 =	vmul.f32 v29, v52;
	v5 =	vmul.f32 v5, v53  }
0x200: {  	v9 =	vld.idx.msk [tilespmem:v61+s21+$0x0], $0xffff;
	v0 =	vadd.f32 v24, v14;
	v63 =	vadd.s32 v22, v28;
	v4 =	vadd.s32 v23, v28  }
0x201: {  	v3 =	vmul.f32 v3, v46;
	v6 =	vadd.f32 v8, v6;
	v12 =	vand.u32 $0xFFFFFF80, v63  }
0x202: {  	s14 =	sadd.s32 $0xFFFFFD00, s2;
	v30 =	vld.idx.msk [tilespmem:v27+s21+$0x0], $0xffff;
	v13 =	vand.u32 $0x7F, v63;
	v7 =	vmul.f32 v7, v47;
	v27 =	vadd.f32 v5, v25  }
0x203: {  	v5 =	vshll.u32 v32, $0x6;
	v32 =	vadd.s32 v21, v28;
	v14 =	vadd.s32 s14, v12  }
0x204: {  	v25 =	vand.u32 $0xFFFFFF80, v4;
	v4 =	vand.u32 $0x7F, v4;
	v61 =	vand.u32 $0xFFFFFF80, v32  }
0x205: {  	v11 =	vadd.s32 s14, v25;
	v1 =	vadd.f32 v6, v1;
	v9 =	vmul.f32 v9, v48  }
0x206: {  	v3 =	vadd.f32 v7, v3;
	v0 =	vadd.f32 v27, v0;
	v7 =	vperm.xlane v58, v17  }
0x207: {  	v4 =	vor.u32 v4, v11;
	v26 =	vmul.f32 v30, v49;
	v30 =	vadd.s32 v20, v28  }
0x208: {  	v1 =	vmul.f32 v1, v35;
	v31 =	vand.u32 $0xFFFFFF80, v30;
	v2 =	vand.u32 $0x7F, v30  }
0x209: {  	v24 =	vadd.s32 v20, v7;
	v27 =	vadd.s32 v21, v7;
	v29 =	vadd.f32 v26, v9  }
0x20a: {  	v8 =	vadd.s32 s14, v31;
	v9 =	vand.u32 $0x7F, v32;
	v26 =	vand.u32 $0xFFFFFF80, v24  }
0x20b: {  	v10 =	vand.u32 $0x7F, v24;
	v28 =	vand.u32 $0xFFFFFF80, v27;
	v11 =	vand.u32 $0x7F, v27  }
0x20c: {  	v24 =	vperm.xlane v57, v18;
	v2 =	vor.u32 v2, v8;
	v8 =	vadd.s32 s14, v61  }
0x20d: {  	v12 =	vadd.s32 s14, v26;
	v3 =	vadd.f32 v29, v3;
	v8 =	vor.u32 v9, v8  }
0x20e: {  	v9 =	vor.u32 v13, v14;
	v10 =	vor.u32 v10, v12;
	v29 =	vadd.s32 v22, v7  }
0x20f: {  	v12 =	vadd.s32 s14, v28;
	v7 =	vadd.s32 v23, v7;
	v31 =	vadd.s32 v20, v24  }
0x210: {  	v32 =	vadd.s32 v21, v24;
	v63 =	vadd.s32 v22, v24;
	v24 =	vadd.s32 v23, v24  }
0x211: {  	v30 =	vand.u32 $0xFFFFFF80, v29;
	v13 =	vand.u32 $0x7F, v29;
	v15 =	vand.u32 $0xFFFFFF80, v7  }
0x212: {  	v7 =	vand.u32 $0x7F, v7;
	v11 =	vor.u32 v11, v12;
	v61 =	vand.u32 $0xFFFFFF80, v32  }
0x213: {  	v25 =	vand.u32 $0x7F, v32;
	v29 =	vand.u32 $0xFFFFFF80, v63;
	v14 =	vadd.s32 s14, v30  }
0x214: {  	v15 =	vadd.s32 s14, v15;
	v30 =	vand.u32 $0x7F, v63;
	v0 =	vadd.f32 v3, v0  }
0x215: {  	v4 =	vld.idx.msk [tilespmem:v4+s19+$0x0], $0xffff;
	s14 =	sadd.s32 $0xFFFFFD80, s2;
	v12 =	vor.u32 v13, v14;
	v7 =	vor.u32 v7, v15;
	v14 =	vperm.xlane v58, v18  }
0x216: {  	v15 =	vand.u32 $0xFFFFFF80, v31;
	v13 =	vand.u32 $0x7F, v31;
	v26 =	vadd.s32 s14, v61  }
0x217: {  	v31 =	vand.u32 $0xFFFFFF80, v24;
	v24 =	vand.u32 $0x7F, v24;
	v15 =	vadd.s32 s14, v15  }
0x218: {  	v2 =	vld.idx.msk [tilespmem:v2+s19+$0x0], $0xffff;
	v0 =	vmul.f32 v0, v36;
	v13 =	vor.u32 v13, v15;
	v15 =	vor.u32 v25, v26  }
0x219: {  	v8 =	vld.idx.msk [tilespmem:v8+s19+$0x0], $0xffff;
	v25 =	vadd.s32 s14, v29;
	v32 =	vadd.s32 v20, v14;
	v26 =	vadd.s32 s14, v31  }
0x21a: {  	v9 =	vld.idx.msk [tilespmem:v9+s19+$0x0], $0xffff;
	v63 =	vadd.s32 v21, v14;
	v4 =	vmul.f32 v4, v53;
	v25 =	vor.u32 v30, v25  }
0x21b: {  	v10 =	vld.idx.msk [tilespmem:v10+s21+$0x0], $0xffff;
	v61 =	vand.u32 $0xFFFFFF80, v32;
	v27 =	vand.u32 $0x7F, v32;
	v24 =	vor.u32 v24, v26  }
0x21c: {  	v11 =	vld.idx.msk [tilespmem:v11+s21+$0x0], $0xffff;
	v32 =	vand.u32 $0xFFFFFF80, v63;
	v30 =	vmul.f32 v62, v34;
	v28 =	vadd.s32 s14, v61  }
0x21d: {  	v61 =	vand.u32 $0x7F, v63;
	v63 =	vadd.s32 v22, v14;
	v14 =	vadd.s32 v23, v14;
	v12 =	vld.idx.msk [tilespmem:v12+s21+$0x0], $0xffff  }
0x21e: {  	v26 =	vor.u32 v27, v28;
	v27 =	vadd.s32 s14, v32;
	v7 =	vld.idx.msk [tilespmem:v7+s21+$0x0], $0xffff;
	v32 =	vand.u32 $0xFFFFFF80, v63  }
0x21f: {  	v29 =	vand.u32 $0x7F, v63;
	v27 =	vor.u32 v61, v27;
	v61 =	vand.u32 $0xFFFFFF80, v14;
	v13 =	vld.idx.msk [tilespmem:v13+s19+$0x0], $0xffff  }
0x220: {  	v60 =	vadd.f32 v30, v60;
	v14 =	vand.u32 $0x7F, v14;
	v15 =	vld.idx.msk [tilespmem:v15+s19+$0x0], $0xffff;
	v63 =	vadd.s32 s14, v61  }
0x221: {  	v2 =	vmul.f32 v2, v50;
	v28 =	vadd.s32 s14, v32;
	v25 =	vld.idx.msk [tilespmem:v25+s19+$0x0], $0xffff;
	v14 =	vor.u32 v14, v63  }
0x222: {  	v8 =	vmul.f32 v8, v51;
	v28 =	vor.u32 v29, v28;
	v32 =	vmul.f32 v11, v47;
	v11 =	vld.idx.msk [tilespmem:v24+s19+$0x0], $0xffff  }
0x223: {  	v9 =	vmul.f32 v9, v52;
	v31 =	vmul.f32 v10, v46;
	v61 =	vand.u32 $0x40, v5  }
0x224: {  	v2 =	vadd.f32 v8, v2;
	v24 =	vmul.f32 v12, v48;
	v7 =	vmul.f32 v7, v49;
	v12 =	vld.idx.msk [tilespmem:v26+s21+$0x0], $0xffff  }
0x225: {  	v4 =	vadd.f32 v4, v9;
	v6 =	vadd.f32 v32, v31;
	v29 =	vld.idx.msk [tilespmem:v27+s21+$0x0], $0xffff;
	v27 =	vperm.xlane v57, v19  }
0x226: {  	v3 =	vadd.f32 v7, v24;
	v24 =	vmul.f32 v15, v51;
	v32 =	vld.idx.msk [tilespmem:v14+s21+$0x0], $0xffff;
	v14 =	vmul.f32 v13, v50  }
0x227: {  	v2 =	vadd.f32 v4, v2;
	v25 =	vmul.f32 v25, v52;
	v26 =	vmul.f32 v11, v53  }
0x228: {  	v31 =	vld.idx.msk [tilespmem:v28+s21+$0x0], $0xffff;
	v28 =	vadd.s32 v20, v27;
	v11 =	vperm.xlane v58, v19;
	v30 =	vadd.s32 v21, v27  }
0x229: {  	v15 =	vadd.s32 v22, v27;
	v3 =	vadd.f32 v3, v6;
	v10 =	vand.u32 $0x7F, v28  }
0x22a: {  	v13 =	vand.u32 $0x7F, v30;
	v57 =	vand.u32 $0x7F, v15;
	v6 =	vadd.s32 v23, v27  }
0x22b: {  	v27 =	vperm.xlane v59, v16;
	v8 =	vadd.f32 v26, v25;
	v9 =	vmul.f32 v12, v46  }
0x22c: {  	v58 =	vand.u32 $0xFFFFFF80, v6;
	v6 =	vand.u32 $0x7F, v6;
	v63 =	vadd.s32 v21, v11  }
0x22d: {  	v2 =	vadd.f32 v3, v2;
	v3 =	vadd.f32 v24, v14;
	v5 =	vmul.f32 v29, v47  }
0x22e: {  	s14 =	sadd.s32 $0xFFFFFE00, s2;
	v29 =	vand.u32 $0xFFFFFF80, v28;
	v28 =	vand.u32 $0x7F, v63;
	v7 =	vmul.f32 v31, v48  }
0x22f: {  	v12 =	vadd.s32 s14, v29;
	v31 =	vand.u32 $0xFFFFFF80, v30;
	v29 =	vadd.s32 v22, v11  }
0x230: {  	v4 =	vmul.f32 v32, v49;
	v14 =	vadd.s32 s14, v31;
	v10 =	vor.u32 v10, v12  }
0x231: {  	v32 =	vand.u32 $0xFFFFFF80, v15;
	v15 =	vadd.s32 v20, v11;
	v30 =	vand.u32 $0xFFFFFF80, v29  }
0x232: {  	v11 =	vadd.s32 v23, v11;
	v25 =	vand.u32 $0x7F, v29;
	v5 =	vadd.f32 v5, v9  }
0x233: {  	v12 =	vor.u32 v13, v14;
	v13 =	vadd.s32 s14, v32;
	v14 =	vadd.s32 s14, v58  }
0x234: {  	v62 =	vand.u32 $0xFFFFFF80, v15;
	v15 =	vand.u32 $0x7F, v15;
	v31 =	vand.u32 $0xFFFFFF80, v11  }
0x235: {  	v11 =	vand.u32 $0x7F, v11;
	v32 =	vadd.s32 v20, v27;
	v58 =	vadd.s32 v21, v27  }
0x236: {  	v13 =	vor.u32 v57, v13;
	v24 =	vadd.s32 s14, v62;
	v6 =	vor.u32 v6, v14  }
0x237: {  	v26 =	vadd.s32 s14, v31;
	v57 =	vand.u32 $0xFFFFFF80, v32;
	v62 =	vand.u32 $0xFFFFFF80, v58  }
0x238: {  	v29 =	vand.u32 $0x7F, v58;
	v4 =	vadd.f32 v4, v7;
	v14 =	vor.u32 v15, v24  }
0x239: {  	v15 =	vand.u32 $0xFFFFFF80, v63;
	v24 =	vadd.s32 s14, v30;
	v11 =	vor.u32 v11, v26  }
0x23a: {  	v26 =	vperm.xlane v61, v16;
	v63 =	vadd.s32 v22, v27;
	v27 =	vadd.s32 v23, v27  }
0x23b: {  	v15 =	vadd.s32 s14, v15;
	v24 =	vor.u32 v25, v24;
	s14 =	sadd.s32 $0xFFFFFE80, s2;
	v25 =	vand.u32 $0x7F, v32  }
0x23c: {  	v58 =	vand.u32 $0x7F, v63;
	v15 =	vor.u32 v28, v15;
	v28 =	vadd.s32 s14, v57  }
0x23d: {  	v30 =	vadd.s32 s14, v62;
	v10 =	vld.idx.msk [tilespmem:v10+s19+$0x0], $0xffff;
	v57 =	vand.u32 $0xFFFFFF80, v63;
	v62 =	vand.u32 $0xFFFFFF80, v27  }
0x23e: {  	v63 =	vadd.s32 v20, v26;
	v27 =	vand.u32 $0x7F, v27;
	v25 =	vor.u32 v25, v28;
	v12 =	vld.idx.msk [tilespmem:v12+s19+$0x0], $0xffff  }
0x23f: {  	v28 =	vor.u32 v29, v30;
	v29 =	vadd.s32 s14, v57;
	v30 =	vadd.s32 s14, v62;
	v13 =	vld.idx.msk [tilespmem:v13+s19+$0x0], $0xffff  }
0x240: {  	v62 =	vand.u32 $0xFFFFFF80, v63;
	v31 =	vand.u32 $0x7F, v63;
	v63 =	vadd.s32 v21, v26;
	v6 =	vld.idx.msk [tilespmem:v6+s19+$0x0], $0xffff  }
0x241: {  	v29 =	vor.u32 v58, v29;
	v57 =	vadd.s32 s14, v62;
	v27 =	vor.u32 v27, v30;
	v14 =	vld.idx.msk [tilespmem:v14+s21+$0x0], $0xffff  }
0x242: {  	v62 =	vand.u32 $0xFFFFFF80, v63;
	v63 =	vand.u32 $0x7F, v63;
	v30 =	vor.u32 v31, v57;
	v11 =	vld.idx.msk [tilespmem:v11+s21+$0x0], $0xffff  }
0x243: {  	v31 =	vadd.s32 s14, v62;
	v62 =	vadd.s32 v22, v26;
	v26 =	vadd.s32 v23, v26;
	v24 =	vld.idx.msk [tilespmem:v24+s21+$0x0], $0xffff  }
0x244: {  	v31 =	vor.u32 v63, v31;
	v63 =	vand.u32 $0xFFFFFF80, v62;
	v58 =	vand.u32 $0x7F, v62;
	v15 =	vld.idx.msk [tilespmem:v15+s21+$0x0], $0xffff  }
0x245: {  	v32 =	vand.u32 $0xFFFFFF80, v26;
	v26 =	vand.u32 $0x7F, v26;
	v57 =	vadd.s32 s14, v63;
	v25 =	vld.idx.msk [tilespmem:v25+s19+$0x0], $0xffff  }
0x246: {  	v62 =	vadd.s32 s14, v32;
	v63 =	vmul.f32 v2, v37;
	v28 =	vld.idx.msk [tilespmem:v28+s19+$0x0], $0xffff;
	v58 =	vor.u32 v58, v57  }
0x247: {  	v9 =	vor.u32 v26, v62;
	v57 =	vadd.f32 v1, v54;
	v54 =	vadd.f32 v0, v56;
	v7 =	vld.idx.msk [tilespmem:v29+s19+$0x0], $0xffff  }
0x248: {  	v26 =	vadd.f32 v8, v3;
	v1 =	vld.idx.msk [tilespmem:v27+s19+$0x0], $0xffff;
	v27 =	vadd.f32 v4, v5;
	v29 =	vmul.f32 v10, v50  }
0x249: {  	v55 =	vadd.f32 v63, v55;
	v32 =	vmul.f32 v13, v52;
	v62 =	vmul.f32 v6, v53  }
0x24a: {  	v4 =	vld.idx.msk [tilespmem:v30+s21+$0x0], $0xffff;
	v30 =	vmul.f32 v12, v51;
	v11 =	vmul.f32 v11, v49;
	v56 =	vadd.f32 v27, v26  }
0x24b: {  	v26 =	vmul.f32 v14, v46;
	v2 =	vadd.f32 v62, v32;
	v14 =	vperm.xlane v59, v17  }
0x24c: {  	v0 =	vadd.f32 v30, v29;
	v27 =	vmul.f32 v15, v47;
	v29 =	vmul.f32 v24, v48  }
0x24d: {  	v8 =	vld.idx.msk [tilespmem:v31+s21+$0x0], $0xffff;
	v30 =	vmul.f32 v25, v50;
	v31 =	vmul.f32 v28, v51;
	v25 =	vadd.s32 v20, v14  }
0x24e: {  	v28 =	vadd.s32 v21, v14;
	v5 =	vadd.f32 v27, v26;
	v3 =	vadd.f32 v11, v29  }
0x24f: {  	v63 =	vld.idx.msk [tilespmem:v58+s21+$0x0], $0xffff;
	v7 =	vmul.f32 v7, v52;
	v1 =	vmul.f32 v1, v53;
	v0 =	vadd.f32 v2, v0  }
0x250: {  	v9 =	vld.idx.msk [tilespmem:v9+s21+$0x0], $0xffff;
	v26 =	vperm.xlane v61, v17;
	v27 =	vand.u32 $0xFFFFFF80, v25;
	v29 =	vand.u32 $0xFFFFFF80, v28  }
0x251: {  	v32 =	vmul.f32 v4, v46;
	v13 =	vadd.f32 v31, v30;
	v30 =	vadd.s32 v22, v14  }
0x252: {  	s14 =	sadd.s32 $0xFFFFFF00, s2;
	v58 =	vmul.f32 v8, v47;
	v3 =	vadd.f32 v3, v5;
	v31 =	vand.u32 $0xFFFFFF80, v30  }
0x253: {  	v1 =	vadd.f32 v1, v7;
	v10 =	vadd.s32 v20, v26;
	v8 =	vadd.s32 s14, v31  }
0x254: {  	v12 =	vand.u32 $0xFFFFFF80, v10;
	v5 =	vand.u32 $0x7F, v10;
	v10 =	vperm.xlane v59, v18  }
0x255: {  	v62 =	vmul.f32 v63, v48;
	v63 =	vmul.f32 v9, v49;
	v2 =	vadd.f32 v58, v32  }
0x256: {  	v58 =	vadd.f32 v3, v0;
	v0 =	vand.u32 $0x7F, v25;
	v3 =	vand.u32 $0x7F, v28  }
0x257: {  	v32 =	vand.u32 $0x7F, v30;
	v9 =	vadd.s32 v23, v14;
	v7 =	vadd.s32 s14, v12  }
0x258: {  	v11 =	vand.u32 $0xFFFFFF80, v9;
	v4 =	vand.u32 $0x7F, v9;
	v5 =	vor.u32 v5, v7  }
0x259: {  	v31 =	vadd.s32 v22, v10;
	v24 =	vadd.f32 v63, v62;
	v62 =	vadd.f32 v1, v13  }
0x25a: {  	v6 =	vadd.s32 s14, v11;
	v13 =	vadd.s32 v21, v26;
	v1 =	vadd.s32 v23, v26  }
0x25b: {  	v4 =	vor.u32 v4, v6;
	v14 =	vand.u32 $0xFFFFFF80, v13;
	v6 =	vand.u32 $0x7F, v13  }
0x25c: {  	v63 =	vadd.f32 v24, v2;
	v2 =	vadd.s32 s14, v27;
	v24 =	vadd.s32 v22, v26  }
0x25d: {  	v7 =	vadd.s32 s14, v14;
	v26 =	vand.u32 $0xFFFFFF80, v1;
	v1 =	vand.u32 $0x7F, v1  }
0x25e: {  	v27 =	vadd.s32 v20, v10;
	v0 =	vor.u32 v0, v2;
	v2 =	vadd.s32 s14, v29  }
0x25f: {  	v25 =	vand.u32 $0xFFFFFF80, v24;
	v6 =	vor.u32 v6, v7;
	v28 =	vand.u32 $0xFFFFFF80, v27  }
0x260: {  	v29 =	vadd.s32 v21, v10;
	v10 =	vadd.s32 v23, v10;
	v2 =	vor.u32 v3, v2  }
0x261: {  	v3 =	vor.u32 v32, v8;
	v8 =	vand.u32 $0x7F, v24;
	v9 =	vadd.s32 s14, v25  }
0x262: {  	v30 =	vand.u32 $0xFFFFFF80, v29;
	v12 =	vand.u32 $0x7F, v29;
	v32 =	vand.u32 $0xFFFFFF80, v31  }
0x263: {  	v24 =	vand.u32 $0x7F, v31;
	v7 =	vor.u32 v8, v9;
	v8 =	vadd.s32 s14, v26  }
0x264: {  	s14 =	sadd.s32 $0xFFFFFF80, s2;
	v9 =	vand.u32 $0x7F, v27;
	v27 =	vand.u32 $0xFFFFFF80, v10;
	v10 =	vand.u32 $0x7F, v10  }
0x265: {  	v1 =	vor.u32 v1, v8;
	v8 =	vperm.xlane v61, v18;
	v11 =	vadd.s32 s14, v28  }
0x266: {  	v14 =	vadd.s32 s14, v27;
	v9 =	vor.u32 v9, v11;
	v11 =	vadd.s32 s14, v30  }
0x267: {  	v25 =	vadd.s32 s14, v32;
	v10 =	vor.u32 v10, v14;
	v11 =	vor.u32 v12, v11  }
0x268: {  	v12 =	vor.u32 v24, v25;
	v26 =	vadd.s32 v20, v8;
	v28 =	vadd.s32 v21, v8  }
0x269: {  	v4 =	vld.idx.msk [tilespmem:v4+s19+$0x0], $0xffff;
	v29 =	vadd.s32 v22, v8;
	v8 =	vadd.s32 v23, v8;
	v15 =	vand.u32 $0xFFFFFF80, v26  }
0x26a: {  	v13 =	vand.u32 $0x7F, v26;
	v14 =	vand.u32 $0x7F, v28;
	v30 =	vand.u32 $0xFFFFFF80, v29  }
0x26b: {  	v24 =	vand.u32 $0x7F, v29;
	v26 =	vperm.xlane v59, v19;
	v31 =	vand.u32 $0xFFFFFF80, v8  }
0x26c: {  	v0 =	vld.idx.msk [tilespmem:v0+s19+$0x0], $0xffff;
	v8 =	vand.u32 $0x7F, v8;
	v15 =	vadd.s32 s14, v15;
	v25 =	vadd.s32 s14, v30  }
0x26d: {  	v13 =	vor.u32 v13, v15;
	v15 =	vand.u32 $0xFFFFFF80, v28;
	v32 =	vadd.s32 v20, v26  }
0x26e: {  	v5 =	vld.idx.msk [tilespmem:v5+s21+$0x0], $0xffff;
	v4 =	vmul.f32 v4, v53;
	v15 =	vadd.s32 s14, v15;
	v59 =	vand.u32 $0xFFFFFF80, v32  }
0x26f: {  	v6 =	vld.idx.msk [tilespmem:v6+s21+$0x0], $0xffff;
	v14 =	vor.u32 v14, v15;
	v15 =	vor.u32 v24, v25;
	v24 =	vadd.s32 s14, v31  }
0x270: {  	v2 =	vld.idx.msk [tilespmem:v2+s19+$0x0], $0xffff;
	v25 =	vand.u32 $0x7F, v32;
	v27 =	vadd.s32 s2, v59;
	v59 =	vadd.s32 v22, v26  }
0x271: {  	v3 =	vld.idx.msk [tilespmem:v3+s19+$0x0], $0xffff;
	v0 =	vmul.f32 v0, v50;
	v8 =	vor.u32 v8, v24;
	v24 =	vperm.xlane v61, v19  }
0x272: {  	v7 =	vld.idx.msk [tilespmem:v7+s21+$0x0], $0xffff;
	v61 =	vadd.s32 v21, v26;
	v25 =	vor.u32 v25, v27;
	v29 =	vand.u32 $0x7F, v59  }
0x273: {  	v1 =	vld.idx.msk [tilespmem:v1+s21+$0x0], $0xffff;
	v26 =	vadd.s32 v23, v26;
	v32 =	vand.u32 $0xFFFFFF80, v61;
	v28 =	vand.u32 $0x7F, v61  }
0x274: {  	v9 =	vld.idx.msk [tilespmem:v9+s19+$0x0], $0xffff;
	v61 =	vand.u32 $0xFFFFFF80, v59;
	v59 =	vand.u32 $0xFFFFFF80, v26;
	v26 =	vand.u32 $0x7F, v26  }
0x275: {  	v10 =	vld.idx.msk [tilespmem:v10+s19+$0x0], $0xffff;
	v27 =	vadd.s32 s2, v32;
	v30 =	vadd.s32 s2, v61;
	v61 =	vadd.s32 v20, v24  }
0x276: {  	v11 =	vld.idx.msk [tilespmem:v11+s19+$0x0], $0xffff;
	v31 =	vadd.s32 v21, v24;
	v27 =	vor.u32 v28, v27;
	v28 =	vor.u32 v29, v30  }
0x277: {  	v12 =	vld.idx.msk [tilespmem:v12+s19+$0x0], $0xffff;
	v29 =	vadd.s32 s2, v59;
	v59 =	vand.u32 $0xFFFFFF80, v61;
	v30 =	vand.u32 $0x7F, v61  }
0x278: {  	v13 =	vld.idx.msk [tilespmem:v13+s21+$0x0], $0xffff;
	v61 =	vand.u32 $0xFFFFFF80, v31;
	v31 =	vand.u32 $0x7F, v31;
	v26 =	vor.u32 v26, v29  }
0x279: {  	v29 =	vadd.s32 s2, v59;
	v14 =	vld.idx.msk [tilespmem:v14+s21+$0x0], $0xffff;
	v59 =	vadd.s32 s2, v61;
	v61 =	vadd.s32 v22, v24  }
0x27a: {  	v15 =	vld.idx.msk [tilespmem:v15+s21+$0x0], $0xffff;
	v29 =	vor.u32 v30, v29;
	v30 =	vor.u32 v31, v59;
	v31 =	vand.u32 $0xFFFFFF80, v61  }
0x27b: {  	v24 =	vadd.s32 v23, v24;
	v8 =	vld.idx.msk [tilespmem:v8+s21+$0x0], $0xffff;
	v61 =	vand.u32 $0x7F, v61;
	v31 =	vadd.s32 s2, v31  }
0x27c: {  	v2 =	vmul.f32 v2, v51;
	v25 =	vld.idx.msk [tilespmem:v25+s19+$0x0], $0xffff;
	v31 =	vor.u32 v61, v31;
	v61 =	vand.u32 $0xFFFFFF80, v24  }
0x27d: {  	v3 =	vmul.f32 v3, v52;
	v24 =	vand.u32 $0x7F, v24;
	v27 =	vld.idx.msk [tilespmem:v27+s19+$0x0], $0xffff;
	v59 =	vadd.s32 s2, v61  }
0x27e: {  	v1 =	vmul.f32 v1, v49;
	v28 =	vld.idx.msk [tilespmem:v28+s19+$0x0], $0xffff;
	v61 =	vmul.f32 v7, v48;
	v24 =	vor.u32 v24, v59  }
0x27f: {  	v32 =	vmul.f32 v5, v46;
	v59 =	vmul.f32 v6, v47;
	v6 =	vld.idx.msk [tilespmem:v26+s19+$0x0], $0xffff  }
0x280: {  	v0 =	vadd.f32 v2, v0;
	v7 =	vld.idx.msk [tilespmem:v29+s21+$0x0], $0xffff;
	v1 =	vadd.f32 v1, v61;
	v61 =	vmul.f32 v12, v52  }
0x281: {  	v2 =	vadd.f32 v59, v32;
	v32 =	vmul.f32 v9, v50;
	v9 =	vmul.f32 v25, v50;
	v25 =	vld.idx.msk [tilespmem:v30+s21+$0x0], $0xffff  }
0x282: {  	v3 =	vadd.f32 v4, v3;
	v29 =	vmul.f32 v10, v53;
	v8 =	vmul.f32 v8, v49;
	v59 =	vld.idx.msk [tilespmem:v31+s21+$0x0], $0xffff  }
0x283: {  	v50 =	vmul.f32 v11, v51;
	v30 =	vmul.f32 v13, v46;
	v24 =	vld.idx.msk [tilespmem:v24+s21+$0x0], $0xffff  }
0x284: {  	v0 =	vadd.f32 v3, v0;
	v31 =	vmul.f32 v14, v47;
	v51 =	vmul.f32 v27, v51  }
0x285: {  	v28 =	vmul.f32 v28, v52;
	v1 =	vadd.f32 v1, v2;
	v4 =	vadd.f32 v50, v32  }
0x286: {  	v2 =	vadd.f32 v29, v61;
	v32 =	vmul.f32 v15, v48;
	v6 =	vmul.f32 v6, v53  }
0x287: {  	v5 =	vadd.f32 v31, v30;
	v7 =	vmul.f32 v7, v46;
	v47 =	vmul.f32 v25, v47  }
0x288: {  	v3 =	vadd.f32 v8, v32;
	v48 =	vmul.f32 v59, v48;
	v50 =	vmul.f32 v24, v49  }
0x289: {  	v9 =	vadd.f32 v51, v9;
	v6 =	vadd.f32 v6, v28  }
0x28a: {  	v7 =	vadd.f32 v47, v7;
	v8 =	vadd.f32 v50, v48  }
0x28b: {  	v2 =	vadd.f32 v2, v4;
	v3 =	vadd.f32 v3, v5  }
0x28c: {  	v51 =	vadd.f32 v6, v9;
	v52 =	vadd.f32 v8, v7  }
0x28d: {  	p1 =	sne.s32 s24, $0x9F;
	v56 =	vmul.f32 v56, v38;
	v0 =	vadd.f32 v1, v0;
	v2 =	vadd.f32 v3, v2  }
.Ltmp3:
0x28e: {  	v61 =	vmul.f32 v58, v39;
	v53 =	vadd.f32 v63, v62;
	v59 =	vadd.f32 v52, v51;
	(pc) =	sbr.rel @p1 .LBB2_3-.Ltmp3, $4  }
0x28f: {  	v1 =	vadd.f32 v56, v60;
	v0 =	vmul.f32 v0, v41;
	v2 =	vmul.f32 v2, v42  }
0x290: {  	v4 =	vadd.f32 v61, v57;
	v62 =	vmul.f32 v53, v40;
	v3 =	vmul.f32 v59, v45  }
0x291: {  	s23 =	sadd.s32 $0x1, s23;
	v56 =	vadd.f32 v0, v55;
	v55 =	vadd.f32 v2, v1  }
0x292: {  	s24 =	sadd.s32 $0x14, s24;
	s29 =	sadd.s32 $0x14, s29;
	s26 =	sadd.s32 $0x14, s26;
	v63 =	vimm.s32 $0x0;
	v59 =	vadd.f32 v62, v54;
	v54 =	vadd.f32 v3, v4  }
0x293: {  	p1 =	seq.s32 s25, $0x1F  }
.Ltmp4:
0x294: {  	_ = 	snop;
	(pc) =	sbr.rel @p1 .LBB2_6-.Ltmp4, $2  }
0x295: {  	_ =	sdelay $0x2  }
0x296: {  	s26 =	sshll.u32 s25, $0x1  }
0x297: {  	s2 =	sadd.s32 $0x2, s26  }
0x298: {  	s23 =	smul.u32 $0xA0, s2;
	_ =	sdelay $0x1  }
0x299: {  	v0 =	vld [tilespmem:s23+$0x500];
	_ =	sdelay $0x4  }
0x29a: {  	v0 =	vshra.s32 v0, $0x1  }
0x29b: {  	[tilespmem:$0x5600] =	vst v0  }
0x29c: {  	v0 =	vld [tilespmem:s23+$0x2D00];
	_ =	sdelay $0x4  }
0x29d: {  	v0 =	vshra.s32 v0, $0x1  }
0x29e: {  	[tilespmem:$0x5700] =	vst v0  }
0x29f: {  	v0 =	vld [tilespmem:s23+$0x510];
	_ =	sdelay $0x4  }
0x2a0: {  	v0 =	vshra.s32 v0, $0x1  }
0x2a1: {  	[tilespmem:$0x5610] =	vst v0  }
0x2a2: {  	v0 =	vld [tilespmem:s23+$0x2D10];
	_ =	sdelay $0x4  }
0x2a3: {  	v0 =	vshra.s32 v0, $0x1  }
0x2a4: {  	[tilespmem:$0x5710] =	vst v0  }
0x2a5: {  	v0 =	vld [tilespmem:s23+$0x520];
	_ =	sdelay $0x4  }
0x2a6: {  	v0 =	vshra.s32 v0, $0x1  }
0x2a7: {  	[tilespmem:$0x5620] =	vst v0  }
0x2a8: {  	v0 =	vld [tilespmem:s23+$0x2D20];
	_ =	sdelay $0x4  }
0x2a9: {  	v0 =	vshra.s32 v0, $0x1  }
0x2aa: {  	[tilespmem:$0x5720] =	vst v0  }
0x2ab: {  	v0 =	vld [tilespmem:s23+$0x530];
	_ =	sdelay $0x4  }
0x2ac: {  	v0 =	vshra.s32 v0, $0x1  }
0x2ad: {  	[tilespmem:$0x5630] =	vst v0  }
0x2ae: {  	v0 =	vld [tilespmem:s23+$0x2D30];
	_ =	sdelay $0x4  }
0x2af: {  	v0 =	vshra.s32 v0, $0x1  }
0x2b0: {  	[tilespmem:$0x5730] =	vst v0  }
0x2b1: {  	v0 =	vld [tilespmem:s23+$0x540];
	_ =	sdelay $0x4  }
0x2b2: {  	v0 =	vshra.s32 v0, $0x1  }
0x2b3: {  	[tilespmem:$0x5640] =	vst v0  }
0x2b4: {  	v0 =	vld [tilespmem:s23+$0x2D40];
	_ =	sdelay $0x4  }
0x2b5: {  	v0 =	vshra.s32 v0, $0x1  }
0x2b6: {  	[tilespmem:$0x5740] =	vst v0  }
0x2b7: {  	v0 =	vld [tilespmem:s23+$0x550];
	_ =	sdelay $0x4  }
0x2b8: {  	v0 =	vshra.s32 v0, $0x1  }
0x2b9: {  	[tilespmem:$0x5650] =	vst v0  }
0x2ba: {  	v0 =	vld [tilespmem:s23+$0x2D50];
	_ =	sdelay $0x4  }
0x2bb: {  	v0 =	vshra.s32 v0, $0x1  }
0x2bc: {  	[tilespmem:$0x5750] =	vst v0  }
0x2bd: {  	v0 =	vld [tilespmem:s23+$0x560];
	_ =	sdelay $0x4  }
0x2be: {  	v0 =	vshra.s32 v0, $0x1  }
0x2bf: {  	[tilespmem:$0x5660] =	vst v0  }
0x2c0: {  	v0 =	vld [tilespmem:s23+$0x2D60];
	_ =	sdelay $0x4  }
0x2c1: {  	v0 =	vshra.s32 v0, $0x1  }
0x2c2: {  	[tilespmem:$0x5760] =	vst v0  }
0x2c3: {  	v0 =	vld [tilespmem:s23+$0x570];
	_ =	sdelay $0x4  }
0x2c4: {  	v0 =	vshra.s32 v0, $0x1  }
0x2c5: {  	[tilespmem:$0x5670] =	vst v0  }
0x2c6: {  	v0 =	vld [tilespmem:s23+$0x2D70];
	_ =	sdelay $0x4  }
0x2c7: {  	v0 =	vshra.s32 v0, $0x1  }
0x2c8: {  	s24 =	sand.u32 $0x7FC0, s23;
	[tilespmem:$0x5770] =	vst v0  }
0x2c9: {  	v0 =	vld [tilespmem:s24+$0x580];
	_ =	sdelay $0x4  }
0x2ca: {  	v0 =	vshra.s32 v0, $0x1  }
0x2cb: {  	[tilespmem:$0x5680] =	vst v0  }
0x2cc: {  	v0 =	vld [tilespmem:s24+$0x2D80];
	_ =	sdelay $0x4  }
0x2cd: {  	v0 =	vshra.s32 v0, $0x1  }
0x2ce: {  	[tilespmem:$0x5780] =	vst v0  }
0x2cf: {  	v0 =	vld [tilespmem:s23+$0x590];
	_ =	sdelay $0x4  }
0x2d0: {  	v0 =	vshra.s32 v0, $0x1  }
0x2d1: {  	[tilespmem:$0x5690] =	vst v0  }
0x2d2: {  	v0 =	vld [tilespmem:s23+$0x2D90];
	_ =	sdelay $0x4  }
0x2d3: {  	v0 =	vshra.s32 v0, $0x1  }
0x2d4: {  	s2 =	sshll.u32 s2, $0x3;
	[tilespmem:$0x5790] =	vst v0  }
0x2d5: {  	v0 =	vld [tilespmem:s2+$0x0]  }
0x2d6: {  	v1 =	vld [tilespmem:s2+$0x280];
	_ =	sdelay $0x3  }
0x2d7: {  	v0 =	vshra.s32 v0, $0x1  }
0x2d8: {  	v1 =	vshra.s32 v1, $0x1;
	[tilespmem:$0x5500] =	vst v0  }
0x2d9: {  	s24 =	simm.s32 $0x5600;
	[tilespmem:$0x5580] =	vst v1  }
0x2da: {  	[tilespmem:s19], [sflag:$0x1] =	stream.indirect.gather [hbm4b:s4+s17], $0x80, s24, s17, $0xb8;
	[tilespmem:$0x1BD80] =	vst v63  }
0x2db: {  	s29 =	simm.s32 $0x5700  }
0x2dc: {  	[tilespmem:s21], [sflag:$0x1] =	stream.indirect.gather [hbm4b:s4+s17], $0x80, s29, s17, $0xb8;
	[tilespmem:$0x1BD80] =	vst v63  }
0x2dd: {  	s31 =	simm.s32 $0x5680;
	s14 =	simm.s32 $0xA300  }
0x2de: {  	[tilespmem:s14], [sflag:$0x1] =	stream.indirect.gather [hbm4b:s4+s22], $0x80, s31, s22, $0xb8;
	[tilespmem:$0x1BD80] =	vst v63  }
0x2df: {  	s23 =	simm.s32 $0x5780;
	s24 =	simm.s32 $0xF300  }
0x2e0: {  	[tilespmem:s24], [sflag:$0x1] =	stream.indirect.gather [hbm4b:s4+s22], $0x80, s23, s22, $0xb8;
	[tilespmem:$0x1BD80] =	vst v63  }
0x2e1: {  	s29 =	simm.s32 $0x5500  }
0x2e2: {  	[tilespmem:s30], [sflag:$0x1] =	stream.indirect.gather [hbm4b:s4+s28], $0x80, s29, s28, $0xb8;
	[tilespmem:$0x1BD80] =	vst v63  }
0x2e3: {  	s31 =	simm.s32 $0x5580  }
0x2e4: {  	[tilespmem:s1], [sflag:$0x1] =	stream.indirect.gather [hbm4b:s4+s28], $0x80, s31, s28, $0xb8;
	[tilespmem:$0x1BD80] =	vst v63  }
.LBB2_6:
0x2e5: {  	_ =	swait.ge [sflag:s3], $0x5000  }
0x2e6: {  	[sflag:s3] =	ssyncset.done $0x0  }
0x2e7: {  	[sflag:s3] =	ssyncadd.s32 $0xFFFFB000  }
0x2e8: {  	_ =	swait.ge [sflag:s3], $0x5000  }
0x2e9: {  	[sflag:s3] =	ssyncset.done $0x0  }
0x2ea: {  	[sflag:s3] =	ssyncadd.s32 $0xFFFFB000  }
0x2eb: {  	_ =	swait.ge [sflag:s3], $0x400  }
0x2ec: {  	[sflag:s3] =	ssyncset.done $0x0  }
0x2ed: {  	[sflag:s3] =	ssyncadd.s32 $0xFFFFFC00  }
0x2ee: {  	_ =	swait.ge [sflag:s3], $0x400  }
0x2ef: {  	s2 =	sshll.u32 s26, $0x3;
	[sflag:s3] =	ssyncset.done $0x0  }
0x2f0: {  	s23 =	sor.u32 $0x8, s2;
	[sflag:s3] =	ssyncadd.s32 $0xFFFFFC00  }
0x2f1: {  	v0 =	vld [tilespmem:s23+$0x0]  }
0x2f2: {  	v1 =	vld [tilespmem:s2+$0x288];
	_ =	sdelay $0x3  }
0x2f3: {  	v57 =	vimm.s32 $0x1;
	v58 =	vimm.s32 $0x2;
	v60 =	vimm.s32 $0x3  }
0x2f4: {  	s29 =	simm.s32 $0x0;
	v61 =	vimm.s32 $0x4;
	v0 =	vshll.u32 v0, $0x6;
	v1 =	vshll.u32 v1, $0x6  }
0x2f5: {  	s31 =	simm.s32 $0x13;
	s24 =	smov.u32 s12;
	v62 =	vimm.s32 $0x5;
	s23 =	smov.u32 s0;
	v24 =	vand.u32 $0x40, v0;
	v25 =	vand.u32 $0x40, v1  }
.LBB2_7:
0x2f6: {  	v0 =	vmov s29  }
0x2f7: {  	v1 =	vperm.xlane v24, v0  }
0x2f8: {  	v4 =	vshll.u32 v0, $0x7;
	v0 =	vperm.xlane v25, v0  }
0x2f9: {  	v2 =	vadd.s32 v20, v1;
	v5 =	vadd.s32 v21, v1  }
0x2fa: {  	v6 =	vadd.s32 v22, v1;
	v1 =	vadd.s32 v23, v1;
	v48 =	vadd.s32 v20, v0  }
0x2fb: {  	v8 =	vadd.s32 v21, v0;
	v49 =	vadd.s32 v22, v0;
	v0 =	vadd.s32 v23, v0  }
0x2fc: {  	v47 =	vld [tilespmem:s23+$0xFFFFFFFC];
	v3 =	vand.u32 $0xFFFFFF80, v2;
	v2 =	vand.u32 $0x7F, v2;
	v44 =	vand.u32 $0xFFFFFF80, v5  }
0x2fd: {  	v11 =	vld [tilespmem:s24+$0xFFFFFFFC];
	v5 =	vand.u32 $0x7F, v5;
	v45 =	vand.u32 $0xFFFFFF80, v6;
	v6 =	vand.u32 $0x7F, v6  }
0x2fe: {  	v7 =	vand.u32 $0xFFFFFF80, v1;
	v1 =	vand.u32 $0x7F, v1;
	v9 =	vand.u32 $0xFFFFFF80, v48  }
0x2ff: {  	v10 =	vand.u32 $0xFFFFFF80, v8;
	v8 =	vand.u32 $0x7F, v8;
	v50 =	vand.u32 $0xFFFFFF80, v49  }
0x300: {  	v52 =	vand.u32 $0xFFFFFF80, v0;
	v0 =	vand.u32 $0x7F, v0;
	v3 =	vadd.s32 v4, v3  }
0x301: {  	v46 =	vadd.s32 v4, v7;
	v9 =	vadd.s32 v4, v9;
	v10 =	vadd.s32 v4, v10  }
0x302: {  	v7 =	vshll.u32 v47, $0x6;
	v28 =	vshll.u32 v11, $0x6;
	v2 =	vor.u32 v2, v3  }
0x303: {  	v3 =	vadd.s32 v4, v44;
	v1 =	vor.u32 v1, v46;
	v8 =	vor.u32 v8, v10  }
0x304: {  	v10 =	vadd.s32 v4, v50;
	v34 =	vand.u32 $0x40, v7;
	v35 =	vand.u32 $0x40, v28  }
0x305: {  	v3 =	vor.u32 v5, v3;
	v5 =	vadd.s32 v4, v45;
	v53 =	vperm.xlane v34, v63  }
0x306: {  	v4 =	vadd.s32 v4, v52;
	v5 =	vor.u32 v6, v5;
	v6 =	vand.u32 $0x7F, v48  }
0x307: {  	v0 =	vor.u32 v0, v4;
	v6 =	vor.u32 v6, v9;
	v9 =	vand.u32 $0x7F, v49  }
0x308: {  	v29 =	vadd.s32 v20, v53;
	v12 =	vadd.s32 v21, v53;
	v14 =	vadd.s32 v22, v53  }
0x309: {  	v49 =	vperm.xlane v34, v57;
	v51 =	vor.u32 v9, v10;
	v9 =	vperm.xlane v35, v63  }
0x30a: {  	s2 =	sshll.u32 s31, $0x7;
	v30 =	vand.u32 $0xFFFFFF80, v29;
	v4 =	vand.u32 $0x7F, v29;
	v13 =	vand.u32 $0xFFFFFF80, v12  }
0x30b: {  	s14 =	sadd.s32 $0xFFFFF680, s2;
	v12 =	vand.u32 $0x7F, v12;
	v32 =	vand.u32 $0xFFFFFF80, v14;
	v33 =	vand.u32 $0x7F, v14  }
0x30c: {  	v10 =	vadd.s32 v23, v53;
	v11 =	vadd.s32 s14, v30;
	v13 =	vadd.s32 s14, v13  }
0x30d: {  	v2 =	vld.idx.msk [tilespmem:v2+s8+$0x0], $0xffff;
	v36 =	vand.u32 $0xFFFFFF80, v10;
	v10 =	vand.u32 $0x7F, v10;
	v4 =	vor.u32 v4, v11  }
0x30e: {  	v1 =	vld.idx.msk [tilespmem:v1+s8+$0x0], $0xffff;
	v31 =	vor.u32 v12, v13;
	v12 =	vadd.s32 s14, v32;
	v37 =	vadd.s32 v20, v9  }
0x30f: {  	v8 =	vld.idx.msk [tilespmem:v8+s10+$0x0], $0xffff;
	v13 =	vadd.s32 s14, v36;
	v26 =	vadd.s32 v21, v9;
	v36 =	vadd.s32 v21, v49  }
0x310: {  	v3 =	vld.idx.msk [tilespmem:v3+s8+$0x0], $0xffff;
	v12 =	vor.u32 v33, v12;
	v15 =	vand.u32 $0xFFFFFF80, v37;
	v14 =	vand.u32 $0x7F, v37  }
0x311: {  	v5 =	vld.idx.msk [tilespmem:v5+s8+$0x0], $0xffff;
	v10 =	vor.u32 v10, v13;
	v39 =	vand.u32 $0xFFFFFF80, v26;
	v15 =	vadd.s32 s14, v15  }
0x312: {  	v0 =	vld.idx.msk [tilespmem:v0+s10+$0x0], $0xffff;
	v37 =	vand.u32 $0xFFFFFF80, v36;
	v38 =	vor.u32 v14, v15;
	v15 =	vand.u32 $0x7F, v26  }
0x313: {  	v6 =	vld.idx.msk [tilespmem:v6+s10+$0x0], $0xffff;
	v14 =	vadd.s32 s14, v39;
	v26 =	vadd.s32 v22, v9;
	v9 =	vadd.s32 v23, v9  }
0x314: {  	v7 =	vld.idx.msk [tilespmem:v51+s10+$0x0], $0xffff;
	v14 =	vor.u32 v15, v14;
	v15 =	vand.u32 $0xFFFFFF80, v26;
	v26 =	vand.u32 $0x7F, v26  }
0x315: {  	v27 =	vand.u32 $0xFFFFFF80, v9;
	v9 =	vand.u32 $0x7F, v9;
	v8 =	vmul.f32 $5.000000000e-01, v8;
	v4 =	vld.idx.msk [tilespmem:v4+s5+$0x0], $0xffff  }
0x316: {  	v29 =	vmul.f32 $5.000000000e-01, v1;
	v15 =	vadd.s32 s14, v15;
	v11 =	vld.idx.msk [tilespmem:v31+s5+$0x0], $0xffff;
	v28 =	vmul.f32 $5.000000000e-01, v3  }
0x317: {  	v15 =	vor.u32 v26, v15;
	v26 =	vadd.s32 s14, v27;
	v12 =	vld.idx.msk [tilespmem:v12+s5+$0x0], $0xffff;
	v0 =	vmul.f32 $5.000000000e-01, v0  }
0x318: {  	v10 =	vld.idx.msk [tilespmem:v10+s5+$0x0], $0xffff;
	v30 =	vsub.f32 v8, v3;
	v27 =	vmul.f32 $5.000000000e-01, v5;
	v6 =	vmul.f32 $5.000000000e-01, v6  }
0x319: {  	v8 =	vadd.s32 v23, v49;
	v9 =	vor.u32 v9, v26;
	v13 =	vld.idx.msk [tilespmem:v38+s13+$0x0], $0xffff;
	v40 =	vmul.f32 $5.000000000e-01, v7  }
0x31a: {  	v26 =	vmul.f32 $5.000000000e-01, v2;
	v32 =	vsub.f32 v0, v1;
	v33 =	vsub.f32 v6, v2  }
0x31b: {  	v38 =	vadd.s32 v22, v49;
	v41 =	vld.idx.msk [tilespmem:v14+s13+$0x0], $0xffff;
	v2 =	vperm.xlane v35, v57;
	v31 =	vsub.f32 v40, v5  }
0x31c: {  	s14 =	sadd.s32 $0xFFFFF700, s2;
	v39 =	vand.u32 $0xFFFFFF80, v38;
	v45 =	vmul.f32 v11, v30;
	v44 =	vmul.f32 v4, v33  }
0x31d: {  	v47 =	vmul.f32 v10, v32;
	v10 =	vadd.s32 s14, v39;
	v46 =	vmul.f32 v12, v31  }
0x31e: {  	v43 =	vld.idx.msk [tilespmem:v9+s13+$0x0], $0xffff;
	v9 =	vand.u32 $0x7F, v38;
	v12 =	vadd.s32 v22, v2;
	v48 =	vmul.f32 v13, v26  }
0x31f: {  	v42 =	vld.idx.msk [tilespmem:v15+s13+$0x0], $0xffff;
	v0 =	vadd.f32 v45, v44;
	v13 =	vadd.s32 v20, v49;
	v40 =	vor.u32 v9, v10  }
0x320: {  	v44 =	vadd.s32 v21, v2;
	v39 =	vand.u32 $0xFFFFFF80, v12;
	v7 =	vmul.f32 v41, v28  }
0x321: {  	v52 =	vadd.f32 v47, v46;
	v14 =	vand.u32 $0xFFFFFF80, v13;
	v5 =	vand.u32 $0x7F, v13  }
0x322: {  	v41 =	vand.u32 $0xFFFFFF80, v8;
	v8 =	vand.u32 $0x7F, v8;
	v45 =	vand.u32 $0xFFFFFF80, v44  }
0x323: {  	v47 =	vand.u32 $0x7F, v44;
	v6 =	vadd.s32 s14, v14;
	v9 =	vadd.s32 s14, v41  }
0x324: {  	v41 =	vperm.xlane v34, v58;
	v50 =	vmul.f32 v42, v27;
	v53 =	vadd.f32 v7, v48  }
0x325: {  	v5 =	vor.u32 v5, v6;
	v7 =	vand.u32 $0x7F, v36;
	v6 =	vadd.s32 s14, v37  }
0x326: {  	v42 =	vadd.s32 v20, v2;
	v8 =	vor.u32 v8, v9;
	v48 =	vadd.s32 s14, v45  }
0x327: {  	v0 =	vadd.f32 v52, v0;
	v2 =	vadd.s32 v23, v2;
	v51 =	vmul.f32 v43, v29  }
0x328: {  	v6 =	vor.u32 v7, v6;
	v43 =	vand.u32 $0xFFFFFF80, v42;
	v10 =	vand.u32 $0x7F, v42  }
0x329: {  	v46 =	vld [tilespmem:$0x1BC00];
	v7 =	vand.u32 $0x7F, v12;
	v42 =	vadd.s32 v20, v41;
	v9 =	vadd.s32 s14, v43  }
0x32a: {  	v52 =	vld.idx.msk [tilespmem:v40+s5+$0x0], $0xffff;
	v40 =	vand.u32 $0xFFFFFF80, v2;
	v1 =	vadd.f32 v51, v50;
	v9 =	vor.u32 v10, v9  }
0x32b: {  	v2 =	vand.u32 $0x7F, v2;
	v43 =	vperm.xlane v35, v58;
	v50 =	vor.u32 v47, v48;
	v49 =	vld.idx.msk [tilespmem:v5+s5+$0x0], $0xffff  }
0x32c: {  	v45 =	vand.u32 $0xFFFFFF80, v42;
	v48 =	vadd.s32 v22, v41;
	v1 =	vadd.f32 v1, v53;
	v53 =	vld.idx.msk [tilespmem:v8+s5+$0x0], $0xffff  }
0x32d: {  	v37 =	vadd.s32 v21, v43;
	v10 =	vadd.s32 v23, v43;
	v8 =	vand.u32 $0x7F, v42  }
0x32e: {  	v44 =	vand.u32 $0xFFFFFF80, v37;
	v38 =	vand.u32 $0xFFFFFF80, v10;
	v51 =	vld.idx.msk [tilespmem:v6+s5+$0x0], $0xffff;
	v0 =	vadd.f32 v1, v0  }
0x32f: {  	v10 =	vand.u32 $0x7F, v10;
	v1 =	vmul.f32 v52, v31;
	v14 =	vld.idx.msk [tilespmem:v9+s13+$0x0], $0xffff;
	v9 =	vadd.s32 s14, v39  }
0x330: {  	v4 =	vld.idx.msk [tilespmem:v50+s13+$0x0], $0xffff;
	v50 =	vand.u32 $0xFFFFFF80, v48;
	v39 =	vperm.xlane v34, v60;
	v0 =	vmul.f32 v0, v46  }
0x331: {  	v46 =	vadd.s32 v21, v41;
	v3 =	vmul.f32 v49, v33;
	v6 =	vmul.f32 v53, v32  }
0x332: {  	v47 =	vand.u32 $0xFFFFFF80, v46;
	v12 =	vand.u32 $0x7F, v46;
	v53 =	vadd.s32 v20, v43  }
0x333: {  	v46 =	vadd.s32 v20, v39;
	v36 =	vadd.f32 v0, v59;
	v0 =	vor.u32 v7, v9  }
0x334: {  	v7 =	vadd.s32 s14, v40;
	v5 =	vmul.f32 v51, v30;
	v51 =	vand.u32 $0x7F, v48  }
0x335: {  	s14 =	sadd.s32 $0xFFFFF780, s2;
	v9 =	vadd.s32 v23, v41;
	v15 =	vand.u32 $0xFFFFFF80, v53;
	v40 =	vand.u32 $0xFFFFFF80, v46  }
0x336: {  	v41 =	vadd.s32 v21, v39;
	v2 =	vor.u32 v2, v7;
	v11 =	vadd.s32 s14, v45  }
0x337: {  	v13 =	vadd.s32 s14, v47;
	v52 =	vand.u32 $0xFFFFFF80, v9;
	v9 =	vand.u32 $0x7F, v9  }
0x338: {  	v15 =	vadd.s32 s14, v15;
	v45 =	vadd.s32 v22, v43;
	v38 =	vadd.s32 s14, v38  }
0x339: {  	v42 =	vand.u32 $0xFFFFFF80, v41;
	v41 =	vand.u32 $0x7F, v41;
	v43 =	vadd.s32 v22, v39  }
0x33a: {  	v39 =	vadd.s32 v23, v39;
	v1 =	vadd.f32 v6, v1;
	v7 =	vmul.f32 v14, v26  }
0x33b: {  	v4 =	vmul.f32 v4, v28;
	v8 =	vor.u32 v8, v11;
	v49 =	vor.u32 v12, v13  }
0x33c: {  	v12 =	vadd.s32 s14, v50;
	v13 =	vadd.s32 s14, v52;
	v14 =	vand.u32 $0x7F, v53  }
0x33d: {  	v10 =	vor.u32 v10, v38;
	v38 =	vperm.xlane v35, v60;
	v47 =	vand.u32 $0xFFFFFF80, v43  }
0x33e: {  	v48 =	vand.u32 $0x7F, v43;
	v3 =	vadd.f32 v5, v3;
	v12 =	vor.u32 v51, v12  }
0x33f: {  	v59 =	vor.u32 v14, v15;
	v15 =	vand.u32 $0x7F, v37;
	v14 =	vadd.s32 s14, v44  }
0x340: {  	v9 =	vor.u32 v9, v13;
	v37 =	vand.u32 $0x7F, v45;
	v14 =	vor.u32 v15, v14  }
0x341: {  	v15 =	vand.u32 $0xFFFFFF80, v45;
	v50 =	vadd.s32 v20, v38;
	v45 =	vadd.s32 v21, v38  }
0x342: {  	v4 =	vadd.f32 v4, v7;
	v1 =	vadd.f32 v1, v3;
	v15 =	vadd.s32 s14, v15;
	v0 =	vld.idx.msk [tilespmem:v0+s13+$0x0], $0xffff  }
0x343: {  	v44 =	vand.u32 $0xFFFFFF80, v50;
	v43 =	vand.u32 $0x7F, v50;
	v52 =	vand.u32 $0xFFFFFF80, v45;
	v2 =	vld.idx.msk [tilespmem:v2+s13+$0x0], $0xffff  }
0x344: {  	s14 =	sadd.s32 $0xFFFFF800, s2;
	v53 =	vand.u32 $0x7F, v45;
	v15 =	vor.u32 v37, v15;
	v37 =	vand.u32 $0x7F, v46;
	v8 =	vld.idx.msk [tilespmem:v8+s5+$0x0], $0xffff  }
0x345: {  	v40 =	vadd.s32 s14, v40;
	v42 =	vadd.s32 s14, v42;
	v44 =	vadd.s32 s14, v44;
	v11 =	vld.idx.msk [tilespmem:v49+s5+$0x0], $0xffff  }
0x346: {  	v37 =	vor.u32 v37, v40;
	v40 =	vor.u32 v41, v42;
	v41 =	vadd.s32 s14, v47;
	v10 =	vld.idx.msk [tilespmem:v10+s13+$0x0], $0xffff  }
0x347: {  	v49 =	vand.u32 $0xFFFFFF80, v39;
	v39 =	vand.u32 $0x7F, v39;
	v51 =	vor.u32 v43, v44;
	v12 =	vld.idx.msk [tilespmem:v12+s5+$0x0], $0xffff  }
0x348: {  	v43 =	vadd.s32 s14, v52;
	v41 =	vor.u32 v48, v41;
	v9 =	vld.idx.msk [tilespmem:v9+s5+$0x0], $0xffff;
	v42 =	vadd.s32 s14, v49  }
0x349: {  	v13 =	vld.idx.msk [tilespmem:v59+s13+$0x0], $0xffff;
	v59 =	vadd.s32 v22, v38;
	v43 =	vor.u32 v53, v43;
	v38 =	vadd.s32 v23, v38  }
0x34a: {  	v14 =	vld.idx.msk [tilespmem:v14+s13+$0x0], $0xffff;
	v39 =	vor.u32 v39, v42;
	v48 =	vand.u32 $0xFFFFFF80, v59;
	v45 =	vand.u32 $0x7F, v59  }
0x34b: {  	v46 =	vand.u32 $0xFFFFFF80, v38;
	v38 =	vand.u32 $0x7F, v38;
	v44 =	vadd.s32 s14, v48;
	v15 =	vld.idx.msk [tilespmem:v15+s13+$0x0], $0xffff  }
0x34c: {  	v49 =	vadd.s32 s14, v46;
	v0 =	vmul.f32 v0, v27;
	v2 =	vmul.f32 v2, v29;
	v37 =	vld.idx.msk [tilespmem:v37+s5+$0x0], $0xffff  }
0x34d: {  	v44 =	vor.u32 v45, v44;
	v40 =	vld.idx.msk [tilespmem:v40+s5+$0x0], $0xffff;
	v50 =	vmul.f32 v8, v33;
	v10 =	vmul.f32 v10, v29  }
0x34e: {  	v0 =	vadd.f32 v2, v0;
	v2 =	vld.idx.msk [tilespmem:v51+s13+$0x0], $0xffff;
	v51 =	vmul.f32 v11, v30;
	v53 =	vmul.f32 v12, v31  }
0x34f: {  	v38 =	vor.u32 v38, v49;
	v41 =	vld.idx.msk [tilespmem:v41+s5+$0x0], $0xffff;
	v59 =	vmul.f32 v9, v32;
	v42 =	vmul.f32 v13, v26  }
0x350: {  	v52 =	vld.idx.msk [tilespmem:v43+s13+$0x0], $0xffff;
	v43 =	vmul.f32 v14, v28;
	v0 =	vadd.f32 v0, v4;
	v3 =	vadd.f32 v51, v50  }
0x351: {  	v46 =	vld [tilespmem:$0x1BC10];
	v4 =	vadd.f32 v59, v53;
	v51 =	vperm.xlane v34, v61;
	v59 =	vperm.xlane v35, v61  }
0x352: {  	v5 =	vld.idx.msk [tilespmem:v39+s5+$0x0], $0xffff;
	v45 =	vmul.f32 v15, v27;
	v6 =	vadd.f32 v43, v42;
	v0 =	vadd.f32 v0, v1  }
0x353: {  	v39 =	vld.idx.msk [tilespmem:v44+s13+$0x0], $0xffff;
	v47 =	vmul.f32 v37, v33;
	v48 =	vmul.f32 v40, v30;
	v3 =	vadd.f32 v4, v3  }
0x354: {  	v44 =	vld.idx.msk [tilespmem:v38+s13+$0x0], $0xffff;
	v53 =	vadd.s32 v20, v51;
	v14 =	vadd.s32 v21, v51;
	v38 =	vadd.s32 v22, v51  }
0x355: {  	v42 =	vadd.s32 v20, v59;
	v49 =	vmul.f32 v41, v31;
	v2 =	vmul.f32 v2, v26  }
0x356: {  	v7 =	vmul.f32 v52, v28;
	v8 =	vadd.f32 v10, v45;
	v13 =	vand.u32 $0xFFFFFF80, v53  }
0x357: {  	v37 =	vand.u32 $0xFFFFFF80, v14;
	v40 =	vand.u32 $0x7F, v38;
	v10 =	vand.u32 $0x7F, v42  }
0x358: {  	v45 =	vadd.s32 v21, v59;
	v5 =	vmul.f32 v5, v32;
	v1 =	vadd.f32 v48, v47  }
0x359: {  	s14 =	sadd.s32 $0xFFFFF880, s2;
	v0 =	vmul.f32 v0, v46;
	v46 =	vand.u32 $0xFFFFFF80, v45;
	v47 =	vadd.s32 v22, v59  }
0x35a: {  	v2 =	vadd.f32 v7, v2;
	v6 =	vadd.f32 v8, v6;
	v8 =	vadd.s32 s14, v13  }
0x35b: {  	v48 =	vand.u32 $0xFFFFFF80, v47;
	v7 =	vadd.s32 v23, v59;
	v13 =	vand.u32 $0x7F, v47  }
0x35c: {  	v9 =	vmul.f32 v39, v27;
	v50 =	vmul.f32 v44, v29;
	v4 =	vadd.f32 v5, v49  }
0x35d: {  	v39 =	vand.u32 $0xFFFFFF80, v38;
	v5 =	vadd.s32 v23, v51;
	v44 =	vand.u32 $0xFFFFFF80, v42  }
0x35e: {  	v15 =	vand.u32 $0xFFFFFF80, v7;
	v7 =	vand.u32 $0x7F, v7;
	v49 =	vperm.xlane v34, v62  }
0x35f: {  	v41 =	vadd.s32 s14, v39;
	v43 =	vand.u32 $0xFFFFFF80, v5;
	v5 =	vand.u32 $0x7F, v5  }
0x360: {  	v12 =	vadd.s32 s14, v44;
	v15 =	vadd.s32 s14, v15;
	v3 =	vadd.f32 v6, v3  }
0x361: {  	v52 =	vadd.f32 v50, v9;
	v1 =	vadd.f32 v4, v1;
	v4 =	vand.u32 $0x7F, v53  }
0x362: {  	v9 =	vand.u32 $0x7F, v14;
	v11 =	vadd.s32 s14, v43;
	v10 =	vor.u32 v10, v12  }
0x363: {  	v12 =	vadd.s32 s14, v46;
	v14 =	vadd.s32 s14, v48;
	v7 =	vor.u32 v7, v15  }
0x364: {  	v50 =	vadd.s32 v20, v49;
	v51 =	vadd.s32 v21, v49;
	v53 =	vadd.s32 v22, v49  }
0x365: {  	v4 =	vor.u32 v4, v8;
	v8 =	vadd.s32 s14, v37;
	v5 =	vor.u32 v5, v11  }
0x366: {  	v11 =	vand.u32 $0x7F, v45;
	v15 =	vand.u32 $0xFFFFFF80, v50;
	v38 =	vand.u32 $0x7F, v51  }
0x367: {  	v59 =	vand.u32 $0xFFFFFF80, v53;
	v44 =	vand.u32 $0x7F, v53;
	v37 =	vadd.s32 v23, v49  }
0x368: {  	v2 =	vadd.f32 v52, v2;
	v8 =	vor.u32 v9, v8;
	v9 =	vor.u32 v40, v41  }
0x369: {  	s14 =	sadd.s32 $0xFFFFF900, s2;
	v11 =	vor.u32 v11, v12;
	v12 =	vor.u32 v13, v14;
	v14 =	vperm.xlane v35, v62  }
0x36a: {  	v13 =	vand.u32 $0x7F, v50;
	v15 =	vadd.s32 s14, v15;
	v52 =	vand.u32 $0xFFFFFF80, v51  }
0x36b: {  	v41 =	vld [tilespmem:$0x1BC20];
	v45 =	vand.u32 $0xFFFFFF80, v37;
	v37 =	vand.u32 $0x7F, v37;
	v39 =	vadd.s32 s14, v52  }
0x36c: {  	v13 =	vor.u32 v13, v15;
	v15 =	vor.u32 v38, v39;
	v38 =	vadd.s32 s14, v59;
	v10 =	vld.idx.msk [tilespmem:v10+s13+$0x0], $0xffff  }
0x36d: {  	v46 =	vadd.s32 v20, v14;
	v39 =	vadd.s32 s14, v45;
	v48 =	vadd.s32 v21, v14;
	v7 =	vld.idx.msk [tilespmem:v7+s13+$0x0], $0xffff  }
0x36e: {  	v51 =	vadd.s32 v22, v14;
	v14 =	vadd.s32 v23, v14;
	v1 =	vadd.f32 v2, v1;
	v4 =	vld.idx.msk [tilespmem:v4+s5+$0x0], $0xffff  }
0x36f: {  	v38 =	vor.u32 v44, v38;
	v47 =	vand.u32 $0xFFFFFF80, v46;
	v40 =	vand.u32 $0x7F, v46;
	v5 =	vld.idx.msk [tilespmem:v5+s5+$0x0], $0xffff  }
0x370: {  	v37 =	vor.u32 v37, v39;
	v49 =	vand.u32 $0xFFFFFF80, v48;
	v50 =	vand.u32 $0x7F, v48;
	v8 =	vld.idx.msk [tilespmem:v8+s5+$0x0], $0xffff  }
0x371: {  	v52 =	vand.u32 $0xFFFFFF80, v51;
	v44 =	vand.u32 $0x7F, v51;
	v53 =	vand.u32 $0xFFFFFF80, v14;
	v9 =	vld.idx.msk [tilespmem:v9+s5+$0x0], $0xffff  }
0x372: {  	v14 =	vand.u32 $0x7F, v14;
	v43 =	vadd.s32 s14, v47;
	v59 =	vadd.s32 s14, v53;
	v11 =	vld.idx.msk [tilespmem:v11+s13+$0x0], $0xffff  }
0x373: {  	v39 =	vor.u32 v40, v43;
	v12 =	vld.idx.msk [tilespmem:v12+s13+$0x0], $0xffff;
	v40 =	vadd.s32 s14, v49;
	v43 =	vadd.s32 s14, v52  }
0x374: {  	v42 =	vld [tilespmem:$0x1BC30];
	v14 =	vor.u32 v14, v59;
	v3 =	vmul.f32 v3, v41;
	v41 =	vimm.s32 $0x6  }
0x375: {  	v40 =	vor.u32 v50, v40;
	v13 =	vld.idx.msk [tilespmem:v13+s5+$0x0], $0xffff;
	v47 =	vmul.f32 v10, v26;
	v7 =	vmul.f32 v7, v29  }
0x376: {  	v43 =	vor.u32 v44, v43;
	v15 =	vld.idx.msk [tilespmem:v15+s5+$0x0], $0xffff;
	v4 =	vmul.f32 v4, v33;
	v5 =	vmul.f32 v5, v32  }
0x377: {  	v49 =	vld.idx.msk [tilespmem:v37+s5+$0x0], $0xffff;
	v37 =	vadd.f32 v3, v55;
	v8 =	vmul.f32 v8, v30;
	v9 =	vmul.f32 v9, v31  }
0x378: {  	v48 =	vmul.f32 v11, v28;
	v50 =	vmul.f32 v12, v27;
	v51 =	vld.idx.msk [tilespmem:v39+s13+$0x0], $0xffff;
	v39 =	vadd.f32 v0, v56  }
0x379: {  	v45 =	vld.idx.msk [tilespmem:v38+s5+$0x0], $0xffff;
	v56 =	vmul.f32 v1, v42;
	v42 =	vperm.xlane v34, v41;
	v4 =	vadd.f32 v8, v4  }
0x37a: {  	v59 =	vld.idx.msk [tilespmem:v14+s13+$0x0], $0xffff;
	v14 =	vmul.f32 v13, v33;
	v5 =	vadd.f32 v5, v9;
	v6 =	vadd.f32 v48, v47  }
0x37b: {  	v52 =	vld.idx.msk [tilespmem:v40+s13+$0x0], $0xffff;
	v2 =	vadd.f32 v7, v50;
	v38 =	vadd.f32 v56, v54;
	v40 =	vmul.f32 v15, v30  }
0x37c: {  	v53 =	vld.idx.msk [tilespmem:v43+s13+$0x0], $0xffff;
	v43 =	vadd.s32 v20, v42;
	v47 =	vadd.s32 v22, v42;
	v56 =	vimm.s32 $0x7  }
0x37d: {  	v3 =	vmul.f32 v49, v32;
	v44 =	vand.u32 $0xFFFFFF80, v43;
	v9 =	vand.u32 $0x7F, v43  }
0x37e: {  	v48 =	vand.u32 $0xFFFFFF80, v47;
	v49 =	vand.u32 $0x7F, v47;
	v10 =	vadd.f32 v5, v4  }
0x37f: {  	s14 =	sadd.s32 $0xFFFFF980, s2;
	v2 =	vadd.f32 v2, v6;
	v5 =	vmul.f32 v45, v31;
	v0 =	vadd.f32 v40, v14  }
0x380: {  	v45 =	vadd.s32 v21, v42;
	v11 =	vadd.s32 s14, v44;
	v6 =	vadd.s32 v23, v42  }
0x381: {  	v4 =	vmul.f32 v51, v26;
	v1 =	vmul.f32 v59, v29;
	v46 =	vand.u32 $0xFFFFFF80, v45  }
0x382: {  	v12 =	vand.u32 $0x7F, v45;
	v9 =	vor.u32 v9, v11;
	v50 =	vand.u32 $0xFFFFFF80, v6  }
0x383: {  	v6 =	vand.u32 $0x7F, v6;
	v59 =	vperm.xlane v34, v56;
	v2 =	vadd.f32 v2, v10  }
0x384: {  	v8 =	vmul.f32 v52, v28;
	v7 =	vmul.f32 v53, v27;
	v13 =	vadd.s32 s14, v46  }
0x385: {  	v10 =	vperm.xlane v35, v41;
	v3 =	vadd.f32 v3, v5;
	v11 =	vor.u32 v12, v13  }
0x386: {  	v12 =	vadd.s32 s14, v48;
	v13 =	vadd.s32 s14, v50;
	v48 =	vadd.s32 v20, v59  }
0x387: {  	v50 =	vadd.s32 v21, v59;
	v47 =	vadd.s32 v22, v59;
	v42 =	vadd.s32 v23, v59  }
0x388: {  	v12 =	vor.u32 v49, v12;
	v51 =	vadd.s32 v20, v10;
	v52 =	vadd.s32 v21, v10  }
0x389: {  	v6 =	vor.u32 v6, v13;
	v54 =	vadd.s32 v22, v10;
	v10 =	vadd.s32 v23, v10  }
0x38a: {  	v49 =	vand.u32 $0xFFFFFF80, v48;
	v44 =	vand.u32 $0x7F, v50;
	v4 =	vadd.f32 v8, v4  }
0x38b: {  	v1 =	vadd.f32 v1, v7;
	v0 =	vadd.f32 v3, v0;
	v15 =	vand.u32 $0xFFFFFF80, v51  }
0x38c: {  	v14 =	vand.u32 $0x7F, v51;
	v53 =	vand.u32 $0xFFFFFF80, v52;
	v40 =	vand.u32 $0x7F, v54  }
0x38d: {  	v55 =	vand.u32 $0xFFFFFF80, v10;
	v10 =	vand.u32 $0x7F, v10;
	v15 =	vadd.s32 s14, v15  }
0x38e: {  	v51 =	vand.u32 $0xFFFFFF80, v50;
	v41 =	vadd.s32 s14, v55;
	v13 =	vor.u32 v14, v15  }
0x38f: {  	v15 =	vand.u32 $0x7F, v52;
	v14 =	vadd.s32 s14, v53;
	v10 =	vor.u32 v10, v41  }
0x390: {  	v41 =	vperm.xlane v35, v56;
	v52 =	vand.u32 $0xFFFFFF80, v47;
	v53 =	vand.u32 $0x7F, v47  }
0x391: {  	v14 =	vor.u32 v15, v14;
	v15 =	vand.u32 $0xFFFFFF80, v54;
	v54 =	vand.u32 $0xFFFFFF80, v42  }
0x392: {  	v46 =	vld [tilespmem:$0x1BC40];
	v42 =	vand.u32 $0x7F, v42;
	v15 =	vadd.s32 s14, v15;
	s14 =	sadd.s32 $0xFFFFFA00, s2;
	v55 =	vadd.s32 v20, v41  }
0x393: {  	v9 =	vld.idx.msk [tilespmem:v9+s5+$0x0], $0xffff;
	v15 =	vor.u32 v40, v15;
	v40 =	vand.u32 $0x7F, v48;
	v43 =	vadd.s32 s14, v49  }
0x394: {  	v11 =	vld.idx.msk [tilespmem:v11+s5+$0x0], $0xffff;
	v45 =	vadd.s32 s14, v51;
	v48 =	vand.u32 $0xFFFFFF80, v55;
	v47 =	vand.u32 $0x7F, v55  }
0x395: {  	v12 =	vld.idx.msk [tilespmem:v12+s5+$0x0], $0xffff;
	v49 =	vadd.s32 v21, v41;
	v40 =	vor.u32 v40, v43;
	v43 =	vor.u32 v44, v45  }
0x396: {  	v6 =	vld.idx.msk [tilespmem:v6+s5+$0x0], $0xffff;
	v44 =	vadd.s32 s14, v52;
	v45 =	vadd.s32 s14, v54;
	v48 =	vadd.s32 s14, v48  }
0x397: {  	v56 =	vand.u32 $0xFFFFFF80, v49;
	v59 =	vand.u32 $0x7F, v49;
	v52 =	vadd.s32 v22, v41;
	v13 =	vld.idx.msk [tilespmem:v13+s13+$0x0], $0xffff  }
0x398: {  	v41 =	vadd.s32 v23, v41;
	v44 =	vor.u32 v53, v44;
	v42 =	vor.u32 v42, v45;
	v10 =	vld.idx.msk [tilespmem:v10+s13+$0x0], $0xffff  }
0x399: {  	v45 =	vor.u32 v47, v48;
	v47 =	vadd.s32 s14, v56;
	v55 =	vand.u32 $0xFFFFFF80, v41;
	v14 =	vld.idx.msk [tilespmem:v14+s13+$0x0], $0xffff  }
0x39a: {  	v56 =	vand.u32 $0x7F, v41;
	v47 =	vor.u32 v59, v47;
	v59 =	vadd.s32 s14, v55;
	v15 =	vld.idx.msk [tilespmem:v15+s13+$0x0], $0xffff  }
0x39b: {  	v51 =	vmul.f32 v9, v33;
	v53 =	vand.u32 $0xFFFFFF80, v52;
	v49 =	vor.u32 v56, v59;
	v50 =	vld.idx.msk [tilespmem:v40+s5+$0x0], $0xffff  }
0x39c: {  	v54 =	vand.u32 $0x7F, v52;
	v48 =	vadd.s32 s14, v53;
	v52 =	vmul.f32 v11, v30;
	v43 =	vld.idx.msk [tilespmem:v43+s5+$0x0], $0xffff  }
0x39d: {  	v48 =	vor.u32 v54, v48;
	v54 =	vmul.f32 v12, v31;
	v6 =	vmul.f32 v6, v32;
	v5 =	vld.idx.msk [tilespmem:v44+s5+$0x0], $0xffff  }
0x39e: {  	v1 =	vadd.f32 v1, v4;
	v56 =	vadd.f32 v52, v51;
	v53 =	vld.idx.msk [tilespmem:v42+s5+$0x0], $0xffff  }
0x39f: {  	v40 =	vmul.f32 v2, v46;
	v3 =	vadd.f32 v6, v54;
	v55 =	vld.idx.msk [tilespmem:v45+s13+$0x0], $0xffff;
	v41 =	vmul.f32 v13, v26  }
0x3a0: {  	v10 =	vmul.f32 v10, v29;
	v42 =	vmul.f32 v14, v28;
	v8 =	vld.idx.msk [tilespmem:v49+s13+$0x0], $0xffff;
	v49 =	vimm.s32 $0x8  }
0x3a1: {  	v0 =	vadd.f32 v1, v0;
	v59 =	vld.idx.msk [tilespmem:v47+s13+$0x0], $0xffff;
	v45 =	vmul.f32 v15, v27;
	v52 =	vperm.xlane v35, v49  }
0x3a2: {  	v2 =	vadd.f32 v3, v56;
	v46 =	vmul.f32 v50, v33;
	v47 =	vmul.f32 v43, v30  }
0x3a3: {  	v6 =	vadd.f32 v42, v41;
	v50 =	vperm.xlane v34, v49;
	v5 =	vmul.f32 v5, v31  }
0x3a4: {  	v44 =	vld.idx.msk [tilespmem:v48+s13+$0x0], $0xffff;
	v48 =	vmul.f32 v53, v32;
	v1 =	vadd.f32 v10, v45;
	v7 =	vmul.f32 v55, v26  }
0x3a5: {  	v49 =	vadd.s32 v22, v52;
	v12 =	vadd.s32 v23, v52;
	v3 =	vadd.f32 v47, v46  }
0x3a6: {  	v4 =	vmul.f32 v59, v28;
	v51 =	vadd.s32 v20, v50;
	v54 =	vadd.s32 v21, v50  }
0x3a7: {  	v55 =	vadd.s32 v22, v50;
	v10 =	vadd.s32 v23, v50;
	v59 =	vadd.s32 v20, v52  }
0x3a8: {  	v46 =	vadd.s32 v21, v52;
	v50 =	vand.u32 $0xFFFFFF80, v49;
	v43 =	vand.u32 $0x7F, v49  }
0x3a9: {  	v52 =	vimm.s32 $0x9;
	v5 =	vadd.f32 v48, v5;
	v9 =	vmul.f32 v44, v27  }
0x3aa: {  	v8 =	vmul.f32 v8, v29;
	v53 =	vand.u32 $0xFFFFFF80, v51;
	v11 =	vand.u32 $0x7F, v51  }
0x3ab: {  	v15 =	vand.u32 $0xFFFFFF80, v54;
	v14 =	vand.u32 $0x7F, v54;
	v56 =	vand.u32 $0xFFFFFF80, v55  }
0x3ac: {  	v45 =	vand.u32 $0xFFFFFF80, v59;
	v41 =	vand.u32 $0x7F, v59;
	v47 =	vand.u32 $0xFFFFFF80, v46  }
0x3ad: {  	s14 =	sadd.s32 $0xFFFFFA80, s2;
	v48 =	vand.u32 $0x7F, v46;
	v51 =	vand.u32 $0xFFFFFF80, v12;
	v12 =	vand.u32 $0x7F, v12  }
0x3ae: {  	v1 =	vadd.f32 v1, v6;
	v13 =	vadd.s32 s14, v53;
	v15 =	vadd.s32 s14, v15  }
0x3af: {  	v42 =	vadd.s32 s14, v45;
	v45 =	vperm.xlane v34, v52;
	v44 =	vadd.s32 s14, v51  }
0x3b0: {  	v4 =	vadd.f32 v4, v7;
	v11 =	vor.u32 v11, v13;
	v13 =	vor.u32 v14, v15  }
0x3b1: {  	v49 =	vld [tilespmem:$0x1BC50];
	v15 =	vand.u32 $0x7F, v55;
	v14 =	vadd.s32 s14, v56;
	v12 =	vor.u32 v12, v44  }
0x3b2: {  	v44 =	vperm.xlane v35, v52;
	v3 =	vadd.f32 v5, v3;
	v1 =	vadd.f32 v1, v2  }
0x3b3: {  	v14 =	vor.u32 v15, v14;
	v15 =	vand.u32 $0xFFFFFF80, v10;
	v10 =	vand.u32 $0x7F, v10  }
0x3b4: {  	v53 =	vadd.s32 v20, v45;
	v55 =	vadd.s32 v21, v45;
	v59 =	vadd.s32 v22, v45  }
0x3b5: {  	v45 =	vadd.s32 v23, v45;
	v15 =	vadd.s32 s14, v15;
	v54 =	vand.u32 $0xFFFFFF80, v53  }
0x3b6: {  	v56 =	vand.u32 $0xFFFFFF80, v55;
	v52 =	vand.u32 $0xFFFFFF80, v59;
	v0 =	vmul.f32 v0, v49  }
0x3b7: {  	v10 =	vor.u32 v10, v15;
	v15 =	vor.u32 v41, v42;
	v41 =	vadd.s32 s14, v47  }
0x3b8: {  	v42 =	vadd.s32 s14, v50;
	v47 =	vand.u32 $0x7F, v55;
	v55 =	vadd.s32 v20, v44  }
0x3b9: {  	s14 =	sadd.s32 $0xFFFFFB00, s2;
	v41 =	vor.u32 v48, v41;
	v42 =	vor.u32 v43, v42;
	v43 =	vand.u32 $0x7F, v53  }
0x3ba: {  	v46 =	vadd.s32 s14, v54;
	v48 =	vadd.s32 s14, v56;
	v53 =	vand.u32 $0x7F, v59;
	v11 =	vld.idx.msk [tilespmem:v11+s5+$0x0], $0xffff  }
0x3bb: {  	v54 =	vand.u32 $0xFFFFFF80, v45;
	v45 =	vand.u32 $0x7F, v45;
	v51 =	vand.u32 $0xFFFFFF80, v55;
	v13 =	vld.idx.msk [tilespmem:v13+s5+$0x0], $0xffff  }
0x3bc: {  	v50 =	vand.u32 $0x7F, v55;
	v0 =	vadd.f32 v0, v39;
	v43 =	vor.u32 v43, v46;
	v12 =	vld.idx.msk [tilespmem:v12+s13+$0x0], $0xffff  }
0x3bd: {  	v46 =	vor.u32 v47, v48;
	v47 =	vadd.s32 s14, v52;
	v48 =	vadd.s32 s14, v54;
	v14 =	vld.idx.msk [tilespmem:v14+s5+$0x0], $0xffff  }
0x3be: {  	v51 =	vadd.s32 s14, v51;
	v52 =	vadd.s32 v21, v44;
	v47 =	vor.u32 v53, v47;
	v10 =	vld.idx.msk [tilespmem:v10+s5+$0x0], $0xffff  }
0x3bf: {  	v45 =	vor.u32 v45, v48;
	v48 =	vor.u32 v50, v51;
	v56 =	vand.u32 $0xFFFFFF80, v52;
	v15 =	vld.idx.msk [tilespmem:v15+s13+$0x0], $0xffff  }
0x3c0: {  	v59 =	vand.u32 $0x7F, v52;
	v50 =	vadd.s32 s14, v56;
	v56 =	vadd.s32 v22, v44;
	v41 =	vld.idx.msk [tilespmem:v41+s13+$0x0], $0xffff  }
0x3c1: {  	v44 =	vadd.s32 v23, v44;
	v50 =	vor.u32 v59, v50;
	v59 =	vand.u32 $0xFFFFFF80, v56;
	v42 =	vld.idx.msk [tilespmem:v42+s13+$0x0], $0xffff  }
0x3c2: {  	v52 =	vand.u32 $0x7F, v56;
	v53 =	vand.u32 $0xFFFFFF80, v44;
	v44 =	vand.u32 $0x7F, v44;
	v43 =	vld.idx.msk [tilespmem:v43+s5+$0x0], $0xffff  }
0x3c3: {  	v51 =	vadd.s32 s14, v59;
	v56 =	vadd.s32 s14, v53;
	v59 =	vadd.f32 v8, v9;
	v46 =	vld.idx.msk [tilespmem:v46+s5+$0x0], $0xffff  }
0x3c4: {  	v51 =	vor.u32 v52, v51;
	v52 =	vmul.f32 v11, v33;
	v53 =	vmul.f32 v13, v30;
	v8 =	vld.idx.msk [tilespmem:v47+s5+$0x0], $0xffff  }
0x3c5: {  	v12 =	vmul.f32 v12, v29;
	v47 =	vor.u32 v44, v56;
	v49 =	vld.idx.msk [tilespmem:v45+s5+$0x0], $0xffff;
	v4 =	vadd.f32 v59, v4  }
0x3c6: {  	v54 =	vld.idx.msk [tilespmem:v48+s13+$0x0], $0xffff;
	v55 =	vmul.f32 v14, v31;
	v48 =	vimm.s32 $0xA;
	v10 =	vmul.f32 v10, v32  }
0x3c7: {  	v6 =	vadd.f32 v53, v52;
	v56 =	vld.idx.msk [tilespmem:v50+s13+$0x0], $0xffff;
	v59 =	vmul.f32 v15, v26;
	v41 =	vmul.f32 v41, v28  }
0x3c8: {  	v3 =	vadd.f32 v4, v3;
	v42 =	vmul.f32 v42, v27;
	v2 =	vadd.f32 v10, v55  }
0x3c9: {  	v44 =	vmul.f32 v43, v33;
	v45 =	vmul.f32 v46, v30;
	v4 =	vadd.f32 v41, v59  }
0x3ca: {  	v7 =	vadd.f32 v12, v42;
	v8 =	vmul.f32 v8, v31;
	v5 =	vmul.f32 v49, v32  }
0x3cb: {  	v15 =	vld.idx.msk [tilespmem:v51+s13+$0x0], $0xffff;
	v46 =	vmul.f32 v54, v26;
	v49 =	vperm.xlane v34, v48;
	v2 =	vadd.f32 v2, v6  }
0x3cc: {  	v9 =	vld.idx.msk [tilespmem:v47+s13+$0x0], $0xffff;
	v10 =	vadd.f32 v45, v44;
	v4 =	vadd.f32 v7, v4;
	v47 =	vmul.f32 v56, v28  }
0x3cd: {  	v5 =	vadd.f32 v5, v8;
	v51 =	vadd.s32 v20, v49;
	v53 =	vadd.s32 v21, v49  }
0x3ce: {  	v55 =	vadd.s32 v22, v49;
	v11 =	vadd.s32 v23, v49;
	v52 =	vand.u32 $0xFFFFFF80, v51  }
0x3cf: {  	v42 =	vld [tilespmem:$0x1BC70];
	v7 =	vand.u32 $0x7F, v51;
	v54 =	vand.u32 $0xFFFFFF80, v53;
	v13 =	vand.u32 $0x7F, v53  }
0x3d0: {  	s14 =	sadd.s32 $0xFFFFFB80, s2;
	v14 =	vand.u32 $0x7F, v55;
	v56 =	vand.u32 $0xFFFFFF80, v11;
	v11 =	vand.u32 $0x7F, v11  }
0x3d1: {  	v50 =	vmul.f32 v15, v27;
	v6 =	vadd.f32 v47, v46;
	v12 =	vadd.s32 s14, v52  }
0x3d2: {  	v15 =	vand.u32 $0xFFFFFF80, v55;
	v5 =	vadd.f32 v5, v10;
	v9 =	vmul.f32 v9, v29  }
0x3d3: {  	v7 =	vor.u32 v7, v12;
	v12 =	vadd.s32 s14, v54;
	v15 =	vadd.s32 s14, v15  }
0x3d4: {  	v3 =	vmul.f32 v3, v42;
	v12 =	vor.u32 v13, v12;
	v13 =	vor.u32 v14, v15  }
0x3d5: {  	v15 =	vld [tilespmem:$0x1BC60];
	v14 =	vadd.s32 s14, v56;
	v8 =	vadd.f32 v9, v50;
	v9 =	vperm.xlane v35, v48  }
0x3d6: {  	v2 =	vadd.f32 v4, v2;
	v56 =	vadd.f32 v40, v36;
	v11 =	vor.u32 v11, v14  }
0x3d7: {  	v50 =	vld [tilespmem:$0x1BC80];
	v36 =	vadd.f32 v3, v38;
	v59 =	vadd.s32 v20, v9;
	v49 =	vadd.s32 v21, v9  }
0x3d8: {  	v52 =	vld [tilespmem:$0x1BC90];
	v6 =	vadd.f32 v8, v6;
	v47 =	vadd.s32 v22, v9;
	v48 =	vand.u32 $0xFFFFFF80, v59  }
0x3d9: {  	v41 =	vand.u32 $0x7F, v59;
	v51 =	vand.u32 $0xFFFFFF80, v49;
	v53 =	vand.u32 $0x7F, v49  }
0x3da: {  	v7 =	vld.idx.msk [tilespmem:v7+s5+$0x0], $0xffff;
	v14 =	vadd.s32 s14, v48;
	v54 =	vadd.s32 s14, v51;
	v1 =	vmul.f32 v1, v15  }
0x3db: {  	v59 =	vld.idx.msk [tilespmem:v12+s5+$0x0], $0xffff;
	v5 =	vadd.f32 v6, v5;
	v14 =	vor.u32 v41, v14;
	v55 =	vor.u32 v53, v54  }
0x3dc: {  	v6 =	vld.idx.msk [tilespmem:v13+s5+$0x0], $0xffff;
	v44 =	vmul.f32 v2, v50;
	v50 =	vand.u32 $0xFFFFFF80, v47;
	v54 =	vadd.s32 v23, v9  }
0x3dd: {  	v45 =	vld.idx.msk [tilespmem:v11+s5+$0x0], $0xffff;
	v40 =	vadd.f32 v1, v37;
	v48 =	vmul.f32 v5, v52;
	v52 =	vand.u32 $0x7F, v47  }
0x3de: {  	v53 =	vadd.s32 s14, v50;
	v38 =	vadd.f32 v44, v56;
	v56 =	vimm.s32 $0xB  }
0x3df: {  	v37 =	vadd.f32 v48, v0;
	v7 =	vmul.f32 v7, v33;
	v10 =	vperm.xlane v35, v56  }
0x3e0: {  	v0 =	vor.u32 v52, v53;
	v53 =	vperm.xlane v34, v16;
	v4 =	vmul.f32 v59, v30  }
0x3e1: {  	v3 =	vand.u32 $0x7F, v54;
	v59 =	vperm.xlane v34, v56;
	v6 =	vmul.f32 v6, v31  }
0x3e2: {  	v51 =	vld.idx.msk [tilespmem:v55+s13+$0x0], $0xffff;
	v55 =	vand.u32 $0xFFFFFF80, v54;
	v2 =	vmul.f32 v45, v32;
	v48 =	vadd.s32 v20, v10  }
0x3e3: {  	v54 =	vadd.s32 v20, v53;
	v56 =	vadd.s32 v21, v53;
	v8 =	vadd.s32 s14, v55  }
0x3e4: {  	v39 =	vadd.s32 v20, v59;
	v42 =	vadd.s32 v21, v59;
	v44 =	vadd.s32 v22, v59  }
0x3e5: {  	v49 =	vld.idx.msk [tilespmem:v14+s13+$0x0], $0xffff;
	v9 =	vadd.s32 v23, v59;
	v15 =	vand.u32 $0xFFFFFF80, v48;
	v14 =	vand.u32 $0x7F, v48  }
0x3e6: {  	v55 =	vand.u32 $0xFFFFFF80, v54;
	v59 =	vand.u32 $0xFFFFFF80, v56;
	v48 =	vadd.s32 v22, v53  }
0x3e7: {  	v4 =	vadd.f32 v4, v7;
	v3 =	vor.u32 v3, v8;
	v41 =	vand.u32 $0xFFFFFF80, v39  }
0x3e8: {  	v8 =	vand.u32 $0x7F, v39;
	v43 =	vand.u32 $0xFFFFFF80, v42;
	v12 =	vand.u32 $0x7F, v42  }
0x3e9: {  	s14 =	sadd.s32 $0xFFFFFC00, s2;
	v45 =	vand.u32 $0xFFFFFF80, v44;
	v46 =	vand.u32 $0x7F, v44;
	v47 =	vand.u32 $0xFFFFFF80, v9  }
0x3ea: {  	v9 =	vand.u32 $0x7F, v9;
	v15 =	vadd.s32 s14, v15;
	v42 =	vadd.s32 v23, v53  }
0x3eb: {  	v2 =	vadd.f32 v2, v6;
	v11 =	vadd.s32 s14, v41;
	v13 =	vadd.s32 s14, v43  }
0x3ec: {  	v43 =	vperm.xlane v35, v16;
	v8 =	vor.u32 v8, v11;
	v11 =	vor.u32 v12, v13  }
0x3ed: {  	v12 =	vadd.s32 s14, v45;
	v13 =	vadd.s32 s14, v47;
	v45 =	vand.u32 $0x7F, v56  }
0x3ee: {  	v2 =	vadd.f32 v2, v4;
	v5 =	vmul.f32 v49, v26;
	v1 =	vmul.f32 v51, v28  }
0x3ef: {  	v12 =	vor.u32 v46, v12;
	v49 =	vadd.s32 v21, v10;
	v9 =	vor.u32 v9, v13  }
0x3f0: {  	v13 =	vor.u32 v14, v15;
	v51 =	vadd.s32 v22, v10;
	v10 =	vadd.s32 v23, v10  }
0x3f1: {  	v50 =	vand.u32 $0xFFFFFF80, v49;
	v15 =	vand.u32 $0x7F, v49;
	v39 =	vand.u32 $0x7F, v51  }
0x3f2: {  	v0 =	vld.idx.msk [tilespmem:v0+s13+$0x0], $0xffff;
	v52 =	vand.u32 $0xFFFFFF80, v10;
	v10 =	vand.u32 $0x7F, v10;
	v49 =	vand.u32 $0xFFFFFF80, v48  }
0x3f3: {  	v14 =	vadd.s32 s14, v50;
	v41 =	vadd.s32 s14, v52;
	v50 =	vand.u32 $0x7F, v48  }
0x3f4: {  	v52 =	vadd.s32 v20, v43;
	v1 =	vadd.f32 v1, v5;
	v14 =	vor.u32 v15, v14  }
0x3f5: {  	v3 =	vld.idx.msk [tilespmem:v3+s13+$0x0], $0xffff;
	v15 =	vand.u32 $0xFFFFFF80, v51;
	v10 =	vor.u32 v10, v41;
	v51 =	vand.u32 $0xFFFFFF80, v42  }
0x3f6: {  	v41 =	vld [tilespmem:s23+$0x0];
	v42 =	vand.u32 $0x7F, v42;
	v53 =	vand.u32 $0xFFFFFF80, v52;
	v15 =	vadd.s32 s14, v15  }
0x3f7: {  	v47 =	vand.u32 $0x7F, v52;
	v0 =	vmul.f32 v0, v27;
	s14 =	sadd.s32 $0xFFFFFC80, s2;
	v8 =	vld.idx.msk [tilespmem:v8+s5+$0x0], $0xffff;
	v15 =	vor.u32 v39, v15  }
0x3f8: {  	v11 =	vld.idx.msk [tilespmem:v11+s5+$0x0], $0xffff;
	v39 =	vand.u32 $0x7F, v54;
	v44 =	vadd.s32 s14, v55;
	v46 =	vadd.s32 s14, v59  }
0x3f9: {  	v12 =	vld.idx.msk [tilespmem:v12+s5+$0x0], $0xffff;
	v48 =	vadd.s32 s14, v53;
	v54 =	vadd.s32 v21, v43;
	v59 =	vadd.s32 v22, v43  }
0x3fa: {  	v9 =	vld.idx.msk [tilespmem:v9+s5+$0x0], $0xffff;
	v43 =	vadd.s32 v23, v43;
	v39 =	vor.u32 v39, v44;
	v44 =	vor.u32 v45, v46  }
0x3fb: {  	v13 =	vld.idx.msk [tilespmem:v13+s13+$0x0], $0xffff;
	v45 =	vadd.s32 s14, v49;
	v46 =	vadd.s32 s14, v51;
	v55 =	vand.u32 $0xFFFFFF80, v54  }
0x3fc: {  	v56 =	vand.u32 $0x7F, v54;
	v52 =	vand.u32 $0xFFFFFF80, v59;
	v45 =	vor.u32 v50, v45;
	v14 =	vld.idx.msk [tilespmem:v14+s13+$0x0], $0xffff  }
0x3fd: {  	v53 =	vand.u32 $0x7F, v59;
	v54 =	vand.u32 $0xFFFFFF80, v43;
	v42 =	vor.u32 v42, v46;
	v10 =	vld.idx.msk [tilespmem:v10+s13+$0x0], $0xffff  }
0x3fe: {  	v46 =	vor.u32 v47, v48;
	v47 =	vadd.s32 s14, v55;
	v48 =	vadd.s32 s14, v52;
	v15 =	vld.idx.msk [tilespmem:v15+s13+$0x0], $0xffff  }
0x3ff: {  	v55 =	vand.u32 $0x7F, v43;
	v3 =	vmul.f32 v3, v29;
	v47 =	vor.u32 v56, v47;
	v50 =	vld.idx.msk [tilespmem:v39+s5+$0x0], $0xffff  }
0x400: {  	v48 =	vor.u32 v53, v48;
	v56 =	vadd.s32 s14, v54;
	v59 =	vshll.u32 v41, $0x6;
	v44 =	vld.idx.msk [tilespmem:v44+s5+$0x0], $0xffff  }
0x401: {  	v43 =	vor.u32 v55, v56;
	v0 =	vadd.f32 v3, v0;
	v49 =	vmul.f32 v12, v31;
	v45 =	vld.idx.msk [tilespmem:v45+s5+$0x0], $0xffff  }
0x402: {  	v51 =	vmul.f32 v9, v32;
	v53 =	vmul.f32 v13, v26;
	v39 =	vand.u32 $0x40, v59;
	v6 =	vld.idx.msk [tilespmem:v42+s5+$0x0], $0xffff  }
0x403: {  	v0 =	vadd.f32 v0, v1;
	v3 =	vld.idx.msk [tilespmem:v46+s13+$0x0], $0xffff;
	v42 =	vmul.f32 v8, v33;
	v54 =	vmul.f32 v14, v28  }
0x404: {  	v46 =	vmul.f32 v11, v30;
	v1 =	vadd.f32 v51, v49;
	v7 =	vld.idx.msk [tilespmem:v47+s13+$0x0], $0xffff;
	v10 =	vmul.f32 v10, v29  }
0x405: {  	v52 =	vld.idx.msk [tilespmem:v48+s13+$0x0], $0xffff;
	v56 =	vmul.f32 v15, v27;
	v5 =	vadd.f32 v54, v53;
	v53 =	vperm.xlane v35, v17  }
0x406: {  	v4 =	vadd.f32 v46, v42;
	v55 =	vld.idx.msk [tilespmem:v43+s13+$0x0], $0xffff;
	v43 =	vmul.f32 v50, v33;
	v46 =	vmul.f32 v44, v30  }
0x407: {  	v42 =	vadd.f32 v0, v2;
	v50 =	vperm.xlane v34, v17;
	v47 =	vmul.f32 v45, v31  }
0x408: {  	v59 =	vld [tilespmem:s24+$0x0];
	v1 =	vadd.f32 v1, v4;
	v6 =	vmul.f32 v6, v32;
	v3 =	vmul.f32 v3, v26  }
0x409: {  	v8 =	vadd.f32 v10, v56;
	v41 =	vadd.s32 v20, v53;
	v45 =	vadd.s32 v21, v53  }
0x40a: {  	v7 =	vmul.f32 v7, v28;
	v9 =	vmul.f32 v52, v27;
	v0 =	vadd.f32 v46, v43  }
0x40b: {  	v52 =	vadd.s32 v20, v50;
	v4 =	vadd.s32 v23, v50;
	v44 =	vand.u32 $0xFFFFFF80, v41  }
0x40c: {  	v10 =	vand.u32 $0x7F, v41;
	v46 =	vand.u32 $0xFFFFFF80, v45;
	v48 =	vmul.f32 v55, v29  }
0x40d: {  	v49 =	vadd.f32 v6, v47;
	v6 =	vshll.u32 v59, $0x6;
	v5 =	vadd.f32 v8, v5  }
0x40e: {  	v54 =	vand.u32 $0xFFFFFF80, v52;
	v2 =	vand.u32 $0x7F, v52;
	v55 =	vadd.s32 v21, v50  }
0x40f: {  	s14 =	sadd.s32 $0xFFFFFD00, s2;
	v59 =	vadd.s32 v22, v50;
	v43 =	vand.u32 $0xFFFFFF80, v4;
	v4 =	vand.u32 $0x7F, v4  }
0x410: {  	v47 =	vadd.s32 v22, v53;
	v3 =	vadd.f32 v7, v3;
	v8 =	vadd.s32 s14, v54  }
0x411: {  	v56 =	vand.u32 $0xFFFFFF80, v55;
	v12 =	vand.u32 $0xFFFFFF80, v59;
	v13 =	vand.u32 $0x7F, v59  }
0x412: {  	v11 =	vadd.s32 s14, v43;
	v7 =	vadd.s32 v23, v53;
	v51 =	vadd.f32 v48, v9  }
0x413: {  	v0 =	vadd.f32 v49, v0;
	v2 =	vor.u32 v2, v8;
	v9 =	vand.u32 $0x7F, v55  }
0x414: {  	v8 =	vadd.s32 s14, v56;
	v14 =	vadd.s32 s14, v12;
	v12 =	vadd.s32 s14, v44  }
0x415: {  	v4 =	vor.u32 v4, v11;
	v11 =	vand.u32 $0x7F, v45;
	v48 =	vand.u32 $0xFFFFFF80, v47  }
0x416: {  	v15 =	vand.u32 $0xFFFFFF80, v7;
	v7 =	vand.u32 $0x7F, v7;
	v49 =	vperm.xlane v34, v18  }
0x417: {  	v1 =	vadd.f32 v5, v1;
	v8 =	vor.u32 v9, v8;
	v9 =	vor.u32 v13, v14  }
0x418: {  	v10 =	vor.u32 v10, v12;
	v12 =	vadd.s32 s14, v46;
	v13 =	vand.u32 $0x7F, v47  }
0x419: {  	v14 =	vadd.s32 s14, v48;
	v15 =	vadd.s32 s14, v15;
	v3 =	vadd.f32 v51, v3  }
0x41a: {  	v11 =	vor.u32 v11, v12;
	v12 =	vor.u32 v13, v14;
	v7 =	vor.u32 v7, v15  }
0x41b: {  	v50 =	vadd.s32 v20, v49;
	v14 =	vperm.xlane v35, v18;
	v51 =	vadd.s32 v21, v49  }
0x41c: {  	v53 =	vadd.s32 v22, v49;
	v41 =	vadd.s32 v23, v49;
	v15 =	vand.u32 $0xFFFFFF80, v50  }
0x41d: {  	v45 =	vld [tilespmem:$0x1BCA0];
	v13 =	vand.u32 $0x7F, v50;
	v52 =	vand.u32 $0xFFFFFF80, v51;
	v43 =	vand.u32 $0x7F, v51  }
0x41e: {  	s14 =	sadd.s32 $0xFFFFFD80, s2;
	v47 =	vld [tilespmem:$0x1BCB0];
	v54 =	vand.u32 $0xFFFFFF80, v53;
	v46 =	vand.u32 $0x7F, v53;
	v55 =	vand.u32 $0xFFFFFF80, v41  }
0x41f: {  	v41 =	vand.u32 $0x7F, v41;
	v15 =	vadd.s32 s14, v15;
	v44 =	vadd.s32 s14, v52;
	v2 =	vld.idx.msk [tilespmem:v2+s5+$0x0], $0xffff  }
0x420: {  	v56 =	vadd.s32 v20, v14;
	v13 =	vor.u32 v13, v15;
	v15 =	vor.u32 v43, v44;
	v44 =	vld [tilespmem:$0x1BCC0]  }
0x421: {  	v52 =	vadd.s32 v21, v14;
	v0 =	vadd.f32 v3, v0;
	v43 =	vadd.s32 s14, v54;
	v4 =	vld.idx.msk [tilespmem:v4+s5+$0x0], $0xffff  }
0x422: {  	v59 =	vand.u32 $0xFFFFFF80, v56;
	v48 =	vand.u32 $0x7F, v56;
	v53 =	vand.u32 $0xFFFFFF80, v52;
	v8 =	vld.idx.msk [tilespmem:v8+s5+$0x0], $0xffff  }
0x423: {  	v54 =	vand.u32 $0x7F, v52;
	v9 =	vld.idx.msk [tilespmem:v9+s5+$0x0], $0xffff;
	v43 =	vor.u32 v46, v43;
	v46 =	vadd.s32 s14, v55  }
0x424: {  	v10 =	vld.idx.msk [tilespmem:v10+s13+$0x0], $0xffff;
	v49 =	vadd.s32 s14, v59;
	v55 =	vadd.s32 v22, v14;
	v14 =	vadd.s32 v23, v14  }
0x425: {  	v1 =	vmul.f32 v1, v47;
	v11 =	vld.idx.msk [tilespmem:v11+s13+$0x0], $0xffff;
	v41 =	vor.u32 v41, v46;
	v46 =	vor.u32 v48, v49  }
0x426: {  	v12 =	vld.idx.msk [tilespmem:v12+s13+$0x0], $0xffff;
	v48 =	vadd.s32 s14, v53;
	v56 =	vand.u32 $0xFFFFFF80, v55;
	v50 =	vand.u32 $0x7F, v55  }
0x427: {  	v7 =	vld.idx.msk [tilespmem:v7+s13+$0x0], $0xffff;
	v59 =	vand.u32 $0xFFFFFF80, v14;
	v14 =	vand.u32 $0x7F, v14;
	v48 =	vor.u32 v54, v48  }
0x428: {  	v49 =	vadd.s32 s14, v56;
	v52 =	vadd.s32 s14, v59;
	v2 =	vmul.f32 v2, v33;
	v13 =	vld.idx.msk [tilespmem:v13+s5+$0x0], $0xffff  }
0x429: {  	v49 =	vor.u32 v50, v49;
	v15 =	vld.idx.msk [tilespmem:v15+s5+$0x0], $0xffff;
	v4 =	vmul.f32 v4, v32;
	v0 =	vmul.f32 v0, v44  }
0x42a: {  	v14 =	vor.u32 v14, v52;
	v8 =	vmul.f32 v8, v30;
	v9 =	vmul.f32 v9, v31;
	v43 =	vld.idx.msk [tilespmem:v43+s5+$0x0], $0xffff  }
0x42b: {  	v53 =	vmul.f32 v10, v26;
	v54 =	vmul.f32 v11, v28;
	v55 =	vld.idx.msk [tilespmem:v41+s5+$0x0], $0xffff  }
0x42c: {  	v56 =	vmul.f32 v12, v27;
	v7 =	vmul.f32 v7, v29;
	v59 =	vld.idx.msk [tilespmem:v46+s13+$0x0], $0xffff  }
0x42d: {  	v41 =	vand.u32 $0x40, v6;
	v2 =	vadd.f32 v8, v2;
	v4 =	vadd.f32 v4, v9;
	v46 =	vld.idx.msk [tilespmem:v48+s13+$0x0], $0xffff  }
0x42e: {  	v48 =	vmul.f32 v42, v45;
	v5 =	vadd.f32 v54, v53;
	v3 =	vadd.f32 v7, v56;
	v49 =	vld.idx.msk [tilespmem:v49+s13+$0x0], $0xffff  }
0x42f: {  	v50 =	vld.idx.msk [tilespmem:v14+s13+$0x0], $0xffff;
	v2 =	vadd.f32 v4, v2;
	v51 =	vmul.f32 v13, v33;
	v52 =	vmul.f32 v15, v30  }
0x430: {  	v3 =	vadd.f32 v3, v5;
	v53 =	vmul.f32 v43, v31;
	v54 =	vmul.f32 v55, v32  }
0x431: {  	v40 =	vadd.f32 v48, v40;
	v55 =	vperm.xlane v34, v19;
	v9 =	vmul.f32 v59, v26  }
0x432: {  	v59 =	vperm.xlane v35, v19;
	v2 =	vadd.f32 v3, v2;
	v3 =	vadd.f32 v52, v51  }
0x433: {  	v6 =	vmul.f32 v46, v28;
	v8 =	vadd.f32 v54, v53;
	v7 =	vmul.f32 v49, v27  }
0x434: {  	v4 =	vmul.f32 v50, v29;
	v56 =	vadd.s32 v20, v55;
	v43 =	vadd.s32 v21, v55  }
0x435: {  	v15 =	vadd.s32 v22, v55;
	v5 =	vadd.s32 v23, v55;
	v35 =	vadd.s32 v21, v59  }
0x436: {  	v50 =	vadd.s32 v22, v59;
	v11 =	vadd.s32 v23, v59;
	v42 =	vand.u32 $0xFFFFFF80, v56  }
0x437: {  	v10 =	vand.u32 $0x7F, v56;
	v44 =	vand.u32 $0xFFFFFF80, v43;
	v13 =	vand.u32 $0x7F, v43  }
0x438: {  	v45 =	vand.u32 $0xFFFFFF80, v15;
	v46 =	vand.u32 $0x7F, v15;
	v47 =	vand.u32 $0xFFFFFF80, v5  }
0x439: {  	v15 =	vadd.s32 v20, v59;
	v5 =	vand.u32 $0x7F, v5;
	v49 =	vand.u32 $0x7F, v35  }
0x43a: {  	s14 =	sadd.s32 $0xFFFFFE00, s2;
	v51 =	vand.u32 $0xFFFFFF80, v50;
	v52 =	vand.u32 $0xFFFFFF80, v11;
	v43 =	vperm.xlane v39, v16  }
0x43b: {  	v11 =	vand.u32 $0x7F, v11;
	v6 =	vadd.f32 v6, v9;
	v12 =	vadd.s32 s14, v42  }
0x43c: {  	v14 =	vadd.s32 s14, v44;
	v48 =	vand.u32 $0xFFFFFF80, v15;
	v15 =	vand.u32 $0x7F, v15  }
0x43d: {  	v42 =	vadd.s32 s14, v52;
	v4 =	vadd.f32 v4, v7;
	v10 =	vor.u32 v10, v12  }
0x43e: {  	v12 =	vor.u32 v13, v14;
	v13 =	vadd.s32 s14, v45;
	v14 =	vadd.s32 s14, v47  }
0x43f: {  	v34 =	vadd.s32 s14, v48;
	v11 =	vor.u32 v11, v42;
	v53 =	vadd.s32 v20, v43  }
0x440: {  	v42 =	vperm.xlane v41, v16;
	v55 =	vadd.s32 v21, v43;
	v59 =	vadd.s32 v22, v43  }
0x441: {  	v43 =	vadd.s32 v23, v43;
	v13 =	vor.u32 v46, v13;
	v5 =	vor.u32 v5, v14  }
0x442: {  	v14 =	vor.u32 v15, v34;
	v15 =	vand.u32 $0xFFFFFF80, v35;
	v35 =	vand.u32 $0x7F, v50  }
0x443: {  	v34 =	vadd.s32 s14, v51;
	v54 =	vand.u32 $0xFFFFFF80, v53;
	v56 =	vand.u32 $0xFFFFFF80, v55  }
0x444: {  	v45 =	vand.u32 $0x7F, v55;
	v52 =	vand.u32 $0xFFFFFF80, v59;
	v15 =	vadd.s32 s14, v15  }
0x445: {  	v34 =	vor.u32 v35, v34;
	v35 =	vand.u32 $0x7F, v53;
	v53 =	vand.u32 $0x7F, v59  }
0x446: {  	v47 =	vld [tilespmem:$0x1BCD0];
	s14 =	sadd.s32 $0xFFFFFE80, s2;
	v55 =	vadd.s32 v20, v42;
	v59 =	vadd.s32 v21, v42;
	v15 =	vor.u32 v49, v15  }
0x447: {  	v44 =	vadd.s32 s14, v54;
	v46 =	vadd.s32 s14, v56;
	v54 =	vand.u32 $0xFFFFFF80, v43;
	v10 =	vld.idx.msk [tilespmem:v10+s5+$0x0], $0xffff  }
0x448: {  	v43 =	vand.u32 $0x7F, v43;
	v56 =	vand.u32 $0xFFFFFF80, v55;
	v48 =	vand.u32 $0x7F, v55;
	v12 =	vld.idx.msk [tilespmem:v12+s5+$0x0], $0xffff  }
0x449: {  	v35 =	vor.u32 v35, v44;
	v44 =	vor.u32 v45, v46;
	v45 =	vadd.s32 s14, v52;
	v11 =	vld.idx.msk [tilespmem:v11+s13+$0x0], $0xffff  }
0x44a: {  	v46 =	vadd.s32 s14, v54;
	v49 =	vadd.s32 s14, v56;
	v52 =	vand.u32 $0xFFFFFF80, v59;
	v13 =	vld.idx.msk [tilespmem:v13+s5+$0x0], $0xffff  }
0x44b: {  	v54 =	vadd.s32 v22, v42;
	v42 =	vadd.s32 v23, v42;
	v45 =	vor.u32 v53, v45;
	v5 =	vld.idx.msk [tilespmem:v5+s5+$0x0], $0xffff  }
0x44c: {  	v43 =	vor.u32 v43, v46;
	v46 =	vor.u32 v48, v49;
	v53 =	vand.u32 $0x7F, v59;
	v14 =	vld.idx.msk [tilespmem:v14+s13+$0x0], $0xffff  }
0x44d: {  	v48 =	vadd.s32 s14, v52;
	v55 =	vand.u32 $0xFFFFFF80, v54;
	v56 =	vand.u32 $0x7F, v54;
	v49 =	vld.idx.msk [tilespmem:v34+s13+$0x0], $0xffff  }
0x44e: {  	v59 =	vand.u32 $0xFFFFFF80, v42;
	v48 =	vor.u32 v53, v48;
	v34 =	vadd.s32 s14, v55;
	v15 =	vld.idx.msk [tilespmem:v15+s13+$0x0], $0xffff  }
0x44f: {  	v59 =	vadd.s32 s14, v59;
	v52 =	vor.u32 v56, v34;
	v56 =	vand.u32 $0x7F, v42;
	v51 =	vld.idx.msk [tilespmem:v35+s5+$0x0], $0xffff  }
0x450: {  	v34 =	vadd.f32 v0, v38;
	v42 =	vmul.f32 v2, v47;
	v44 =	vld.idx.msk [tilespmem:v44+s5+$0x0], $0xffff;
	v9 =	vor.u32 v56, v59  }
0x451: {  	v35 =	vadd.f32 v1, v36;
	v1 =	vld.idx.msk [tilespmem:v43+s5+$0x0], $0xffff;
	v43 =	vadd.f32 v8, v3;
	v50 =	vmul.f32 v10, v33  }
0x452: {  	v7 =	vld.idx.msk [tilespmem:v45+s5+$0x0], $0xffff;
	v45 =	vadd.f32 v4, v6;
	v53 =	vmul.f32 v12, v30;
	v11 =	vmul.f32 v11, v29  }
0x453: {  	v47 =	vld.idx.msk [tilespmem:v46+s13+$0x0], $0xffff;
	v36 =	vadd.f32 v42, v37;
	v55 =	vmul.f32 v13, v31;
	v56 =	vmul.f32 v5, v32  }
0x454: {  	v54 =	vld.idx.msk [tilespmem:v48+s13+$0x0], $0xffff;
	v38 =	vmul.f32 v14, v26;
	v37 =	vadd.f32 v45, v43;
	v43 =	vmul.f32 v49, v27  }
0x455: {  	v0 =	vadd.f32 v53, v50;
	v42 =	vmul.f32 v15, v28;
	v2 =	vadd.f32 v56, v55  }
0x456: {  	v45 =	vmul.f32 v51, v33;
	v46 =	vmul.f32 v44, v30;
	v3 =	vadd.f32 v11, v43  }
0x457: {  	v51 =	vperm.xlane v39, v17;
	v6 =	vadd.f32 v42, v38;
	v7 =	vmul.f32 v7, v31  }
0x458: {  	v59 =	vld.idx.msk [tilespmem:v52+s13+$0x0], $0xffff;
	v1 =	vmul.f32 v1, v32;
	v0 =	vadd.f32 v2, v0;
	v47 =	vmul.f32 v47, v26  }
0x459: {  	v48 =	vmul.f32 v54, v28;
	v50 =	vadd.f32 v46, v45;
	v53 =	vadd.s32 v20, v51  }
0x45a: {  	v9 =	vld.idx.msk [tilespmem:v9+s13+$0x0], $0xffff;
	v54 =	vperm.xlane v41, v17;
	v56 =	vadd.s32 v21, v51;
	v8 =	vadd.s32 v22, v51  }
0x45b: {  	v12 =	vadd.s32 v23, v51;
	v3 =	vadd.f32 v3, v6;
	v1 =	vadd.f32 v1, v7  }
0x45c: {  	v55 =	vand.u32 $0xFFFFFF80, v53;
	v10 =	vand.u32 $0x7F, v8;
	v14 =	vand.u32 $0xFFFFFF80, v12  }
0x45d: {  	s14 =	sadd.s32 $0xFFFFFF00, s2;
	v4 =	vand.u32 $0x7F, v12;
	v5 =	vmul.f32 v59, v27;
	v2 =	vadd.f32 v48, v47  }
0x45e: {  	v59 =	vand.u32 $0xFFFFFF80, v56;
	v13 =	vadd.s32 v20, v54;
	v6 =	vadd.s32 s14, v14  }
0x45f: {  	v45 =	vadd.s32 v21, v54;
	v47 =	vadd.s32 v22, v54;
	v49 =	vmul.f32 v9, v29  }
0x460: {  	v38 =	vadd.f32 v3, v0;
	v42 =	vadd.f32 v1, v50;
	v0 =	vand.u32 $0x7F, v53  }
0x461: {  	v3 =	vand.u32 $0x7F, v56;
	v9 =	vand.u32 $0xFFFFFF80, v8;
	v44 =	vand.u32 $0xFFFFFF80, v13  }
0x462: {  	v4 =	vor.u32 v4, v6;
	v46 =	vand.u32 $0xFFFFFF80, v45;
	v6 =	vand.u32 $0x7F, v45  }
0x463: {  	v48 =	vand.u32 $0xFFFFFF80, v47;
	v8 =	vand.u32 $0x7F, v47;
	v1 =	vadd.s32 v23, v54  }
0x464: {  	v11 =	vadd.s32 s14, v9;
	v7 =	vadd.s32 s14, v44;
	v9 =	vadd.s32 s14, v48  }
0x465: {  	v50 =	vand.u32 $0xFFFFFF80, v1;
	v1 =	vand.u32 $0x7F, v1;
	v52 =	vadd.f32 v49, v5  }
0x466: {  	v5 =	vand.u32 $0x7F, v13;
	v49 =	vperm.xlane v39, v18;
	v39 =	vperm.xlane v39, v19  }
0x467: {  	v5 =	vor.u32 v5, v7;
	v7 =	vadd.s32 s14, v46;
	v43 =	vadd.f32 v52, v2  }
0x468: {  	v2 =	vadd.s32 s14, v55;
	v6 =	vor.u32 v6, v7;
	v7 =	vor.u32 v8, v9  }
0x469: {  	v8 =	vadd.s32 s14, v50;
	v51 =	vadd.s32 v20, v49;
	v52 =	vperm.xlane v41, v18  }
0x46a: {  	v54 =	vadd.s32 v21, v49;
	v56 =	vadd.s32 v22, v49;
	v41 =	vperm.xlane v41, v19  }
0x46b: {  	v0 =	vor.u32 v0, v2;
	v2 =	vadd.s32 s14, v59;
	v1 =	vor.u32 v1, v8  }
0x46c: {  	v53 =	vand.u32 $0xFFFFFF80, v51;
	v9 =	vand.u32 $0x7F, v51;
	v55 =	vand.u32 $0xFFFFFF80, v54  }
0x46d: {  	v12 =	vand.u32 $0x7F, v54;
	v59 =	vand.u32 $0xFFFFFF80, v56;
	v44 =	vand.u32 $0x7F, v56  }
0x46e: {  	s14 =	sadd.s32 $0xFFFFFF80, s2;
	v54 =	vadd.s32 v21, v39;
	v56 =	vadd.s32 v22, v39;
	v2 =	vor.u32 v3, v2  }
0x46f: {  	v3 =	vor.u32 v10, v11;
	v11 =	vadd.s32 s14, v53;
	v45 =	vadd.s32 s14, v59  }
0x470: {  	v10 =	vadd.s32 v23, v49;
	v46 =	vadd.s32 v20, v52;
	v48 =	vadd.s32 v21, v52  }
0x471: {  	v49 =	vadd.s32 v22, v52;
	v8 =	vadd.s32 v23, v52;
	v52 =	vadd.s32 v20, v39  }
0x472: {  	v59 =	vand.u32 $0xFFFFFF80, v56;
	v39 =	vadd.s32 v23, v39;
	v9 =	vor.u32 v9, v11  }
0x473: {  	v11 =	vadd.s32 s14, v55;
	v47 =	vand.u32 $0xFFFFFF80, v10;
	v10 =	vand.u32 $0x7F, v10  }
0x474: {  	v15 =	vand.u32 $0xFFFFFF80, v46;
	v13 =	vand.u32 $0x7F, v46;
	v50 =	vand.u32 $0xFFFFFF80, v49  }
0x475: {  	v4 =	vld.idx.msk [tilespmem:v4+s5+$0x0], $0xffff;
	v51 =	vand.u32 $0xFFFFFF80, v8;
	v8 =	vand.u32 $0x7F, v8;
	v53 =	vand.u32 $0xFFFFFF80, v52  }
0x476: {  	v55 =	vand.u32 $0xFFFFFF80, v54;
	v46 =	vand.u32 $0x7F, v54;
	v11 =	vor.u32 v12, v11;
	v5 =	vld.idx.msk [tilespmem:v5+s13+$0x0], $0xffff  }
0x477: {  	v12 =	vor.u32 v44, v45;
	v14 =	vadd.s32 s14, v47;
	v15 =	vadd.s32 s14, v15;
	v6 =	vld.idx.msk [tilespmem:v6+s13+$0x0], $0xffff  }
0x478: {  	v44 =	vand.u32 $0x7F, v49;
	v45 =	vadd.s32 s14, v50;
	v47 =	vand.u32 $0x7F, v56;
	v7 =	vld.idx.msk [tilespmem:v7+s13+$0x0], $0xffff  }
0x479: {  	v10 =	vor.u32 v10, v14;
	v13 =	vor.u32 v13, v15;
	v15 =	vand.u32 $0xFFFFFF80, v48;
	v0 =	vld.idx.msk [tilespmem:v0+s5+$0x0], $0xffff  }
0x47a: {  	v14 =	vand.u32 $0x7F, v48;
	v48 =	vadd.s32 s2, v59;
	v15 =	vadd.s32 s14, v15;
	v1 =	vld.idx.msk [tilespmem:v1+s13+$0x0], $0xffff  }
0x47b: {  	v59 =	vadd.s32 v22, v41;
	v4 =	vmul.f32 v4, v32;
	v2 =	vld.idx.msk [tilespmem:v2+s5+$0x0], $0xffff;
	v14 =	vor.u32 v14, v15  }
0x47c: {  	v3 =	vld.idx.msk [tilespmem:v3+s5+$0x0], $0xffff;
	v15 =	vor.u32 v44, v45;
	v44 =	vadd.s32 s14, v51;
	v45 =	vand.u32 $0x7F, v52  }
0x47d: {  	v52 =	vand.u32 $0xFFFFFF80, v39;
	v8 =	vor.u32 v8, v44;
	v44 =	vadd.s32 s2, v53;
	v9 =	vld.idx.msk [tilespmem:v9+s5+$0x0], $0xffff  }
0x47e: {  	v39 =	vand.u32 $0x7F, v39;
	v53 =	vadd.s32 v20, v41;
	v44 =	vor.u32 v45, v44;
	v11 =	vld.idx.msk [tilespmem:v11+s5+$0x0], $0xffff  }
0x47f: {  	v45 =	vadd.s32 s2, v55;
	v12 =	vld.idx.msk [tilespmem:v12+s5+$0x0], $0xffff;
	v54 =	vand.u32 $0xFFFFFF80, v53;
	v55 =	vadd.s32 v21, v41  }
0x480: {  	v41 =	vadd.s32 v23, v41;
	v45 =	vor.u32 v46, v45;
	v46 =	vor.u32 v47, v48;
	v10 =	vld.idx.msk [tilespmem:v10+s5+$0x0], $0xffff  }
0x481: {  	v47 =	vadd.s32 s2, v52;
	v13 =	vld.idx.msk [tilespmem:v13+s13+$0x0], $0xffff;
	v48 =	vand.u32 $0x7F, v53;
	v56 =	vand.u32 $0xFFFFFF80, v55  }
0x482: {  	v49 =	vand.u32 $0x7F, v55;
	v53 =	vand.u32 $0xFFFFFF80, v59;
	v55 =	vand.u32 $0xFFFFFF80, v41;
	v14 =	vld.idx.msk [tilespmem:v14+s13+$0x0], $0xffff  }
0x483: {  	v41 =	vand.u32 $0x7F, v41;
	v39 =	vor.u32 v39, v47;
	v47 =	vadd.s32 s2, v54;
	v15 =	vld.idx.msk [tilespmem:v15+s13+$0x0], $0xffff  }
0x484: {  	v50 =	vadd.s32 s2, v56;
	v54 =	vand.u32 $0x7F, v59;
	v47 =	vor.u32 v48, v47;
	v8 =	vld.idx.msk [tilespmem:v8+s13+$0x0], $0xffff  }
0x485: {  	v0 =	vmul.f32 v0, v33;
	v52 =	vor.u32 v49, v50;
	v49 =	vadd.s32 s2, v53;
	v44 =	vld.idx.msk [tilespmem:v44+s5+$0x0], $0xffff  }
0x486: {  	v56 =	vmul.f32 v5, v26;
	v50 =	vadd.s32 s2, v55;
	v49 =	vor.u32 v54, v49;
	v45 =	vld.idx.msk [tilespmem:v45+s5+$0x0], $0xffff  }
0x487: {  	v2 =	vmul.f32 v2, v30;
	v3 =	vmul.f32 v3, v31;
	v41 =	vor.u32 v41, v50;
	v46 =	vld.idx.msk [tilespmem:v46+s5+$0x0], $0xffff  }
0x488: {  	v59 =	vmul.f32 v6, v28;
	v1 =	vmul.f32 v1, v29;
	v6 =	vld.idx.msk [tilespmem:v39+s5+$0x0], $0xffff  }
0x489: {  	v0 =	vadd.f32 v2, v0;
	v3 =	vadd.f32 v4, v3;
	v39 =	vmul.f32 v7, v27;
	v7 =	vld.idx.msk [tilespmem:v47+s13+$0x0], $0xffff  }
0x48a: {  	v2 =	vadd.f32 v59, v56;
	v51 =	vmul.f32 v11, v30;
	v54 =	vmul.f32 v12, v31;
	v50 =	vld.idx.msk [tilespmem:v52+s13+$0x0], $0xffff  }
0x48b: {  	v59 =	vmul.f32 v10, v32;
	v0 =	vadd.f32 v3, v0;
	v47 =	vmul.f32 v9, v33;
	v53 =	vld.idx.msk [tilespmem:v49+s13+$0x0], $0xffff  }
0x48c: {  	v1 =	vadd.f32 v1, v39;
	v56 =	vld.idx.msk [tilespmem:v41+s13+$0x0], $0xffff;
	v39 =	vmul.f32 v13, v26;
	v41 =	vmul.f32 v14, v28  }
0x48d: {  	v8 =	vmul.f32 v8, v29;
	v9 =	vmul.f32 v44, v33;
	v4 =	vadd.f32 v51, v47  }
0x48e: {  	v52 =	vmul.f32 v45, v30;
	v55 =	vmul.f32 v46, v31;
	v1 =	vadd.f32 v1, v2  }
0x48f: {  	v49 =	vld [tilespmem:$0x1BD10];
	v2 =	vadd.f32 v59, v54;
	v45 =	vmul.f32 v15, v27;
	v6 =	vmul.f32 v6, v32  }
0x490: {  	v44 =	vld [tilespmem:$0x1BCE0];
	v5 =	vadd.f32 v41, v39;
	v7 =	vmul.f32 v7, v26;
	v46 =	vmul.f32 v50, v28  }
0x491: {  	v47 =	vld [tilespmem:$0x1BCF0];
	v8 =	vadd.f32 v8, v45;
	v48 =	vmul.f32 v53, v27;
	v15 =	vmul.f32 v56, v29  }
0x492: {  	v26 =	vld [tilespmem:$0x1BD00];
	v9 =	vadd.f32 v52, v9;
	v6 =	vadd.f32 v6, v55  }
0x493: {  	v50 =	vld [tilespmem:$0x1BD20];
	v7 =	vadd.f32 v46, v7;
	v51 =	vadd.f32 v15, v48  }
0x494: {  	v2 =	vadd.f32 v2, v4;
	v53 =	vld [tilespmem:$0x1BD30];
	v52 =	vadd.f32 v8, v5  }
0x495: {  	v6 =	vadd.f32 v6, v9;
	v7 =	vadd.f32 v51, v7  }
0x496: {  	p2 =	sne.s32 s31, $0x9F;
	v54 =	vadd.f32 v43, v42;
	v3 =	vmul.f32 v37, v44;
	v2 =	vadd.f32 v52, v2  }
.Ltmp5:
0x497: {  	v0 =	vadd.f32 v1, v0;
	v55 =	vmul.f32 v38, v47;
	v56 =	vadd.f32 v7, v6;
	(pc) =	sbr.rel @p2 .LBB2_7-.Ltmp5, $4  }
0x498: {  	v3 =	vadd.f32 v3, v40;
	v59 =	vmul.f32 v54, v26;
	v2 =	vmul.f32 v2, v50  }
0x499: {  	v0 =	vmul.f32 v0, v49;
	v1 =	vadd.f32 v55, v35;
	v4 =	vmul.f32 v56, v53  }
0x49a: {  	s29 =	sadd.s32 $0x1, s29;
	v59 =	vadd.f32 v59, v34;
	v55 =	vadd.f32 v2, v3  }
0x49b: {  	s31 =	sadd.s32 $0x14, s31;
	s23 =	sadd.s32 $0x14, s23;
	s24 =	sadd.s32 $0x14, s24;
	v56 =	vadd.f32 v0, v36;
	v54 =	vadd.f32 v4, v1  }
.Ltmp6:
0x49c: {  	(pc) =	sbr.rel @p1 .LBB2_10-.Ltmp6, $1  }
0x49d: {  	_ =	sdelay $0x3  }
0x49e: {  	s2 =	sadd.s32 $0x3, s26  }
0x49f: {  	s14 =	smul.u32 $0xA0, s2;
	_ =	sdelay $0x1  }
0x4a0: {  	v0 =	vld [tilespmem:s14+$0x500];
	_ =	sdelay $0x4  }
0x4a1: {  	v0 =	vshra.s32 v0, $0x1  }
0x4a2: {  	[tilespmem:$0x5900] =	vst v0  }
0x4a3: {  	v0 =	vld [tilespmem:s14+$0x2D00];
	_ =	sdelay $0x4  }
0x4a4: {  	v0 =	vshra.s32 v0, $0x1  }
0x4a5: {  	[tilespmem:$0x5A00] =	vst v0  }
0x4a6: {  	v0 =	vld [tilespmem:s14+$0x510];
	_ =	sdelay $0x4  }
0x4a7: {  	v0 =	vshra.s32 v0, $0x1  }
0x4a8: {  	[tilespmem:$0x5910] =	vst v0  }
0x4a9: {  	v0 =	vld [tilespmem:s14+$0x2D10];
	_ =	sdelay $0x4  }
0x4aa: {  	v0 =	vshra.s32 v0, $0x1  }
0x4ab: {  	[tilespmem:$0x5A10] =	vst v0  }
0x4ac: {  	v0 =	vld [tilespmem:s14+$0x520];
	_ =	sdelay $0x4  }
0x4ad: {  	v0 =	vshra.s32 v0, $0x1  }
0x4ae: {  	[tilespmem:$0x5920] =	vst v0  }
0x4af: {  	v0 =	vld [tilespmem:s14+$0x2D20];
	_ =	sdelay $0x4  }
0x4b0: {  	v0 =	vshra.s32 v0, $0x1  }
0x4b1: {  	[tilespmem:$0x5A20] =	vst v0  }
0x4b2: {  	v0 =	vld [tilespmem:s14+$0x530];
	_ =	sdelay $0x4  }
0x4b3: {  	v0 =	vshra.s32 v0, $0x1  }
0x4b4: {  	[tilespmem:$0x5930] =	vst v0  }
0x4b5: {  	v0 =	vld [tilespmem:s14+$0x2D30];
	_ =	sdelay $0x4  }
0x4b6: {  	v0 =	vshra.s32 v0, $0x1  }
0x4b7: {  	[tilespmem:$0x5A30] =	vst v0  }
0x4b8: {  	v0 =	vld [tilespmem:s14+$0x540];
	_ =	sdelay $0x4  }
0x4b9: {  	v0 =	vshra.s32 v0, $0x1  }
0x4ba: {  	[tilespmem:$0x5940] =	vst v0  }
0x4bb: {  	v0 =	vld [tilespmem:s14+$0x2D40];
	_ =	sdelay $0x4  }
0x4bc: {  	v0 =	vshra.s32 v0, $0x1  }
0x4bd: {  	[tilespmem:$0x5A40] =	vst v0  }
0x4be: {  	v0 =	vld [tilespmem:s14+$0x550];
	_ =	sdelay $0x4  }
0x4bf: {  	v0 =	vshra.s32 v0, $0x1  }
0x4c0: {  	[tilespmem:$0x5950] =	vst v0  }
0x4c1: {  	v0 =	vld [tilespmem:s14+$0x2D50];
	_ =	sdelay $0x4  }
0x4c2: {  	v0 =	vshra.s32 v0, $0x1  }
0x4c3: {  	[tilespmem:$0x5A50] =	vst v0  }
0x4c4: {  	v0 =	vld [tilespmem:s14+$0x560];
	_ =	sdelay $0x4  }
0x4c5: {  	v0 =	vshra.s32 v0, $0x1  }
0x4c6: {  	[tilespmem:$0x5960] =	vst v0  }
0x4c7: {  	v0 =	vld [tilespmem:s14+$0x2D60];
	_ =	sdelay $0x4  }
0x4c8: {  	v0 =	vshra.s32 v0, $0x1  }
0x4c9: {  	[tilespmem:$0x5A60] =	vst v0  }
0x4ca: {  	v0 =	vld [tilespmem:s14+$0x570];
	_ =	sdelay $0x4  }
0x4cb: {  	v0 =	vshra.s32 v0, $0x1  }
0x4cc: {  	[tilespmem:$0x5970] =	vst v0  }
0x4cd: {  	v0 =	vld [tilespmem:s14+$0x2D70];
	_ =	sdelay $0x4  }
0x4ce: {  	v0 =	vshra.s32 v0, $0x1  }
0x4cf: {  	s23 =	sand.u32 $0x7FE0, s14;
	[tilespmem:$0x5A70] =	vst v0  }
0x4d0: {  	v0 =	vld [tilespmem:s23+$0x580];
	_ =	sdelay $0x4  }
0x4d1: {  	v0 =	vshra.s32 v0, $0x1  }
0x4d2: {  	[tilespmem:$0x5980] =	vst v0  }
0x4d3: {  	v0 =	vld [tilespmem:s23+$0x2D80];
	_ =	sdelay $0x4  }
0x4d4: {  	v0 =	vshra.s32 v0, $0x1  }
0x4d5: {  	[tilespmem:$0x5A80] =	vst v0  }
0x4d6: {  	v0 =	vld [tilespmem:s14+$0x590];
	_ =	sdelay $0x4  }
0x4d7: {  	v0 =	vshra.s32 v0, $0x1  }
0x4d8: {  	[tilespmem:$0x5990] =	vst v0  }
0x4d9: {  	v0 =	vld [tilespmem:s14+$0x2D90];
	_ =	sdelay $0x4  }
0x4da: {  	v0 =	vshra.s32 v0, $0x1  }
0x4db: {  	s2 =	sshll.u32 s2, $0x3;
	[tilespmem:$0x5A90] =	vst v0  }
0x4dc: {  	v0 =	vld [tilespmem:s2+$0x0]  }
0x4dd: {  	v1 =	vld [tilespmem:s2+$0x280];
	_ =	sdelay $0x3  }
0x4de: {  	v0 =	vshra.s32 v0, $0x1  }
0x4df: {  	v1 =	vshra.s32 v1, $0x1;
	[tilespmem:$0x5800] =	vst v0  }
0x4e0: {  	s26 =	simm.s32 $0x5900;
	[tilespmem:$0x5880] =	vst v1  }
0x4e1: {  	[tilespmem:s5], [sflag:$0x2] =	stream.indirect.gather [hbm4b:s4+s17], $0x80, s26, s17, $0xb8;
	[tilespmem:$0x1BD80] =	vst v63  }
0x4e2: {  	s29 =	simm.s32 $0x5A00  }
0x4e3: {  	[tilespmem:s13], [sflag:$0x2] =	stream.indirect.gather [hbm4b:s4+s17], $0x80, s29, s17, $0xb8;
	[tilespmem:$0x1BD80] =	vst v63  }
0x4e4: {  	s31 =	simm.s32 $0x5980  }
0x4e5: {  	[tilespmem:s15], [sflag:$0x2] =	stream.indirect.gather [hbm4b:s4+s22], $0x80, s31, s22, $0xb8;
	[tilespmem:$0x1BD80] =	vst v63  }
0x4e6: {  	_ = 	snop  }
0x4e7: {  	[tilespmem:s6], [sflag:$0x2] =	stream.indirect.gather [hbm4b:s4+s22], $0x80, s16, s22, $0xb8;
	[tilespmem:$0x1BD80] =	vst v63  }
.Ltmp7:
0x4e8: {  	_ = 	snop;
	(pc) =	sbr.rel .LBB2_2-.Ltmp7, $4  }
0x4e9: {  	s25 =	sadd.s32 $0x1, s25;
	s18 =	sadd.s32 $0x140, s18  }
0x4ea: {  	[tilespmem:s8], [sflag:$0x2] =	stream.indirect.gather [hbm4b:s4+s28], $0x80, s7, s28, $0xb8;
	[tilespmem:$0x1BD80] =	vst v63  }
0x4eb: {  	s20 =	sadd.s32 $0x140, s20;
	s0 =	sadd.s32 $0x140, s0;
	s12 =	sadd.s32 $0x140, s12  }
0x4ec: {  	[tilespmem:s10], [sflag:$0x2] =	stream.indirect.gather [hbm4b:s4+s28], $0x80, s9, s28, $0xb8;
	[tilespmem:$0x1BD80] =	vst v63  }
.LBB2_11:
0x4ed: {  	s0 =	simm.s32 $0x0;
	s2 =	rddreg [dreg:$0x5];
	s18 =	simm.s32 $0x1AB80  }
0x4ee: {  	[tilespmem:s18], [sflag:$0x3] =	stream.linear.gather [hbm4b:s2+s0], $0x1000, $0x38;
	[tilespmem:$0x1BD80] =	vst v63  }
0x4ef: {  	_ =	swait.ge [sflag:s14], $0x1000  }
0x4f0: {  	[sflag:s14] =	ssyncset.done $0x0  }
0x4f1: {  	s31 =	simm.s32 $0x0;
	[sflag:s14] =	ssyncadd.s32 $0xFFFFF000  }
0x4f2: {  	v25 =	vld [tilespmem:s31+$0x1AB80]  }
0x4f3: {  	v24 =	vimm.f32 $0.0e+00;
	s0 =	simm.s32 $0x40  }
.LBB2_12:
0x4f4: {  	p1 =	sne.s32 s0, $0x3FC0  }
.Ltmp8:
0x4f5: {  	_ = 	snop;
	(pc) =	sbr.rel @p1 .LBB2_12-.Ltmp8, $4  }
0x4f6: {  	_ = 	snop  }
0x4f7: {  	s2 =	sshra.s32 s0, $0x2;
	s0 =	sadd.s32 $0x40, s0;
	v0 =	vmul.f32 v25, v25  }
0x4f8: {  	v25 =	vld [tilespmem:s2+$0x1AB80]  }
0x4f9: {  	v24 =	vadd.f32 v0, v24  }
0x4fa: {  	_ =	sdelay $0x2  }
0x4fb: {  	v0 =	vmul.f32 v25, v25  }
0x4fc: {  	v1 =	vld [tilespmem:$0x1BB80]  }
0x4fd: {  	v0 =	vadd.f32 v0, v24;
	_ =	sdelay $0x1  }
.Ltmp9:
0x4fe: {  	v0 =	vmul.f32 $4.000000060e-01, v0;
	(pc) =	sbr.rel .LBB2_14-.Ltmp9, $3  }
0x4ff: {  	_ = 	snop  }
0x500: {  	v0 =	vadd.f32 v1, v0;
	_ =	sdelay $0x1  }
0x501: {  	s18 =	rddreg [dreg:$0xc];
	[tilespmem:$0x1BB80] =	vst v0  }
.LBB2_15:
0x502: {  	_ =	sfence.sel $0x180000  }
0x503: {  	[bflag:$0x0] =	sbarrier.arrive $0xFFFF  }
0x504: {  	_ =	strace $0x90000047  }
0x505: {  	s0 =	stileid.u32;
	[bflag:$0x2] =	sbarrier.arrive $0xFFFF  }
0x506: {  	p0 =	sne.s32 s0, $0x0;
	s0 =	rddreg [dreg:$0x4]  }
0x507: {  	s0 =	sadd.s32 @!p0 $0x100000, s0  }
0x508: {  	[sflag:s0] =	ssyncadd.tile.s32 @!p0 $0x1;
	_ =	shalt  }
.Lfunc_end2:
_tile_overlayer_lowered:
.L_overlay_start_2:
0x509: {  	(tag) =	ssettag $0x2  }
0x50a: {  	s0 =	rddreg [dreg:$0x0];
	s2 =	stileid.u32  }
0x50b: {  	s1 =	rddreg [dreg:$0x1];
	p0 =	sne.s32 s2, $0x0  }
0x50c: {  	s3 =	rddreg [dreg:$0x2];
	[bflag:$0x3] =	sbarrier.arrive $0xFFFF;
	s2 =	simm.s32 @!p0 $0x1C03  }
0x50d: {  	[timem:s3], [sflag:s2] =	dma.local @!p0 [hbm:s0], s1  }
0x50e: {  	s0 =	simm.s32 @!p0 $0x3  }
0x50f: {  	_ =	swait.ge @!p0 [sflag:s0], s1  }
0x510: {  	s1 =	ssub.s32 @!p0 $0x0, s1;
	[sflag:s0] =	ssyncset.done @!p0 $0x0  }
0x511: {  	[sflag:s0] =	ssyncadd.s32 @!p0 s1  }
0x512: {  	[bflag:$0x3] =	sbarrier.arrive $0xFFFF  }
0x513: {  	_ =	shalt  }

</sc_bundles>
